<compile_context>
chip_gen: v7x
topology: tpu7x:2x2x1
jax: 0.10.2.dev20260603
libtpu: 0.0.44.dev20260713+nightly
codegen_flags: <defaults>
</compile_context>

<pallas_src>
import jax
import jax.numpy as jnp
from jax import lax
from jax.experimental import pallas as pl
from jax.experimental.pallas import tpu as pltpu
from jax.experimental.pallas import tpu_sc as plsc

ALPHA = 0.3
BETA = 0.7
GAMMA = 1.33
SMOOTH = 1e-06
KEEP_RATIO = 0.3
LOVASZ_WEIGHT = 0.2

B = 16
TOTAL = 262144
K_ALL = max(1, int(TOTAL * KEEP_RATIO))
NBINS = 1024
BIN_OFF = (127 - 20) << 5
NEG_BIG = -3.0e38

CHUNKS_A = 8
ROWS_A = 64
LANES_A = 4096
NTEC = 32
PER_TEC = TOTAL // 2
SC_CHUNK = 2048
TBL_WORDS = 16 * NBINS


def _tca_body(x_ref, tgt_ref, tis_ref, okey_ref, lkey_ref, sc_ref, acc_ref):
    c = pl.program_id(1)

    x = x_ref[0]
    tgt = tgt_ref[0]
    tis = tis_ref[0]
    t = tgt.astype(jnp.float32)
    tisf = tis.astype(jnp.float32)

    ax = jnp.abs(x)
    enax = jnp.exp(-ax)
    bce = jnp.maximum(x, 0.0) - x * t + jnp.log(1.0 + enax)
    posm = (tgt == 1) & (tis == 1)
    negm = (tgt == 0) & (tis == 1)

    okey_ref[0] = jnp.where(negm, bce, 0.0)

    sig = jnp.where(x >= 0, 1.0, enax) / (1.0 + enax)
    e = 1.0 - x * (2.0 * t - 1.0)
    r = jnp.where(e > 0.0, e, 0.0)
    rb = lax.bitcast_convert_type(r, jnp.int32)
    rb = jnp.where(r > 0.0, (rb & ~1) | tgt, 0)
    lkey_ref[0] = lax.bitcast_convert_type(rb, jnp.float32)

    ri = lax.broadcasted_iota(jnp.int32, (ROWS_A // CHUNKS_A, LANES_A), 0)
    ci = lax.broadcasted_iota(jnp.int32, (ROWS_A // CHUNKS_A, LANES_A), 1)
    first = (ri == 0) & (ci == 0)

    pos_sum = jnp.sum(jnp.where(posm, bce, 0.0))
    n_pos = jnp.sum(jnp.where(posm, 1.0, 0.0))
    n_neg = jnp.sum(jnp.where(negm, 1.0, 0.0))
    tis_cnt = jnp.sum(tisf)
    tis_max = jnp.max(jnp.where(tis == 1, bce, NEG_BIG))
    bce0 = jnp.where(c == 0, jnp.sum(jnp.where(first, bce * tisf, 0.0)), NEG_BIG)
    tp = jnp.sum(sig * t)
    fn = jnp.sum((1.0 - sig) * t)
    fp = jnp.sum(sig * (1.0 - t))
    p_sum = jnp.sum(t)

    li = lax.broadcasted_iota(jnp.int32, (1, 128), 1)
    upd = jnp.zeros((1, 128), jnp.float32)
    for k, v in ((0, pos_sum), (1, n_pos), (2, n_neg), (3, tis_cnt),
                 (6, tp), (7, fn), (8, fp), (9, p_sum)):
        upd = upd + jnp.where(li == k, v, 0.0)
    mx = jnp.where(li == 4, tis_max, NEG_BIG) + jnp.where(li == 5, bce0 - NEG_BIG, 0.0)
    ismax = (li == 4) | (li == 5)

    @pl.when(c == 0)
    def _():
        acc_ref[...] = jnp.where(ismax, mx, upd)

    @pl.when(c > 0)
    def _():
        prev = acc_ref[...]
        acc_ref[...] = jnp.where(ismax, jnp.maximum(prev, mx), prev + upd)

    @pl.when(c == CHUNKS_A - 1)
    def _():
        sc_ref[0] = acc_ref[...]


def _run_tca(x, tgt, tis):
    bs_in = pl.BlockSpec((1, ROWS_A // CHUNKS_A, LANES_A), lambda s, c: (s, c, 0))
    bs_sc = pl.BlockSpec((1, 1, 128), lambda s, c: (s, 0, 0))
    return pl.pallas_call(
        _tca_body,
        grid=(B, CHUNKS_A),
        in_specs=[bs_in, bs_in, bs_in],
        out_specs=[bs_in, bs_in, bs_sc],
        out_shape=[
            jax.ShapeDtypeStruct((B, ROWS_A, LANES_A), jnp.float32),
            jax.ShapeDtypeStruct((B, ROWS_A, LANES_A), jnp.float32),
            jax.ShapeDtypeStruct((B, 1, 128), jnp.float32),
        ],
        scratch_shapes=[pltpu.VMEM((1, 128), jnp.float32)],
    )(x, tgt, tis)


def _bin16(v):
    bits = lax.bitcast_convert_type(v, jnp.int32)
    bn = jnp.minimum(jnp.maximum(bits >> 18, BIN_OFF), BIN_OFF + NBINS - 1) - BIN_OFF
    return bits, bn


NCH = PER_TEC // SC_CHUNK
UNROLL = 8


def _dbuf_stream(slicer, buf2, sem0, sem1, per_batch, init):

    def desc(slot, k, sem):
        return pltpu.make_async_copy(
            slicer(k),
            buf2.at[pl.ds(slot * SC_CHUNK, SC_CHUNK)],
            sem,
        )

    desc(0, 0, sem0).start()

    def chunk(k, carry):
        @pl.when((k + 1 < NCH) & (k % 2 == 0))
        def _():
            desc(1, k + 1, sem1).start()

        @pl.when((k + 1 < NCH) & (k % 2 == 1))
        def _():
            desc(0, k + 1, sem0).start()

        @pl.when(k % 2 == 0)
        def _():
            desc(0, k, sem0).wait()

        @pl.when(k % 2 == 1)
        def _():
            desc(1, k, sem1).wait()

        off = (k % 2) * SC_CHUNK

        def inner(j, c2):
            vs = [buf2[pl.ds(off + (j * UNROLL + u) * 16, 16)] for u in range(UNROLL)]
            return per_batch(vs, c2)

        return lax.fori_loop(0, SC_CHUNK // (16 * UNROLL), inner, carry)

    return lax.fori_loop(0, NCH, chunk, init)


def _scb_body(okey, lkey, ocnt, osum, lpos, lneg,
              buf2, t0, t1, idxv, zbuf, s0m, s1m, s2m, s3m, sem0, sem1):
    core = lax.axis_index("c")
    sub = lax.axis_index("s")
    lane = lax.iota(jnp.int32, 16)

    def slicer(src):
        def sl(k):
            return src.at[sub, core * 32 + k // 2, pl.ds((k % 2) * SC_CHUNK, SC_CHUNK)]

        return sl
    ones = jnp.ones((16,), jnp.float32)
    zeros = jnp.zeros((16,), jnp.float32)

    def bidx(i, carry):
        idxv[pl.ds(i * 16, 16)] = jnp.zeros((16,), jnp.int32) + (sub * NBINS + i)
        return carry

    lax.fori_loop(0, TBL_WORDS // 16, bidx, 0)

    def zv(i, carry):
        zbuf[pl.ds(i * 16, 16)] = zeros
        return carry

    lax.fori_loop(0, NBINS // 16, zv, 0)
    row = pl.ds(sub * NBINS, NBINS)
    for spm in (s0m, s1m, s2m, s3m):
        pltpu.sync_copy(zbuf, spm.at[row])

    def zero_tables():
        def z(i, carry):
            for u in range(8):
                t0[pl.ds((i * 8 + u) * 16, 16)] = zeros
                t1[pl.ds((i * 8 + u) * 16, 16)] = zeros
            return carry

        lax.fori_loop(0, TBL_WORDS // 128, z, 0)

    def ohem_batch(vs, carry):
        idxs = [_bin16(v)[1] * 16 + lane for v in vs]
        for idx in idxs:
            plsc.addupdate_scatter(t0, [idx], ones)
        for idx, v in zip(idxs, vs):
            plsc.addupdate_scatter(t1, [idx], v)
        return carry

    def lov_batch(vs, carry):
        bits_l = [lax.bitcast_convert_type(v, jnp.int32) for v in vs]
        idxs = [_bin16(v)[1] * 16 + lane for v in vs]
        gfs = [(b & 1).astype(jnp.float32) for b in bits_l]
        nfs = [jnp.where((v > 0.0) & (gf == 0.0), 1.0, 0.0)
               for v, gf in zip(vs, gfs)]
        for idx, gf in zip(idxs, gfs):
            plsc.addupdate_scatter(t0, [idx], gf)
        for idx, nf in zip(idxs, nfs):
            plsc.addupdate_scatter(t1, [idx], nf)
        return carry

    zero_tables()
    _dbuf_stream(slicer(okey), buf2, sem0, sem1, ohem_batch, 0)
    pltpu.sync_copy(t0, s0m.at[idxv], add=True)
    pltpu.sync_copy(t1, s1m.at[idxv], add=True)

    zero_tables()
    _dbuf_stream(slicer(lkey), buf2, sem0, sem1, lov_batch, 0)
    pltpu.sync_copy(t0, s2m.at[idxv], add=True)
    pltpu.sync_copy(t1, s3m.at[idxv], add=True)

    out_off = pl.ds((core * 16 + sub) * NBINS, NBINS)
    pltpu.sync_copy(s0m.at[row], ocnt.at[out_off])
    pltpu.sync_copy(s1m.at[row], osum.at[out_off])
    pltpu.sync_copy(s2m.at[row], lpos.at[out_off])
    pltpu.sync_copy(s3m.at[row], lneg.at[out_off])


def _run_scb(okey_flat, lkey_flat):
    mesh = plsc.VectorSubcoreMesh(core_axis_name="c", subcore_axis_name="s")
    f = pl.kernel(
        _scb_body,
        mesh=mesh,
        compiler_params=pltpu.CompilerParams(needs_layout_passes=False),
        out_type=[jax.ShapeDtypeStruct((2 * B * NBINS,), jnp.float32)] * 4,
        scratch_types=[
            pltpu.VMEM((2 * SC_CHUNK,), jnp.float32),
            pltpu.VMEM((TBL_WORDS,), jnp.float32),
            pltpu.VMEM((TBL_WORDS,), jnp.float32),
            pltpu.VMEM((TBL_WORDS,), jnp.int32),
            pltpu.VMEM((NBINS,), jnp.float32),
            pltpu.VMEM_SHARED((B * NBINS,), jnp.float32),
            pltpu.VMEM_SHARED((B * NBINS,), jnp.float32),
            pltpu.VMEM_SHARED((B * NBINS,), jnp.float32),
            pltpu.VMEM_SHARED((B * NBINS,), jnp.float32),
            pltpu.SemaphoreType.DMA,
            pltpu.SemaphoreType.DMA,
        ],
    )
    return f(okey_flat, lkey_flat)


def _suffix_excl(X):
    ut = (lax.broadcasted_iota(jnp.int32, (128, 128), 0)
          > lax.broadcasted_iota(jnp.int32, (128, 128), 1)).astype(jnp.float32)
    within = jnp.dot(X, ut, preferred_element_type=jnp.float32)
    rows = jnp.sum(X, axis=1, keepdims=True)
    m8 = (lax.broadcasted_iota(jnp.int32, (8, 8), 1)
          > lax.broadcasted_iota(jnp.int32, (8, 8), 0)).astype(jnp.float32)
    above = jnp.dot(m8, rows, preferred_element_type=jnp.float32)
    return within + above


def _tcc_body(ocnt_ref, osum_ref, lpos_ref, lneg_ref, sc_ref, w1_ref, w2_ref, sc2_ref):
    red = lambda ref: jnp.sum(ref[...], axis=(0, 1))
    cnt = red(ocnt_ref)
    sm = red(osum_ref)
    lp = red(lpos_ref)
    ln = red(lneg_ref)

    srow = sc_ref[0]
    li = lax.broadcasted_iota(jnp.int32, (1, 128), 1)
    g = lambda k: jnp.sum(jnp.where(li == k, srow, 0.0))
    pos_sum, n_pos, num_neg = g(0), g(1), g(2)
    tis_cnt, tis_max, bce0 = g(3), g(4), g(5)
    tp, fn, fp, p = g(6), g(7), g(8), g(9)

    bi = lax.broadcasted_iota(jnp.int32, (8, 128), 0) * 128 + \
        lax.broadcasted_iota(jnp.int32, (8, 128), 1)
    is0 = (bi == 0).astype(jnp.float32)

    cnt = cnt - is0 * (jnp.float32(TOTAL) - num_neg)
    S = _suffix_excl(cnt)
    Ssum = _suffix_excl(sm)
    m = jnp.minimum(jnp.maximum(0.0, jnp.float32(K_ALL) - n_pos), num_neg)
    T = S + cnt
    mask = (S < m) & (m <= T)
    pick = lambda A: jnp.sum(jnp.where(mask, A, 0.0))
    S_t, cnt_t, sum_t, above_sum = pick(S), pick(cnt), pick(sm), pick(Ssum)
    lo_g = lax.bitcast_convert_type((bi + BIN_OFF) << 18, jnp.float32)
    hi_g = lax.bitcast_convert_type((bi + 1 + BIN_OFF) << 18, jnp.float32)
    lo, hi = pick(lo_g), pick(hi_g)
    mu = sum_t / jnp.maximum(cnt_t, 1e-30)
    h = jnp.maximum(0.0, jnp.minimum(hi - mu, mu - lo))
    kprime = m - S_t
    phi = kprime / jnp.maximum(cnt_t, 1e-30)
    neg_sum = above_sum + kprime * (mu + h * (1.0 - phi))
    kept = n_pos + m
    kept_loss = (pos_sum + neg_sum) / kept
    empty_loss = jnp.where(tis_cnt > 0, tis_max, bce0)
    ohem_i = jnp.where(kept == 0, empty_loss, kept_loss)

    tv = (tp + SMOOTH) / (tp + ALPHA * fn + BETA * fp + SMOOTH)
    omt = 1.0 - tv
    ft_i = jnp.where(omt > 0, jnp.exp(GAMMA * jnp.log(jnp.maximum(omt, 1e-38))), 0.0)

    CB = _suffix_excl(lp)
    NB = _suffix_excl(ln)
    n_neg_c = jnp.float32(TOTAL) - p
    a1 = p + NB + 0.5 * ln
    a2 = p + NB + 0.5 * (ln - 1.0)
    w1n = 1.0 / a1
    w2n = (p - CB - 0.5 * lp) / (a2 * (a2 + 1.0))
    w1a = (CB + 0.5 * (lp + 1.0)) / jnp.maximum(p, 1e-30)
    allpos = n_neg_c == 0
    w1_ref[0] = jnp.where(allpos, w1a, w1n)
    w2_ref[0] = jnp.where(allpos, 0.0, w2n)

    posb = jnp.where(p > 0, 1.0, 0.0)
    sc2_ref[0] = jnp.where(li == 0, ohem_i, 0.0) + \
        jnp.where(li == 1, ft_i, 0.0) + jnp.where(li == 2, posb, 0.0)


def _run_tcc(hists, scal):
    bs_h = pl.BlockSpec((2, 1, 8, 128), lambda s: (0, s, 0, 0))
    bs_s = pl.BlockSpec((1, 1, 128), lambda s: (s, 0, 0))
    bs_w = pl.BlockSpec((1, 8, 128), lambda s: (s, 0, 0))
    return pl.pallas_call(
        _tcc_body,
        grid=(B,),
        in_specs=[bs_h, bs_h, bs_h, bs_h, bs_s],
        out_specs=[bs_w, bs_w, bs_s],
        out_shape=[
            jax.ShapeDtypeStruct((B, 8, 128), jnp.float32),
            jax.ShapeDtypeStruct((B, 8, 128), jnp.float32),
            jax.ShapeDtypeStruct((B, 1, 128), jnp.float32),
        ],
    )(*hists, scal)


def _scd_body(w1f, w2f, lkey, lout, w1v, w2v, w1r, w2r, buf2, accv, sem0, sem1):
    core = lax.axis_index("c")
    sub = lax.axis_index("s")
    wid = sub * 2 + core
    lane = lax.iota(jnp.int32, 16)
    pltpu.sync_copy(w1f.at[pl.ds(sub * NBINS, NBINS)], w1v)
    pltpu.sync_copy(w2f.at[pl.ds(sub * NBINS, NBINS)], w2v)

    def rep(i, carry):
        a = w1v[pl.ds(i * 16, 16)]
        b = w2v[pl.ds(i * 16, 16)]
        bins16 = (jnp.zeros((16,), jnp.int32) + i * 16 + lane) * 16
        for l in range(16):
            plsc.store_scatter(w1r, [bins16 + l], a)
            plsc.store_scatter(w2r, [bins16 + l], b)
        return carry

    lax.fori_loop(0, NBINS // 16, rep, 0)

    def lov_batch(vs, acc):
        bits_l = [lax.bitcast_convert_type(v, jnp.int32) for v in vs]
        idxs = [_bin16(v)[1] * 16 + lane for v in vs]
        was = [plsc.load_gather(w1r, [idx]) for idx in idxs]
        wbs = [plsc.load_gather(w2r, [idx]) for idx in idxs]
        for v, b, wa, wb in zip(vs, bits_l, was, wbs):
            acc = acc + v * jnp.where((b & 1) == 1, wa, wb)
        return acc

    def sl(k):
        return lkey.at[sub, core * 32 + k // 2, pl.ds((k % 2) * SC_CHUNK, SC_CHUNK)]

    acc = _dbuf_stream(sl, buf2, sem0, sem1, lov_batch,
                       jnp.zeros((16,), jnp.float32))
    accv[pl.ds(0, 16)] = acc
    pltpu.sync_copy(accv, lout.at[pl.ds(wid * 16, 16)])


def _run_scd(w1, w2, lkey_flat):
    mesh = plsc.VectorSubcoreMesh(core_axis_name="c", subcore_axis_name="s")
    f = pl.kernel(
        _scd_body,
        mesh=mesh,
        compiler_params=pltpu.CompilerParams(needs_layout_passes=False),
        out_type=[jax.ShapeDtypeStruct((NTEC * 16,), jnp.float32)],
        scratch_types=[
            pltpu.VMEM((NBINS,), jnp.float32),
            pltpu.VMEM((NBINS,), jnp.float32),
            pltpu.VMEM((TBL_WORDS,), jnp.float32),
            pltpu.VMEM((TBL_WORDS,), jnp.float32),
            pltpu.VMEM((2 * SC_CHUNK,), jnp.float32),
            pltpu.VMEM((16,), jnp.float32),
            pltpu.SemaphoreType.DMA,
            pltpu.SemaphoreType.DMA,
        ],
    )
    return f(w1, w2, lkey_flat)


def _tce_body(sc2_ref, lov_ref, out_ref):
    sc2 = sc2_ref[...]
    li = lax.broadcasted_iota(jnp.int32, (B, 1, 128), 2)
    col = lambda k: jnp.sum(jnp.where(li == k, sc2, 0.0), axis=(1, 2))
    ohem_i, ft_i, posb = col(0), col(1), col(2)
    lov_i = jnp.sum(lov_ref[...], axis=1)
    n_pos_b = jnp.sum(posb)
    ohem_term = jnp.sum(ohem_i) / jnp.float32(B)
    ft_term = jnp.sum(jnp.where(posb > 0, ft_i, 0.0)) / n_pos_b
    lov_term = jnp.sum(jnp.where(posb > 0, lov_i, 0.0)) / n_pos_b
    full = ohem_term + ft_term + LOVASZ_WEIGHT * lov_term
    out_ref[...] = jnp.broadcast_to(jnp.where(n_pos_b > 0, full, ohem_term), (1, 1))


def _run_tce(sc2, lovpart):
    return pl.pallas_call(
        _tce_body,
        out_shape=jax.ShapeDtypeStruct((1, 1), jnp.float32),
    )(sc2, lovpart.reshape(B, NTEC * 16 // B))


def kernel(logits, targets, tissue_mask):
    x = logits.reshape(B, ROWS_A, LANES_A)
    tgt = targets.reshape(B, ROWS_A, LANES_A)
    tis = tissue_mask.reshape(B, ROWS_A, LANES_A)

    okey, lkey, scal = _run_tca(x, tgt, tis)

    hists = _run_scb(okey, lkey)
    hists4 = [h.reshape(2, B, 8, 128) for h in hists]

    w1, w2, sc2 = _run_tcc(hists4, scal)
    (lovpart,) = _run_scd(w1.reshape(-1), w2.reshape(-1), lkey)

    out = _run_tce(sc2, lovpart)
    return out.reshape(())

# --- scband reference (transcript-rebuilt; emitter-appended) ---
"""Pipeline reference for scband-combined-segmentation-loss-41446434406854 (READ-ONLY COPY).

The authoritative reference and input builder live on the scoring server;
editing this copy changes nothing except your own understanding.
"""

import jax, jax.numpy as jnp
import numpy as np

ALPHA = 0.3
BETA = 0.7
GAMMA = 1.33
SMOOTH = 1e-06
KEEP_RATIO = 0.3
LOVASZ_WEIGHT = 0.2


def setup_inputs(seed: int = 0):
    key = jax.random.key(seed)
    k1, k2, k3 = jax.random.split(key, 3)
    B, C, H, W = 16, 1, 512, 512
    logits = jax.random.normal(k1, (B, C, H, W), dtype=jnp.float32)
    targets = jax.random.randint(k2, (B, C, H, W), 0, 2, dtype=jnp.int32)
    tissue_mask = jax.random.randint(k3, (B, C, H, W), 0, 2, dtype=jnp.int32)
    return {"logits": logits, "targets": targets, "tissue_mask": tissue_mask}


def _bce_with_logits(x, t):
    # numerically stable binary_cross_entropy_with_logits, reduction='none'
    return jnp.clip(x, 0.0, None) - x * t + jnp.log1p(jnp.exp(-jnp.abs(x)))


def _forward(logits, targets, tissue_mask, tgt_np, tis_np):
    B = logits.shape[0]
    total = logits.shape[1] * logits.shape[2] * logits.shape[3]
    t = targets.astype(jnp.float32)
    tis = tissue_mask.astype(jnp.float32)

    # ---- OHEM loss ----
    bce = _bce_with_logits(logits, t) * tis
    flat_loss = bce.reshape(B, -1)
    tgt_f = tgt_np.reshape(B, -1)
    tis_f = tis_np.reshape(B, -1)
    k_all = max(1, int(total * KEEP_RATIO))
    losses = []
    for i in range(B):
        loss_i = flat_loss[i]
        pos_np = (tgt_f[i] == 1) & (tis_f[i] == 1)
        neg_np = (tgt_f[i] == 0) & (tis_f[i] == 1)
        n_pos = pos_np.sum()
        num_neg = neg_np.sum()
        n_remain = jnp.maximum(0, k_all - n_pos)
        m = jnp.minimum(n_remain, num_neg)
        kept = n_pos + m
        tis_max = jnp.max(jnp.where(tis_f[i] == 1, loss_i, -jnp.inf))
        empty_loss = jnp.where(tis_f[i].sum() > 0, tis_max, loss_i[0])
        pos_sum = jnp.sum(jnp.where(pos_np, loss_i, 0.0))
        neg_vals = jnp.where(neg_np, loss_i, -jnp.inf)
        sorted_desc = jnp.sort(neg_vals)[::-1]
        neg_sum = jnp.sum(jnp.where(jnp.arange(total) < m, sorted_desc, 0.0))
        kept_loss = (pos_sum + neg_sum) / kept
        losses.append(jnp.where(kept == 0, empty_loss, kept_loss))
    ohem_term = jnp.mean(jnp.stack(losses))

    # ---- positive-batch selection (constant w.r.t. floats) ----
    pos_b = tgt_np.reshape(B, -1).sum(axis=1) > 0
    n_pos_b = jnp.sum(pos_b)

    # ---- Focal Tversky ----
    probs = jax.nn.sigmoid(logits)
    p = probs.reshape(B, -1)
    tt = t.reshape(B, -1)
    tp_s = jnp.sum(p * tt, axis=1)
    fn = jnp.sum((1 - p) * tt, axis=1)
    fp = jnp.sum(p * (1 - tt), axis=1)
    tversky = (tp_s + SMOOTH) / (tp_s + ALPHA * fn + BETA * fp + SMOOTH)
    ft_all = (1.0 - tversky) ** GAMMA
    ft_term = jnp.sum(jnp.where(pos_b, ft_all, 0.0)) / n_pos_b

    # ---- Lovasz hinge (per image) ----
    lov_list = []
    for i in range(B):
        log_flat = logits[i].reshape(-1)
        lab = t[i].reshape(-1)
        signs = 2.0 * lab - 1.0
        errors = 1.0 - log_flat * signs
        perm = jnp.argsort(-errors)
        errors_sorted = errors[perm]
        gt_sorted = lab[perm]
        p_sum = jnp.sum(gt_sorted)
        intersection = p_sum - jnp.cumsum(gt_sorted)
        union = p_sum + jnp.cumsum(1.0 - gt_sorted)
        jaccard = 1.0 - intersection / union
        n_neg_c = total - tgt_np.reshape(B, -1)[i].sum()
        jaccard_diff = jnp.concatenate([jaccard[:1], jaccard[1:] - jaccard[:-1]])
        jaccard = jnp.where(n_neg_c > 0, jaccard_diff, jaccard)
        lov_list.append(jnp.dot(jax.nn.relu(errors_sorted), jaccard))
    lov_all = jnp.stack(lov_list)
    lov_term = jnp.sum(jnp.where(pos_b, lov_all, 0.0)) / n_pos_b

    return jnp.where(n_pos_b > 0,
                     ohem_term + ft_term + LOVASZ_WEIGHT * lov_term,
                     ohem_term)


def reference(logits, targets, tissue_mask):
    tgt_np = targets
    tis_np = tissue_mask
    return _forward(logits, targets, tissue_mask, tgt_np, tis_np)

if __name__ == "__main__":
    import jax
    _d = setup_inputs()
    print(jax.jit(kernel)(*tuple(_d.values())))

</pallas_src>

<mosaic_0001>
#map = affine_map<(d0, d1) -> (0, 0, 0)>
#map1 = affine_map<(d0, d1) -> (0)>
module attributes {stable_mosaic.version = 14 : i64} {
  func.func @_scb_body(%arg0: i32, %arg1: i32, %arg2: memref<16x64x4096xf32, #tpu.memory_space<hbm>>, %arg3: memref<16x64x4096xf32, #tpu.memory_space<hbm>>, %arg4: memref<32768xf32, #tpu.memory_space<hbm>>, %arg5: memref<32768xf32, #tpu.memory_space<hbm>>, %arg6: memref<32768xf32, #tpu.memory_space<hbm>>, %arg7: memref<32768xf32, #tpu.memory_space<hbm>>, %arg8: memref<4096xf32, #tpu.memory_space<vmem>>, %arg9: memref<16384xf32, #tpu.memory_space<vmem>>, %arg10: memref<16384xf32, #tpu.memory_space<vmem>>, %arg11: memref<16384xi32, #tpu.memory_space<vmem>>, %arg12: memref<1024xf32, #tpu.memory_space<vmem>>, %arg13: memref<16384xf32, #tpu.memory_space<vmem_shared>>, %arg14: memref<16384xf32, #tpu.memory_space<vmem_shared>>, %arg15: memref<16384xf32, #tpu.memory_space<vmem_shared>>, %arg16: memref<16384xf32, #tpu.memory_space<vmem_shared>>, %arg17: memref<!tpu.dma_semaphore, #tpu.memory_space<semaphore_mem>>, %arg18: memref<!tpu.dma_semaphore, #tpu.memory_space<semaphore_mem>>) attributes {dimension_semantics = [#tpu.dimension_semantics<core_parallel>, #tpu.dimension_semantics<subcore_parallel>], iteration_bounds = array<i64: 2, 16>, scalar_prefetch = 0 : i64, scratch_operands = 11 : i64, tpu.core_type = #tpu.core_type<sc_vector_subcore>, window_params = [{transform_indices = #map}, {transform_indices = #map}, {transform_indices = #map1}, {transform_indices = #map1}, {transform_indices = #map1}, {transform_indices = #map1}]} {
    %iota3A = tpu.iota {dimensions = array<i32: 0>} : vector<16xi32>
    %broadcast_in_dim3A = arith.constant 1.000000e+00 : f32
    %broadcast_in_dim3A_0 = vector.broadcast %broadcast_in_dim3A : f32 to vector<16xf32>
    %broadcast_in_dim3A_1 = arith.constant 0.000000e+00 : f32
    %broadcast_in_dim3A_2 = vector.broadcast %broadcast_in_dim3A_1 : f32 to vector<16xf32>
    %scan3A = arith.constant 0 : i32
    %scan3A_3 = arith.constant 0 : i32
    %scan3A_4 = arith.constant 1024 : i32
    %scan3A_5 = arith.addi %scan3A_3, %scan3A_4 : i32
    %scan3A_6 = arith.constant 1 : i32
    scf.for %scan3A_70 = %scan3A_3 to %scan3A_5 step %scan3A_6  : i32 {
      %broadcast_in_dim3A_71 = arith.constant 0 : i32
      %broadcast_in_dim3A_72 = vector.broadcast %broadcast_in_dim3A_71 : i32 to vector<16xi32>
      %mul3A_73 = arith.constant 1024 : i32
      %mul3A_74 = arith.muli %arg1, %mul3A_73 : i32
      %add3A_75 = arith.addi %mul3A_74, %scan3A_70 : i32
      %add3A_76 = vector.broadcast %add3A_75 : i32 to vector<16xi32>
      %add3A_77 = arith.addi %broadcast_in_dim3A_72, %add3A_76 : vector<16xi32>
      %mul3A_78 = arith.constant 16 : i32
      %mul3A_79 = arith.muli %scan3A_70, %mul3A_78 : i32
      %swap3A = arith.index_cast %mul3A_79 : i32 to index
      %swap3A_80 = tpu.vector_load %arg11[%swap3A] {strides = array<i32>} : memref<16384xi32, #tpu.memory_space<vmem>>, vector<16xi32>,
      tpu.vector_store %arg11[%swap3A], %add3A_77 {strides = array<i32>} : memref<16384xi32, #tpu.memory_space<vmem>>, vector<16xi32>,
    }
    %scan3A_7 = arith.constant 1024 : i32
    %scan3A_8 = arith.constant 0 : i32
    %scan3A_9 = arith.constant 0 : i32
    %scan3A_10 = arith.constant 64 : i32
    %scan3A_11 = arith.addi %scan3A_9, %scan3A_10 : i32
    %scan3A_12 = arith.constant 1 : i32
    scf.for %scan3A_70 = %scan3A_9 to %scan3A_11 step %scan3A_12  : i32 {
      %mul3A_71 = arith.constant 16 : i32
      %mul3A_72 = arith.muli %scan3A_70, %mul3A_71 : i32
      %swap3A = arith.index_cast %mul3A_72 : i32 to index
      %swap3A_73 = tpu.vector_load %arg12[%swap3A] {strides = array<i32>} : memref<1024xf32, #tpu.memory_space<vmem>>, vector<16xf32>,
      tpu.vector_store %arg12[%swap3A], %broadcast_in_dim3A_2 {strides = array<i32>} : memref<1024xf32, #tpu.memory_space<vmem>>, vector<16xf32>,
    }
    %scan3A_13 = arith.constant 64 : i32
    %mul3A = arith.constant 1024 : i32
    %mul3A_14 = arith.muli %arg1, %mul3A : i32
    "tpu.region"() ({
      %run_scoped3A = tpu.sem_alloc : memref<!tpu.dma_semaphore, #tpu.memory_space<semaphore_mem>>
      %dma_start3A_70 = tpu.memref_slice %arg13[%mul3A_14] : memref<16384xf32, #tpu.memory_space<vmem_shared>> -> memref<1024xf32, #tpu.memory_space<vmem_shared>>
      %dma_start3A_71 = tpu.memref_slice %arg13[%mul3A_14] : memref<16384xf32, #tpu.memory_space<vmem_shared>> -> memref<1024xf32, #tpu.memory_space<vmem_shared>>
      tpu.enqueue_dma source(%arg12 : memref<1024xf32, #tpu.memory_space<vmem>>) target(%dma_start3A_71 : memref<1024xf32, #tpu.memory_space<vmem_shared>>) target_semaphore(%run_scoped3A : memref<!tpu.dma_semaphore, #tpu.memory_space<semaphore_mem>>)
      %dma_wait3A = tpu.memref_slice %arg13[%mul3A_14] : memref<16384xf32, #tpu.memory_space<vmem_shared>> -> memref<1024xf32, #tpu.memory_space<vmem_shared>>
      %dma_wait3A_72 = tpu.memref_slice %arg13[%mul3A_14] : memref<16384xf32, #tpu.memory_space<vmem_shared>> -> memref<1024xf32, #tpu.memory_space<vmem_shared>>
      tpu.wait_dma2 semaphore(%run_scoped3A : memref<!tpu.dma_semaphore, #tpu.memory_space<semaphore_mem>>) src(%arg12 : memref<1024xf32, #tpu.memory_space<vmem>>) dst(%dma_wait3A_72 : memref<1024xf32, #tpu.memory_space<vmem_shared>>)
      tpu.yield
    }) : () -> ()
    "tpu.region"() ({
      %run_scoped3A = tpu.sem_alloc : memref<!tpu.dma_semaphore, #tpu.memory_space<semaphore_mem>>
      %dma_start3A_70 = tpu.memref_slice %arg14[%mul3A_14] : memref<16384xf32, #tpu.memory_space<vmem_shared>> -> memref<1024xf32, #tpu.memory_space<vmem_shared>>
      %dma_start3A_71 = tpu.memref_slice %arg14[%mul3A_14] : memref<16384xf32, #tpu.memory_space<vmem_shared>> -> memref<1024xf32, #tpu.memory_space<vmem_shared>>
      tpu.enqueue_dma source(%arg12 : memref<1024xf32, #tpu.memory_space<vmem>>) target(%dma_start3A_71 : memref<1024xf32, #tpu.memory_space<vmem_shared>>) target_semaphore(%run_scoped3A : memref<!tpu.dma_semaphore, #tpu.memory_space<semaphore_mem>>)
      %dma_wait3A = tpu.memref_slice %arg14[%mul3A_14] : memref<16384xf32, #tpu.memory_space<vmem_shared>> -> memref<1024xf32, #tpu.memory_space<vmem_shared>>
      %dma_wait3A_72 = tpu.memref_slice %arg14[%mul3A_14] : memref<16384xf32, #tpu.memory_space<vmem_shared>> -> memref<1024xf32, #tpu.memory_space<vmem_shared>>
      tpu.wait_dma2 semaphore(%run_scoped3A : memref<!tpu.dma_semaphore, #tpu.memory_space<semaphore_mem>>) src(%arg12 : memref<1024xf32, #tpu.memory_space<vmem>>) dst(%dma_wait3A_72 : memref<1024xf32, #tpu.memory_space<vmem_shared>>)
      tpu.yield
    }) : () -> ()
    "tpu.region"() ({
      %run_scoped3A = tpu.sem_alloc : memref<!tpu.dma_semaphore, #tpu.memory_space<semaphore_mem>>
      %dma_start3A_70 = tpu.memref_slice %arg15[%mul3A_14] : memref<16384xf32, #tpu.memory_space<vmem_shared>> -> memref<1024xf32, #tpu.memory_space<vmem_shared>>
      %dma_start3A_71 = tpu.memref_slice %arg15[%mul3A_14] : memref<16384xf32, #tpu.memory_space<vmem_shared>> -> memref<1024xf32, #tpu.memory_space<vmem_shared>>
      tpu.enqueue_dma source(%arg12 : memref<1024xf32, #tpu.memory_space<vmem>>) target(%dma_start3A_71 : memref<1024xf32, #tpu.memory_space<vmem_shared>>) target_semaphore(%run_scoped3A : memref<!tpu.dma_semaphore, #tpu.memory_space<semaphore_mem>>)
      %dma_wait3A = tpu.memref_slice %arg15[%mul3A_14] : memref<16384xf32, #tpu.memory_space<vmem_shared>> -> memref<1024xf32, #tpu.memory_space<vmem_shared>>
      %dma_wait3A_72 = tpu.memref_slice %arg15[%mul3A_14] : memref<16384xf32, #tpu.memory_space<vmem_shared>> -> memref<1024xf32, #tpu.memory_space<vmem_shared>>
      tpu.wait_dma2 semaphore(%run_scoped3A : memref<!tpu.dma_semaphore, #tpu.memory_space<semaphore_mem>>) src(%arg12 : memref<1024xf32, #tpu.memory_space<vmem>>) dst(%dma_wait3A_72 : memref<1024xf32, #tpu.memory_space<vmem_shared>>)
      tpu.yield
    }) : () -> ()
    "tpu.region"() ({
      %run_scoped3A = tpu.sem_alloc : memref<!tpu.dma_semaphore, #tpu.memory_space<semaphore_mem>>
      %dma_start3A_70 = tpu.memref_slice %arg16[%mul3A_14] : memref<16384xf32, #tpu.memory_space<vmem_shared>> -> memref<1024xf32, #tpu.memory_space<vmem_shared>>
      %dma_start3A_71 = tpu.memref_slice %arg16[%mul3A_14] : memref<16384xf32, #tpu.memory_space<vmem_shared>> -> memref<1024xf32, #tpu.memory_space<vmem_shared>>
      tpu.enqueue_dma source(%arg12 : memref<1024xf32, #tpu.memory_space<vmem>>) target(%dma_start3A_71 : memref<1024xf32, #tpu.memory_space<vmem_shared>>) target_semaphore(%run_scoped3A : memref<!tpu.dma_semaphore, #tpu.memory_space<semaphore_mem>>)
      %dma_wait3A = tpu.memref_slice %arg16[%mul3A_14] : memref<16384xf32, #tpu.memory_space<vmem_shared>> -> memref<1024xf32, #tpu.memory_space<vmem_shared>>
      %dma_wait3A_72 = tpu.memref_slice %arg16[%mul3A_14] : memref<16384xf32, #tpu.memory_space<vmem_shared>> -> memref<1024xf32, #tpu.memory_space<vmem_shared>>
      tpu.wait_dma2 semaphore(%run_scoped3A : memref<!tpu.dma_semaphore, #tpu.memory_space<semaphore_mem>>) src(%arg12 : memref<1024xf32, #tpu.memory_space<vmem>>) dst(%dma_wait3A_72 : memref<1024xf32, #tpu.memory_space<vmem_shared>>)
      tpu.yield
    }) : () -> ()
    %scan3A_15 = arith.constant 0 : i32
    %scan3A_16 = arith.constant 0 : i32
    %scan3A_17 = arith.constant 128 : i32
    %scan3A_18 = arith.addi %scan3A_16, %scan3A_17 : i32
    %scan3A_19 = arith.constant 1 : i32
    scf.for %scan3A_70 = %scan3A_16 to %scan3A_18 step %scan3A_19  : i32 {
      %mul3A_71 = arith.constant 8 : i32
      %mul3A_72 = arith.muli %scan3A_70, %mul3A_71 : i32
      %add3A_73 = arith.constant 0 : i32
      %add3A_74 = arith.addi %mul3A_72, %add3A_73 : i32
      %mul3A_75 = arith.constant 16 : i32
      %mul3A_76 = arith.muli %add3A_74, %mul3A_75 : i32
      %swap3A = arith.index_cast %mul3A_76 : i32 to index
      %swap3A_77 = tpu.vector_load %arg9[%swap3A] {strides = array<i32>} : memref<16384xf32, #tpu.memory_space<vmem>>, vector<16xf32>,
      tpu.vector_store %arg9[%swap3A], %broadcast_in_dim3A_2 {strides = array<i32>} : memref<16384xf32, #tpu.memory_space<vmem>>, vector<16xf32>,
      %mul3A_78 = arith.constant 8 : i32
      %mul3A_79 = arith.muli %scan3A_70, %mul3A_78 : i32
      %add3A_80 = arith.constant 0 : i32
      %add3A_81 = arith.addi %mul3A_79, %add3A_80 : i32
      %mul3A_82 = arith.constant 16 : i32
      %mul3A_83 = arith.muli %add3A_81, %mul3A_82 : i32
      %swap3A_84 = arith.index_cast %mul3A_83 : i32 to index
      %swap3A_85 = tpu.vector_load %arg10[%swap3A_84] {strides = array<i32>} : memref<16384xf32, #tpu.memory_space<vmem>>, vector<16xf32>,
      tpu.vector_store %arg10[%swap3A_84], %broadcast_in_dim3A_2 {strides = array<i32>} : memref<16384xf32, #tpu.memory_space<vmem>>, vector<16xf32>,
      %mul3A_86 = arith.constant 8 : i32
      %mul3A_87 = arith.muli %scan3A_70, %mul3A_86 : i32
      %add3A_88 = arith.constant 1 : i32
      %add3A_89 = arith.addi %mul3A_87, %add3A_88 : i32
      %mul3A_90 = arith.constant 16 : i32
      %mul3A_91 = arith.muli %add3A_89, %mul3A_90 : i32
      %swap3A_92 = arith.index_cast %mul3A_91 : i32 to index
      %swap3A_93 = tpu.vector_load %arg9[%swap3A_92] {strides = array<i32>} : memref<16384xf32, #tpu.memory_space<vmem>>, vector<16xf32>,
      tpu.vector_store %arg9[%swap3A_92], %broadcast_in_dim3A_2 {strides = array<i32>} : memref<16384xf32, #tpu.memory_space<vmem>>, vector<16xf32>,
      %mul3A_94 = arith.constant 8 : i32
      %mul3A_95 = arith.muli %scan3A_70, %mul3A_94 : i32
      %add3A_96 = arith.constant 1 : i32
      %add3A_97 = arith.addi %mul3A_95, %add3A_96 : i32
      %mul3A_98 = arith.constant 16 : i32
      %mul3A_99 = arith.muli %add3A_97, %mul3A_98 : i32
      %swap3A_100 = arith.index_cast %mul3A_99 : i32 to index
      %swap3A_101 = tpu.vector_load %arg10[%swap3A_100] {strides = array<i32>} : memref<16384xf32, #tpu.memory_space<vmem>>, vector<16xf32>,
      tpu.vector_store %arg10[%swap3A_100], %broadcast_in_dim3A_2 {strides = array<i32>} : memref<16384xf32, #tpu.memory_space<vmem>>, vector<16xf32>,
      %mul3A_102 = arith.constant 8 : i32
      %mul3A_103 = arith.muli %scan3A_70, %mul3A_102 : i32
      %add3A_104 = arith.constant 2 : i32
      %add3A_105 = arith.addi %mul3A_103, %add3A_104 : i32
      %mul3A_106 = arith.constant 16 : i32
      %mul3A_107 = arith.muli %add3A_105, %mul3A_106 : i32
      %swap3A_108 = arith.index_cast %mul3A_107 : i32 to index
      %swap3A_109 = tpu.vector_load %arg9[%swap3A_108] {strides = array<i32>} : memref<16384xf32, #tpu.memory_space<vmem>>, vector<16xf32>,
      tpu.vector_store %arg9[%swap3A_108], %broadcast_in_dim3A_2 {strides = array<i32>} : memref<16384xf32, #tpu.memory_space<vmem>>, vector<16xf32>,
      %mul3A_110 = arith.constant 8 : i32
      %mul3A_111 = arith.muli %scan3A_70, %mul3A_110 : i32
      %add3A_112 = arith.constant 2 : i32
      %add3A_113 = arith.addi %mul3A_111, %add3A_112 : i32
      %mul3A_114 = arith.constant 16 : i32
      %mul3A_115 = arith.muli %add3A_113, %mul3A_114 : i32
      %swap3A_116 = arith.index_cast %mul3A_115 : i32 to index
      %swap3A_117 = tpu.vector_load %arg10[%swap3A_116] {strides = array<i32>} : memref<16384xf32, #tpu.memory_space<vmem>>, vector<16xf32>,
      tpu.vector_store %arg10[%swap3A_116], %broadcast_in_dim3A_2 {strides = array<i32>} : memref<16384xf32, #tpu.memory_space<vmem>>, vector<16xf32>,
      %mul3A_118 = arith.constant 8 : i32
      %mul3A_119 = arith.muli %scan3A_70, %mul3A_118 : i32
      %add3A_120 = arith.constant 3 : i32
      %add3A_121 = arith.addi %mul3A_119, %add3A_120 : i32
      %mul3A_122 = arith.constant 16 : i32
      %mul3A_123 = arith.muli %add3A_121, %mul3A_122 : i32
      %swap3A_124 = arith.index_cast %mul3A_123 : i32 to index
      %swap3A_125 = tpu.vector_load %arg9[%swap3A_124] {strides = array<i32>} : memref<16384xf32, #tpu.memory_space<vmem>>, vector<16xf32>,
      tpu.vector_store %arg9[%swap3A_124], %broadcast_in_dim3A_2 {strides = array<i32>} : memref<16384xf32, #tpu.memory_space<vmem>>, vector<16xf32>,
      %mul3A_126 = arith.constant 8 : i32
      %mul3A_127 = arith.muli %scan3A_70, %mul3A_126 : i32
      %add3A_128 = arith.constant 3 : i32
      %add3A_129 = arith.addi %mul3A_127, %add3A_128 : i32
      %mul3A_130 = arith.constant 16 : i32
      %mul3A_131 = arith.muli %add3A_129, %mul3A_130 : i32
      %swap3A_132 = arith.index_cast %mul3A_131 : i32 to index
      %swap3A_133 = tpu.vector_load %arg10[%swap3A_132] {strides = array<i32>} : memref<16384xf32, #tpu.memory_space<vmem>>, vector<16xf32>,
      tpu.vector_store %arg10[%swap3A_132], %broadcast_in_dim3A_2 {strides = array<i32>} : memref<16384xf32, #tpu.memory_space<vmem>>, vector<16xf32>,
      %mul3A_134 = arith.constant 8 : i32
      %mul3A_135 = arith.muli %scan3A_70, %mul3A_134 : i32
      %add3A_136 = arith.constant 4 : i32
      %add3A_137 = arith.addi %mul3A_135, %add3A_136 : i32
      %mul3A_138 = arith.constant 16 : i32
      %mul3A_139 = arith.muli %add3A_137, %mul3A_138 : i32
      %swap3A_140 = arith.index_cast %mul3A_139 : i32 to index
      %swap3A_141 = tpu.vector_load %arg9[%swap3A_140] {strides = array<i32>} : memref<16384xf32, #tpu.memory_space<vmem>>, vector<16xf32>,
      tpu.vector_store %arg9[%swap3A_140], %broadcast_in_dim3A_2 {strides = array<i32>} : memref<16384xf32, #tpu.memory_space<vmem>>, vector<16xf32>,
      %mul3A_142 = arith.constant 8 : i32
      %mul3A_143 = arith.muli %scan3A_70, %mul3A_142 : i32
      %add3A_144 = arith.constant 4 : i32
      %add3A_145 = arith.addi %mul3A_143, %add3A_144 : i32
      %mul3A_146 = arith.constant 16 : i32
      %mul3A_147 = arith.muli %add3A_145, %mul3A_146 : i32
      %swap3A_148 = arith.index_cast %mul3A_147 : i32 to index
      %swap3A_149 = tpu.vector_load %arg10[%swap3A_148] {strides = array<i32>} : memref<16384xf32, #tpu.memory_space<vmem>>, vector<16xf32>,
      tpu.vector_store %arg10[%swap3A_148], %broadcast_in_dim3A_2 {strides = array<i32>} : memref<16384xf32, #tpu.memory_space<vmem>>, vector<16xf32>,
      %mul3A_150 = arith.constant 8 : i32
      %mul3A_151 = arith.muli %scan3A_70, %mul3A_150 : i32
      %add3A_152 = arith.constant 5 : i32
      %add3A_153 = arith.addi %mul3A_151, %add3A_152 : i32
      %mul3A_154 = arith.constant 16 : i32
      %mul3A_155 = arith.muli %add3A_153, %mul3A_154 : i32
      %swap3A_156 = arith.index_cast %mul3A_155 : i32 to index
      %swap3A_157 = tpu.vector_load %arg9[%swap3A_156] {strides = array<i32>} : memref<16384xf32, #tpu.memory_space<vmem>>, vector<16xf32>,
      tpu.vector_store %arg9[%swap3A_156], %broadcast_in_dim3A_2 {strides = array<i32>} : memref<16384xf32, #tpu.memory_space<vmem>>, vector<16xf32>,
      %mul3A_158 = arith.constant 8 : i32
      %mul3A_159 = arith.muli %scan3A_70, %mul3A_158 : i32
      %add3A_160 = arith.constant 5 : i32
      %add3A_161 = arith.addi %mul3A_159, %add3A_160 : i32
      %mul3A_162 = arith.constant 16 : i32
      %mul3A_163 = arith.muli %add3A_161, %mul3A_162 : i32
      %swap3A_164 = arith.index_cast %mul3A_163 : i32 to index
      %swap3A_165 = tpu.vector_load %arg10[%swap3A_164] {strides = array<i32>} : memref<16384xf32, #tpu.memory_space<vmem>>, vector<16xf32>,
      tpu.vector_store %arg10[%swap3A_164], %broadcast_in_dim3A_2 {strides = array<i32>} : memref<16384xf32, #tpu.memory_space<vmem>>, vector<16xf32>,
      %mul3A_166 = arith.constant 8 : i32
      %mul3A_167 = arith.muli %scan3A_70, %mul3A_166 : i32
      %add3A_168 = arith.constant 6 : i32
      %add3A_169 = arith.addi %mul3A_167, %add3A_168 : i32
      %mul3A_170 = arith.constant 16 : i32
      %mul3A_171 = arith.muli %add3A_169, %mul3A_170 : i32
      %swap3A_172 = arith.index_cast %mul3A_171 : i32 to index
      %swap3A_173 = tpu.vector_load %arg9[%swap3A_172] {strides = array<i32>} : memref<16384xf32, #tpu.memory_space<vmem>>, vector<16xf32>,
      tpu.vector_store %arg9[%swap3A_172], %broadcast_in_dim3A_2 {strides = array<i32>} : memref<16384xf32, #tpu.memory_space<vmem>>, vector<16xf32>,
      %mul3A_174 = arith.constant 8 : i32
      %mul3A_175 = arith.muli %scan3A_70, %mul3A_174 : i32
      %add3A_176 = arith.constant 6 : i32
      %add3A_177 = arith.addi %mul3A_175, %add3A_176 : i32
      %mul3A_178 = arith.constant 16 : i32
      %mul3A_179 = arith.muli %add3A_177, %mul3A_178 : i32
      %swap3A_180 = arith.index_cast %mul3A_179 : i32 to index
      %swap3A_181 = tpu.vector_load %arg10[%swap3A_180] {strides = array<i32>} : memref<16384xf32, #tpu.memory_space<vmem>>, vector<16xf32>,
      tpu.vector_store %arg10[%swap3A_180], %broadcast_in_dim3A_2 {strides = array<i32>} : memref<16384xf32, #tpu.memory_space<vmem>>, vector<16xf32>,
      %mul3A_182 = arith.constant 8 : i32
      %mul3A_183 = arith.muli %scan3A_70, %mul3A_182 : i32
      %add3A_184 = arith.constant 7 : i32
      %add3A_185 = arith.addi %mul3A_183, %add3A_184 : i32
      %mul3A_186 = arith.constant 16 : i32
      %mul3A_187 = arith.muli %add3A_185, %mul3A_186 : i32
      %swap3A_188 = arith.index_cast %mul3A_187 : i32 to index
      %swap3A_189 = tpu.vector_load %arg9[%swap3A_188] {strides = array<i32>} : memref<16384xf32, #tpu.memory_space<vmem>>, vector<16xf32>,
      tpu.vector_store %arg9[%swap3A_188], %broadcast_in_dim3A_2 {strides = array<i32>} : memref<16384xf32, #tpu.memory_space<vmem>>, vector<16xf32>,
      %mul3A_190 = arith.constant 8 : i32
      %mul3A_191 = arith.muli %scan3A_70, %mul3A_190 : i32
      %add3A_192 = arith.constant 7 : i32
      %add3A_193 = arith.addi %mul3A_191, %add3A_192 : i32
      %mul3A_194 = arith.constant 16 : i32
      %mul3A_195 = arith.muli %add3A_193, %mul3A_194 : i32
      %swap3A_196 = arith.index_cast %mul3A_195 : i32 to index
      %swap3A_197 = tpu.vector_load %arg10[%swap3A_196] {strides = array<i32>} : memref<16384xf32, #tpu.memory_space<vmem>>, vector<16xf32>,
      tpu.vector_store %arg10[%swap3A_196], %broadcast_in_dim3A_2 {strides = array<i32>} : memref<16384xf32, #tpu.memory_space<vmem>>, vector<16xf32>,
    }
    %scan3A_20 = arith.constant 128 : i32
    %mul3A_21 = arith.constant 32 : i32
    %mul3A_22 = arith.muli %arg0, %mul3A_21 : i32
    %add3A = arith.constant 0 : i32
    %add3A_23 = arith.addi %mul3A_22, %add3A : i32
    %dma_start3A = arith.constant 0 : i32
    %dma_start3A_24 = tpu.memref_slice %arg8[%dma_start3A] : memref<4096xf32, #tpu.memory_space<vmem>> -> memref<2048xf32, #tpu.memory_space<vmem>>
    %dma_start3A_25 = arith.constant 0 : i32
    %dma_start3A_26 = tpu.memref_slice %arg2[%arg1, %add3A_23, %dma_start3A_25] : memref<16x64x4096xf32, #tpu.memory_space<hbm>> -> memref<1x1x2048xf32, #tpu.memory_space<hbm>>
    %dma_start3A_27 = tpu.memref_squeeze %dma_start3A_26 : memref<1x1x2048xf32, #tpu.memory_space<hbm>> -> memref<2048xf32, #tpu.memory_space<hbm>>
    %dma_start3A_28 = arith.constant 0 : i32
    %dma_start3A_29 = tpu.memref_slice %arg8[%dma_start3A_28] : memref<4096xf32, #tpu.memory_space<vmem>> -> memref<2048xf32, #tpu.memory_space<vmem>>
    %dma_start3A_30 = arith.constant 0 : i32
    %dma_start3A_31 = tpu.memref_slice %arg2[%arg1, %add3A_23, %dma_start3A_30] : memref<16x64x4096xf32, #tpu.memory_space<hbm>> -> memref<1x1x2048xf32, #tpu.memory_space<hbm>>
    %dma_start3A_32 = tpu.memref_squeeze %dma_start3A_31 : memref<1x1x2048xf32, #tpu.memory_space<hbm>> -> memref<2048xf32, #tpu.memory_space<hbm>>
    tpu.enqueue_dma source(%dma_start3A_32 : memref<2048xf32, #tpu.memory_space<hbm>>) target(%dma_start3A_29 : memref<2048xf32, #tpu.memory_space<vmem>>) target_semaphore(%arg17 : memref<!tpu.dma_semaphore, #tpu.memory_space<semaphore_mem>>)
    %scan3A_33 = arith.constant 0 : i32
    %scan3A_34 = arith.constant 0 : i32
    %scan3A_35 = arith.constant 64 : i32
    %scan3A_36 = arith.addi %scan3A_34, %scan3A_35 : i32
    %scan3A_37 = arith.constant 1 : i32
    scf.for %scan3A_70 = %scan3A_34 to %scan3A_36 step %scan3A_37  : i32 {
      %add3A_71 = arith.constant 1 : i32
      %add3A_72 = arith.addi %scan3A_70, %add3A_71 : i32
      %lt3A = arith.constant 64 : i32
      %lt3A_73 = arith.cmpi slt, %add3A_72, %lt3A : i32
      %jit3A = arith.constant 2 : i32
      %eq3A = arith.constant 0 : i32
      %eq3A_74 = arith.cmpi eq, %jit3A, %eq3A : i32
      %jit3A_75 = arith.constant 1 : i32
      %select_n3A = arith.select %eq3A_74, %jit3A_75, %jit3A : i32
      %rem3A = arith.remsi %scan3A_70, %select_n3A : i32
      %ne3A = arith.constant 0 : i32
      %ne3A_76 = arith.cmpi ne, %rem3A, %ne3A : i32
      %lt3A_77 = arith.constant 0 : i32
      %lt3A_78 = arith.cmpi slt, %rem3A, %lt3A_77 : i32
      %lt3A_79 = arith.constant 0 : i32
      %lt3A_80 = arith.cmpi slt, %select_n3A, %lt3A_79 : i32
      %ne3A_81 = arith.xori %lt3A_78, %lt3A_80 : i1
      %and3A = arith.andi %ne3A_81, %ne3A_76 : i1
      %add3A_82 = arith.addi %rem3A, %select_n3A : i32
      %select_n3A_83 = arith.select %and3A, %add3A_82, %rem3A : i32
      %eq3A_84 = arith.constant 0 : i32
      %eq3A_85 = arith.cmpi eq, %select_n3A_83, %eq3A_84 : i32
      %and3A_86 = arith.andi %lt3A_73, %eq3A_85 : i1
      %convert_element_type3A = arith.extui %and3A_86 : i1 to i32
      %cond3A = arith.constant 0 : i32
      %cond3A_87 = arith.cmpi ne, %convert_element_type3A, %cond3A : i32
      scf.if %cond3A_87 {
        %add3A_179 = arith.constant 1 : i32
        %add3A_180 = arith.addi %scan3A_70, %add3A_179 : i32
        %mul3A_181 = arith.constant 32 : i32
        %mul3A_182 = arith.muli %arg0, %mul3A_181 : i32
        %jit3A_183 = arith.constant 2 : i32
        %div3A = arith.divsi %add3A_180, %jit3A_183 : i32
        %sign3A = arith.constant 0 : i32
        %sign3A_184 = arith.cmpi sgt, %add3A_180, %sign3A : i32
        %sign3A_185 = arith.extui %sign3A_184 : i1 to i32
        %sign3A_186 = arith.constant 0 : i32
        %sign3A_187 = arith.cmpi slt, %add3A_180, %sign3A_186 : i32
        %sign3A_188 = arith.extui %sign3A_187 : i1 to i32
        %sign3A_189 = arith.subi %sign3A_185, %sign3A_188 : i32
        %sign3A_190 = arith.constant 0 : i32
        %sign3A_191 = arith.cmpi sgt, %jit3A_183, %sign3A_190 : i32
        %sign3A_192 = arith.extui %sign3A_191 : i1 to i32
        %sign3A_193 = arith.constant 0 : i32
        %sign3A_194 = arith.cmpi slt, %jit3A_183, %sign3A_193 : i32
        %sign3A_195 = arith.extui %sign3A_194 : i1 to i32
        %sign3A_196 = arith.subi %sign3A_192, %sign3A_195 : i32
        %ne3A_197 = arith.cmpi ne, %sign3A_189, %sign3A_196 : i32
        %rem3A_198 = arith.remsi %add3A_180, %jit3A_183 : i32
        %ne3A_199 = arith.constant 0 : i32
        %ne3A_200 = arith.cmpi ne, %rem3A_198, %ne3A_199 : i32
        %and3A_201 = arith.andi %ne3A_197, %ne3A_200 : i1
        %sub3A = arith.constant 1 : i32
        %sub3A_202 = arith.subi %div3A, %sub3A : i32
        %select_n3A_203 = arith.select %and3A_201, %sub3A_202, %div3A : i32
        %add3A_204 = arith.addi %mul3A_182, %select_n3A_203 : i32
        %jit3A_205 = arith.constant 2 : i32
        %eq3A_206 = arith.constant 0 : i32
        %eq3A_207 = arith.cmpi eq, %jit3A_205, %eq3A_206 : i32
        %jit3A_208 = arith.constant 1 : i32
        %select_n3A_209 = arith.select %eq3A_207, %jit3A_208, %jit3A_205 : i32
        %rem3A_210 = arith.remsi %add3A_180, %select_n3A_209 : i32
        %ne3A_211 = arith.constant 0 : i32
        %ne3A_212 = arith.cmpi ne, %rem3A_210, %ne3A_211 : i32
        %lt3A_213 = arith.constant 0 : i32
        %lt3A_214 = arith.cmpi slt, %rem3A_210, %lt3A_213 : i32
        %lt3A_215 = arith.constant 0 : i32
        %lt3A_216 = arith.cmpi slt, %select_n3A_209, %lt3A_215 : i32
        %ne3A_217 = arith.xori %lt3A_214, %lt3A_216 : i1
        %and3A_218 = arith.andi %ne3A_217, %ne3A_212 : i1
        %add3A_219 = arith.addi %rem3A_210, %select_n3A_209 : i32
        %select_n3A_220 = arith.select %and3A_218, %add3A_219, %rem3A_210 : i32
        %mul3A_221 = arith.constant 2048 : i32
        %mul3A_222 = arith.muli %select_n3A_220, %mul3A_221 : i32
        %dma_start3A_223 = arith.constant 2048 : i32
        %dma_start3A_224 = tpu.memref_slice %arg8[%dma_start3A_223] : memref<4096xf32, #tpu.memory_space<vmem>> -> memref<2048xf32, #tpu.memory_space<vmem>>
        %dma_start3A_225 = tpu.memref_slice %arg2[%arg1, %add3A_204, %mul3A_222] : memref<16x64x4096xf32, #tpu.memory_space<hbm>> -> memref<1x1x2048xf32, #tpu.memory_space<hbm>>
        %dma_start3A_226 = tpu.memref_squeeze %dma_start3A_225 : memref<1x1x2048xf32, #tpu.memory_space<hbm>> -> memref<2048xf32, #tpu.memory_space<hbm>>
        %dma_start3A_227 = arith.constant 2048 : i32
        %dma_start3A_228 = tpu.memref_slice %arg8[%dma_start3A_227] : memref<4096xf32, #tpu.memory_space<vmem>> -> memref<2048xf32, #tpu.memory_space<vmem>>
        %dma_start3A_229 = tpu.memref_slice %arg2[%arg1, %add3A_204, %mul3A_222] : memref<16x64x4096xf32, #tpu.memory_space<hbm>> -> memref<1x1x2048xf32, #tpu.memory_space<hbm>>
        %dma_start3A_230 = tpu.memref_squeeze %dma_start3A_229 : memref<1x1x2048xf32, #tpu.memory_space<hbm>> -> memref<2048xf32, #tpu.memory_space<hbm>>
        tpu.enqueue_dma source(%dma_start3A_230 : memref<2048xf32, #tpu.memory_space<hbm>>) target(%dma_start3A_228 : memref<2048xf32, #tpu.memory_space<vmem>>) target_semaphore(%arg18 : memref<!tpu.dma_semaphore, #tpu.memory_space<semaphore_mem>>)
      } else {
      }
      %add3A_88 = arith.constant 1 : i32
      %add3A_89 = arith.addi %scan3A_70, %add3A_88 : i32
      %lt3A_90 = arith.constant 64 : i32
      %lt3A_91 = arith.cmpi slt, %add3A_89, %lt3A_90 : i32
      %jit3A_92 = arith.constant 2 : i32
      %eq3A_93 = arith.constant 0 : i32
      %eq3A_94 = arith.cmpi eq, %jit3A_92, %eq3A_93 : i32
      %jit3A_95 = arith.constant 1 : i32
      %select_n3A_96 = arith.select %eq3A_94, %jit3A_95, %jit3A_92 : i32
      %rem3A_97 = arith.remsi %scan3A_70, %select_n3A_96 : i32
      %ne3A_98 = arith.constant 0 : i32
      %ne3A_99 = arith.cmpi ne, %rem3A_97, %ne3A_98 : i32
      %lt3A_100 = arith.constant 0 : i32
      %lt3A_101 = arith.cmpi slt, %rem3A_97, %lt3A_100 : i32
      %lt3A_102 = arith.constant 0 : i32
      %lt3A_103 = arith.cmpi slt, %select_n3A_96, %lt3A_102 : i32
      %ne3A_104 = arith.xori %lt3A_101, %lt3A_103 : i1
      %and3A_105 = arith.andi %ne3A_104, %ne3A_99 : i1
      %add3A_106 = arith.addi %rem3A_97, %select_n3A_96 : i32
      %select_n3A_107 = arith.select %and3A_105, %add3A_106, %rem3A_97 : i32
      %eq3A_108 = arith.constant 1 : i32
      %eq3A_109 = arith.cmpi eq, %select_n3A_107, %eq3A_108 : i32
      %and3A_110 = arith.andi %lt3A_91, %eq3A_109 : i1
      %convert_element_type3A_111 = arith.extui %and3A_110 : i1 to i32
      %cond3A_112 = arith.constant 0 : i32
      %cond3A_113 = arith.cmpi ne, %convert_element_type3A_111, %cond3A_112 : i32
      scf.if %cond3A_113 {
        %add3A_179 = arith.constant 1 : i32
        %add3A_180 = arith.addi %scan3A_70, %add3A_179 : i32
        %mul3A_181 = arith.constant 32 : i32
        %mul3A_182 = arith.muli %arg0, %mul3A_181 : i32
        %jit3A_183 = arith.constant 2 : i32
        %div3A = arith.divsi %add3A_180, %jit3A_183 : i32
        %sign3A = arith.constant 0 : i32
        %sign3A_184 = arith.cmpi sgt, %add3A_180, %sign3A : i32
        %sign3A_185 = arith.extui %sign3A_184 : i1 to i32
        %sign3A_186 = arith.constant 0 : i32
        %sign3A_187 = arith.cmpi slt, %add3A_180, %sign3A_186 : i32
        %sign3A_188 = arith.extui %sign3A_187 : i1 to i32
        %sign3A_189 = arith.subi %sign3A_185, %sign3A_188 : i32
        %sign3A_190 = arith.constant 0 : i32
        %sign3A_191 = arith.cmpi sgt, %jit3A_183, %sign3A_190 : i32
        %sign3A_192 = arith.extui %sign3A_191 : i1 to i32
        %sign3A_193 = arith.constant 0 : i32
        %sign3A_194 = arith.cmpi slt, %jit3A_183, %sign3A_193 : i32
        %sign3A_195 = arith.extui %sign3A_194 : i1 to i32
        %sign3A_196 = arith.subi %sign3A_192, %sign3A_195 : i32
        %ne3A_197 = arith.cmpi ne, %sign3A_189, %sign3A_196 : i32
        %rem3A_198 = arith.remsi %add3A_180, %jit3A_183 : i32
        %ne3A_199 = arith.constant 0 : i32
        %ne3A_200 = arith.cmpi ne, %rem3A_198, %ne3A_199 : i32
        %and3A_201 = arith.andi %ne3A_197, %ne3A_200 : i1
        %sub3A = arith.constant 1 : i32
        %sub3A_202 = arith.subi %div3A, %sub3A : i32
        %select_n3A_203 = arith.select %and3A_201, %sub3A_202, %div3A : i32
        %add3A_204 = arith.addi %mul3A_182, %select_n3A_203 : i32
        %jit3A_205 = arith.constant 2 : i32
        %eq3A_206 = arith.constant 0 : i32
        %eq3A_207 = arith.cmpi eq, %jit3A_205, %eq3A_206 : i32
        %jit3A_208 = arith.constant 1 : i32
        %select_n3A_209 = arith.select %eq3A_207, %jit3A_208, %jit3A_205 : i32
        %rem3A_210 = arith.remsi %add3A_180, %select_n3A_209 : i32
        %ne3A_211 = arith.constant 0 : i32
        %ne3A_212 = arith.cmpi ne, %rem3A_210, %ne3A_211 : i32
        %lt3A_213 = arith.constant 0 : i32
        %lt3A_214 = arith.cmpi slt, %rem3A_210, %lt3A_213 : i32
        %lt3A_215 = arith.constant 0 : i32
        %lt3A_216 = arith.cmpi slt, %select_n3A_209, %lt3A_215 : i32
        %ne3A_217 = arith.xori %lt3A_214, %lt3A_216 : i1
        %and3A_218 = arith.andi %ne3A_217, %ne3A_212 : i1
        %add3A_219 = arith.addi %rem3A_210, %select_n3A_209 : i32
        %select_n3A_220 = arith.select %and3A_218, %add3A_219, %rem3A_210 : i32
        %mul3A_221 = arith.constant 2048 : i32
        %mul3A_222 = arith.muli %select_n3A_220, %mul3A_221 : i32
        %dma_start3A_223 = arith.constant 0 : i32
        %dma_start3A_224 = tpu.memref_slice %arg8[%dma_start3A_223] : memref<4096xf32, #tpu.memory_space<vmem>> -> memref<2048xf32, #tpu.memory_space<vmem>>
        %dma_start3A_225 = tpu.memref_slice %arg2[%arg1, %add3A_204, %mul3A_222] : memref<16x64x4096xf32, #tpu.memory_space<hbm>> -> memref<1x1x2048xf32, #tpu.memory_space<hbm>>
        %dma_start3A_226 = tpu.memref_squeeze %dma_start3A_225 : memref<1x1x2048xf32, #tpu.memory_space<hbm>> -> memref<2048xf32, #tpu.memory_space<hbm>>
        %dma_start3A_227 = arith.constant 0 : i32
        %dma_start3A_228 = tpu.memref_slice %arg8[%dma_start3A_227] : memref<4096xf32, #tpu.memory_space<vmem>> -> memref<2048xf32, #tpu.memory_space<vmem>>
        %dma_start3A_229 = tpu.memref_slice %arg2[%arg1, %add3A_204, %mul3A_222] : memref<16x64x4096xf32, #tpu.memory_space<hbm>> -> memref<1x1x2048xf32, #tpu.memory_space<hbm>>
        %dma_start3A_230 = tpu.memref_squeeze %dma_start3A_229 : memref<1x1x2048xf32, #tpu.memory_space<hbm>> -> memref<2048xf32, #tpu.memory_space<hbm>>
        tpu.enqueue_dma source(%dma_start3A_230 : memref<2048xf32, #tpu.memory_space<hbm>>) target(%dma_start3A_228 : memref<2048xf32, #tpu.memory_space<vmem>>) target_semaphore(%arg17 : memref<!tpu.dma_semaphore, #tpu.memory_space<semaphore_mem>>)
      } else {
      }
      %jit3A_114 = arith.constant 2 : i32
      %eq3A_115 = arith.constant 0 : i32
      %eq3A_116 = arith.cmpi eq, %jit3A_114, %eq3A_115 : i32
      %jit3A_117 = arith.constant 1 : i32
      %select_n3A_118 = arith.select %eq3A_116, %jit3A_117, %jit3A_114 : i32
      %rem3A_119 = arith.remsi %scan3A_70, %select_n3A_118 : i32
      %ne3A_120 = arith.constant 0 : i32
      %ne3A_121 = arith.cmpi ne, %rem3A_119, %ne3A_120 : i32
      %lt3A_122 = arith.constant 0 : i32
      %lt3A_123 = arith.cmpi slt, %rem3A_119, %lt3A_122 : i32
      %lt3A_124 = arith.constant 0 : i32
      %lt3A_125 = arith.cmpi slt, %select_n3A_118, %lt3A_124 : i32
      %ne3A_126 = arith.xori %lt3A_123, %lt3A_125 : i1
      %and3A_127 = arith.andi %ne3A_126, %ne3A_121 : i1
      %add3A_128 = arith.addi %rem3A_119, %select_n3A_118 : i32
      %select_n3A_129 = arith.select %and3A_127, %add3A_128, %rem3A_119 : i32
      %eq3A_130 = arith.constant 0 : i32
      %eq3A_131 = arith.cmpi eq, %select_n3A_129, %eq3A_130 : i32
      %convert_element_type3A_132 = arith.extui %eq3A_131 : i1 to i32
      %cond3A_133 = arith.constant 0 : i32
      %cond3A_134 = arith.cmpi ne, %convert_element_type3A_132, %cond3A_133 : i32
      scf.if %cond3A_134 {
        %mul3A_179 = arith.constant 32 : i32
        %mul3A_180 = arith.muli %arg0, %mul3A_179 : i32
        %jit3A_181 = arith.constant 2 : i32
        %div3A = arith.divsi %scan3A_70, %jit3A_181 : i32
        %sign3A = arith.constant 0 : i32
        %sign3A_182 = arith.cmpi sgt, %scan3A_70, %sign3A : i32
        %sign3A_183 = arith.extui %sign3A_182 : i1 to i32
        %sign3A_184 = arith.constant 0 : i32
        %sign3A_185 = arith.cmpi slt, %scan3A_70, %sign3A_184 : i32
        %sign3A_186 = arith.extui %sign3A_185 : i1 to i32
        %sign3A_187 = arith.subi %sign3A_183, %sign3A_186 : i32
        %sign3A_188 = arith.constant 0 : i32
        %sign3A_189 = arith.cmpi sgt, %jit3A_181, %sign3A_188 : i32
        %sign3A_190 = arith.extui %sign3A_189 : i1 to i32
        %sign3A_191 = arith.constant 0 : i32
        %sign3A_192 = arith.cmpi slt, %jit3A_181, %sign3A_191 : i32
        %sign3A_193 = arith.extui %sign3A_192 : i1 to i32
        %sign3A_194 = arith.subi %sign3A_190, %sign3A_193 : i32
        %ne3A_195 = arith.cmpi ne, %sign3A_187, %sign3A_194 : i32
        %rem3A_196 = arith.remsi %scan3A_70, %jit3A_181 : i32
        %ne3A_197 = arith.constant 0 : i32
        %ne3A_198 = arith.cmpi ne, %rem3A_196, %ne3A_197 : i32
        %and3A_199 = arith.andi %ne3A_195, %ne3A_198 : i1
        %sub3A = arith.constant 1 : i32
        %sub3A_200 = arith.subi %div3A, %sub3A : i32
        %select_n3A_201 = arith.select %and3A_199, %sub3A_200, %div3A : i32
        %add3A_202 = arith.addi %mul3A_180, %select_n3A_201 : i32
        %jit3A_203 = arith.constant 2 : i32
        %eq3A_204 = arith.constant 0 : i32
        %eq3A_205 = arith.cmpi eq, %jit3A_203, %eq3A_204 : i32
        %jit3A_206 = arith.constant 1 : i32
        %select_n3A_207 = arith.select %eq3A_205, %jit3A_206, %jit3A_203 : i32
        %rem3A_208 = arith.remsi %scan3A_70, %select_n3A_207 : i32
        %ne3A_209 = arith.constant 0 : i32
        %ne3A_210 = arith.cmpi ne, %rem3A_208, %ne3A_209 : i32
        %lt3A_211 = arith.constant 0 : i32
        %lt3A_212 = arith.cmpi slt, %rem3A_208, %lt3A_211 : i32
        %lt3A_213 = arith.constant 0 : i32
        %lt3A_214 = arith.cmpi slt, %select_n3A_207, %lt3A_213 : i32
        %ne3A_215 = arith.xori %lt3A_212, %lt3A_214 : i1
        %and3A_216 = arith.andi %ne3A_215, %ne3A_210 : i1
        %add3A_217 = arith.addi %rem3A_208, %select_n3A_207 : i32
        %select_n3A_218 = arith.select %and3A_216, %add3A_217, %rem3A_208 : i32
        %mul3A_219 = arith.constant 2048 : i32
        %mul3A_220 = arith.muli %select_n3A_218, %mul3A_219 : i32
        %dma_wait3A = arith.constant 0 : i32
        %dma_wait3A_221 = tpu.memref_slice %arg8[%dma_wait3A] : memref<4096xf32, #tpu.memory_space<vmem>> -> memref<2048xf32, #tpu.memory_space<vmem>>
        %dma_wait3A_222 = tpu.memref_slice %arg2[%arg1, %add3A_202, %mul3A_220] : memref<16x64x4096xf32, #tpu.memory_space<hbm>> -> memref<1x1x2048xf32, #tpu.memory_space<hbm>>
        %dma_wait3A_223 = tpu.memref_squeeze %dma_wait3A_222 : memref<1x1x2048xf32, #tpu.memory_space<hbm>> -> memref<2048xf32, #tpu.memory_space<hbm>>
        %dma_wait3A_224 = arith.constant 0 : i32
        %dma_wait3A_225 = tpu.memref_slice %arg8[%dma_wait3A_224] : memref<4096xf32, #tpu.memory_space<vmem>> -> memref<2048xf32, #tpu.memory_space<vmem>>
        %dma_wait3A_226 = tpu.memref_slice %arg2[%arg1, %add3A_202, %mul3A_220] : memref<16x64x4096xf32, #tpu.memory_space<hbm>> -> memref<1x1x2048xf32, #tpu.memory_space<hbm>>
        %dma_wait3A_227 = tpu.memref_squeeze %dma_wait3A_226 : memref<1x1x2048xf32, #tpu.memory_space<hbm>> -> memref<2048xf32, #tpu.memory_space<hbm>>
        tpu.wait_dma2 semaphore(%arg17 : memref<!tpu.dma_semaphore, #tpu.memory_space<semaphore_mem>>) src(%dma_wait3A_227 : memref<2048xf32, #tpu.memory_space<hbm>>) dst(%dma_wait3A_225 : memref<2048xf32, #tpu.memory_space<vmem>>)
      } else {
      }
      %jit3A_135 = arith.constant 2 : i32
      %eq3A_136 = arith.constant 0 : i32
      %eq3A_137 = arith.cmpi eq, %jit3A_135, %eq3A_136 : i32
      %jit3A_138 = arith.constant 1 : i32
      %select_n3A_139 = arith.select %eq3A_137, %jit3A_138, %jit3A_135 : i32
      %rem3A_140 = arith.remsi %scan3A_70, %select_n3A_139 : i32
      %ne3A_141 = arith.constant 0 : i32
      %ne3A_142 = arith.cmpi ne, %rem3A_140, %ne3A_141 : i32
      %lt3A_143 = arith.constant 0 : i32
      %lt3A_144 = arith.cmpi slt, %rem3A_140, %lt3A_143 : i32
      %lt3A_145 = arith.constant 0 : i32
      %lt3A_146 = arith.cmpi slt, %select_n3A_139, %lt3A_145 : i32
      %ne3A_147 = arith.xori %lt3A_144, %lt3A_146 : i1
      %and3A_148 = arith.andi %ne3A_147, %ne3A_142 : i1
      %add3A_149 = arith.addi %rem3A_140, %select_n3A_139 : i32
      %select_n3A_150 = arith.select %and3A_148, %add3A_149, %rem3A_140 : i32
      %eq3A_151 = arith.constant 1 : i32
      %eq3A_152 = arith.cmpi eq, %select_n3A_150, %eq3A_151 : i32
      %convert_element_type3A_153 = arith.extui %eq3A_152 : i1 to i32
      %cond3A_154 = arith.constant 0 : i32
      %cond3A_155 = arith.cmpi ne, %convert_element_type3A_153, %cond3A_154 : i32
      scf.if %cond3A_155 {
        %mul3A_179 = arith.constant 32 : i32
        %mul3A_180 = arith.muli %arg0, %mul3A_179 : i32
        %jit3A_181 = arith.constant 2 : i32
        %div3A = arith.divsi %scan3A_70, %jit3A_181 : i32
        %sign3A = arith.constant 0 : i32
        %sign3A_182 = arith.cmpi sgt, %scan3A_70, %sign3A : i32
        %sign3A_183 = arith.extui %sign3A_182 : i1 to i32
        %sign3A_184 = arith.constant 0 : i32
        %sign3A_185 = arith.cmpi slt, %scan3A_70, %sign3A_184 : i32
        %sign3A_186 = arith.extui %sign3A_185 : i1 to i32
        %sign3A_187 = arith.subi %sign3A_183, %sign3A_186 : i32
        %sign3A_188 = arith.constant 0 : i32
        %sign3A_189 = arith.cmpi sgt, %jit3A_181, %sign3A_188 : i32
        %sign3A_190 = arith.extui %sign3A_189 : i1 to i32
        %sign3A_191 = arith.constant 0 : i32
        %sign3A_192 = arith.cmpi slt, %jit3A_181, %sign3A_191 : i32
        %sign3A_193 = arith.extui %sign3A_192 : i1 to i32
        %sign3A_194 = arith.subi %sign3A_190, %sign3A_193 : i32
        %ne3A_195 = arith.cmpi ne, %sign3A_187, %sign3A_194 : i32
        %rem3A_196 = arith.remsi %scan3A_70, %jit3A_181 : i32
        %ne3A_197 = arith.constant 0 : i32
        %ne3A_198 = arith.cmpi ne, %rem3A_196, %ne3A_197 : i32
        %and3A_199 = arith.andi %ne3A_195, %ne3A_198 : i1
        %sub3A = arith.constant 1 : i32
        %sub3A_200 = arith.subi %div3A, %sub3A : i32
        %select_n3A_201 = arith.select %and3A_199, %sub3A_200, %div3A : i32
        %add3A_202 = arith.addi %mul3A_180, %select_n3A_201 : i32
        %jit3A_203 = arith.constant 2 : i32
        %eq3A_204 = arith.constant 0 : i32
        %eq3A_205 = arith.cmpi eq, %jit3A_203, %eq3A_204 : i32
        %jit3A_206 = arith.constant 1 : i32
        %select_n3A_207 = arith.select %eq3A_205, %jit3A_206, %jit3A_203 : i32
        %rem3A_208 = arith.remsi %scan3A_70, %select_n3A_207 : i32
        %ne3A_209 = arith.constant 0 : i32
        %ne3A_210 = arith.cmpi ne, %rem3A_208, %ne3A_209 : i32
        %lt3A_211 = arith.constant 0 : i32
        %lt3A_212 = arith.cmpi slt, %rem3A_208, %lt3A_211 : i32
        %lt3A_213 = arith.constant 0 : i32
        %lt3A_214 = arith.cmpi slt, %select_n3A_207, %lt3A_213 : i32
        %ne3A_215 = arith.xori %lt3A_212, %lt3A_214 : i1
        %and3A_216 = arith.andi %ne3A_215, %ne3A_210 : i1
        %add3A_217 = arith.addi %rem3A_208, %select_n3A_207 : i32
        %select_n3A_218 = arith.select %and3A_216, %add3A_217, %rem3A_208 : i32
        %mul3A_219 = arith.constant 2048 : i32
        %mul3A_220 = arith.muli %select_n3A_218, %mul3A_219 : i32
        %dma_wait3A = arith.constant 2048 : i32
        %dma_wait3A_221 = tpu.memref_slice %arg8[%dma_wait3A] : memref<4096xf32, #tpu.memory_space<vmem>> -> memref<2048xf32, #tpu.memory_space<vmem>>
        %dma_wait3A_222 = tpu.memref_slice %arg2[%arg1, %add3A_202, %mul3A_220] : memref<16x64x4096xf32, #tpu.memory_space<hbm>> -> memref<1x1x2048xf32, #tpu.memory_space<hbm>>
        %dma_wait3A_223 = tpu.memref_squeeze %dma_wait3A_222 : memref<1x1x2048xf32, #tpu.memory_space<hbm>> -> memref<2048xf32, #tpu.memory_space<hbm>>
        %dma_wait3A_224 = arith.constant 2048 : i32
        %dma_wait3A_225 = tpu.memref_slice %arg8[%dma_wait3A_224] : memref<4096xf32, #tpu.memory_space<vmem>> -> memref<2048xf32, #tpu.memory_space<vmem>>
        %dma_wait3A_226 = tpu.memref_slice %arg2[%arg1, %add3A_202, %mul3A_220] : memref<16x64x4096xf32, #tpu.memory_space<hbm>> -> memref<1x1x2048xf32, #tpu.memory_space<hbm>>
        %dma_wait3A_227 = tpu.memref_squeeze %dma_wait3A_226 : memref<1x1x2048xf32, #tpu.memory_space<hbm>> -> memref<2048xf32, #tpu.memory_space<hbm>>
        tpu.wait_dma2 semaphore(%arg18 : memref<!tpu.dma_semaphore, #tpu.memory_space<semaphore_mem>>) src(%dma_wait3A_227 : memref<2048xf32, #tpu.memory_space<hbm>>) dst(%dma_wait3A_225 : memref<2048xf32, #tpu.memory_space<vmem>>)
      } else {
      }
      %jit3A_156 = arith.constant 2 : i32
      %eq3A_157 = arith.constant 0 : i32
      %eq3A_158 = arith.cmpi eq, %jit3A_156, %eq3A_157 : i32
      %jit3A_159 = arith.constant 1 : i32
      %select_n3A_160 = arith.select %eq3A_158, %jit3A_159, %jit3A_156 : i32
      %rem3A_161 = arith.remsi %scan3A_70, %select_n3A_160 : i32
      %ne3A_162 = arith.constant 0 : i32
      %ne3A_163 = arith.cmpi ne, %rem3A_161, %ne3A_162 : i32
      %lt3A_164 = arith.constant 0 : i32
      %lt3A_165 = arith.cmpi slt, %rem3A_161, %lt3A_164 : i32
      %lt3A_166 = arith.constant 0 : i32
      %lt3A_167 = arith.cmpi slt, %select_n3A_160, %lt3A_166 : i32
      %ne3A_168 = arith.xori %lt3A_165, %lt3A_167 : i1
      %and3A_169 = arith.andi %ne3A_168, %ne3A_163 : i1
      %add3A_170 = arith.addi %rem3A_161, %select_n3A_160 : i32
      %select_n3A_171 = arith.select %and3A_169, %add3A_170, %rem3A_161 : i32
      %mul3A_172 = arith.constant 2048 : i32
      %mul3A_173 = arith.muli %select_n3A_171, %mul3A_172 : i32
      %scan3A_174 = arith.constant 0 : i32
      %scan3A_175 = arith.constant 16 : i32
      %scan3A_176 = arith.addi %scan3A_174, %scan3A_175 : i32
      %scan3A_177 = arith.constant 1 : i32
      scf.for %scan3A_179 = %scan3A_174 to %scan3A_176 step %scan3A_177  : i32 {
        %mul3A_180 = arith.constant 8 : i32
        %mul3A_181 = arith.muli %scan3A_179, %mul3A_180 : i32
        %add3A_182 = arith.constant 0 : i32
        %add3A_183 = arith.addi %mul3A_181, %add3A_182 : i32
        %mul3A_184 = arith.constant 16 : i32
        %mul3A_185 = arith.muli %add3A_183, %mul3A_184 : i32
        %add3A_186 = arith.addi %mul3A_173, %mul3A_185 : i32
        %get3A = arith.index_cast %add3A_186 : i32 to index
        %get3A_187 = tpu.vector_load %arg8[%get3A] {strides = array<i32>} : memref<4096xf32, #tpu.memory_space<vmem>>, vector<16xf32>,
        %mul3A_188 = arith.constant 8 : i32
        %mul3A_189 = arith.muli %scan3A_179, %mul3A_188 : i32
        %add3A_190 = arith.constant 1 : i32
        %add3A_191 = arith.addi %mul3A_189, %add3A_190 : i32
        %mul3A_192 = arith.constant 16 : i32
        %mul3A_193 = arith.muli %add3A_191, %mul3A_192 : i32
        %add3A_194 = arith.addi %mul3A_173, %mul3A_193 : i32
        %get3A_195 = arith.index_cast %add3A_194 : i32 to index
        %get3A_196 = tpu.vector_load %arg8[%get3A_195] {strides = array<i32>} : memref<4096xf32, #tpu.memory_space<vmem>>, vector<16xf32>,
        %mul3A_197 = arith.constant 8 : i32
        %mul3A_198 = arith.muli %scan3A_179, %mul3A_197 : i32
        %add3A_199 = arith.constant 2 : i32
        %add3A_200 = arith.addi %mul3A_198, %add3A_199 : i32
        %mul3A_201 = arith.constant 16 : i32
        %mul3A_202 = arith.muli %add3A_200, %mul3A_201 : i32
        %add3A_203 = arith.addi %mul3A_173, %mul3A_202 : i32
        %get3A_204 = arith.index_cast %add3A_203 : i32 to index
        %get3A_205 = tpu.vector_load %arg8[%get3A_204] {strides = array<i32>} : memref<4096xf32, #tpu.memory_space<vmem>>, vector<16xf32>,
        %mul3A_206 = arith.constant 8 : i32
        %mul3A_207 = arith.muli %scan3A_179, %mul3A_206 : i32
        %add3A_208 = arith.constant 3 : i32
        %add3A_209 = arith.addi %mul3A_207, %add3A_208 : i32
        %mul3A_210 = arith.constant 16 : i32
        %mul3A_211 = arith.muli %add3A_209, %mul3A_210 : i32
        %add3A_212 = arith.addi %mul3A_173, %mul3A_211 : i32
        %get3A_213 = arith.index_cast %add3A_212 : i32 to index
        %get3A_214 = tpu.vector_load %arg8[%get3A_213] {strides = array<i32>} : memref<4096xf32, #tpu.memory_space<vmem>>, vector<16xf32>,
        %mul3A_215 = arith.constant 8 : i32
        %mul3A_216 = arith.muli %scan3A_179, %mul3A_215 : i32
        %add3A_217 = arith.constant 4 : i32
        %add3A_218 = arith.addi %mul3A_216, %add3A_217 : i32
        %mul3A_219 = arith.constant 16 : i32
        %mul3A_220 = arith.muli %add3A_218, %mul3A_219 : i32
        %add3A_221 = arith.addi %mul3A_173, %mul3A_220 : i32
        %get3A_222 = arith.index_cast %add3A_221 : i32 to index
        %get3A_223 = tpu.vector_load %arg8[%get3A_222] {strides = array<i32>} : memref<4096xf32, #tpu.memory_space<vmem>>, vector<16xf32>,
        %mul3A_224 = arith.constant 8 : i32
        %mul3A_225 = arith.muli %scan3A_179, %mul3A_224 : i32
        %add3A_226 = arith.constant 5 : i32
        %add3A_227 = arith.addi %mul3A_225, %add3A_226 : i32
        %mul3A_228 = arith.constant 16 : i32
        %mul3A_229 = arith.muli %add3A_227, %mul3A_228 : i32
        %add3A_230 = arith.addi %mul3A_173, %mul3A_229 : i32
        %get3A_231 = arith.index_cast %add3A_230 : i32 to index
        %get3A_232 = tpu.vector_load %arg8[%get3A_231] {strides = array<i32>} : memref<4096xf32, #tpu.memory_space<vmem>>, vector<16xf32>,
        %mul3A_233 = arith.constant 8 : i32
        %mul3A_234 = arith.muli %scan3A_179, %mul3A_233 : i32
        %add3A_235 = arith.constant 6 : i32
        %add3A_236 = arith.addi %mul3A_234, %add3A_235 : i32
        %mul3A_237 = arith.constant 16 : i32
        %mul3A_238 = arith.muli %add3A_236, %mul3A_237 : i32
        %add3A_239 = arith.addi %mul3A_173, %mul3A_238 : i32
        %get3A_240 = arith.index_cast %add3A_239 : i32 to index
        %get3A_241 = tpu.vector_load %arg8[%get3A_240] {strides = array<i32>} : memref<4096xf32, #tpu.memory_space<vmem>>, vector<16xf32>,
        %mul3A_242 = arith.constant 8 : i32
        %mul3A_243 = arith.muli %scan3A_179, %mul3A_242 : i32
        %add3A_244 = arith.constant 7 : i32
        %add3A_245 = arith.addi %mul3A_243, %add3A_244 : i32
        %mul3A_246 = arith.constant 16 : i32
        %mul3A_247 = arith.muli %add3A_245, %mul3A_246 : i32
        %add3A_248 = arith.addi %mul3A_173, %mul3A_247 : i32
        %get3A_249 = arith.index_cast %add3A_248 : i32 to index
        %get3A_250 = tpu.vector_load %arg8[%get3A_249] {strides = array<i32>} : memref<4096xf32, #tpu.memory_space<vmem>>, vector<16xf32>,
        %bitcast_convert_type3A = tpu.bitcast %get3A_187 : vector<16xf32> -> vector<16xi32>
        %shift_right_arithmetic3A = arith.constant 18 : i32
        %shift_right_arithmetic3A_251 = vector.broadcast %shift_right_arithmetic3A : i32 to vector<16xi32>
        %shift_right_arithmetic3A_252 = arith.shrsi %bitcast_convert_type3A, %shift_right_arithmetic3A_251 : vector<16xi32>
        %max3A = arith.constant 3424 : i32
        %max3A_253 = vector.broadcast %max3A : i32 to vector<16xi32>
        %max3A_254 = arith.maxsi %shift_right_arithmetic3A_252, %max3A_253 : vector<16xi32>
        %min3A = arith.constant 4447 : i32
        %min3A_255 = vector.broadcast %min3A : i32 to vector<16xi32>
        %min3A_256 = arith.minsi %max3A_254, %min3A_255 : vector<16xi32>
        %sub3A = arith.constant 3424 : i32
        %sub3A_257 = vector.broadcast %sub3A : i32 to vector<16xi32>
        %sub3A_258 = arith.subi %min3A_256, %sub3A_257 : vector<16xi32>
        %mul3A_259 = arith.constant 16 : i32
        %mul3A_260 = vector.broadcast %mul3A_259 : i32 to vector<16xi32>
        %mul3A_261 = arith.muli %sub3A_258, %mul3A_260 : vector<16xi32>
        %add3A_262 = arith.addi %mul3A_261, %iota3A : vector<16xi32>
        %bitcast_convert_type3A_263 = tpu.bitcast %get3A_196 : vector<16xf32> -> vector<16xi32>
        %shift_right_arithmetic3A_264 = arith.constant 18 : i32
        %shift_right_arithmetic3A_265 = vector.broadcast %shift_right_arithmetic3A_264 : i32 to vector<16xi32>
        %shift_right_arithmetic3A_266 = arith.shrsi %bitcast_convert_type3A_263, %shift_right_arithmetic3A_265 : vector<16xi32>
        %max3A_267 = arith.constant 3424 : i32
        %max3A_268 = vector.broadcast %max3A_267 : i32 to vector<16xi32>
        %max3A_269 = arith.maxsi %shift_right_arithmetic3A_266, %max3A_268 : vector<16xi32>
        %min3A_270 = arith.constant 4447 : i32
        %min3A_271 = vector.broadcast %min3A_270 : i32 to vector<16xi32>
        %min3A_272 = arith.minsi %max3A_269, %min3A_271 : vector<16xi32>
        %sub3A_273 = arith.constant 3424 : i32
        %sub3A_274 = vector.broadcast %sub3A_273 : i32 to vector<16xi32>
        %sub3A_275 = arith.subi %min3A_272, %sub3A_274 : vector<16xi32>
        %mul3A_276 = arith.constant 16 : i32
        %mul3A_277 = vector.broadcast %mul3A_276 : i32 to vector<16xi32>
        %mul3A_278 = arith.muli %sub3A_275, %mul3A_277 : vector<16xi32>
        %add3A_279 = arith.addi %mul3A_278, %iota3A : vector<16xi32>
        %bitcast_convert_type3A_280 = tpu.bitcast %get3A_205 : vector<16xf32> -> vector<16xi32>
        %shift_right_arithmetic3A_281 = arith.constant 18 : i32
        %shift_right_arithmetic3A_282 = vector.broadcast %shift_right_arithmetic3A_281 : i32 to vector<16xi32>
        %shift_right_arithmetic3A_283 = arith.shrsi %bitcast_convert_type3A_280, %shift_right_arithmetic3A_282 : vector<16xi32>
        %max3A_284 = arith.constant 3424 : i32
        %max3A_285 = vector.broadcast %max3A_284 : i32 to vector<16xi32>
        %max3A_286 = arith.maxsi %shift_right_arithmetic3A_283, %max3A_285 : vector<16xi32>
        %min3A_287 = arith.constant 4447 : i32
        %min3A_288 = vector.broadcast %min3A_287 : i32 to vector<16xi32>
        %min3A_289 = arith.minsi %max3A_286, %min3A_288 : vector<16xi32>
        %sub3A_290 = arith.constant 3424 : i32
        %sub3A_291 = vector.broadcast %sub3A_290 : i32 to vector<16xi32>
        %sub3A_292 = arith.subi %min3A_289, %sub3A_291 : vector<16xi32>
        %mul3A_293 = arith.constant 16 : i32
        %mul3A_294 = vector.broadcast %mul3A_293 : i32 to vector<16xi32>
        %mul3A_295 = arith.muli %sub3A_292, %mul3A_294 : vector<16xi32>
        %add3A_296 = arith.addi %mul3A_295, %iota3A : vector<16xi32>
        %bitcast_convert_type3A_297 = tpu.bitcast %get3A_214 : vector<16xf32> -> vector<16xi32>
        %shift_right_arithmetic3A_298 = arith.constant 18 : i32
        %shift_right_arithmetic3A_299 = vector.broadcast %shift_right_arithmetic3A_298 : i32 to vector<16xi32>
        %shift_right_arithmetic3A_300 = arith.shrsi %bitcast_convert_type3A_297, %shift_right_arithmetic3A_299 : vector<16xi32>
        %max3A_301 = arith.constant 3424 : i32
        %max3A_302 = vector.broadcast %max3A_301 : i32 to vector<16xi32>
        %max3A_303 = arith.maxsi %shift_right_arithmetic3A_300, %max3A_302 : vector<16xi32>
        %min3A_304 = arith.constant 4447 : i32
        %min3A_305 = vector.broadcast %min3A_304 : i32 to vector<16xi32>
        %min3A_306 = arith.minsi %max3A_303, %min3A_305 : vector<16xi32>
        %sub3A_307 = arith.constant 3424 : i32
        %sub3A_308 = vector.broadcast %sub3A_307 : i32 to vector<16xi32>
        %sub3A_309 = arith.subi %min3A_306, %sub3A_308 : vector<16xi32>
        %mul3A_310 = arith.constant 16 : i32
        %mul3A_311 = vector.broadcast %mul3A_310 : i32 to vector<16xi32>
        %mul3A_312 = arith.muli %sub3A_309, %mul3A_311 : vector<16xi32>
        %add3A_313 = arith.addi %mul3A_312, %iota3A : vector<16xi32>
        %bitcast_convert_type3A_314 = tpu.bitcast %get3A_223 : vector<16xf32> -> vector<16xi32>
        %shift_right_arithmetic3A_315 = arith.constant 18 : i32
        %shift_right_arithmetic3A_316 = vector.broadcast %shift_right_arithmetic3A_315 : i32 to vector<16xi32>
        %shift_right_arithmetic3A_317 = arith.shrsi %bitcast_convert_type3A_314, %shift_right_arithmetic3A_316 : vector<16xi32>
        %max3A_318 = arith.constant 3424 : i32
        %max3A_319 = vector.broadcast %max3A_318 : i32 to vector<16xi32>
        %max3A_320 = arith.maxsi %shift_right_arithmetic3A_317, %max3A_319 : vector<16xi32>
        %min3A_321 = arith.constant 4447 : i32
        %min3A_322 = vector.broadcast %min3A_321 : i32 to vector<16xi32>
        %min3A_323 = arith.minsi %max3A_320, %min3A_322 : vector<16xi32>
        %sub3A_324 = arith.constant 3424 : i32
        %sub3A_325 = vector.broadcast %sub3A_324 : i32 to vector<16xi32>
        %sub3A_326 = arith.subi %min3A_323, %sub3A_325 : vector<16xi32>
        %mul3A_327 = arith.constant 16 : i32
        %mul3A_328 = vector.broadcast %mul3A_327 : i32 to vector<16xi32>
        %mul3A_329 = arith.muli %sub3A_326, %mul3A_328 : vector<16xi32>
        %add3A_330 = arith.addi %mul3A_329, %iota3A : vector<16xi32>
        %bitcast_convert_type3A_331 = tpu.bitcast %get3A_232 : vector<16xf32> -> vector<16xi32>
        %shift_right_arithmetic3A_332 = arith.constant 18 : i32
        %shift_right_arithmetic3A_333 = vector.broadcast %shift_right_arithmetic3A_332 : i32 to vector<16xi32>
        %shift_right_arithmetic3A_334 = arith.shrsi %bitcast_convert_type3A_331, %shift_right_arithmetic3A_333 : vector<16xi32>
        %max3A_335 = arith.constant 3424 : i32
        %max3A_336 = vector.broadcast %max3A_335 : i32 to vector<16xi32>
        %max3A_337 = arith.maxsi %shift_right_arithmetic3A_334, %max3A_336 : vector<16xi32>
        %min3A_338 = arith.constant 4447 : i32
        %min3A_339 = vector.broadcast %min3A_338 : i32 to vector<16xi32>
        %min3A_340 = arith.minsi %max3A_337, %min3A_339 : vector<16xi32>
        %sub3A_341 = arith.constant 3424 : i32
        %sub3A_342 = vector.broadcast %sub3A_341 : i32 to vector<16xi32>
        %sub3A_343 = arith.subi %min3A_340, %sub3A_342 : vector<16xi32>
        %mul3A_344 = arith.constant 16 : i32
        %mul3A_345 = vector.broadcast %mul3A_344 : i32 to vector<16xi32>
        %mul3A_346 = arith.muli %sub3A_343, %mul3A_345 : vector<16xi32>
        %add3A_347 = arith.addi %mul3A_346, %iota3A : vector<16xi32>
        %bitcast_convert_type3A_348 = tpu.bitcast %get3A_241 : vector<16xf32> -> vector<16xi32>
        %shift_right_arithmetic3A_349 = arith.constant 18 : i32
        %shift_right_arithmetic3A_350 = vector.broadcast %shift_right_arithmetic3A_349 : i32 to vector<16xi32>
        %shift_right_arithmetic3A_351 = arith.shrsi %bitcast_convert_type3A_348, %shift_right_arithmetic3A_350 : vector<16xi32>
        %max3A_352 = arith.constant 3424 : i32
        %max3A_353 = vector.broadcast %max3A_352 : i32 to vector<16xi32>
        %max3A_354 = arith.maxsi %shift_right_arithmetic3A_351, %max3A_353 : vector<16xi32>
        %min3A_355 = arith.constant 4447 : i32
        %min3A_356 = vector.broadcast %min3A_355 : i32 to vector<16xi32>
        %min3A_357 = arith.minsi %max3A_354, %min3A_356 : vector<16xi32>
        %sub3A_358 = arith.constant 3424 : i32
        %sub3A_359 = vector.broadcast %sub3A_358 : i32 to vector<16xi32>
        %sub3A_360 = arith.subi %min3A_357, %sub3A_359 : vector<16xi32>
        %mul3A_361 = arith.constant 16 : i32
        %mul3A_362 = vector.broadcast %mul3A_361 : i32 to vector<16xi32>
        %mul3A_363 = arith.muli %sub3A_360, %mul3A_362 : vector<16xi32>
        %add3A_364 = arith.addi %mul3A_363, %iota3A : vector<16xi32>
        %bitcast_convert_type3A_365 = tpu.bitcast %get3A_250 : vector<16xf32> -> vector<16xi32>
        %shift_right_arithmetic3A_366 = arith.constant 18 : i32
        %shift_right_arithmetic3A_367 = vector.broadcast %shift_right_arithmetic3A_366 : i32 to vector<16xi32>
        %shift_right_arithmetic3A_368 = arith.shrsi %bitcast_convert_type3A_365, %shift_right_arithmetic3A_367 : vector<16xi32>
        %max3A_369 = arith.constant 3424 : i32
        %max3A_370 = vector.broadcast %max3A_369 : i32 to vector<16xi32>
        %max3A_371 = arith.maxsi %shift_right_arithmetic3A_368, %max3A_370 : vector<16xi32>
        %min3A_372 = arith.constant 4447 : i32
        %min3A_373 = vector.broadcast %min3A_372 : i32 to vector<16xi32>
        %min3A_374 = arith.minsi %max3A_371, %min3A_373 : vector<16xi32>
        %sub3A_375 = arith.constant 3424 : i32
        %sub3A_376 = vector.broadcast %sub3A_375 : i32 to vector<16xi32>
        %sub3A_377 = arith.subi %min3A_374, %sub3A_376 : vector<16xi32>
        %mul3A_378 = arith.constant 16 : i32
        %mul3A_379 = vector.broadcast %mul3A_378 : i32 to vector<16xi32>
        %mul3A_380 = arith.muli %sub3A_377, %mul3A_379 : vector<16xi32>
        %add3A_381 = arith.addi %mul3A_380, %iota3A : vector<16xi32>
        tpu.vector_store_idx %arg9[%add3A_262], %broadcast_in_dim3A_0 {add = true} : memref<16384xf32, #tpu.memory_space<vmem>>[vector<16xi32>], vector<16xf32>,
        tpu.vector_store_idx %arg9[%add3A_279], %broadcast_in_dim3A_0 {add = true} : memref<16384xf32, #tpu.memory_space<vmem>>[vector<16xi32>], vector<16xf32>,
        tpu.vector_store_idx %arg9[%add3A_296], %broadcast_in_dim3A_0 {add = true} : memref<16384xf32, #tpu.memory_space<vmem>>[vector<16xi32>], vector<16xf32>,
        tpu.vector_store_idx %arg9[%add3A_313], %broadcast_in_dim3A_0 {add = true} : memref<16384xf32, #tpu.memory_space<vmem>>[vector<16xi32>], vector<16xf32>,
        tpu.vector_store_idx %arg9[%add3A_330], %broadcast_in_dim3A_0 {add = true} : memref<16384xf32, #tpu.memory_space<vmem>>[vector<16xi32>], vector<16xf32>,
        tpu.vector_store_idx %arg9[%add3A_347], %broadcast_in_dim3A_0 {add = true} : memref<16384xf32, #tpu.memory_space<vmem>>[vector<16xi32>], vector<16xf32>,
        tpu.vector_store_idx %arg9[%add3A_364], %broadcast_in_dim3A_0 {add = true} : memref<16384xf32, #tpu.memory_space<vmem>>[vector<16xi32>], vector<16xf32>,
        tpu.vector_store_idx %arg9[%add3A_381], %broadcast_in_dim3A_0 {add = true} : memref<16384xf32, #tpu.memory_space<vmem>>[vector<16xi32>], vector<16xf32>,
        tpu.vector_store_idx %arg10[%add3A_262], %get3A_187 {add = true} : memref<16384xf32, #tpu.memory_space<vmem>>[vector<16xi32>], vector<16xf32>,
        tpu.vector_store_idx %arg10[%add3A_279], %get3A_196 {add = true} : memref<16384xf32, #tpu.memory_space<vmem>>[vector<16xi32>], vector<16xf32>,
        tpu.vector_store_idx %arg10[%add3A_296], %get3A_205 {add = true} : memref<16384xf32, #tpu.memory_space<vmem>>[vector<16xi32>], vector<16xf32>,
        tpu.vector_store_idx %arg10[%add3A_313], %get3A_214 {add = true} : memref<16384xf32, #tpu.memory_space<vmem>>[vector<16xi32>], vector<16xf32>,
        tpu.vector_store_idx %arg10[%add3A_330], %get3A_223 {add = true} : memref<16384xf32, #tpu.memory_space<vmem>>[vector<16xi32>], vector<16xf32>,
        tpu.vector_store_idx %arg10[%add3A_347], %get3A_232 {add = true} : memref<16384xf32, #tpu.memory_space<vmem>>[vector<16xi32>], vector<16xf32>,
        tpu.vector_store_idx %arg10[%add3A_364], %get3A_241 {add = true} : memref<16384xf32, #tpu.memory_space<vmem>>[vector<16xi32>], vector<16xf32>,
        tpu.vector_store_idx %arg10[%add3A_381], %get3A_250 {add = true} : memref<16384xf32, #tpu.memory_space<vmem>>[vector<16xi32>], vector<16xf32>,
      }
      %scan3A_178 = arith.constant 16 : i32
    }
    %scan3A_38 = arith.constant 64 : i32
    "tpu.region"() ({
      %run_scoped3A = tpu.sem_alloc : memref<!tpu.dma_semaphore, #tpu.memory_space<semaphore_mem>>
      %dma_start3A_70 = arith.constant 0 : i32
      %dma_start3A_71 = tpu.memref_slice %arg13[%dma_start3A_70] : memref<16384xf32, #tpu.memory_space<vmem_shared>> -> memref<16384xf32, #tpu.memory_space<vmem_shared>>
      tpu.enqueue_indirect_dma source(%arg9 : memref<16384xf32, #tpu.memory_space<vmem>>) target(%dma_start3A_71 : memref<16384xf32, #tpu.memory_space<vmem_shared>>) offsets(%arg11 : memref<16384xi32, #tpu.memory_space<vmem>>) semaphore(%run_scoped3A : memref<!tpu.dma_semaphore, #tpu.memory_space<semaphore_mem>>) {add = true}
      %dma_wait3A = arith.constant 0 : i32
      %dma_wait3A_72 = tpu.memref_slice %arg13[%dma_wait3A] : memref<16384xf32, #tpu.memory_space<vmem_shared>> -> memref<16384xf32, #tpu.memory_space<vmem_shared>>
      tpu.wait_indirect_dma semaphore(%run_scoped3A : memref<!tpu.dma_semaphore, #tpu.memory_space<semaphore_mem>>) src(%arg9 : memref<16384xf32, #tpu.memory_space<vmem>>) dst(%dma_wait3A_72 : memref<16384xf32, #tpu.memory_space<vmem_shared>>)
      tpu.yield
    }) : () -> ()
    "tpu.region"() ({
      %run_scoped3A = tpu.sem_alloc : memref<!tpu.dma_semaphore, #tpu.memory_space<semaphore_mem>>
      %dma_start3A_70 = arith.constant 0 : i32
      %dma_start3A_71 = tpu.memref_slice %arg14[%dma_start3A_70] : memref<16384xf32, #tpu.memory_space<vmem_shared>> -> memref<16384xf32, #tpu.memory_space<vmem_shared>>
      tpu.enqueue_indirect_dma source(%arg10 : memref<16384xf32, #tpu.memory_space<vmem>>) target(%dma_start3A_71 : memref<16384xf32, #tpu.memory_space<vmem_shared>>) offsets(%arg11 : memref<16384xi32, #tpu.memory_space<vmem>>) semaphore(%run_scoped3A : memref<!tpu.dma_semaphore, #tpu.memory_space<semaphore_mem>>) {add = true}
      %dma_wait3A = arith.constant 0 : i32
      %dma_wait3A_72 = tpu.memref_slice %arg14[%dma_wait3A] : memref<16384xf32, #tpu.memory_space<vmem_shared>> -> memref<16384xf32, #tpu.memory_space<vmem_shared>>
      tpu.wait_indirect_dma semaphore(%run_scoped3A : memref<!tpu.dma_semaphore, #tpu.memory_space<semaphore_mem>>) src(%arg10 : memref<16384xf32, #tpu.memory_space<vmem>>) dst(%dma_wait3A_72 : memref<16384xf32, #tpu.memory_space<vmem_shared>>)
      tpu.yield
    }) : () -> ()
    %scan3A_39 = arith.constant 0 : i32
    %scan3A_40 = arith.constant 0 : i32
    %scan3A_41 = arith.constant 128 : i32
    %scan3A_42 = arith.addi %scan3A_40, %scan3A_41 : i32
    %scan3A_43 = arith.constant 1 : i32
    scf.for %scan3A_70 = %scan3A_40 to %scan3A_42 step %scan3A_43  : i32 {
      %mul3A_71 = arith.constant 8 : i32
      %mul3A_72 = arith.muli %scan3A_70, %mul3A_71 : i32
      %add3A_73 = arith.constant 0 : i32
      %add3A_74 = arith.addi %mul3A_72, %add3A_73 : i32
      %mul3A_75 = arith.constant 16 : i32
      %mul3A_76 = arith.muli %add3A_74, %mul3A_75 : i32
      %swap3A = arith.index_cast %mul3A_76 : i32 to index
      %swap3A_77 = tpu.vector_load %arg9[%swap3A] {strides = array<i32>} : memref<16384xf32, #tpu.memory_space<vmem>>, vector<16xf32>,
      tpu.vector_store %arg9[%swap3A], %broadcast_in_dim3A_2 {strides = array<i32>} : memref<16384xf32, #tpu.memory_space<vmem>>, vector<16xf32>,
      %mul3A_78 = arith.constant 8 : i32
      %mul3A_79 = arith.muli %scan3A_70, %mul3A_78 : i32
      %add3A_80 = arith.constant 0 : i32
      %add3A_81 = arith.addi %mul3A_79, %add3A_80 : i32
      %mul3A_82 = arith.constant 16 : i32
      %mul3A_83 = arith.muli %add3A_81, %mul3A_82 : i32
      %swap3A_84 = arith.index_cast %mul3A_83 : i32 to index
      %swap3A_85 = tpu.vector_load %arg10[%swap3A_84] {strides = array<i32>} : memref<16384xf32, #tpu.memory_space<vmem>>, vector<16xf32>,
      tpu.vector_store %arg10[%swap3A_84], %broadcast_in_dim3A_2 {strides = array<i32>} : memref<16384xf32, #tpu.memory_space<vmem>>, vector<16xf32>,
      %mul3A_86 = arith.constant 8 : i32
      %mul3A_87 = arith.muli %scan3A_70, %mul3A_86 : i32
      %add3A_88 = arith.constant 1 : i32
      %add3A_89 = arith.addi %mul3A_87, %add3A_88 : i32
      %mul3A_90 = arith.constant 16 : i32
      %mul3A_91 = arith.muli %add3A_89, %mul3A_90 : i32
      %swap3A_92 = arith.index_cast %mul3A_91 : i32 to index
      %swap3A_93 = tpu.vector_load %arg9[%swap3A_92] {strides = array<i32>} : memref<16384xf32, #tpu.memory_space<vmem>>, vector<16xf32>,
      tpu.vector_store %arg9[%swap3A_92], %broadcast_in_dim3A_2 {strides = array<i32>} : memref<16384xf32, #tpu.memory_space<vmem>>, vector<16xf32>,
      %mul3A_94 = arith.constant 8 : i32
      %mul3A_95 = arith.muli %scan3A_70, %mul3A_94 : i32
      %add3A_96 = arith.constant 1 : i32
      %add3A_97 = arith.addi %mul3A_95, %add3A_96 : i32
      %mul3A_98 = arith.constant 16 : i32
      %mul3A_99 = arith.muli %add3A_97, %mul3A_98 : i32
      %swap3A_100 = arith.index_cast %mul3A_99 : i32 to index
      %swap3A_101 = tpu.vector_load %arg10[%swap3A_100] {strides = array<i32>} : memref<16384xf32, #tpu.memory_space<vmem>>, vector<16xf32>,
      tpu.vector_store %arg10[%swap3A_100], %broadcast_in_dim3A_2 {strides = array<i32>} : memref<16384xf32, #tpu.memory_space<vmem>>, vector<16xf32>,
      %mul3A_102 = arith.constant 8 : i32
      %mul3A_103 = arith.muli %scan3A_70, %mul3A_102 : i32
      %add3A_104 = arith.constant 2 : i32
      %add3A_105 = arith.addi %mul3A_103, %add3A_104 : i32
      %mul3A_106 = arith.constant 16 : i32
      %mul3A_107 = arith.muli %add3A_105, %mul3A_106 : i32
      %swap3A_108 = arith.index_cast %mul3A_107 : i32 to index
      %swap3A_109 = tpu.vector_load %arg9[%swap3A_108] {strides = array<i32>} : memref<16384xf32, #tpu.memory_space<vmem>>, vector<16xf32>,
      tpu.vector_store %arg9[%swap3A_108], %broadcast_in_dim3A_2 {strides = array<i32>} : memref<16384xf32, #tpu.memory_space<vmem>>, vector<16xf32>,
      %mul3A_110 = arith.constant 8 : i32
      %mul3A_111 = arith.muli %scan3A_70, %mul3A_110 : i32
      %add3A_112 = arith.constant 2 : i32
      %add3A_113 = arith.addi %mul3A_111, %add3A_112 : i32
      %mul3A_114 = arith.constant 16 : i32
      %mul3A_115 = arith.muli %add3A_113, %mul3A_114 : i32
      %swap3A_116 = arith.index_cast %mul3A_115 : i32 to index
      %swap3A_117 = tpu.vector_load %arg10[%swap3A_116] {strides = array<i32>} : memref<16384xf32, #tpu.memory_space<vmem>>, vector<16xf32>,
      tpu.vector_store %arg10[%swap3A_116], %broadcast_in_dim3A_2 {strides = array<i32>} : memref<16384xf32, #tpu.memory_space<vmem>>, vector<16xf32>,
      %mul3A_118 = arith.constant 8 : i32
      %mul3A_119 = arith.muli %scan3A_70, %mul3A_118 : i32
      %add3A_120 = arith.constant 3 : i32
      %add3A_121 = arith.addi %mul3A_119, %add3A_120 : i32
      %mul3A_122 = arith.constant 16 : i32
      %mul3A_123 = arith.muli %add3A_121, %mul3A_122 : i32
      %swap3A_124 = arith.index_cast %mul3A_123 : i32 to index
      %swap3A_125 = tpu.vector_load %arg9[%swap3A_124] {strides = array<i32>} : memref<16384xf32, #tpu.memory_space<vmem>>, vector<16xf32>,
      tpu.vector_store %arg9[%swap3A_124], %broadcast_in_dim3A_2 {strides = array<i32>} : memref<16384xf32, #tpu.memory_space<vmem>>, vector<16xf32>,
      %mul3A_126 = arith.constant 8 : i32
      %mul3A_127 = arith.muli %scan3A_70, %mul3A_126 : i32
      %add3A_128 = arith.constant 3 : i32
      %add3A_129 = arith.addi %mul3A_127, %add3A_128 : i32
      %mul3A_130 = arith.constant 16 : i32
      %mul3A_131 = arith.muli %add3A_129, %mul3A_130 : i32
      %swap3A_132 = arith.index_cast %mul3A_131 : i32 to index
      %swap3A_133 = tpu.vector_load %arg10[%swap3A_132] {strides = array<i32>} : memref<16384xf32, #tpu.memory_space<vmem>>, vector<16xf32>,
      tpu.vector_store %arg10[%swap3A_132], %broadcast_in_dim3A_2 {strides = array<i32>} : memref<16384xf32, #tpu.memory_space<vmem>>, vector<16xf32>,
      %mul3A_134 = arith.constant 8 : i32
      %mul3A_135 = arith.muli %scan3A_70, %mul3A_134 : i32
      %add3A_136 = arith.constant 4 : i32
      %add3A_137 = arith.addi %mul3A_135, %add3A_136 : i32
      %mul3A_138 = arith.constant 16 : i32
      %mul3A_139 = arith.muli %add3A_137, %mul3A_138 : i32
      %swap3A_140 = arith.index_cast %mul3A_139 : i32 to index
      %swap3A_141 = tpu.vector_load %arg9[%swap3A_140] {strides = array<i32>} : memref<16384xf32, #tpu.memory_space<vmem>>, vector<16xf32>,
      tpu.vector_store %arg9[%swap3A_140], %broadcast_in_dim3A_2 {strides = array<i32>} : memref<16384xf32, #tpu.memory_space<vmem>>, vector<16xf32>,
      %mul3A_142 = arith.constant 8 : i32
      %mul3A_143 = arith.muli %scan3A_70, %mul3A_142 : i32
      %add3A_144 = arith.constant 4 : i32
      %add3A_145 = arith.addi %mul3A_143, %add3A_144 : i32
      %mul3A_146 = arith.constant 16 : i32
      %mul3A_147 = arith.muli %add3A_145, %mul3A_146 : i32
      %swap3A_148 = arith.index_cast %mul3A_147 : i32 to index
      %swap3A_149 = tpu.vector_load %arg10[%swap3A_148] {strides = array<i32>} : memref<16384xf32, #tpu.memory_space<vmem>>, vector<16xf32>,
      tpu.vector_store %arg10[%swap3A_148], %broadcast_in_dim3A_2 {strides = array<i32>} : memref<16384xf32, #tpu.memory_space<vmem>>, vector<16xf32>,
      %mul3A_150 = arith.constant 8 : i32
      %mul3A_151 = arith.muli %scan3A_70, %mul3A_150 : i32
      %add3A_152 = arith.constant 5 : i32
      %add3A_153 = arith.addi %mul3A_151, %add3A_152 : i32
      %mul3A_154 = arith.constant 16 : i32
      %mul3A_155 = arith.muli %add3A_153, %mul3A_154 : i32
      %swap3A_156 = arith.index_cast %mul3A_155 : i32 to index
      %swap3A_157 = tpu.vector_load %arg9[%swap3A_156] {strides = array<i32>} : memref<16384xf32, #tpu.memory_space<vmem>>, vector<16xf32>,
      tpu.vector_store %arg9[%swap3A_156], %broadcast_in_dim3A_2 {strides = array<i32>} : memref<16384xf32, #tpu.memory_space<vmem>>, vector<16xf32>,
      %mul3A_158 = arith.constant 8 : i32
      %mul3A_159 = arith.muli %scan3A_70, %mul3A_158 : i32
      %add3A_160 = arith.constant 5 : i32
      %add3A_161 = arith.addi %mul3A_159, %add3A_160 : i32
      %mul3A_162 = arith.constant 16 : i32
      %mul3A_163 = arith.muli %add3A_161, %mul3A_162 : i32
      %swap3A_164 = arith.index_cast %mul3A_163 : i32 to index
      %swap3A_165 = tpu.vector_load %arg10[%swap3A_164] {strides = array<i32>} : memref<16384xf32, #tpu.memory_space<vmem>>, vector<16xf32>,
      tpu.vector_store %arg10[%swap3A_164], %broadcast_in_dim3A_2 {strides = array<i32>} : memref<16384xf32, #tpu.memory_space<vmem>>, vector<16xf32>,
      %mul3A_166 = arith.constant 8 : i32
      %mul3A_167 = arith.muli %scan3A_70, %mul3A_166 : i32
      %add3A_168 = arith.constant 6 : i32
      %add3A_169 = arith.addi %mul3A_167, %add3A_168 : i32
      %mul3A_170 = arith.constant 16 : i32
      %mul3A_171 = arith.muli %add3A_169, %mul3A_170 : i32
      %swap3A_172 = arith.index_cast %mul3A_171 : i32 to index
      %swap3A_173 = tpu.vector_load %arg9[%swap3A_172] {strides = array<i32>} : memref<16384xf32, #tpu.memory_space<vmem>>, vector<16xf32>,
      tpu.vector_store %arg9[%swap3A_172], %broadcast_in_dim3A_2 {strides = array<i32>} : memref<16384xf32, #tpu.memory_space<vmem>>, vector<16xf32>,
      %mul3A_174 = arith.constant 8 : i32
      %mul3A_175 = arith.muli %scan3A_70, %mul3A_174 : i32
      %add3A_176 = arith.constant 6 : i32
      %add3A_177 = arith.addi %mul3A_175, %add3A_176 : i32
      %mul3A_178 = arith.constant 16 : i32
      %mul3A_179 = arith.muli %add3A_177, %mul3A_178 : i32
      %swap3A_180 = arith.index_cast %mul3A_179 : i32 to index
      %swap3A_181 = tpu.vector_load %arg10[%swap3A_180] {strides = array<i32>} : memref<16384xf32, #tpu.memory_space<vmem>>, vector<16xf32>,
      tpu.vector_store %arg10[%swap3A_180], %broadcast_in_dim3A_2 {strides = array<i32>} : memref<16384xf32, #tpu.memory_space<vmem>>, vector<16xf32>,
      %mul3A_182 = arith.constant 8 : i32
      %mul3A_183 = arith.muli %scan3A_70, %mul3A_182 : i32
      %add3A_184 = arith.constant 7 : i32
      %add3A_185 = arith.addi %mul3A_183, %add3A_184 : i32
      %mul3A_186 = arith.constant 16 : i32
      %mul3A_187 = arith.muli %add3A_185, %mul3A_186 : i32
      %swap3A_188 = arith.index_cast %mul3A_187 : i32 to index
      %swap3A_189 = tpu.vector_load %arg9[%swap3A_188] {strides = array<i32>} : memref<16384xf32, #tpu.memory_space<vmem>>, vector<16xf32>,
      tpu.vector_store %arg9[%swap3A_188], %broadcast_in_dim3A_2 {strides = array<i32>} : memref<16384xf32, #tpu.memory_space<vmem>>, vector<16xf32>,
      %mul3A_190 = arith.constant 8 : i32
      %mul3A_191 = arith.muli %scan3A_70, %mul3A_190 : i32
      %add3A_192 = arith.constant 7 : i32
      %add3A_193 = arith.addi %mul3A_191, %add3A_192 : i32
      %mul3A_194 = arith.constant 16 : i32
      %mul3A_195 = arith.muli %add3A_193, %mul3A_194 : i32
      %swap3A_196 = arith.index_cast %mul3A_195 : i32 to index
      %swap3A_197 = tpu.vector_load %arg10[%swap3A_196] {strides = array<i32>} : memref<16384xf32, #tpu.memory_space<vmem>>, vector<16xf32>,
      tpu.vector_store %arg10[%swap3A_196], %broadcast_in_dim3A_2 {strides = array<i32>} : memref<16384xf32, #tpu.memory_space<vmem>>, vector<16xf32>,
    }
    %scan3A_44 = arith.constant 128 : i32
    %mul3A_45 = arith.constant 32 : i32
    %mul3A_46 = arith.muli %arg0, %mul3A_45 : i32
    %add3A_47 = arith.constant 0 : i32
    %add3A_48 = arith.addi %mul3A_46, %add3A_47 : i32
    %dma_start3A_49 = arith.constant 0 : i32
    %dma_start3A_50 = tpu.memref_slice %arg8[%dma_start3A_49] : memref<4096xf32, #tpu.memory_space<vmem>> -> memref<2048xf32, #tpu.memory_space<vmem>>
    %dma_start3A_51 = arith.constant 0 : i32
    %dma_start3A_52 = tpu.memref_slice %arg3[%arg1, %add3A_48, %dma_start3A_51] : memref<16x64x4096xf32, #tpu.memory_space<hbm>> -> memref<1x1x2048xf32, #tpu.memory_space<hbm>>
    %dma_start3A_53 = tpu.memref_squeeze %dma_start3A_52 : memref<1x1x2048xf32, #tpu.memory_space<hbm>> -> memref<2048xf32, #tpu.memory_space<hbm>>
    %dma_start3A_54 = arith.constant 0 : i32
    %dma_start3A_55 = tpu.memref_slice %arg8[%dma_start3A_54] : memref<4096xf32, #tpu.memory_space<vmem>> -> memref<2048xf32, #tpu.memory_space<vmem>>
    %dma_start3A_56 = arith.constant 0 : i32
    %dma_start3A_57 = tpu.memref_slice %arg3[%arg1, %add3A_48, %dma_start3A_56] : memref<16x64x4096xf32, #tpu.memory_space<hbm>> -> memref<1x1x2048xf32, #tpu.memory_space<hbm>>
    %dma_start3A_58 = tpu.memref_squeeze %dma_start3A_57 : memref<1x1x2048xf32, #tpu.memory_space<hbm>> -> memref<2048xf32, #tpu.memory_space<hbm>>
    tpu.enqueue_dma source(%dma_start3A_58 : memref<2048xf32, #tpu.memory_space<hbm>>) target(%dma_start3A_55 : memref<2048xf32, #tpu.memory_space<vmem>>) target_semaphore(%arg17 : memref<!tpu.dma_semaphore, #tpu.memory_space<semaphore_mem>>)
    %scan3A_59 = arith.constant 0 : i32
    %scan3A_60 = arith.constant 0 : i32
    %scan3A_61 = arith.constant 64 : i32
    %scan3A_62 = arith.addi %scan3A_60, %scan3A_61 : i32
    %scan3A_63 = arith.constant 1 : i32
    scf.for %scan3A_70 = %scan3A_60 to %scan3A_62 step %scan3A_63  : i32 {
      %add3A_71 = arith.constant 1 : i32
      %add3A_72 = arith.addi %scan3A_70, %add3A_71 : i32
      %lt3A = arith.constant 64 : i32
      %lt3A_73 = arith.cmpi slt, %add3A_72, %lt3A : i32
      %jit3A = arith.constant 2 : i32
      %eq3A = arith.constant 0 : i32
      %eq3A_74 = arith.cmpi eq, %jit3A, %eq3A : i32
      %jit3A_75 = arith.constant 1 : i32
      %select_n3A = arith.select %eq3A_74, %jit3A_75, %jit3A : i32
      %rem3A = arith.remsi %scan3A_70, %select_n3A : i32
      %ne3A = arith.constant 0 : i32
      %ne3A_76 = arith.cmpi ne, %rem3A, %ne3A : i32
      %lt3A_77 = arith.constant 0 : i32
      %lt3A_78 = arith.cmpi slt, %rem3A, %lt3A_77 : i32
      %lt3A_79 = arith.constant 0 : i32
      %lt3A_80 = arith.cmpi slt, %select_n3A, %lt3A_79 : i32
      %ne3A_81 = arith.xori %lt3A_78, %lt3A_80 : i1
      %and3A = arith.andi %ne3A_81, %ne3A_76 : i1
      %add3A_82 = arith.addi %rem3A, %select_n3A : i32
      %select_n3A_83 = arith.select %and3A, %add3A_82, %rem3A : i32
      %eq3A_84 = arith.constant 0 : i32
      %eq3A_85 = arith.cmpi eq, %select_n3A_83, %eq3A_84 : i32
      %and3A_86 = arith.andi %lt3A_73, %eq3A_85 : i1
      %convert_element_type3A = arith.extui %and3A_86 : i1 to i32
      %cond3A = arith.constant 0 : i32
      %cond3A_87 = arith.cmpi ne, %convert_element_type3A, %cond3A : i32
      scf.if %cond3A_87 {
        %add3A_179 = arith.constant 1 : i32
        %add3A_180 = arith.addi %scan3A_70, %add3A_179 : i32
        %mul3A_181 = arith.constant 32 : i32
        %mul3A_182 = arith.muli %arg0, %mul3A_181 : i32
        %jit3A_183 = arith.constant 2 : i32
        %div3A = arith.divsi %add3A_180, %jit3A_183 : i32
        %sign3A = arith.constant 0 : i32
        %sign3A_184 = arith.cmpi sgt, %add3A_180, %sign3A : i32
        %sign3A_185 = arith.extui %sign3A_184 : i1 to i32
        %sign3A_186 = arith.constant 0 : i32
        %sign3A_187 = arith.cmpi slt, %add3A_180, %sign3A_186 : i32
        %sign3A_188 = arith.extui %sign3A_187 : i1 to i32
        %sign3A_189 = arith.subi %sign3A_185, %sign3A_188 : i32
        %sign3A_190 = arith.constant 0 : i32
        %sign3A_191 = arith.cmpi sgt, %jit3A_183, %sign3A_190 : i32
        %sign3A_192 = arith.extui %sign3A_191 : i1 to i32
        %sign3A_193 = arith.constant 0 : i32
        %sign3A_194 = arith.cmpi slt, %jit3A_183, %sign3A_193 : i32
        %sign3A_195 = arith.extui %sign3A_194 : i1 to i32
        %sign3A_196 = arith.subi %sign3A_192, %sign3A_195 : i32
        %ne3A_197 = arith.cmpi ne, %sign3A_189, %sign3A_196 : i32
        %rem3A_198 = arith.remsi %add3A_180, %jit3A_183 : i32
        %ne3A_199 = arith.constant 0 : i32
        %ne3A_200 = arith.cmpi ne, %rem3A_198, %ne3A_199 : i32
        %and3A_201 = arith.andi %ne3A_197, %ne3A_200 : i1
        %sub3A = arith.constant 1 : i32
        %sub3A_202 = arith.subi %div3A, %sub3A : i32
        %select_n3A_203 = arith.select %and3A_201, %sub3A_202, %div3A : i32
        %add3A_204 = arith.addi %mul3A_182, %select_n3A_203 : i32
        %jit3A_205 = arith.constant 2 : i32
        %eq3A_206 = arith.constant 0 : i32
        %eq3A_207 = arith.cmpi eq, %jit3A_205, %eq3A_206 : i32
        %jit3A_208 = arith.constant 1 : i32
        %select_n3A_209 = arith.select %eq3A_207, %jit3A_208, %jit3A_205 : i32
        %rem3A_210 = arith.remsi %add3A_180, %select_n3A_209 : i32
        %ne3A_211 = arith.constant 0 : i32
        %ne3A_212 = arith.cmpi ne, %rem3A_210, %ne3A_211 : i32
        %lt3A_213 = arith.constant 0 : i32
        %lt3A_214 = arith.cmpi slt, %rem3A_210, %lt3A_213 : i32
        %lt3A_215 = arith.constant 0 : i32
        %lt3A_216 = arith.cmpi slt, %select_n3A_209, %lt3A_215 : i32
        %ne3A_217 = arith.xori %lt3A_214, %lt3A_216 : i1
        %and3A_218 = arith.andi %ne3A_217, %ne3A_212 : i1
        %add3A_219 = arith.addi %rem3A_210, %select_n3A_209 : i32
        %select_n3A_220 = arith.select %and3A_218, %add3A_219, %rem3A_210 : i32
        %mul3A_221 = arith.constant 2048 : i32
        %mul3A_222 = arith.muli %select_n3A_220, %mul3A_221 : i32
        %dma_start3A_223 = arith.constant 2048 : i32
        %dma_start3A_224 = tpu.memref_slice %arg8[%dma_start3A_223] : memref<4096xf32, #tpu.memory_space<vmem>> -> memref<2048xf32, #tpu.memory_space<vmem>>
        %dma_start3A_225 = tpu.memref_slice %arg3[%arg1, %add3A_204, %mul3A_222] : memref<16x64x4096xf32, #tpu.memory_space<hbm>> -> memref<1x1x2048xf32, #tpu.memory_space<hbm>>
        %dma_start3A_226 = tpu.memref_squeeze %dma_start3A_225 : memref<1x1x2048xf32, #tpu.memory_space<hbm>> -> memref<2048xf32, #tpu.memory_space<hbm>>
        %dma_start3A_227 = arith.constant 2048 : i32
        %dma_start3A_228 = tpu.memref_slice %arg8[%dma_start3A_227] : memref<4096xf32, #tpu.memory_space<vmem>> -> memref<2048xf32, #tpu.memory_space<vmem>>
        %dma_start3A_229 = tpu.memref_slice %arg3[%arg1, %add3A_204, %mul3A_222] : memref<16x64x4096xf32, #tpu.memory_space<hbm>> -> memref<1x1x2048xf32, #tpu.memory_space<hbm>>
        %dma_start3A_230 = tpu.memref_squeeze %dma_start3A_229 : memref<1x1x2048xf32, #tpu.memory_space<hbm>> -> memref<2048xf32, #tpu.memory_space<hbm>>
        tpu.enqueue_dma source(%dma_start3A_230 : memref<2048xf32, #tpu.memory_space<hbm>>) target(%dma_start3A_228 : memref<2048xf32, #tpu.memory_space<vmem>>) target_semaphore(%arg18 : memref<!tpu.dma_semaphore, #tpu.memory_space<semaphore_mem>>)
      } else {
      }
      %add3A_88 = arith.constant 1 : i32
      %add3A_89 = arith.addi %scan3A_70, %add3A_88 : i32
      %lt3A_90 = arith.constant 64 : i32
      %lt3A_91 = arith.cmpi slt, %add3A_89, %lt3A_90 : i32
      %jit3A_92 = arith.constant 2 : i32
      %eq3A_93 = arith.constant 0 : i32
      %eq3A_94 = arith.cmpi eq, %jit3A_92, %eq3A_93 : i32
      %jit3A_95 = arith.constant 1 : i32
      %select_n3A_96 = arith.select %eq3A_94, %jit3A_95, %jit3A_92 : i32
      %rem3A_97 = arith.remsi %scan3A_70, %select_n3A_96 : i32
      %ne3A_98 = arith.constant 0 : i32
      %ne3A_99 = arith.cmpi ne, %rem3A_97, %ne3A_98 : i32
      %lt3A_100 = arith.constant 0 : i32
      %lt3A_101 = arith.cmpi slt, %rem3A_97, %lt3A_100 : i32
      %lt3A_102 = arith.constant 0 : i32
      %lt3A_103 = arith.cmpi slt, %select_n3A_96, %lt3A_102 : i32
      %ne3A_104 = arith.xori %lt3A_101, %lt3A_103 : i1
      %and3A_105 = arith.andi %ne3A_104, %ne3A_99 : i1
      %add3A_106 = arith.addi %rem3A_97, %select_n3A_96 : i32
      %select_n3A_107 = arith.select %and3A_105, %add3A_106, %rem3A_97 : i32
      %eq3A_108 = arith.constant 1 : i32
      %eq3A_109 = arith.cmpi eq, %select_n3A_107, %eq3A_108 : i32
      %and3A_110 = arith.andi %lt3A_91, %eq3A_109 : i1
      %convert_element_type3A_111 = arith.extui %and3A_110 : i1 to i32
      %cond3A_112 = arith.constant 0 : i32
      %cond3A_113 = arith.cmpi ne, %convert_element_type3A_111, %cond3A_112 : i32
      scf.if %cond3A_113 {
        %add3A_179 = arith.constant 1 : i32
        %add3A_180 = arith.addi %scan3A_70, %add3A_179 : i32
        %mul3A_181 = arith.constant 32 : i32
        %mul3A_182 = arith.muli %arg0, %mul3A_181 : i32
        %jit3A_183 = arith.constant 2 : i32
        %div3A = arith.divsi %add3A_180, %jit3A_183 : i32
        %sign3A = arith.constant 0 : i32
        %sign3A_184 = arith.cmpi sgt, %add3A_180, %sign3A : i32
        %sign3A_185 = arith.extui %sign3A_184 : i1 to i32
        %sign3A_186 = arith.constant 0 : i32
        %sign3A_187 = arith.cmpi slt, %add3A_180, %sign3A_186 : i32
        %sign3A_188 = arith.extui %sign3A_187 : i1 to i32
        %sign3A_189 = arith.subi %sign3A_185, %sign3A_188 : i32
        %sign3A_190 = arith.constant 0 : i32
        %sign3A_191 = arith.cmpi sgt, %jit3A_183, %sign3A_190 : i32
        %sign3A_192 = arith.extui %sign3A_191 : i1 to i32
        %sign3A_193 = arith.constant 0 : i32
        %sign3A_194 = arith.cmpi slt, %jit3A_183, %sign3A_193 : i32
        %sign3A_195 = arith.extui %sign3A_194 : i1 to i32
        %sign3A_196 = arith.subi %sign3A_192, %sign3A_195 : i32
        %ne3A_197 = arith.cmpi ne, %sign3A_189, %sign3A_196 : i32
        %rem3A_198 = arith.remsi %add3A_180, %jit3A_183 : i32
        %ne3A_199 = arith.constant 0 : i32
        %ne3A_200 = arith.cmpi ne, %rem3A_198, %ne3A_199 : i32
        %and3A_201 = arith.andi %ne3A_197, %ne3A_200 : i1
        %sub3A = arith.constant 1 : i32
        %sub3A_202 = arith.subi %div3A, %sub3A : i32
        %select_n3A_203 = arith.select %and3A_201, %sub3A_202, %div3A : i32
        %add3A_204 = arith.addi %mul3A_182, %select_n3A_203 : i32
        %jit3A_205 = arith.constant 2 : i32
        %eq3A_206 = arith.constant 0 : i32
        %eq3A_207 = arith.cmpi eq, %jit3A_205, %eq3A_206 : i32
        %jit3A_208 = arith.constant 1 : i32
        %select_n3A_209 = arith.select %eq3A_207, %jit3A_208, %jit3A_205 : i32
        %rem3A_210 = arith.remsi %add3A_180, %select_n3A_209 : i32
        %ne3A_211 = arith.constant 0 : i32
        %ne3A_212 = arith.cmpi ne, %rem3A_210, %ne3A_211 : i32
        %lt3A_213 = arith.constant 0 : i32
        %lt3A_214 = arith.cmpi slt, %rem3A_210, %lt3A_213 : i32
        %lt3A_215 = arith.constant 0 : i32
        %lt3A_216 = arith.cmpi slt, %select_n3A_209, %lt3A_215 : i32
        %ne3A_217 = arith.xori %lt3A_214, %lt3A_216 : i1
        %and3A_218 = arith.andi %ne3A_217, %ne3A_212 : i1
        %add3A_219 = arith.addi %rem3A_210, %select_n3A_209 : i32
        %select_n3A_220 = arith.select %and3A_218, %add3A_219, %rem3A_210 : i32
        %mul3A_221 = arith.constant 2048 : i32
        %mul3A_222 = arith.muli %select_n3A_220, %mul3A_221 : i32
        %dma_start3A_223 = arith.constant 0 : i32
        %dma_start3A_224 = tpu.memref_slice %arg8[%dma_start3A_223] : memref<4096xf32, #tpu.memory_space<vmem>> -> memref<2048xf32, #tpu.memory_space<vmem>>
        %dma_start3A_225 = tpu.memref_slice %arg3[%arg1, %add3A_204, %mul3A_222] : memref<16x64x4096xf32, #tpu.memory_space<hbm>> -> memref<1x1x2048xf32, #tpu.memory_space<hbm>>
        %dma_start3A_226 = tpu.memref_squeeze %dma_start3A_225 : memref<1x1x2048xf32, #tpu.memory_space<hbm>> -> memref<2048xf32, #tpu.memory_space<hbm>>
        %dma_start3A_227 = arith.constant 0 : i32
        %dma_start3A_228 = tpu.memref_slice %arg8[%dma_start3A_227] : memref<4096xf32, #tpu.memory_space<vmem>> -> memref<2048xf32, #tpu.memory_space<vmem>>
        %dma_start3A_229 = tpu.memref_slice %arg3[%arg1, %add3A_204, %mul3A_222] : memref<16x64x4096xf32, #tpu.memory_space<hbm>> -> memref<1x1x2048xf32, #tpu.memory_space<hbm>>
        %dma_start3A_230 = tpu.memref_squeeze %dma_start3A_229 : memref<1x1x2048xf32, #tpu.memory_space<hbm>> -> memref<2048xf32, #tpu.memory_space<hbm>>
        tpu.enqueue_dma source(%dma_start3A_230 : memref<2048xf32, #tpu.memory_space<hbm>>) target(%dma_start3A_228 : memref<2048xf32, #tpu.memory_space<vmem>>) target_semaphore(%arg17 : memref<!tpu.dma_semaphore, #tpu.memory_space<semaphore_mem>>)
      } else {
      }
      %jit3A_114 = arith.constant 2 : i32
      %eq3A_115 = arith.constant 0 : i32
      %eq3A_116 = arith.cmpi eq, %jit3A_114, %eq3A_115 : i32
      %jit3A_117 = arith.constant 1 : i32
      %select_n3A_118 = arith.select %eq3A_116, %jit3A_117, %jit3A_114 : i32
      %rem3A_119 = arith.remsi %scan3A_70, %select_n3A_118 : i32
      %ne3A_120 = arith.constant 0 : i32
      %ne3A_121 = arith.cmpi ne, %rem3A_119, %ne3A_120 : i32
      %lt3A_122 = arith.constant 0 : i32
      %lt3A_123 = arith.cmpi slt, %rem3A_119, %lt3A_122 : i32
      %lt3A_124 = arith.constant 0 : i32
      %lt3A_125 = arith.cmpi slt, %select_n3A_118, %lt3A_124 : i32
      %ne3A_126 = arith.xori %lt3A_123, %lt3A_125 : i1
      %and3A_127 = arith.andi %ne3A_126, %ne3A_121 : i1
      %add3A_128 = arith.addi %rem3A_119, %select_n3A_118 : i32
      %select_n3A_129 = arith.select %and3A_127, %add3A_128, %rem3A_119 : i32
      %eq3A_130 = arith.constant 0 : i32
      %eq3A_131 = arith.cmpi eq, %select_n3A_129, %eq3A_130 : i32
      %convert_element_type3A_132 = arith.extui %eq3A_131 : i1 to i32
      %cond3A_133 = arith.constant 0 : i32
      %cond3A_134 = arith.cmpi ne, %convert_element_type3A_132, %cond3A_133 : i32
      scf.if %cond3A_134 {
        %mul3A_179 = arith.constant 32 : i32
        %mul3A_180 = arith.muli %arg0, %mul3A_179 : i32
        %jit3A_181 = arith.constant 2 : i32
        %div3A = arith.divsi %scan3A_70, %jit3A_181 : i32
        %sign3A = arith.constant 0 : i32
        %sign3A_182 = arith.cmpi sgt, %scan3A_70, %sign3A : i32
        %sign3A_183 = arith.extui %sign3A_182 : i1 to i32
        %sign3A_184 = arith.constant 0 : i32
        %sign3A_185 = arith.cmpi slt, %scan3A_70, %sign3A_184 : i32
        %sign3A_186 = arith.extui %sign3A_185 : i1 to i32
        %sign3A_187 = arith.subi %sign3A_183, %sign3A_186 : i32
        %sign3A_188 = arith.constant 0 : i32
        %sign3A_189 = arith.cmpi sgt, %jit3A_181, %sign3A_188 : i32
        %sign3A_190 = arith.extui %sign3A_189 : i1 to i32
        %sign3A_191 = arith.constant 0 : i32
        %sign3A_192 = arith.cmpi slt, %jit3A_181, %sign3A_191 : i32
        %sign3A_193 = arith.extui %sign3A_192 : i1 to i32
        %sign3A_194 = arith.subi %sign3A_190, %sign3A_193 : i32
        %ne3A_195 = arith.cmpi ne, %sign3A_187, %sign3A_194 : i32
        %rem3A_196 = arith.remsi %scan3A_70, %jit3A_181 : i32
        %ne3A_197 = arith.constant 0 : i32
        %ne3A_198 = arith.cmpi ne, %rem3A_196, %ne3A_197 : i32
        %and3A_199 = arith.andi %ne3A_195, %ne3A_198 : i1
        %sub3A = arith.constant 1 : i32
        %sub3A_200 = arith.subi %div3A, %sub3A : i32
        %select_n3A_201 = arith.select %and3A_199, %sub3A_200, %div3A : i32
        %add3A_202 = arith.addi %mul3A_180, %select_n3A_201 : i32
        %jit3A_203 = arith.constant 2 : i32
        %eq3A_204 = arith.constant 0 : i32
        %eq3A_205 = arith.cmpi eq, %jit3A_203, %eq3A_204 : i32
        %jit3A_206 = arith.constant 1 : i32
        %select_n3A_207 = arith.select %eq3A_205, %jit3A_206, %jit3A_203 : i32
        %rem3A_208 = arith.remsi %scan3A_70, %select_n3A_207 : i32
        %ne3A_209 = arith.constant 0 : i32
        %ne3A_210 = arith.cmpi ne, %rem3A_208, %ne3A_209 : i32
        %lt3A_211 = arith.constant 0 : i32
        %lt3A_212 = arith.cmpi slt, %rem3A_208, %lt3A_211 : i32
        %lt3A_213 = arith.constant 0 : i32
        %lt3A_214 = arith.cmpi slt, %select_n3A_207, %lt3A_213 : i32
        %ne3A_215 = arith.xori %lt3A_212, %lt3A_214 : i1
        %and3A_216 = arith.andi %ne3A_215, %ne3A_210 : i1
        %add3A_217 = arith.addi %rem3A_208, %select_n3A_207 : i32
        %select_n3A_218 = arith.select %and3A_216, %add3A_217, %rem3A_208 : i32
        %mul3A_219 = arith.constant 2048 : i32
        %mul3A_220 = arith.muli %select_n3A_218, %mul3A_219 : i32
        %dma_wait3A = arith.constant 0 : i32
        %dma_wait3A_221 = tpu.memref_slice %arg8[%dma_wait3A] : memref<4096xf32, #tpu.memory_space<vmem>> -> memref<2048xf32, #tpu.memory_space<vmem>>
        %dma_wait3A_222 = tpu.memref_slice %arg3[%arg1, %add3A_202, %mul3A_220] : memref<16x64x4096xf32, #tpu.memory_space<hbm>> -> memref<1x1x2048xf32, #tpu.memory_space<hbm>>
        %dma_wait3A_223 = tpu.memref_squeeze %dma_wait3A_222 : memref<1x1x2048xf32, #tpu.memory_space<hbm>> -> memref<2048xf32, #tpu.memory_space<hbm>>
        %dma_wait3A_224 = arith.constant 0 : i32
        %dma_wait3A_225 = tpu.memref_slice %arg8[%dma_wait3A_224] : memref<4096xf32, #tpu.memory_space<vmem>> -> memref<2048xf32, #tpu.memory_space<vmem>>
        %dma_wait3A_226 = tpu.memref_slice %arg3[%arg1, %add3A_202, %mul3A_220] : memref<16x64x4096xf32, #tpu.memory_space<hbm>> -> memref<1x1x2048xf32, #tpu.memory_space<hbm>>
        %dma_wait3A_227 = tpu.memref_squeeze %dma_wait3A_226 : memref<1x1x2048xf32, #tpu.memory_space<hbm>> -> memref<2048xf32, #tpu.memory_space<hbm>>
        tpu.wait_dma2 semaphore(%arg17 : memref<!tpu.dma_semaphore, #tpu.memory_space<semaphore_mem>>) src(%dma_wait3A_227 : memref<2048xf32, #tpu.memory_space<hbm>>) dst(%dma_wait3A_225 : memref<2048xf32, #tpu.memory_space<vmem>>)
      } else {
      }
      %jit3A_135 = arith.constant 2 : i32
      %eq3A_136 = arith.constant 0 : i32
      %eq3A_137 = arith.cmpi eq, %jit3A_135, %eq3A_136 : i32
      %jit3A_138 = arith.constant 1 : i32
      %select_n3A_139 = arith.select %eq3A_137, %jit3A_138, %jit3A_135 : i32
      %rem3A_140 = arith.remsi %scan3A_70, %select_n3A_139 : i32
      %ne3A_141 = arith.constant 0 : i32
      %ne3A_142 = arith.cmpi ne, %rem3A_140, %ne3A_141 : i32
      %lt3A_143 = arith.constant 0 : i32
      %lt3A_144 = arith.cmpi slt, %rem3A_140, %lt3A_143 : i32
      %lt3A_145 = arith.constant 0 : i32
      %lt3A_146 = arith.cmpi slt, %select_n3A_139, %lt3A_145 : i32
      %ne3A_147 = arith.xori %lt3A_144, %lt3A_146 : i1
      %and3A_148 = arith.andi %ne3A_147, %ne3A_142 : i1
      %add3A_149 = arith.addi %rem3A_140, %select_n3A_139 : i32
      %select_n3A_150 = arith.select %and3A_148, %add3A_149, %rem3A_140 : i32
      %eq3A_151 = arith.constant 1 : i32
      %eq3A_152 = arith.cmpi eq, %select_n3A_150, %eq3A_151 : i32
      %convert_element_type3A_153 = arith.extui %eq3A_152 : i1 to i32
      %cond3A_154 = arith.constant 0 : i32
      %cond3A_155 = arith.cmpi ne, %convert_element_type3A_153, %cond3A_154 : i32
      scf.if %cond3A_155 {
        %mul3A_179 = arith.constant 32 : i32
        %mul3A_180 = arith.muli %arg0, %mul3A_179 : i32
        %jit3A_181 = arith.constant 2 : i32
        %div3A = arith.divsi %scan3A_70, %jit3A_181 : i32
        %sign3A = arith.constant 0 : i32
        %sign3A_182 = arith.cmpi sgt, %scan3A_70, %sign3A : i32
        %sign3A_183 = arith.extui %sign3A_182 : i1 to i32
        %sign3A_184 = arith.constant 0 : i32
        %sign3A_185 = arith.cmpi slt, %scan3A_70, %sign3A_184 : i32
        %sign3A_186 = arith.extui %sign3A_185 : i1 to i32
        %sign3A_187 = arith.subi %sign3A_183, %sign3A_186 : i32
        %sign3A_188 = arith.constant 0 : i32
        %sign3A_189 = arith.cmpi sgt, %jit3A_181, %sign3A_188 : i32
        %sign3A_190 = arith.extui %sign3A_189 : i1 to i32
        %sign3A_191 = arith.constant 0 : i32
        %sign3A_192 = arith.cmpi slt, %jit3A_181, %sign3A_191 : i32
        %sign3A_193 = arith.extui %sign3A_192 : i1 to i32
        %sign3A_194 = arith.subi %sign3A_190, %sign3A_193 : i32
        %ne3A_195 = arith.cmpi ne, %sign3A_187, %sign3A_194 : i32
        %rem3A_196 = arith.remsi %scan3A_70, %jit3A_181 : i32
        %ne3A_197 = arith.constant 0 : i32
        %ne3A_198 = arith.cmpi ne, %rem3A_196, %ne3A_197 : i32
        %and3A_199 = arith.andi %ne3A_195, %ne3A_198 : i1
        %sub3A = arith.constant 1 : i32
        %sub3A_200 = arith.subi %div3A, %sub3A : i32
        %select_n3A_201 = arith.select %and3A_199, %sub3A_200, %div3A : i32
        %add3A_202 = arith.addi %mul3A_180, %select_n3A_201 : i32
        %jit3A_203 = arith.constant 2 : i32
        %eq3A_204 = arith.constant 0 : i32
        %eq3A_205 = arith.cmpi eq, %jit3A_203, %eq3A_204 : i32
        %jit3A_206 = arith.constant 1 : i32
        %select_n3A_207 = arith.select %eq3A_205, %jit3A_206, %jit3A_203 : i32
        %rem3A_208 = arith.remsi %scan3A_70, %select_n3A_207 : i32
        %ne3A_209 = arith.constant 0 : i32
        %ne3A_210 = arith.cmpi ne, %rem3A_208, %ne3A_209 : i32
        %lt3A_211 = arith.constant 0 : i32
        %lt3A_212 = arith.cmpi slt, %rem3A_208, %lt3A_211 : i32
        %lt3A_213 = arith.constant 0 : i32
        %lt3A_214 = arith.cmpi slt, %select_n3A_207, %lt3A_213 : i32
        %ne3A_215 = arith.xori %lt3A_212, %lt3A_214 : i1
        %and3A_216 = arith.andi %ne3A_215, %ne3A_210 : i1
        %add3A_217 = arith.addi %rem3A_208, %select_n3A_207 : i32
        %select_n3A_218 = arith.select %and3A_216, %add3A_217, %rem3A_208 : i32
        %mul3A_219 = arith.constant 2048 : i32
        %mul3A_220 = arith.muli %select_n3A_218, %mul3A_219 : i32
        %dma_wait3A = arith.constant 2048 : i32
        %dma_wait3A_221 = tpu.memref_slice %arg8[%dma_wait3A] : memref<4096xf32, #tpu.memory_space<vmem>> -> memref<2048xf32, #tpu.memory_space<vmem>>
        %dma_wait3A_222 = tpu.memref_slice %arg3[%arg1, %add3A_202, %mul3A_220] : memref<16x64x4096xf32, #tpu.memory_space<hbm>> -> memref<1x1x2048xf32, #tpu.memory_space<hbm>>
        %dma_wait3A_223 = tpu.memref_squeeze %dma_wait3A_222 : memref<1x1x2048xf32, #tpu.memory_space<hbm>> -> memref<2048xf32, #tpu.memory_space<hbm>>
        %dma_wait3A_224 = arith.constant 2048 : i32
        %dma_wait3A_225 = tpu.memref_slice %arg8[%dma_wait3A_224] : memref<4096xf32, #tpu.memory_space<vmem>> -> memref<2048xf32, #tpu.memory_space<vmem>>
        %dma_wait3A_226 = tpu.memref_slice %arg3[%arg1, %add3A_202, %mul3A_220] : memref<16x64x4096xf32, #tpu.memory_space<hbm>> -> memref<1x1x2048xf32, #tpu.memory_space<hbm>>
        %dma_wait3A_227 = tpu.memref_squeeze %dma_wait3A_226 : memref<1x1x2048xf32, #tpu.memory_space<hbm>> -> memref<2048xf32, #tpu.memory_space<hbm>>
        tpu.wait_dma2 semaphore(%arg18 : memref<!tpu.dma_semaphore, #tpu.memory_space<semaphore_mem>>) src(%dma_wait3A_227 : memref<2048xf32, #tpu.memory_space<hbm>>) dst(%dma_wait3A_225 : memref<2048xf32, #tpu.memory_space<vmem>>)
      } else {
      }
      %jit3A_156 = arith.constant 2 : i32
      %eq3A_157 = arith.constant 0 : i32
      %eq3A_158 = arith.cmpi eq, %jit3A_156, %eq3A_157 : i32
      %jit3A_159 = arith.constant 1 : i32
      %select_n3A_160 = arith.select %eq3A_158, %jit3A_159, %jit3A_156 : i32
      %rem3A_161 = arith.remsi %scan3A_70, %select_n3A_160 : i32
      %ne3A_162 = arith.constant 0 : i32
      %ne3A_163 = arith.cmpi ne, %rem3A_161, %ne3A_162 : i32
      %lt3A_164 = arith.constant 0 : i32
      %lt3A_165 = arith.cmpi slt, %rem3A_161, %lt3A_164 : i32
      %lt3A_166 = arith.constant 0 : i32
      %lt3A_167 = arith.cmpi slt, %select_n3A_160, %lt3A_166 : i32
      %ne3A_168 = arith.xori %lt3A_165, %lt3A_167 : i1
      %and3A_169 = arith.andi %ne3A_168, %ne3A_163 : i1
      %add3A_170 = arith.addi %rem3A_161, %select_n3A_160 : i32
      %select_n3A_171 = arith.select %and3A_169, %add3A_170, %rem3A_161 : i32
      %mul3A_172 = arith.constant 2048 : i32
      %mul3A_173 = arith.muli %select_n3A_171, %mul3A_172 : i32
      %scan3A_174 = arith.constant 0 : i32
      %scan3A_175 = arith.constant 16 : i32
      %scan3A_176 = arith.addi %scan3A_174, %scan3A_175 : i32
      %scan3A_177 = arith.constant 1 : i32
      scf.for %scan3A_179 = %scan3A_174 to %scan3A_176 step %scan3A_177  : i32 {
        %mul3A_180 = arith.constant 8 : i32
        %mul3A_181 = arith.muli %scan3A_179, %mul3A_180 : i32
        %add3A_182 = arith.constant 0 : i32
        %add3A_183 = arith.addi %mul3A_181, %add3A_182 : i32
        %mul3A_184 = arith.constant 16 : i32
        %mul3A_185 = arith.muli %add3A_183, %mul3A_184 : i32
        %add3A_186 = arith.addi %mul3A_173, %mul3A_185 : i32
        %get3A = arith.index_cast %add3A_186 : i32 to index
        %get3A_187 = tpu.vector_load %arg8[%get3A] {strides = array<i32>} : memref<4096xf32, #tpu.memory_space<vmem>>, vector<16xf32>,
        %mul3A_188 = arith.constant 8 : i32
        %mul3A_189 = arith.muli %scan3A_179, %mul3A_188 : i32
        %add3A_190 = arith.constant 1 : i32
        %add3A_191 = arith.addi %mul3A_189, %add3A_190 : i32
        %mul3A_192 = arith.constant 16 : i32
        %mul3A_193 = arith.muli %add3A_191, %mul3A_192 : i32
        %add3A_194 = arith.addi %mul3A_173, %mul3A_193 : i32
        %get3A_195 = arith.index_cast %add3A_194 : i32 to index
        %get3A_196 = tpu.vector_load %arg8[%get3A_195] {strides = array<i32>} : memref<4096xf32, #tpu.memory_space<vmem>>, vector<16xf32>,
        %mul3A_197 = arith.constant 8 : i32
        %mul3A_198 = arith.muli %scan3A_179, %mul3A_197 : i32
        %add3A_199 = arith.constant 2 : i32
        %add3A_200 = arith.addi %mul3A_198, %add3A_199 : i32
        %mul3A_201 = arith.constant 16 : i32
        %mul3A_202 = arith.muli %add3A_200, %mul3A_201 : i32
        %add3A_203 = arith.addi %mul3A_173, %mul3A_202 : i32
        %get3A_204 = arith.index_cast %add3A_203 : i32 to index
        %get3A_205 = tpu.vector_load %arg8[%get3A_204] {strides = array<i32>} : memref<4096xf32, #tpu.memory_space<vmem>>, vector<16xf32>,
        %mul3A_206 = arith.constant 8 : i32
        %mul3A_207 = arith.muli %scan3A_179, %mul3A_206 : i32
        %add3A_208 = arith.constant 3 : i32
        %add3A_209 = arith.addi %mul3A_207, %add3A_208 : i32
        %mul3A_210 = arith.constant 16 : i32
        %mul3A_211 = arith.muli %add3A_209, %mul3A_210 : i32
        %add3A_212 = arith.addi %mul3A_173, %mul3A_211 : i32
        %get3A_213 = arith.index_cast %add3A_212 : i32 to index
        %get3A_214 = tpu.vector_load %arg8[%get3A_213] {strides = array<i32>} : memref<4096xf32, #tpu.memory_space<vmem>>, vector<16xf32>,
        %mul3A_215 = arith.constant 8 : i32
        %mul3A_216 = arith.muli %scan3A_179, %mul3A_215 : i32
        %add3A_217 = arith.constant 4 : i32
        %add3A_218 = arith.addi %mul3A_216, %add3A_217 : i32
        %mul3A_219 = arith.constant 16 : i32
        %mul3A_220 = arith.muli %add3A_218, %mul3A_219 : i32
        %add3A_221 = arith.addi %mul3A_173, %mul3A_220 : i32
        %get3A_222 = arith.index_cast %add3A_221 : i32 to index
        %get3A_223 = tpu.vector_load %arg8[%get3A_222] {strides = array<i32>} : memref<4096xf32, #tpu.memory_space<vmem>>, vector<16xf32>,
        %mul3A_224 = arith.constant 8 : i32
        %mul3A_225 = arith.muli %scan3A_179, %mul3A_224 : i32
        %add3A_226 = arith.constant 5 : i32
        %add3A_227 = arith.addi %mul3A_225, %add3A_226 : i32
        %mul3A_228 = arith.constant 16 : i32
        %mul3A_229 = arith.muli %add3A_227, %mul3A_228 : i32
        %add3A_230 = arith.addi %mul3A_173, %mul3A_229 : i32
        %get3A_231 = arith.index_cast %add3A_230 : i32 to index
        %get3A_232 = tpu.vector_load %arg8[%get3A_231] {strides = array<i32>} : memref<4096xf32, #tpu.memory_space<vmem>>, vector<16xf32>,
        %mul3A_233 = arith.constant 8 : i32
        %mul3A_234 = arith.muli %scan3A_179, %mul3A_233 : i32
        %add3A_235 = arith.constant 6 : i32
        %add3A_236 = arith.addi %mul3A_234, %add3A_235 : i32
        %mul3A_237 = arith.constant 16 : i32
        %mul3A_238 = arith.muli %add3A_236, %mul3A_237 : i32
        %add3A_239 = arith.addi %mul3A_173, %mul3A_238 : i32
        %get3A_240 = arith.index_cast %add3A_239 : i32 to index
        %get3A_241 = tpu.vector_load %arg8[%get3A_240] {strides = array<i32>} : memref<4096xf32, #tpu.memory_space<vmem>>, vector<16xf32>,
        %mul3A_242 = arith.constant 8 : i32
        %mul3A_243 = arith.muli %scan3A_179, %mul3A_242 : i32
        %add3A_244 = arith.constant 7 : i32
        %add3A_245 = arith.addi %mul3A_243, %add3A_244 : i32
        %mul3A_246 = arith.constant 16 : i32
        %mul3A_247 = arith.muli %add3A_245, %mul3A_246 : i32
        %add3A_248 = arith.addi %mul3A_173, %mul3A_247 : i32
        %get3A_249 = arith.index_cast %add3A_248 : i32 to index
        %get3A_250 = tpu.vector_load %arg8[%get3A_249] {strides = array<i32>} : memref<4096xf32, #tpu.memory_space<vmem>>, vector<16xf32>,
        %bitcast_convert_type3A = tpu.bitcast %get3A_187 : vector<16xf32> -> vector<16xi32>
        %bitcast_convert_type3A_251 = tpu.bitcast %get3A_196 : vector<16xf32> -> vector<16xi32>
        %bitcast_convert_type3A_252 = tpu.bitcast %get3A_205 : vector<16xf32> -> vector<16xi32>
        %bitcast_convert_type3A_253 = tpu.bitcast %get3A_214 : vector<16xf32> -> vector<16xi32>
        %bitcast_convert_type3A_254 = tpu.bitcast %get3A_223 : vector<16xf32> -> vector<16xi32>
        %bitcast_convert_type3A_255 = tpu.bitcast %get3A_232 : vector<16xf32> -> vector<16xi32>
        %bitcast_convert_type3A_256 = tpu.bitcast %get3A_241 : vector<16xf32> -> vector<16xi32>
        %bitcast_convert_type3A_257 = tpu.bitcast %get3A_250 : vector<16xf32> -> vector<16xi32>
        %bitcast_convert_type3A_258 = tpu.bitcast %get3A_187 : vector<16xf32> -> vector<16xi32>
        %shift_right_arithmetic3A = arith.constant 18 : i32
        %shift_right_arithmetic3A_259 = vector.broadcast %shift_right_arithmetic3A : i32 to vector<16xi32>
        %shift_right_arithmetic3A_260 = arith.shrsi %bitcast_convert_type3A_258, %shift_right_arithmetic3A_259 : vector<16xi32>
        %max3A = arith.constant 3424 : i32
        %max3A_261 = vector.broadcast %max3A : i32 to vector<16xi32>
        %max3A_262 = arith.maxsi %shift_right_arithmetic3A_260, %max3A_261 : vector<16xi32>
        %min3A = arith.constant 4447 : i32
        %min3A_263 = vector.broadcast %min3A : i32 to vector<16xi32>
        %min3A_264 = arith.minsi %max3A_262, %min3A_263 : vector<16xi32>
        %sub3A = arith.constant 3424 : i32
        %sub3A_265 = vector.broadcast %sub3A : i32 to vector<16xi32>
        %sub3A_266 = arith.subi %min3A_264, %sub3A_265 : vector<16xi32>
        %mul3A_267 = arith.constant 16 : i32
        %mul3A_268 = vector.broadcast %mul3A_267 : i32 to vector<16xi32>
        %mul3A_269 = arith.muli %sub3A_266, %mul3A_268 : vector<16xi32>
        %add3A_270 = arith.addi %mul3A_269, %iota3A : vector<16xi32>
        %bitcast_convert_type3A_271 = tpu.bitcast %get3A_196 : vector<16xf32> -> vector<16xi32>
        %shift_right_arithmetic3A_272 = arith.constant 18 : i32
        %shift_right_arithmetic3A_273 = vector.broadcast %shift_right_arithmetic3A_272 : i32 to vector<16xi32>
        %shift_right_arithmetic3A_274 = arith.shrsi %bitcast_convert_type3A_271, %shift_right_arithmetic3A_273 : vector<16xi32>
        %max3A_275 = arith.constant 3424 : i32
        %max3A_276 = vector.broadcast %max3A_275 : i32 to vector<16xi32>
        %max3A_277 = arith.maxsi %shift_right_arithmetic3A_274, %max3A_276 : vector<16xi32>
        %min3A_278 = arith.constant 4447 : i32
        %min3A_279 = vector.broadcast %min3A_278 : i32 to vector<16xi32>
        %min3A_280 = arith.minsi %max3A_277, %min3A_279 : vector<16xi32>
        %sub3A_281 = arith.constant 3424 : i32
        %sub3A_282 = vector.broadcast %sub3A_281 : i32 to vector<16xi32>
        %sub3A_283 = arith.subi %min3A_280, %sub3A_282 : vector<16xi32>
        %mul3A_284 = arith.constant 16 : i32
        %mul3A_285 = vector.broadcast %mul3A_284 : i32 to vector<16xi32>
        %mul3A_286 = arith.muli %sub3A_283, %mul3A_285 : vector<16xi32>
        %add3A_287 = arith.addi %mul3A_286, %iota3A : vector<16xi32>
        %bitcast_convert_type3A_288 = tpu.bitcast %get3A_205 : vector<16xf32> -> vector<16xi32>
        %shift_right_arithmetic3A_289 = arith.constant 18 : i32
        %shift_right_arithmetic3A_290 = vector.broadcast %shift_right_arithmetic3A_289 : i32 to vector<16xi32>
        %shift_right_arithmetic3A_291 = arith.shrsi %bitcast_convert_type3A_288, %shift_right_arithmetic3A_290 : vector<16xi32>
        %max3A_292 = arith.constant 3424 : i32
        %max3A_293 = vector.broadcast %max3A_292 : i32 to vector<16xi32>
        %max3A_294 = arith.maxsi %shift_right_arithmetic3A_291, %max3A_293 : vector<16xi32>
        %min3A_295 = arith.constant 4447 : i32
        %min3A_296 = vector.broadcast %min3A_295 : i32 to vector<16xi32>
        %min3A_297 = arith.minsi %max3A_294, %min3A_296 : vector<16xi32>
        %sub3A_298 = arith.constant 3424 : i32
        %sub3A_299 = vector.broadcast %sub3A_298 : i32 to vector<16xi32>
        %sub3A_300 = arith.subi %min3A_297, %sub3A_299 : vector<16xi32>
        %mul3A_301 = arith.constant 16 : i32
        %mul3A_302 = vector.broadcast %mul3A_301 : i32 to vector<16xi32>
        %mul3A_303 = arith.muli %sub3A_300, %mul3A_302 : vector<16xi32>
        %add3A_304 = arith.addi %mul3A_303, %iota3A : vector<16xi32>
        %bitcast_convert_type3A_305 = tpu.bitcast %get3A_214 : vector<16xf32> -> vector<16xi32>
        %shift_right_arithmetic3A_306 = arith.constant 18 : i32
        %shift_right_arithmetic3A_307 = vector.broadcast %shift_right_arithmetic3A_306 : i32 to vector<16xi32>
        %shift_right_arithmetic3A_308 = arith.shrsi %bitcast_convert_type3A_305, %shift_right_arithmetic3A_307 : vector<16xi32>
        %max3A_309 = arith.constant 3424 : i32
        %max3A_310 = vector.broadcast %max3A_309 : i32 to vector<16xi32>
        %max3A_311 = arith.maxsi %shift_right_arithmetic3A_308, %max3A_310 : vector<16xi32>
        %min3A_312 = arith.constant 4447 : i32
        %min3A_313 = vector.broadcast %min3A_312 : i32 to vector<16xi32>
        %min3A_314 = arith.minsi %max3A_311, %min3A_313 : vector<16xi32>
        %sub3A_315 = arith.constant 3424 : i32
        %sub3A_316 = vector.broadcast %sub3A_315 : i32 to vector<16xi32>
        %sub3A_317 = arith.subi %min3A_314, %sub3A_316 : vector<16xi32>
        %mul3A_318 = arith.constant 16 : i32
        %mul3A_319 = vector.broadcast %mul3A_318 : i32 to vector<16xi32>
        %mul3A_320 = arith.muli %sub3A_317, %mul3A_319 : vector<16xi32>
        %add3A_321 = arith.addi %mul3A_320, %iota3A : vector<16xi32>
        %bitcast_convert_type3A_322 = tpu.bitcast %get3A_223 : vector<16xf32> -> vector<16xi32>
        %shift_right_arithmetic3A_323 = arith.constant 18 : i32
        %shift_right_arithmetic3A_324 = vector.broadcast %shift_right_arithmetic3A_323 : i32 to vector<16xi32>
        %shift_right_arithmetic3A_325 = arith.shrsi %bitcast_convert_type3A_322, %shift_right_arithmetic3A_324 : vector<16xi32>
        %max3A_326 = arith.constant 3424 : i32
        %max3A_327 = vector.broadcast %max3A_326 : i32 to vector<16xi32>
        %max3A_328 = arith.maxsi %shift_right_arithmetic3A_325, %max3A_327 : vector<16xi32>
        %min3A_329 = arith.constant 4447 : i32
        %min3A_330 = vector.broadcast %min3A_329 : i32 to vector<16xi32>
        %min3A_331 = arith.minsi %max3A_328, %min3A_330 : vector<16xi32>
        %sub3A_332 = arith.constant 3424 : i32
        %sub3A_333 = vector.broadcast %sub3A_332 : i32 to vector<16xi32>
        %sub3A_334 = arith.subi %min3A_331, %sub3A_333 : vector<16xi32>
        %mul3A_335 = arith.constant 16 : i32
        %mul3A_336 = vector.broadcast %mul3A_335 : i32 to vector<16xi32>
        %mul3A_337 = arith.muli %sub3A_334, %mul3A_336 : vector<16xi32>
        %add3A_338 = arith.addi %mul3A_337, %iota3A : vector<16xi32>
        %bitcast_convert_type3A_339 = tpu.bitcast %get3A_232 : vector<16xf32> -> vector<16xi32>
        %shift_right_arithmetic3A_340 = arith.constant 18 : i32
        %shift_right_arithmetic3A_341 = vector.broadcast %shift_right_arithmetic3A_340 : i32 to vector<16xi32>
        %shift_right_arithmetic3A_342 = arith.shrsi %bitcast_convert_type3A_339, %shift_right_arithmetic3A_341 : vector<16xi32>
        %max3A_343 = arith.constant 3424 : i32
        %max3A_344 = vector.broadcast %max3A_343 : i32 to vector<16xi32>
        %max3A_345 = arith.maxsi %shift_right_arithmetic3A_342, %max3A_344 : vector<16xi32>
        %min3A_346 = arith.constant 4447 : i32
        %min3A_347 = vector.broadcast %min3A_346 : i32 to vector<16xi32>
        %min3A_348 = arith.minsi %max3A_345, %min3A_347 : vector<16xi32>
        %sub3A_349 = arith.constant 3424 : i32
        %sub3A_350 = vector.broadcast %sub3A_349 : i32 to vector<16xi32>
        %sub3A_351 = arith.subi %min3A_348, %sub3A_350 : vector<16xi32>
        %mul3A_352 = arith.constant 16 : i32
        %mul3A_353 = vector.broadcast %mul3A_352 : i32 to vector<16xi32>
        %mul3A_354 = arith.muli %sub3A_351, %mul3A_353 : vector<16xi32>
        %add3A_355 = arith.addi %mul3A_354, %iota3A : vector<16xi32>
        %bitcast_convert_type3A_356 = tpu.bitcast %get3A_241 : vector<16xf32> -> vector<16xi32>
        %shift_right_arithmetic3A_357 = arith.constant 18 : i32
        %shift_right_arithmetic3A_358 = vector.broadcast %shift_right_arithmetic3A_357 : i32 to vector<16xi32>
        %shift_right_arithmetic3A_359 = arith.shrsi %bitcast_convert_type3A_356, %shift_right_arithmetic3A_358 : vector<16xi32>
        %max3A_360 = arith.constant 3424 : i32
        %max3A_361 = vector.broadcast %max3A_360 : i32 to vector<16xi32>
        %max3A_362 = arith.maxsi %shift_right_arithmetic3A_359, %max3A_361 : vector<16xi32>
        %min3A_363 = arith.constant 4447 : i32
        %min3A_364 = vector.broadcast %min3A_363 : i32 to vector<16xi32>
        %min3A_365 = arith.minsi %max3A_362, %min3A_364 : vector<16xi32>
        %sub3A_366 = arith.constant 3424 : i32
        %sub3A_367 = vector.broadcast %sub3A_366 : i32 to vector<16xi32>
        %sub3A_368 = arith.subi %min3A_365, %sub3A_367 : vector<16xi32>
        %mul3A_369 = arith.constant 16 : i32
        %mul3A_370 = vector.broadcast %mul3A_369 : i32 to vector<16xi32>
        %mul3A_371 = arith.muli %sub3A_368, %mul3A_370 : vector<16xi32>
        %add3A_372 = arith.addi %mul3A_371, %iota3A : vector<16xi32>
        %bitcast_convert_type3A_373 = tpu.bitcast %get3A_250 : vector<16xf32> -> vector<16xi32>
        %shift_right_arithmetic3A_374 = arith.constant 18 : i32
        %shift_right_arithmetic3A_375 = vector.broadcast %shift_right_arithmetic3A_374 : i32 to vector<16xi32>
        %shift_right_arithmetic3A_376 = arith.shrsi %bitcast_convert_type3A_373, %shift_right_arithmetic3A_375 : vector<16xi32>
        %max3A_377 = arith.constant 3424 : i32
        %max3A_378 = vector.broadcast %max3A_377 : i32 to vector<16xi32>
        %max3A_379 = arith.maxsi %shift_right_arithmetic3A_376, %max3A_378 : vector<16xi32>
        %min3A_380 = arith.constant 4447 : i32
        %min3A_381 = vector.broadcast %min3A_380 : i32 to vector<16xi32>
        %min3A_382 = arith.minsi %max3A_379, %min3A_381 : vector<16xi32>
        %sub3A_383 = arith.constant 3424 : i32
        %sub3A_384 = vector.broadcast %sub3A_383 : i32 to vector<16xi32>
        %sub3A_385 = arith.subi %min3A_382, %sub3A_384 : vector<16xi32>
        %mul3A_386 = arith.constant 16 : i32
        %mul3A_387 = vector.broadcast %mul3A_386 : i32 to vector<16xi32>
        %mul3A_388 = arith.muli %sub3A_385, %mul3A_387 : vector<16xi32>
        %add3A_389 = arith.addi %mul3A_388, %iota3A : vector<16xi32>
        %and3A_390 = arith.constant 1 : i32
        %and3A_391 = vector.broadcast %and3A_390 : i32 to vector<16xi32>
        %and3A_392 = arith.andi %bitcast_convert_type3A, %and3A_391 : vector<16xi32>
        %convert_element_type3A_393 = arith.sitofp %and3A_392 : vector<16xi32> to vector<16xf32>
        %and3A_394 = arith.constant 1 : i32
        %and3A_395 = vector.broadcast %and3A_394 : i32 to vector<16xi32>
        %and3A_396 = arith.andi %bitcast_convert_type3A_251, %and3A_395 : vector<16xi32>
        %convert_element_type3A_397 = arith.sitofp %and3A_396 : vector<16xi32> to vector<16xf32>
        %and3A_398 = arith.constant 1 : i32
        %and3A_399 = vector.broadcast %and3A_398 : i32 to vector<16xi32>
        %and3A_400 = arith.andi %bitcast_convert_type3A_252, %and3A_399 : vector<16xi32>
        %convert_element_type3A_401 = arith.sitofp %and3A_400 : vector<16xi32> to vector<16xf32>
        %and3A_402 = arith.constant 1 : i32
        %and3A_403 = vector.broadcast %and3A_402 : i32 to vector<16xi32>
        %and3A_404 = arith.andi %bitcast_convert_type3A_253, %and3A_403 : vector<16xi32>
        %convert_element_type3A_405 = arith.sitofp %and3A_404 : vector<16xi32> to vector<16xf32>
        %and3A_406 = arith.constant 1 : i32
        %and3A_407 = vector.broadcast %and3A_406 : i32 to vector<16xi32>
        %and3A_408 = arith.andi %bitcast_convert_type3A_254, %and3A_407 : vector<16xi32>
        %convert_element_type3A_409 = arith.sitofp %and3A_408 : vector<16xi32> to vector<16xf32>
        %and3A_410 = arith.constant 1 : i32
        %and3A_411 = vector.broadcast %and3A_410 : i32 to vector<16xi32>
        %and3A_412 = arith.andi %bitcast_convert_type3A_255, %and3A_411 : vector<16xi32>
        %convert_element_type3A_413 = arith.sitofp %and3A_412 : vector<16xi32> to vector<16xf32>
        %and3A_414 = arith.constant 1 : i32
        %and3A_415 = vector.broadcast %and3A_414 : i32 to vector<16xi32>
        %and3A_416 = arith.andi %bitcast_convert_type3A_256, %and3A_415 : vector<16xi32>
        %convert_element_type3A_417 = arith.sitofp %and3A_416 : vector<16xi32> to vector<16xf32>
        %and3A_418 = arith.constant 1 : i32
        %and3A_419 = vector.broadcast %and3A_418 : i32 to vector<16xi32>
        %and3A_420 = arith.andi %bitcast_convert_type3A_257, %and3A_419 : vector<16xi32>
        %convert_element_type3A_421 = arith.sitofp %and3A_420 : vector<16xi32> to vector<16xf32>
        %gt3A = arith.constant 0.000000e+00 : f32
        %gt3A_422 = vector.broadcast %gt3A : f32 to vector<16xf32>
        %gt3A_423 = arith.cmpf ogt, %get3A_187, %gt3A_422 : vector<16xf32>
        %eq3A_424 = arith.constant 0.000000e+00 : f32
        %eq3A_425 = vector.broadcast %eq3A_424 : f32 to vector<16xf32>
        %eq3A_426 = arith.cmpf oeq, %convert_element_type3A_393, %eq3A_425 : vector<16xf32>
        %and3A_427 = arith.andi %gt3A_423, %eq3A_426 : vector<16xi1>
        %jit3A_428 = arith.constant 1.000000e+00 : f32
        %jit3A_429 = arith.constant 0.000000e+00 : f32
        %broadcast_in_dim3A_430 = vector.broadcast %jit3A_428 : f32 to vector<16xf32>
        %broadcast_in_dim3A_431 = vector.broadcast %jit3A_429 : f32 to vector<16xf32>
        %select_n3A_432 = arith.select %and3A_427, %broadcast_in_dim3A_430, %broadcast_in_dim3A_431 : vector<16xi1>, vector<16xf32>
        %gt3A_433 = arith.constant 0.000000e+00 : f32
        %gt3A_434 = vector.broadcast %gt3A_433 : f32 to vector<16xf32>
        %gt3A_435 = arith.cmpf ogt, %get3A_196, %gt3A_434 : vector<16xf32>
        %eq3A_436 = arith.constant 0.000000e+00 : f32
        %eq3A_437 = vector.broadcast %eq3A_436 : f32 to vector<16xf32>
        %eq3A_438 = arith.cmpf oeq, %convert_element_type3A_397, %eq3A_437 : vector<16xf32>
        %and3A_439 = arith.andi %gt3A_435, %eq3A_438 : vector<16xi1>
        %jit3A_440 = arith.constant 1.000000e+00 : f32
        %jit3A_441 = arith.constant 0.000000e+00 : f32
        %broadcast_in_dim3A_442 = vector.broadcast %jit3A_440 : f32 to vector<16xf32>
        %broadcast_in_dim3A_443 = vector.broadcast %jit3A_441 : f32 to vector<16xf32>
        %select_n3A_444 = arith.select %and3A_439, %broadcast_in_dim3A_442, %broadcast_in_dim3A_443 : vector<16xi1>, vector<16xf32>
        %gt3A_445 = arith.constant 0.000000e+00 : f32
        %gt3A_446 = vector.broadcast %gt3A_445 : f32 to vector<16xf32>
        %gt3A_447 = arith.cmpf ogt, %get3A_205, %gt3A_446 : vector<16xf32>
        %eq3A_448 = arith.constant 0.000000e+00 : f32
        %eq3A_449 = vector.broadcast %eq3A_448 : f32 to vector<16xf32>
        %eq3A_450 = arith.cmpf oeq, %convert_element_type3A_401, %eq3A_449 : vector<16xf32>
        %and3A_451 = arith.andi %gt3A_447, %eq3A_450 : vector<16xi1>
        %jit3A_452 = arith.constant 1.000000e+00 : f32
        %jit3A_453 = arith.constant 0.000000e+00 : f32
        %broadcast_in_dim3A_454 = vector.broadcast %jit3A_452 : f32 to vector<16xf32>
        %broadcast_in_dim3A_455 = vector.broadcast %jit3A_453 : f32 to vector<16xf32>
        %select_n3A_456 = arith.select %and3A_451, %broadcast_in_dim3A_454, %broadcast_in_dim3A_455 : vector<16xi1>, vector<16xf32>
        %gt3A_457 = arith.constant 0.000000e+00 : f32
        %gt3A_458 = vector.broadcast %gt3A_457 : f32 to vector<16xf32>
        %gt3A_459 = arith.cmpf ogt, %get3A_214, %gt3A_458 : vector<16xf32>
        %eq3A_460 = arith.constant 0.000000e+00 : f32
        %eq3A_461 = vector.broadcast %eq3A_460 : f32 to vector<16xf32>
        %eq3A_462 = arith.cmpf oeq, %convert_element_type3A_405, %eq3A_461 : vector<16xf32>
        %and3A_463 = arith.andi %gt3A_459, %eq3A_462 : vector<16xi1>
        %jit3A_464 = arith.constant 1.000000e+00 : f32
        %jit3A_465 = arith.constant 0.000000e+00 : f32
        %broadcast_in_dim3A_466 = vector.broadcast %jit3A_464 : f32 to vector<16xf32>
        %broadcast_in_dim3A_467 = vector.broadcast %jit3A_465 : f32 to vector<16xf32>
        %select_n3A_468 = arith.select %and3A_463, %broadcast_in_dim3A_466, %broadcast_in_dim3A_467 : vector<16xi1>, vector<16xf32>
        %gt3A_469 = arith.constant 0.000000e+00 : f32
        %gt3A_470 = vector.broadcast %gt3A_469 : f32 to vector<16xf32>
        %gt3A_471 = arith.cmpf ogt, %get3A_223, %gt3A_470 : vector<16xf32>
        %eq3A_472 = arith.constant 0.000000e+00 : f32
        %eq3A_473 = vector.broadcast %eq3A_472 : f32 to vector<16xf32>
        %eq3A_474 = arith.cmpf oeq, %convert_element_type3A_409, %eq3A_473 : vector<16xf32>
        %and3A_475 = arith.andi %gt3A_471, %eq3A_474 : vector<16xi1>
        %jit3A_476 = arith.constant 1.000000e+00 : f32
        %jit3A_477 = arith.constant 0.000000e+00 : f32
        %broadcast_in_dim3A_478 = vector.broadcast %jit3A_476 : f32 to vector<16xf32>
        %broadcast_in_dim3A_479 = vector.broadcast %jit3A_477 : f32 to vector<16xf32>
        %select_n3A_480 = arith.select %and3A_475, %broadcast_in_dim3A_478, %broadcast_in_dim3A_479 : vector<16xi1>, vector<16xf32>
        %gt3A_481 = arith.constant 0.000000e+00 : f32
        %gt3A_482 = vector.broadcast %gt3A_481 : f32 to vector<16xf32>
        %gt3A_483 = arith.cmpf ogt, %get3A_232, %gt3A_482 : vector<16xf32>
        %eq3A_484 = arith.constant 0.000000e+00 : f32
        %eq3A_485 = vector.broadcast %eq3A_484 : f32 to vector<16xf32>
        %eq3A_486 = arith.cmpf oeq, %convert_element_type3A_413, %eq3A_485 : vector<16xf32>
        %and3A_487 = arith.andi %gt3A_483, %eq3A_486 : vector<16xi1>
        %jit3A_488 = arith.constant 1.000000e+00 : f32
        %jit3A_489 = arith.constant 0.000000e+00 : f32
        %broadcast_in_dim3A_490 = vector.broadcast %jit3A_488 : f32 to vector<16xf32>
        %broadcast_in_dim3A_491 = vector.broadcast %jit3A_489 : f32 to vector<16xf32>
        %select_n3A_492 = arith.select %and3A_487, %broadcast_in_dim3A_490, %broadcast_in_dim3A_491 : vector<16xi1>, vector<16xf32>
        %gt3A_493 = arith.constant 0.000000e+00 : f32
        %gt3A_494 = vector.broadcast %gt3A_493 : f32 to vector<16xf32>
        %gt3A_495 = arith.cmpf ogt, %get3A_241, %gt3A_494 : vector<16xf32>
        %eq3A_496 = arith.constant 0.000000e+00 : f32
        %eq3A_497 = vector.broadcast %eq3A_496 : f32 to vector<16xf32>
        %eq3A_498 = arith.cmpf oeq, %convert_element_type3A_417, %eq3A_497 : vector<16xf32>
        %and3A_499 = arith.andi %gt3A_495, %eq3A_498 : vector<16xi1>
        %jit3A_500 = arith.constant 1.000000e+00 : f32
        %jit3A_501 = arith.constant 0.000000e+00 : f32
        %broadcast_in_dim3A_502 = vector.broadcast %jit3A_500 : f32 to vector<16xf32>
        %broadcast_in_dim3A_503 = vector.broadcast %jit3A_501 : f32 to vector<16xf32>
        %select_n3A_504 = arith.select %and3A_499, %broadcast_in_dim3A_502, %broadcast_in_dim3A_503 : vector<16xi1>, vector<16xf32>
        %gt3A_505 = arith.constant 0.000000e+00 : f32
        %gt3A_506 = vector.broadcast %gt3A_505 : f32 to vector<16xf32>
        %gt3A_507 = arith.cmpf ogt, %get3A_250, %gt3A_506 : vector<16xf32>
        %eq3A_508 = arith.constant 0.000000e+00 : f32
        %eq3A_509 = vector.broadcast %eq3A_508 : f32 to vector<16xf32>
        %eq3A_510 = arith.cmpf oeq, %convert_element_type3A_421, %eq3A_509 : vector<16xf32>
        %and3A_511 = arith.andi %gt3A_507, %eq3A_510 : vector<16xi1>
        %jit3A_512 = arith.constant 1.000000e+00 : f32
        %jit3A_513 = arith.constant 0.000000e+00 : f32
        %broadcast_in_dim3A_514 = vector.broadcast %jit3A_512 : f32 to vector<16xf32>
        %broadcast_in_dim3A_515 = vector.broadcast %jit3A_513 : f32 to vector<16xf32>
        %select_n3A_516 = arith.select %and3A_511, %broadcast_in_dim3A_514, %broadcast_in_dim3A_515 : vector<16xi1>, vector<16xf32>
        tpu.vector_store_idx %arg9[%add3A_270], %convert_element_type3A_393 {add = true} : memref<16384xf32, #tpu.memory_space<vmem>>[vector<16xi32>], vector<16xf32>,
        tpu.vector_store_idx %arg9[%add3A_287], %convert_element_type3A_397 {add = true} : memref<16384xf32, #tpu.memory_space<vmem>>[vector<16xi32>], vector<16xf32>,
        tpu.vector_store_idx %arg9[%add3A_304], %convert_element_type3A_401 {add = true} : memref<16384xf32, #tpu.memory_space<vmem>>[vector<16xi32>], vector<16xf32>,
        tpu.vector_store_idx %arg9[%add3A_321], %convert_element_type3A_405 {add = true} : memref<16384xf32, #tpu.memory_space<vmem>>[vector<16xi32>], vector<16xf32>,
        tpu.vector_store_idx %arg9[%add3A_338], %convert_element_type3A_409 {add = true} : memref<16384xf32, #tpu.memory_space<vmem>>[vector<16xi32>], vector<16xf32>,
        tpu.vector_store_idx %arg9[%add3A_355], %convert_element_type3A_413 {add = true} : memref<16384xf32, #tpu.memory_space<vmem>>[vector<16xi32>], vector<16xf32>,
        tpu.vector_store_idx %arg9[%add3A_372], %convert_element_type3A_417 {add = true} : memref<16384xf32, #tpu.memory_space<vmem>>[vector<16xi32>], vector<16xf32>,
        tpu.vector_store_idx %arg9[%add3A_389], %convert_element_type3A_421 {add = true} : memref<16384xf32, #tpu.memory_space<vmem>>[vector<16xi32>], vector<16xf32>,
        tpu.vector_store_idx %arg10[%add3A_270], %select_n3A_432 {add = true} : memref<16384xf32, #tpu.memory_space<vmem>>[vector<16xi32>], vector<16xf32>,
        tpu.vector_store_idx %arg10[%add3A_287], %select_n3A_444 {add = true} : memref<16384xf32, #tpu.memory_space<vmem>>[vector<16xi32>], vector<16xf32>,
        tpu.vector_store_idx %arg10[%add3A_304], %select_n3A_456 {add = true} : memref<16384xf32, #tpu.memory_space<vmem>>[vector<16xi32>], vector<16xf32>,
        tpu.vector_store_idx %arg10[%add3A_321], %select_n3A_468 {add = true} : memref<16384xf32, #tpu.memory_space<vmem>>[vector<16xi32>], vector<16xf32>,
        tpu.vector_store_idx %arg10[%add3A_338], %select_n3A_480 {add = true} : memref<16384xf32, #tpu.memory_space<vmem>>[vector<16xi32>], vector<16xf32>,
        tpu.vector_store_idx %arg10[%add3A_355], %select_n3A_492 {add = true} : memref<16384xf32, #tpu.memory_space<vmem>>[vector<16xi32>], vector<16xf32>,
        tpu.vector_store_idx %arg10[%add3A_372], %select_n3A_504 {add = true} : memref<16384xf32, #tpu.memory_space<vmem>>[vector<16xi32>], vector<16xf32>,
        tpu.vector_store_idx %arg10[%add3A_389], %select_n3A_516 {add = true} : memref<16384xf32, #tpu.memory_space<vmem>>[vector<16xi32>], vector<16xf32>,
      }
      %scan3A_178 = arith.constant 16 : i32
    }
    %scan3A_64 = arith.constant 64 : i32
    "tpu.region"() ({
      %run_scoped3A = tpu.sem_alloc : memref<!tpu.dma_semaphore, #tpu.memory_space<semaphore_mem>>
      %dma_start3A_70 = arith.constant 0 : i32
      %dma_start3A_71 = tpu.memref_slice %arg15[%dma_start3A_70] : memref<16384xf32, #tpu.memory_space<vmem_shared>> -> memref<16384xf32, #tpu.memory_space<vmem_shared>>
      tpu.enqueue_indirect_dma source(%arg9 : memref<16384xf32, #tpu.memory_space<vmem>>) target(%dma_start3A_71 : memref<16384xf32, #tpu.memory_space<vmem_shared>>) offsets(%arg11 : memref<16384xi32, #tpu.memory_space<vmem>>) semaphore(%run_scoped3A : memref<!tpu.dma_semaphore, #tpu.memory_space<semaphore_mem>>) {add = true}
      %dma_wait3A = arith.constant 0 : i32
      %dma_wait3A_72 = tpu.memref_slice %arg15[%dma_wait3A] : memref<16384xf32, #tpu.memory_space<vmem_shared>> -> memref<16384xf32, #tpu.memory_space<vmem_shared>>
      tpu.wait_indirect_dma semaphore(%run_scoped3A : memref<!tpu.dma_semaphore, #tpu.memory_space<semaphore_mem>>) src(%arg9 : memref<16384xf32, #tpu.memory_space<vmem>>) dst(%dma_wait3A_72 : memref<16384xf32, #tpu.memory_space<vmem_shared>>)
      tpu.yield
    }) : () -> ()
    "tpu.region"() ({
      %run_scoped3A = tpu.sem_alloc : memref<!tpu.dma_semaphore, #tpu.memory_space<semaphore_mem>>
      %dma_start3A_70 = arith.constant 0 : i32
      %dma_start3A_71 = tpu.memref_slice %arg16[%dma_start3A_70] : memref<16384xf32, #tpu.memory_space<vmem_shared>> -> memref<16384xf32, #tpu.memory_space<vmem_shared>>
      tpu.enqueue_indirect_dma source(%arg10 : memref<16384xf32, #tpu.memory_space<vmem>>) target(%dma_start3A_71 : memref<16384xf32, #tpu.memory_space<vmem_shared>>) offsets(%arg11 : memref<16384xi32, #tpu.memory_space<vmem>>) semaphore(%run_scoped3A : memref<!tpu.dma_semaphore, #tpu.memory_space<semaphore_mem>>) {add = true}
      %dma_wait3A = arith.constant 0 : i32
      %dma_wait3A_72 = tpu.memref_slice %arg16[%dma_wait3A] : memref<16384xf32, #tpu.memory_space<vmem_shared>> -> memref<16384xf32, #tpu.memory_space<vmem_shared>>
      tpu.wait_indirect_dma semaphore(%run_scoped3A : memref<!tpu.dma_semaphore, #tpu.memory_space<semaphore_mem>>) src(%arg10 : memref<16384xf32, #tpu.memory_space<vmem>>) dst(%dma_wait3A_72 : memref<16384xf32, #tpu.memory_space<vmem_shared>>)
      tpu.yield
    }) : () -> ()
    %mul3A_65 = arith.constant 16 : i32
    %mul3A_66 = arith.muli %arg0, %mul3A_65 : i32
    %add3A_67 = arith.addi %mul3A_66, %arg1 : i32
    %mul3A_68 = arith.constant 1024 : i32
    %mul3A_69 = arith.muli %add3A_67, %mul3A_68 : i32
    "tpu.region"() ({
      %run_scoped3A = tpu.sem_alloc : memref<!tpu.dma_semaphore, #tpu.memory_space<semaphore_mem>>
      %dma_start3A_70 = tpu.memref_slice %arg4[%mul3A_69] : memref<32768xf32, #tpu.memory_space<hbm>> -> memref<1024xf32, #tpu.memory_space<hbm>>
      %dma_start3A_71 = tpu.memref_slice %arg13[%mul3A_14] : memref<16384xf32, #tpu.memory_space<vmem_shared>> -> memref<1024xf32, #tpu.memory_space<vmem_shared>>
      tpu.enqueue_dma source(%dma_start3A_71 : memref<1024xf32, #tpu.memory_space<vmem_shared>>) target(%dma_start3A_70 : memref<1024xf32, #tpu.memory_space<hbm>>) target_semaphore(%run_scoped3A : memref<!tpu.dma_semaphore, #tpu.memory_space<semaphore_mem>>)
      %dma_wait3A = tpu.memref_slice %arg4[%mul3A_69] : memref<32768xf32, #tpu.memory_space<hbm>> -> memref<1024xf32, #tpu.memory_space<hbm>>
      %dma_wait3A_72 = tpu.memref_slice %arg13[%mul3A_14] : memref<16384xf32, #tpu.memory_space<vmem_shared>> -> memref<1024xf32, #tpu.memory_space<vmem_shared>>
      tpu.wait_dma2 semaphore(%run_scoped3A : memref<!tpu.dma_semaphore, #tpu.memory_space<semaphore_mem>>) src(%dma_wait3A_72 : memref<1024xf32, #tpu.memory_space<vmem_shared>>) dst(%dma_wait3A : memref<1024xf32, #tpu.memory_space<hbm>>)
      tpu.yield
    }) : () -> ()
    "tpu.region"() ({
      %run_scoped3A = tpu.sem_alloc : memref<!tpu.dma_semaphore, #tpu.memory_space<semaphore_mem>>
      %dma_start3A_70 = tpu.memref_slice %arg5[%mul3A_69] : memref<32768xf32, #tpu.memory_space<hbm>> -> memref<1024xf32, #tpu.memory_space<hbm>>
      %dma_start3A_71 = tpu.memref_slice %arg14[%mul3A_14] : memref<16384xf32, #tpu.memory_space<vmem_shared>> -> memref<1024xf32, #tpu.memory_space<vmem_shared>>
      tpu.enqueue_dma source(%dma_start3A_71 : memref<1024xf32, #tpu.memory_space<vmem_shared>>) target(%dma_start3A_70 : memref<1024xf32, #tpu.memory_space<hbm>>) target_semaphore(%run_scoped3A : memref<!tpu.dma_semaphore, #tpu.memory_space<semaphore_mem>>)
      %dma_wait3A = tpu.memref_slice %arg5[%mul3A_69] : memref<32768xf32, #tpu.memory_space<hbm>> -> memref<1024xf32, #tpu.memory_space<hbm>>
      %dma_wait3A_72 = tpu.memref_slice %arg14[%mul3A_14] : memref<16384xf32, #tpu.memory_space<vmem_shared>> -> memref<1024xf32, #tpu.memory_space<vmem_shared>>
      tpu.wait_dma2 semaphore(%run_scoped3A : memref<!tpu.dma_semaphore, #tpu.memory_space<semaphore_mem>>) src(%dma_wait3A_72 : memref<1024xf32, #tpu.memory_space<vmem_shared>>) dst(%dma_wait3A : memref<1024xf32, #tpu.memory_space<hbm>>)
      tpu.yield
    }) : () -> ()
    "tpu.region"() ({
      %run_scoped3A = tpu.sem_alloc : memref<!tpu.dma_semaphore, #tpu.memory_space<semaphore_mem>>
      %dma_start3A_70 = tpu.memref_slice %arg6[%mul3A_69] : memref<32768xf32, #tpu.memory_space<hbm>> -> memref<1024xf32, #tpu.memory_space<hbm>>
      %dma_start3A_71 = tpu.memref_slice %arg15[%mul3A_14] : memref<16384xf32, #tpu.memory_space<vmem_shared>> -> memref<1024xf32, #tpu.memory_space<vmem_shared>>
      tpu.enqueue_dma source(%dma_start3A_71 : memref<1024xf32, #tpu.memory_space<vmem_shared>>) target(%dma_start3A_70 : memref<1024xf32, #tpu.memory_space<hbm>>) target_semaphore(%run_scoped3A : memref<!tpu.dma_semaphore, #tpu.memory_space<semaphore_mem>>)
      %dma_wait3A = tpu.memref_slice %arg6[%mul3A_69] : memref<32768xf32, #tpu.memory_space<hbm>> -> memref<1024xf32, #tpu.memory_space<hbm>>
      %dma_wait3A_72 = tpu.memref_slice %arg15[%mul3A_14] : memref<16384xf32, #tpu.memory_space<vmem_shared>> -> memref<1024xf32, #tpu.memory_space<vmem_shared>>
      tpu.wait_dma2 semaphore(%run_scoped3A : memref<!tpu.dma_semaphore, #tpu.memory_space<semaphore_mem>>) src(%dma_wait3A_72 : memref<1024xf32, #tpu.memory_space<vmem_shared>>) dst(%dma_wait3A : memref<1024xf32, #tpu.memory_space<hbm>>)
      tpu.yield
    }) : () -> ()
    "tpu.region"() ({
      %run_scoped3A = tpu.sem_alloc : memref<!tpu.dma_semaphore, #tpu.memory_space<semaphore_mem>>
      %dma_start3A_70 = tpu.memref_slice %arg7[%mul3A_69] : memref<32768xf32, #tpu.memory_space<hbm>> -> memref<1024xf32, #tpu.memory_space<hbm>>
      %dma_start3A_71 = tpu.memref_slice %arg16[%mul3A_14] : memref<16384xf32, #tpu.memory_space<vmem_shared>> -> memref<1024xf32, #tpu.memory_space<vmem_shared>>
      tpu.enqueue_dma source(%dma_start3A_71 : memref<1024xf32, #tpu.memory_space<vmem_shared>>) target(%dma_start3A_70 : memref<1024xf32, #tpu.memory_space<hbm>>) target_semaphore(%run_scoped3A : memref<!tpu.dma_semaphore, #tpu.memory_space<semaphore_mem>>)
      %dma_wait3A = tpu.memref_slice %arg7[%mul3A_69] : memref<32768xf32, #tpu.memory_space<hbm>> -> memref<1024xf32, #tpu.memory_space<hbm>>
      %dma_wait3A_72 = tpu.memref_slice %arg16[%mul3A_14] : memref<16384xf32, #tpu.memory_space<vmem_shared>> -> memref<1024xf32, #tpu.memory_space<vmem_shared>>
      tpu.wait_dma2 semaphore(%run_scoped3A : memref<!tpu.dma_semaphore, #tpu.memory_space<semaphore_mem>>) src(%dma_wait3A_72 : memref<1024xf32, #tpu.memory_space<vmem_shared>>) dst(%dma_wait3A : memref<1024xf32, #tpu.memory_space<hbm>>)
      tpu.yield
    }) : () -> ()
    return
  }
}

#map = affine_map<(d0, d1) -> (0)>
#map1 = affine_map<(d0, d1) -> (0, 0, 0)>
module attributes {stable_mosaic.version = 14 : i64} {
  func.func @_scd_body(%arg0: i32, %arg1: i32, %arg2: memref<16384xf32, #tpu.memory_space<hbm>>, %arg3: memref<16384xf32, #tpu.memory_space<hbm>>, %arg4: memref<16x64x4096xf32, #tpu.memory_space<hbm>>, %arg5: memref<512xf32, #tpu.memory_space<hbm>>, %arg6: memref<1024xf32, #tpu.memory_space<vmem>>, %arg7: memref<1024xf32, #tpu.memory_space<vmem>>, %arg8: memref<16384xf32, #tpu.memory_space<vmem>>, %arg9: memref<16384xf32, #tpu.memory_space<vmem>>, %arg10: memref<4096xf32, #tpu.memory_space<vmem>>, %arg11: memref<16xf32, #tpu.memory_space<vmem>>, %arg12: memref<!tpu.dma_semaphore, #tpu.memory_space<semaphore_mem>>, %arg13: memref<!tpu.dma_semaphore, #tpu.memory_space<semaphore_mem>>) attributes {dimension_semantics = [#tpu.dimension_semantics<core_parallel>, #tpu.dimension_semantics<subcore_parallel>], iteration_bounds = array<i64: 2, 16>, scalar_prefetch = 0 : i64, scratch_operands = 8 : i64, tpu.core_type = #tpu.core_type<sc_vector_subcore>, window_params = [{transform_indices = #map}, {transform_indices = #map}, {transform_indices = #map1}, {transform_indices = #map}]} {
    %mul3A = arith.constant 2 : i32
    %mul3A_0 = arith.muli %arg1, %mul3A : i32
    %add3A = arith.addi %mul3A_0, %arg0 : i32
    %iota3A = tpu.iota {dimensions = array<i32: 0>} : vector<16xi32>
    %mul3A_1 = arith.constant 1024 : i32
    %mul3A_2 = arith.muli %arg1, %mul3A_1 : i32
    "tpu.region"() ({
      %run_scoped3A = tpu.sem_alloc : memref<!tpu.dma_semaphore, #tpu.memory_space<semaphore_mem>>
      %dma_start3A_33 = tpu.memref_slice %arg2[%mul3A_2] : memref<16384xf32, #tpu.memory_space<hbm>> -> memref<1024xf32, #tpu.memory_space<hbm>>
      %dma_start3A_34 = tpu.memref_slice %arg2[%mul3A_2] : memref<16384xf32, #tpu.memory_space<hbm>> -> memref<1024xf32, #tpu.memory_space<hbm>>
      tpu.enqueue_dma source(%dma_start3A_34 : memref<1024xf32, #tpu.memory_space<hbm>>) target(%arg6 : memref<1024xf32, #tpu.memory_space<vmem>>) target_semaphore(%run_scoped3A : memref<!tpu.dma_semaphore, #tpu.memory_space<semaphore_mem>>)
      %dma_wait3A = tpu.memref_slice %arg2[%mul3A_2] : memref<16384xf32, #tpu.memory_space<hbm>> -> memref<1024xf32, #tpu.memory_space<hbm>>
      %dma_wait3A_35 = tpu.memref_slice %arg2[%mul3A_2] : memref<16384xf32, #tpu.memory_space<hbm>> -> memref<1024xf32, #tpu.memory_space<hbm>>
      tpu.wait_dma2 semaphore(%run_scoped3A : memref<!tpu.dma_semaphore, #tpu.memory_space<semaphore_mem>>) src(%dma_wait3A_35 : memref<1024xf32, #tpu.memory_space<hbm>>) dst(%arg6 : memref<1024xf32, #tpu.memory_space<vmem>>)
      tpu.yield
    }) : () -> ()
    %mul3A_3 = arith.constant 1024 : i32
    %mul3A_4 = arith.muli %arg1, %mul3A_3 : i32
    "tpu.region"() ({
      %run_scoped3A = tpu.sem_alloc : memref<!tpu.dma_semaphore, #tpu.memory_space<semaphore_mem>>
      %dma_start3A_33 = tpu.memref_slice %arg3[%mul3A_4] : memref<16384xf32, #tpu.memory_space<hbm>> -> memref<1024xf32, #tpu.memory_space<hbm>>
      %dma_start3A_34 = tpu.memref_slice %arg3[%mul3A_4] : memref<16384xf32, #tpu.memory_space<hbm>> -> memref<1024xf32, #tpu.memory_space<hbm>>
      tpu.enqueue_dma source(%dma_start3A_34 : memref<1024xf32, #tpu.memory_space<hbm>>) target(%arg7 : memref<1024xf32, #tpu.memory_space<vmem>>) target_semaphore(%run_scoped3A : memref<!tpu.dma_semaphore, #tpu.memory_space<semaphore_mem>>)
      %dma_wait3A = tpu.memref_slice %arg3[%mul3A_4] : memref<16384xf32, #tpu.memory_space<hbm>> -> memref<1024xf32, #tpu.memory_space<hbm>>
      %dma_wait3A_35 = tpu.memref_slice %arg3[%mul3A_4] : memref<16384xf32, #tpu.memory_space<hbm>> -> memref<1024xf32, #tpu.memory_space<hbm>>
      tpu.wait_dma2 semaphore(%run_scoped3A : memref<!tpu.dma_semaphore, #tpu.memory_space<semaphore_mem>>) src(%dma_wait3A_35 : memref<1024xf32, #tpu.memory_space<hbm>>) dst(%arg7 : memref<1024xf32, #tpu.memory_space<vmem>>)
      tpu.yield
    }) : () -> ()
    %scan3A = arith.constant 0 : i32
    %scan3A_5 = arith.constant 0 : i32
    %scan3A_6 = arith.constant 64 : i32
    %scan3A_7 = arith.addi %scan3A_5, %scan3A_6 : i32
    %scan3A_8 = arith.constant 1 : i32
    scf.for %scan3A_33 = %scan3A_5 to %scan3A_7 step %scan3A_8  : i32 {
      %mul3A_34 = arith.constant 16 : i32
      %mul3A_35 = arith.muli %scan3A_33, %mul3A_34 : i32
      %get3A = arith.index_cast %mul3A_35 : i32 to index
      %get3A_36 = tpu.vector_load %arg6[%get3A] {strides = array<i32>} : memref<1024xf32, #tpu.memory_space<vmem>>, vector<16xf32>,
      %mul3A_37 = arith.constant 16 : i32
      %mul3A_38 = arith.muli %scan3A_33, %mul3A_37 : i32
      %get3A_39 = arith.index_cast %mul3A_38 : i32 to index
      %get3A_40 = tpu.vector_load %arg7[%get3A_39] {strides = array<i32>} : memref<1024xf32, #tpu.memory_space<vmem>>, vector<16xf32>,
      %broadcast_in_dim3A_41 = arith.constant 0 : i32
      %broadcast_in_dim3A_42 = vector.broadcast %broadcast_in_dim3A_41 : i32 to vector<16xi32>
      %mul3A_43 = arith.constant 16 : i32
      %mul3A_44 = arith.muli %scan3A_33, %mul3A_43 : i32
      %add3A_45 = vector.broadcast %mul3A_44 : i32 to vector<16xi32>
      %add3A_46 = arith.addi %broadcast_in_dim3A_42, %add3A_45 : vector<16xi32>
      %add3A_47 = arith.addi %add3A_46, %iota3A : vector<16xi32>
      %mul3A_48 = arith.constant 16 : i32
      %mul3A_49 = vector.broadcast %mul3A_48 : i32 to vector<16xi32>
      %mul3A_50 = arith.muli %add3A_47, %mul3A_49 : vector<16xi32>
      %add3A_51 = arith.constant 0 : i32
      %add3A_52 = vector.broadcast %add3A_51 : i32 to vector<16xi32>
      %add3A_53 = arith.addi %mul3A_50, %add3A_52 : vector<16xi32>
      tpu.vector_store_idx %arg8[%add3A_53], %get3A_36 : memref<16384xf32, #tpu.memory_space<vmem>>[vector<16xi32>], vector<16xf32>,
      %add3A_54 = arith.constant 0 : i32
      %add3A_55 = vector.broadcast %add3A_54 : i32 to vector<16xi32>
      %add3A_56 = arith.addi %mul3A_50, %add3A_55 : vector<16xi32>
      tpu.vector_store_idx %arg9[%add3A_56], %get3A_40 : memref<16384xf32, #tpu.memory_space<vmem>>[vector<16xi32>], vector<16xf32>,
      %add3A_57 = arith.constant 1 : i32
      %add3A_58 = vector.broadcast %add3A_57 : i32 to vector<16xi32>
      %add3A_59 = arith.addi %mul3A_50, %add3A_58 : vector<16xi32>
      tpu.vector_store_idx %arg8[%add3A_59], %get3A_36 : memref<16384xf32, #tpu.memory_space<vmem>>[vector<16xi32>], vector<16xf32>,
      %add3A_60 = arith.constant 1 : i32
      %add3A_61 = vector.broadcast %add3A_60 : i32 to vector<16xi32>
      %add3A_62 = arith.addi %mul3A_50, %add3A_61 : vector<16xi32>
      tpu.vector_store_idx %arg9[%add3A_62], %get3A_40 : memref<16384xf32, #tpu.memory_space<vmem>>[vector<16xi32>], vector<16xf32>,
      %add3A_63 = arith.constant 2 : i32
      %add3A_64 = vector.broadcast %add3A_63 : i32 to vector<16xi32>
      %add3A_65 = arith.addi %mul3A_50, %add3A_64 : vector<16xi32>
      tpu.vector_store_idx %arg8[%add3A_65], %get3A_36 : memref<16384xf32, #tpu.memory_space<vmem>>[vector<16xi32>], vector<16xf32>,
      %add3A_66 = arith.constant 2 : i32
      %add3A_67 = vector.broadcast %add3A_66 : i32 to vector<16xi32>
      %add3A_68 = arith.addi %mul3A_50, %add3A_67 : vector<16xi32>
      tpu.vector_store_idx %arg9[%add3A_68], %get3A_40 : memref<16384xf32, #tpu.memory_space<vmem>>[vector<16xi32>], vector<16xf32>,
      %add3A_69 = arith.constant 3 : i32
      %add3A_70 = vector.broadcast %add3A_69 : i32 to vector<16xi32>
      %add3A_71 = arith.addi %mul3A_50, %add3A_70 : vector<16xi32>
      tpu.vector_store_idx %arg8[%add3A_71], %get3A_36 : memref<16384xf32, #tpu.memory_space<vmem>>[vector<16xi32>], vector<16xf32>,
      %add3A_72 = arith.constant 3 : i32
      %add3A_73 = vector.broadcast %add3A_72 : i32 to vector<16xi32>
      %add3A_74 = arith.addi %mul3A_50, %add3A_73 : vector<16xi32>
      tpu.vector_store_idx %arg9[%add3A_74], %get3A_40 : memref<16384xf32, #tpu.memory_space<vmem>>[vector<16xi32>], vector<16xf32>,
      %add3A_75 = arith.constant 4 : i32
      %add3A_76 = vector.broadcast %add3A_75 : i32 to vector<16xi32>
      %add3A_77 = arith.addi %mul3A_50, %add3A_76 : vector<16xi32>
      tpu.vector_store_idx %arg8[%add3A_77], %get3A_36 : memref<16384xf32, #tpu.memory_space<vmem>>[vector<16xi32>], vector<16xf32>,
      %add3A_78 = arith.constant 4 : i32
      %add3A_79 = vector.broadcast %add3A_78 : i32 to vector<16xi32>
      %add3A_80 = arith.addi %mul3A_50, %add3A_79 : vector<16xi32>
      tpu.vector_store_idx %arg9[%add3A_80], %get3A_40 : memref<16384xf32, #tpu.memory_space<vmem>>[vector<16xi32>], vector<16xf32>,
      %add3A_81 = arith.constant 5 : i32
      %add3A_82 = vector.broadcast %add3A_81 : i32 to vector<16xi32>
      %add3A_83 = arith.addi %mul3A_50, %add3A_82 : vector<16xi32>
      tpu.vector_store_idx %arg8[%add3A_83], %get3A_36 : memref<16384xf32, #tpu.memory_space<vmem>>[vector<16xi32>], vector<16xf32>,
      %add3A_84 = arith.constant 5 : i32
      %add3A_85 = vector.broadcast %add3A_84 : i32 to vector<16xi32>
      %add3A_86 = arith.addi %mul3A_50, %add3A_85 : vector<16xi32>
      tpu.vector_store_idx %arg9[%add3A_86], %get3A_40 : memref<16384xf32, #tpu.memory_space<vmem>>[vector<16xi32>], vector<16xf32>,
      %add3A_87 = arith.constant 6 : i32
      %add3A_88 = vector.broadcast %add3A_87 : i32 to vector<16xi32>
      %add3A_89 = arith.addi %mul3A_50, %add3A_88 : vector<16xi32>
      tpu.vector_store_idx %arg8[%add3A_89], %get3A_36 : memref<16384xf32, #tpu.memory_space<vmem>>[vector<16xi32>], vector<16xf32>,
      %add3A_90 = arith.constant 6 : i32
      %add3A_91 = vector.broadcast %add3A_90 : i32 to vector<16xi32>
      %add3A_92 = arith.addi %mul3A_50, %add3A_91 : vector<16xi32>
      tpu.vector_store_idx %arg9[%add3A_92], %get3A_40 : memref<16384xf32, #tpu.memory_space<vmem>>[vector<16xi32>], vector<16xf32>,
      %add3A_93 = arith.constant 7 : i32
      %add3A_94 = vector.broadcast %add3A_93 : i32 to vector<16xi32>
      %add3A_95 = arith.addi %mul3A_50, %add3A_94 : vector<16xi32>
      tpu.vector_store_idx %arg8[%add3A_95], %get3A_36 : memref<16384xf32, #tpu.memory_space<vmem>>[vector<16xi32>], vector<16xf32>,
      %add3A_96 = arith.constant 7 : i32
      %add3A_97 = vector.broadcast %add3A_96 : i32 to vector<16xi32>
      %add3A_98 = arith.addi %mul3A_50, %add3A_97 : vector<16xi32>
      tpu.vector_store_idx %arg9[%add3A_98], %get3A_40 : memref<16384xf32, #tpu.memory_space<vmem>>[vector<16xi32>], vector<16xf32>,
      %add3A_99 = arith.constant 8 : i32
      %add3A_100 = vector.broadcast %add3A_99 : i32 to vector<16xi32>
      %add3A_101 = arith.addi %mul3A_50, %add3A_100 : vector<16xi32>
      tpu.vector_store_idx %arg8[%add3A_101], %get3A_36 : memref<16384xf32, #tpu.memory_space<vmem>>[vector<16xi32>], vector<16xf32>,
      %add3A_102 = arith.constant 8 : i32
      %add3A_103 = vector.broadcast %add3A_102 : i32 to vector<16xi32>
      %add3A_104 = arith.addi %mul3A_50, %add3A_103 : vector<16xi32>
      tpu.vector_store_idx %arg9[%add3A_104], %get3A_40 : memref<16384xf32, #tpu.memory_space<vmem>>[vector<16xi32>], vector<16xf32>,
      %add3A_105 = arith.constant 9 : i32
      %add3A_106 = vector.broadcast %add3A_105 : i32 to vector<16xi32>
      %add3A_107 = arith.addi %mul3A_50, %add3A_106 : vector<16xi32>
      tpu.vector_store_idx %arg8[%add3A_107], %get3A_36 : memref<16384xf32, #tpu.memory_space<vmem>>[vector<16xi32>], vector<16xf32>,
      %add3A_108 = arith.constant 9 : i32
      %add3A_109 = vector.broadcast %add3A_108 : i32 to vector<16xi32>
      %add3A_110 = arith.addi %mul3A_50, %add3A_109 : vector<16xi32>
      tpu.vector_store_idx %arg9[%add3A_110], %get3A_40 : memref<16384xf32, #tpu.memory_space<vmem>>[vector<16xi32>], vector<16xf32>,
      %add3A_111 = arith.constant 10 : i32
      %add3A_112 = vector.broadcast %add3A_111 : i32 to vector<16xi32>
      %add3A_113 = arith.addi %mul3A_50, %add3A_112 : vector<16xi32>
      tpu.vector_store_idx %arg8[%add3A_113], %get3A_36 : memref<16384xf32, #tpu.memory_space<vmem>>[vector<16xi32>], vector<16xf32>,
      %add3A_114 = arith.constant 10 : i32
      %add3A_115 = vector.broadcast %add3A_114 : i32 to vector<16xi32>
      %add3A_116 = arith.addi %mul3A_50, %add3A_115 : vector<16xi32>
      tpu.vector_store_idx %arg9[%add3A_116], %get3A_40 : memref<16384xf32, #tpu.memory_space<vmem>>[vector<16xi32>], vector<16xf32>,
      %add3A_117 = arith.constant 11 : i32
      %add3A_118 = vector.broadcast %add3A_117 : i32 to vector<16xi32>
      %add3A_119 = arith.addi %mul3A_50, %add3A_118 : vector<16xi32>
      tpu.vector_store_idx %arg8[%add3A_119], %get3A_36 : memref<16384xf32, #tpu.memory_space<vmem>>[vector<16xi32>], vector<16xf32>,
      %add3A_120 = arith.constant 11 : i32
      %add3A_121 = vector.broadcast %add3A_120 : i32 to vector<16xi32>
      %add3A_122 = arith.addi %mul3A_50, %add3A_121 : vector<16xi32>
      tpu.vector_store_idx %arg9[%add3A_122], %get3A_40 : memref<16384xf32, #tpu.memory_space<vmem>>[vector<16xi32>], vector<16xf32>,
      %add3A_123 = arith.constant 12 : i32
      %add3A_124 = vector.broadcast %add3A_123 : i32 to vector<16xi32>
      %add3A_125 = arith.addi %mul3A_50, %add3A_124 : vector<16xi32>
      tpu.vector_store_idx %arg8[%add3A_125], %get3A_36 : memref<16384xf32, #tpu.memory_space<vmem>>[vector<16xi32>], vector<16xf32>,
      %add3A_126 = arith.constant 12 : i32
      %add3A_127 = vector.broadcast %add3A_126 : i32 to vector<16xi32>
      %add3A_128 = arith.addi %mul3A_50, %add3A_127 : vector<16xi32>
      tpu.vector_store_idx %arg9[%add3A_128], %get3A_40 : memref<16384xf32, #tpu.memory_space<vmem>>[vector<16xi32>], vector<16xf32>,
      %add3A_129 = arith.constant 13 : i32
      %add3A_130 = vector.broadcast %add3A_129 : i32 to vector<16xi32>
      %add3A_131 = arith.addi %mul3A_50, %add3A_130 : vector<16xi32>
      tpu.vector_store_idx %arg8[%add3A_131], %get3A_36 : memref<16384xf32, #tpu.memory_space<vmem>>[vector<16xi32>], vector<16xf32>,
      %add3A_132 = arith.constant 13 : i32
      %add3A_133 = vector.broadcast %add3A_132 : i32 to vector<16xi32>
      %add3A_134 = arith.addi %mul3A_50, %add3A_133 : vector<16xi32>
      tpu.vector_store_idx %arg9[%add3A_134], %get3A_40 : memref<16384xf32, #tpu.memory_space<vmem>>[vector<16xi32>], vector<16xf32>,
      %add3A_135 = arith.constant 14 : i32
      %add3A_136 = vector.broadcast %add3A_135 : i32 to vector<16xi32>
      %add3A_137 = arith.addi %mul3A_50, %add3A_136 : vector<16xi32>
      tpu.vector_store_idx %arg8[%add3A_137], %get3A_36 : memref<16384xf32, #tpu.memory_space<vmem>>[vector<16xi32>], vector<16xf32>,
      %add3A_138 = arith.constant 14 : i32
      %add3A_139 = vector.broadcast %add3A_138 : i32 to vector<16xi32>
      %add3A_140 = arith.addi %mul3A_50, %add3A_139 : vector<16xi32>
      tpu.vector_store_idx %arg9[%add3A_140], %get3A_40 : memref<16384xf32, #tpu.memory_space<vmem>>[vector<16xi32>], vector<16xf32>,
      %add3A_141 = arith.constant 15 : i32
      %add3A_142 = vector.broadcast %add3A_141 : i32 to vector<16xi32>
      %add3A_143 = arith.addi %mul3A_50, %add3A_142 : vector<16xi32>
      tpu.vector_store_idx %arg8[%add3A_143], %get3A_36 : memref<16384xf32, #tpu.memory_space<vmem>>[vector<16xi32>], vector<16xf32>,
      %add3A_144 = arith.constant 15 : i32
      %add3A_145 = vector.broadcast %add3A_144 : i32 to vector<16xi32>
      %add3A_146 = arith.addi %mul3A_50, %add3A_145 : vector<16xi32>
      tpu.vector_store_idx %arg9[%add3A_146], %get3A_40 : memref<16384xf32, #tpu.memory_space<vmem>>[vector<16xi32>], vector<16xf32>,
    }
    %scan3A_9 = arith.constant 64 : i32
    %broadcast_in_dim3A = arith.constant 0.000000e+00 : f32
    %broadcast_in_dim3A_10 = vector.broadcast %broadcast_in_dim3A : f32 to vector<16xf32>
    %mul3A_11 = arith.constant 32 : i32
    %mul3A_12 = arith.muli %arg0, %mul3A_11 : i32
    %add3A_13 = arith.constant 0 : i32
    %add3A_14 = arith.addi %mul3A_12, %add3A_13 : i32
    %dma_start3A = arith.constant 0 : i32
    %dma_start3A_15 = tpu.memref_slice %arg10[%dma_start3A] : memref<4096xf32, #tpu.memory_space<vmem>> -> memref<2048xf32, #tpu.memory_space<vmem>>
    %dma_start3A_16 = arith.constant 0 : i32
    %dma_start3A_17 = tpu.memref_slice %arg4[%arg1, %add3A_14, %dma_start3A_16] : memref<16x64x4096xf32, #tpu.memory_space<hbm>> -> memref<1x1x2048xf32, #tpu.memory_space<hbm>>
    %dma_start3A_18 = tpu.memref_squeeze %dma_start3A_17 : memref<1x1x2048xf32, #tpu.memory_space<hbm>> -> memref<2048xf32, #tpu.memory_space<hbm>>
    %dma_start3A_19 = arith.constant 0 : i32
    %dma_start3A_20 = tpu.memref_slice %arg10[%dma_start3A_19] : memref<4096xf32, #tpu.memory_space<vmem>> -> memref<2048xf32, #tpu.memory_space<vmem>>
    %dma_start3A_21 = arith.constant 0 : i32
    %dma_start3A_22 = tpu.memref_slice %arg4[%arg1, %add3A_14, %dma_start3A_21] : memref<16x64x4096xf32, #tpu.memory_space<hbm>> -> memref<1x1x2048xf32, #tpu.memory_space<hbm>>
    %dma_start3A_23 = tpu.memref_squeeze %dma_start3A_22 : memref<1x1x2048xf32, #tpu.memory_space<hbm>> -> memref<2048xf32, #tpu.memory_space<hbm>>
    tpu.enqueue_dma source(%dma_start3A_23 : memref<2048xf32, #tpu.memory_space<hbm>>) target(%dma_start3A_20 : memref<2048xf32, #tpu.memory_space<vmem>>) target_semaphore(%arg12 : memref<!tpu.dma_semaphore, #tpu.memory_space<semaphore_mem>>)
    %scan3A_24 = arith.constant 0 : i32
    %scan3A_25 = arith.constant 64 : i32
    %scan3A_26 = arith.addi %scan3A_24, %scan3A_25 : i32
    %scan3A_27 = arith.constant 1 : i32
    %scan3A_28 = scf.for %scan3A_33 = %scan3A_24 to %scan3A_26 step %scan3A_27 iter_args(%scan3A_34 = %broadcast_in_dim3A_10) -> (vector<16xf32>)  : i32 {
      %add3A_35 = arith.constant 1 : i32
      %add3A_36 = arith.addi %scan3A_33, %add3A_35 : i32
      %lt3A = arith.constant 64 : i32
      %lt3A_37 = arith.cmpi slt, %add3A_36, %lt3A : i32
      %jit3A = arith.constant 2 : i32
      %eq3A = arith.constant 0 : i32
      %eq3A_38 = arith.cmpi eq, %jit3A, %eq3A : i32
      %jit3A_39 = arith.constant 1 : i32
      %select_n3A = arith.select %eq3A_38, %jit3A_39, %jit3A : i32
      %rem3A = arith.remsi %scan3A_33, %select_n3A : i32
      %ne3A = arith.constant 0 : i32
      %ne3A_40 = arith.cmpi ne, %rem3A, %ne3A : i32
      %lt3A_41 = arith.constant 0 : i32
      %lt3A_42 = arith.cmpi slt, %rem3A, %lt3A_41 : i32
      %lt3A_43 = arith.constant 0 : i32
      %lt3A_44 = arith.cmpi slt, %select_n3A, %lt3A_43 : i32
      %ne3A_45 = arith.xori %lt3A_42, %lt3A_44 : i1
      %and3A = arith.andi %ne3A_45, %ne3A_40 : i1
      %add3A_46 = arith.addi %rem3A, %select_n3A : i32
      %select_n3A_47 = arith.select %and3A, %add3A_46, %rem3A : i32
      %eq3A_48 = arith.constant 0 : i32
      %eq3A_49 = arith.cmpi eq, %select_n3A_47, %eq3A_48 : i32
      %and3A_50 = arith.andi %lt3A_37, %eq3A_49 : i1
      %convert_element_type3A = arith.extui %and3A_50 : i1 to i32
      %cond3A = arith.constant 0 : i32
      %cond3A_51 = arith.cmpi ne, %convert_element_type3A, %cond3A : i32
      scf.if %cond3A_51 {
        %add3A_144 = arith.constant 1 : i32
        %add3A_145 = arith.addi %scan3A_33, %add3A_144 : i32
        %mul3A_146 = arith.constant 32 : i32
        %mul3A_147 = arith.muli %arg0, %mul3A_146 : i32
        %jit3A_148 = arith.constant 2 : i32
        %div3A = arith.divsi %add3A_145, %jit3A_148 : i32
        %sign3A = arith.constant 0 : i32
        %sign3A_149 = arith.cmpi sgt, %add3A_145, %sign3A : i32
        %sign3A_150 = arith.extui %sign3A_149 : i1 to i32
        %sign3A_151 = arith.constant 0 : i32
        %sign3A_152 = arith.cmpi slt, %add3A_145, %sign3A_151 : i32
        %sign3A_153 = arith.extui %sign3A_152 : i1 to i32
        %sign3A_154 = arith.subi %sign3A_150, %sign3A_153 : i32
        %sign3A_155 = arith.constant 0 : i32
        %sign3A_156 = arith.cmpi sgt, %jit3A_148, %sign3A_155 : i32
        %sign3A_157 = arith.extui %sign3A_156 : i1 to i32
        %sign3A_158 = arith.constant 0 : i32
        %sign3A_159 = arith.cmpi slt, %jit3A_148, %sign3A_158 : i32
        %sign3A_160 = arith.extui %sign3A_159 : i1 to i32
        %sign3A_161 = arith.subi %sign3A_157, %sign3A_160 : i32
        %ne3A_162 = arith.cmpi ne, %sign3A_154, %sign3A_161 : i32
        %rem3A_163 = arith.remsi %add3A_145, %jit3A_148 : i32
        %ne3A_164 = arith.constant 0 : i32
        %ne3A_165 = arith.cmpi ne, %rem3A_163, %ne3A_164 : i32
        %and3A_166 = arith.andi %ne3A_162, %ne3A_165 : i1
        %sub3A = arith.constant 1 : i32
        %sub3A_167 = arith.subi %div3A, %sub3A : i32
        %select_n3A_168 = arith.select %and3A_166, %sub3A_167, %div3A : i32
        %add3A_169 = arith.addi %mul3A_147, %select_n3A_168 : i32
        %jit3A_170 = arith.constant 2 : i32
        %eq3A_171 = arith.constant 0 : i32
        %eq3A_172 = arith.cmpi eq, %jit3A_170, %eq3A_171 : i32
        %jit3A_173 = arith.constant 1 : i32
        %select_n3A_174 = arith.select %eq3A_172, %jit3A_173, %jit3A_170 : i32
        %rem3A_175 = arith.remsi %add3A_145, %select_n3A_174 : i32
        %ne3A_176 = arith.constant 0 : i32
        %ne3A_177 = arith.cmpi ne, %rem3A_175, %ne3A_176 : i32
        %lt3A_178 = arith.constant 0 : i32
        %lt3A_179 = arith.cmpi slt, %rem3A_175, %lt3A_178 : i32
        %lt3A_180 = arith.constant 0 : i32
        %lt3A_181 = arith.cmpi slt, %select_n3A_174, %lt3A_180 : i32
        %ne3A_182 = arith.xori %lt3A_179, %lt3A_181 : i1
        %and3A_183 = arith.andi %ne3A_182, %ne3A_177 : i1
        %add3A_184 = arith.addi %rem3A_175, %select_n3A_174 : i32
        %select_n3A_185 = arith.select %and3A_183, %add3A_184, %rem3A_175 : i32
        %mul3A_186 = arith.constant 2048 : i32
        %mul3A_187 = arith.muli %select_n3A_185, %mul3A_186 : i32
        %dma_start3A_188 = arith.constant 2048 : i32
        %dma_start3A_189 = tpu.memref_slice %arg10[%dma_start3A_188] : memref<4096xf32, #tpu.memory_space<vmem>> -> memref<2048xf32, #tpu.memory_space<vmem>>
        %dma_start3A_190 = tpu.memref_slice %arg4[%arg1, %add3A_169, %mul3A_187] : memref<16x64x4096xf32, #tpu.memory_space<hbm>> -> memref<1x1x2048xf32, #tpu.memory_space<hbm>>
        %dma_start3A_191 = tpu.memref_squeeze %dma_start3A_190 : memref<1x1x2048xf32, #tpu.memory_space<hbm>> -> memref<2048xf32, #tpu.memory_space<hbm>>
        %dma_start3A_192 = arith.constant 2048 : i32
        %dma_start3A_193 = tpu.memref_slice %arg10[%dma_start3A_192] : memref<4096xf32, #tpu.memory_space<vmem>> -> memref<2048xf32, #tpu.memory_space<vmem>>
        %dma_start3A_194 = tpu.memref_slice %arg4[%arg1, %add3A_169, %mul3A_187] : memref<16x64x4096xf32, #tpu.memory_space<hbm>> -> memref<1x1x2048xf32, #tpu.memory_space<hbm>>
        %dma_start3A_195 = tpu.memref_squeeze %dma_start3A_194 : memref<1x1x2048xf32, #tpu.memory_space<hbm>> -> memref<2048xf32, #tpu.memory_space<hbm>>
        tpu.enqueue_dma source(%dma_start3A_195 : memref<2048xf32, #tpu.memory_space<hbm>>) target(%dma_start3A_193 : memref<2048xf32, #tpu.memory_space<vmem>>) target_semaphore(%arg13 : memref<!tpu.dma_semaphore, #tpu.memory_space<semaphore_mem>>)
      } else {
      }
      %add3A_52 = arith.constant 1 : i32
      %add3A_53 = arith.addi %scan3A_33, %add3A_52 : i32
      %lt3A_54 = arith.constant 64 : i32
      %lt3A_55 = arith.cmpi slt, %add3A_53, %lt3A_54 : i32
      %jit3A_56 = arith.constant 2 : i32
      %eq3A_57 = arith.constant 0 : i32
      %eq3A_58 = arith.cmpi eq, %jit3A_56, %eq3A_57 : i32
      %jit3A_59 = arith.constant 1 : i32
      %select_n3A_60 = arith.select %eq3A_58, %jit3A_59, %jit3A_56 : i32
      %rem3A_61 = arith.remsi %scan3A_33, %select_n3A_60 : i32
      %ne3A_62 = arith.constant 0 : i32
      %ne3A_63 = arith.cmpi ne, %rem3A_61, %ne3A_62 : i32
      %lt3A_64 = arith.constant 0 : i32
      %lt3A_65 = arith.cmpi slt, %rem3A_61, %lt3A_64 : i32
      %lt3A_66 = arith.constant 0 : i32
      %lt3A_67 = arith.cmpi slt, %select_n3A_60, %lt3A_66 : i32
      %ne3A_68 = arith.xori %lt3A_65, %lt3A_67 : i1
      %and3A_69 = arith.andi %ne3A_68, %ne3A_63 : i1
      %add3A_70 = arith.addi %rem3A_61, %select_n3A_60 : i32
      %select_n3A_71 = arith.select %and3A_69, %add3A_70, %rem3A_61 : i32
      %eq3A_72 = arith.constant 1 : i32
      %eq3A_73 = arith.cmpi eq, %select_n3A_71, %eq3A_72 : i32
      %and3A_74 = arith.andi %lt3A_55, %eq3A_73 : i1
      %convert_element_type3A_75 = arith.extui %and3A_74 : i1 to i32
      %cond3A_76 = arith.constant 0 : i32
      %cond3A_77 = arith.cmpi ne, %convert_element_type3A_75, %cond3A_76 : i32
      scf.if %cond3A_77 {
        %add3A_144 = arith.constant 1 : i32
        %add3A_145 = arith.addi %scan3A_33, %add3A_144 : i32
        %mul3A_146 = arith.constant 32 : i32
        %mul3A_147 = arith.muli %arg0, %mul3A_146 : i32
        %jit3A_148 = arith.constant 2 : i32
        %div3A = arith.divsi %add3A_145, %jit3A_148 : i32
        %sign3A = arith.constant 0 : i32
        %sign3A_149 = arith.cmpi sgt, %add3A_145, %sign3A : i32
        %sign3A_150 = arith.extui %sign3A_149 : i1 to i32
        %sign3A_151 = arith.constant 0 : i32
        %sign3A_152 = arith.cmpi slt, %add3A_145, %sign3A_151 : i32
        %sign3A_153 = arith.extui %sign3A_152 : i1 to i32
        %sign3A_154 = arith.subi %sign3A_150, %sign3A_153 : i32
        %sign3A_155 = arith.constant 0 : i32
        %sign3A_156 = arith.cmpi sgt, %jit3A_148, %sign3A_155 : i32
        %sign3A_157 = arith.extui %sign3A_156 : i1 to i32
        %sign3A_158 = arith.constant 0 : i32
        %sign3A_159 = arith.cmpi slt, %jit3A_148, %sign3A_158 : i32
        %sign3A_160 = arith.extui %sign3A_159 : i1 to i32
        %sign3A_161 = arith.subi %sign3A_157, %sign3A_160 : i32
        %ne3A_162 = arith.cmpi ne, %sign3A_154, %sign3A_161 : i32
        %rem3A_163 = arith.remsi %add3A_145, %jit3A_148 : i32
        %ne3A_164 = arith.constant 0 : i32
        %ne3A_165 = arith.cmpi ne, %rem3A_163, %ne3A_164 : i32
        %and3A_166 = arith.andi %ne3A_162, %ne3A_165 : i1
        %sub3A = arith.constant 1 : i32
        %sub3A_167 = arith.subi %div3A, %sub3A : i32
        %select_n3A_168 = arith.select %and3A_166, %sub3A_167, %div3A : i32
        %add3A_169 = arith.addi %mul3A_147, %select_n3A_168 : i32
        %jit3A_170 = arith.constant 2 : i32
        %eq3A_171 = arith.constant 0 : i32
        %eq3A_172 = arith.cmpi eq, %jit3A_170, %eq3A_171 : i32
        %jit3A_173 = arith.constant 1 : i32
        %select_n3A_174 = arith.select %eq3A_172, %jit3A_173, %jit3A_170 : i32
        %rem3A_175 = arith.remsi %add3A_145, %select_n3A_174 : i32
        %ne3A_176 = arith.constant 0 : i32
        %ne3A_177 = arith.cmpi ne, %rem3A_175, %ne3A_176 : i32
        %lt3A_178 = arith.constant 0 : i32
        %lt3A_179 = arith.cmpi slt, %rem3A_175, %lt3A_178 : i32
        %lt3A_180 = arith.constant 0 : i32
        %lt3A_181 = arith.cmpi slt, %select_n3A_174, %lt3A_180 : i32
        %ne3A_182 = arith.xori %lt3A_179, %lt3A_181 : i1
        %and3A_183 = arith.andi %ne3A_182, %ne3A_177 : i1
        %add3A_184 = arith.addi %rem3A_175, %select_n3A_174 : i32
        %select_n3A_185 = arith.select %and3A_183, %add3A_184, %rem3A_175 : i32
        %mul3A_186 = arith.constant 2048 : i32
        %mul3A_187 = arith.muli %select_n3A_185, %mul3A_186 : i32
        %dma_start3A_188 = arith.constant 0 : i32
        %dma_start3A_189 = tpu.memref_slice %arg10[%dma_start3A_188] : memref<4096xf32, #tpu.memory_space<vmem>> -> memref<2048xf32, #tpu.memory_space<vmem>>
        %dma_start3A_190 = tpu.memref_slice %arg4[%arg1, %add3A_169, %mul3A_187] : memref<16x64x4096xf32, #tpu.memory_space<hbm>> -> memref<1x1x2048xf32, #tpu.memory_space<hbm>>
        %dma_start3A_191 = tpu.memref_squeeze %dma_start3A_190 : memref<1x1x2048xf32, #tpu.memory_space<hbm>> -> memref<2048xf32, #tpu.memory_space<hbm>>
        %dma_start3A_192 = arith.constant 0 : i32
        %dma_start3A_193 = tpu.memref_slice %arg10[%dma_start3A_192] : memref<4096xf32, #tpu.memory_space<vmem>> -> memref<2048xf32, #tpu.memory_space<vmem>>
        %dma_start3A_194 = tpu.memref_slice %arg4[%arg1, %add3A_169, %mul3A_187] : memref<16x64x4096xf32, #tpu.memory_space<hbm>> -> memref<1x1x2048xf32, #tpu.memory_space<hbm>>
        %dma_start3A_195 = tpu.memref_squeeze %dma_start3A_194 : memref<1x1x2048xf32, #tpu.memory_space<hbm>> -> memref<2048xf32, #tpu.memory_space<hbm>>
        tpu.enqueue_dma source(%dma_start3A_195 : memref<2048xf32, #tpu.memory_space<hbm>>) target(%dma_start3A_193 : memref<2048xf32, #tpu.memory_space<vmem>>) target_semaphore(%arg12 : memref<!tpu.dma_semaphore, #tpu.memory_space<semaphore_mem>>)
      } else {
      }
      %jit3A_78 = arith.constant 2 : i32
      %eq3A_79 = arith.constant 0 : i32
      %eq3A_80 = arith.cmpi eq, %jit3A_78, %eq3A_79 : i32
      %jit3A_81 = arith.constant 1 : i32
      %select_n3A_82 = arith.select %eq3A_80, %jit3A_81, %jit3A_78 : i32
      %rem3A_83 = arith.remsi %scan3A_33, %select_n3A_82 : i32
      %ne3A_84 = arith.constant 0 : i32
      %ne3A_85 = arith.cmpi ne, %rem3A_83, %ne3A_84 : i32
      %lt3A_86 = arith.constant 0 : i32
      %lt3A_87 = arith.cmpi slt, %rem3A_83, %lt3A_86 : i32
      %lt3A_88 = arith.constant 0 : i32
      %lt3A_89 = arith.cmpi slt, %select_n3A_82, %lt3A_88 : i32
      %ne3A_90 = arith.xori %lt3A_87, %lt3A_89 : i1
      %and3A_91 = arith.andi %ne3A_90, %ne3A_85 : i1
      %add3A_92 = arith.addi %rem3A_83, %select_n3A_82 : i32
      %select_n3A_93 = arith.select %and3A_91, %add3A_92, %rem3A_83 : i32
      %eq3A_94 = arith.constant 0 : i32
      %eq3A_95 = arith.cmpi eq, %select_n3A_93, %eq3A_94 : i32
      %convert_element_type3A_96 = arith.extui %eq3A_95 : i1 to i32
      %cond3A_97 = arith.constant 0 : i32
      %cond3A_98 = arith.cmpi ne, %convert_element_type3A_96, %cond3A_97 : i32
      scf.if %cond3A_98 {
        %mul3A_144 = arith.constant 32 : i32
        %mul3A_145 = arith.muli %arg0, %mul3A_144 : i32
        %jit3A_146 = arith.constant 2 : i32
        %div3A = arith.divsi %scan3A_33, %jit3A_146 : i32
        %sign3A = arith.constant 0 : i32
        %sign3A_147 = arith.cmpi sgt, %scan3A_33, %sign3A : i32
        %sign3A_148 = arith.extui %sign3A_147 : i1 to i32
        %sign3A_149 = arith.constant 0 : i32
        %sign3A_150 = arith.cmpi slt, %scan3A_33, %sign3A_149 : i32
        %sign3A_151 = arith.extui %sign3A_150 : i1 to i32
        %sign3A_152 = arith.subi %sign3A_148, %sign3A_151 : i32
        %sign3A_153 = arith.constant 0 : i32
        %sign3A_154 = arith.cmpi sgt, %jit3A_146, %sign3A_153 : i32
        %sign3A_155 = arith.extui %sign3A_154 : i1 to i32
        %sign3A_156 = arith.constant 0 : i32
        %sign3A_157 = arith.cmpi slt, %jit3A_146, %sign3A_156 : i32
        %sign3A_158 = arith.extui %sign3A_157 : i1 to i32
        %sign3A_159 = arith.subi %sign3A_155, %sign3A_158 : i32
        %ne3A_160 = arith.cmpi ne, %sign3A_152, %sign3A_159 : i32
        %rem3A_161 = arith.remsi %scan3A_33, %jit3A_146 : i32
        %ne3A_162 = arith.constant 0 : i32
        %ne3A_163 = arith.cmpi ne, %rem3A_161, %ne3A_162 : i32
        %and3A_164 = arith.andi %ne3A_160, %ne3A_163 : i1
        %sub3A = arith.constant 1 : i32
        %sub3A_165 = arith.subi %div3A, %sub3A : i32
        %select_n3A_166 = arith.select %and3A_164, %sub3A_165, %div3A : i32
        %add3A_167 = arith.addi %mul3A_145, %select_n3A_166 : i32
        %jit3A_168 = arith.constant 2 : i32
        %eq3A_169 = arith.constant 0 : i32
        %eq3A_170 = arith.cmpi eq, %jit3A_168, %eq3A_169 : i32
        %jit3A_171 = arith.constant 1 : i32
        %select_n3A_172 = arith.select %eq3A_170, %jit3A_171, %jit3A_168 : i32
        %rem3A_173 = arith.remsi %scan3A_33, %select_n3A_172 : i32
        %ne3A_174 = arith.constant 0 : i32
        %ne3A_175 = arith.cmpi ne, %rem3A_173, %ne3A_174 : i32
        %lt3A_176 = arith.constant 0 : i32
        %lt3A_177 = arith.cmpi slt, %rem3A_173, %lt3A_176 : i32
        %lt3A_178 = arith.constant 0 : i32
        %lt3A_179 = arith.cmpi slt, %select_n3A_172, %lt3A_178 : i32
        %ne3A_180 = arith.xori %lt3A_177, %lt3A_179 : i1
        %and3A_181 = arith.andi %ne3A_180, %ne3A_175 : i1
        %add3A_182 = arith.addi %rem3A_173, %select_n3A_172 : i32
        %select_n3A_183 = arith.select %and3A_181, %add3A_182, %rem3A_173 : i32
        %mul3A_184 = arith.constant 2048 : i32
        %mul3A_185 = arith.muli %select_n3A_183, %mul3A_184 : i32
        %dma_wait3A = arith.constant 0 : i32
        %dma_wait3A_186 = tpu.memref_slice %arg10[%dma_wait3A] : memref<4096xf32, #tpu.memory_space<vmem>> -> memref<2048xf32, #tpu.memory_space<vmem>>
        %dma_wait3A_187 = tpu.memref_slice %arg4[%arg1, %add3A_167, %mul3A_185] : memref<16x64x4096xf32, #tpu.memory_space<hbm>> -> memref<1x1x2048xf32, #tpu.memory_space<hbm>>
        %dma_wait3A_188 = tpu.memref_squeeze %dma_wait3A_187 : memref<1x1x2048xf32, #tpu.memory_space<hbm>> -> memref<2048xf32, #tpu.memory_space<hbm>>
        %dma_wait3A_189 = arith.constant 0 : i32
        %dma_wait3A_190 = tpu.memref_slice %arg10[%dma_wait3A_189] : memref<4096xf32, #tpu.memory_space<vmem>> -> memref<2048xf32, #tpu.memory_space<vmem>>
        %dma_wait3A_191 = tpu.memref_slice %arg4[%arg1, %add3A_167, %mul3A_185] : memref<16x64x4096xf32, #tpu.memory_space<hbm>> -> memref<1x1x2048xf32, #tpu.memory_space<hbm>>
        %dma_wait3A_192 = tpu.memref_squeeze %dma_wait3A_191 : memref<1x1x2048xf32, #tpu.memory_space<hbm>> -> memref<2048xf32, #tpu.memory_space<hbm>>
        tpu.wait_dma2 semaphore(%arg12 : memref<!tpu.dma_semaphore, #tpu.memory_space<semaphore_mem>>) src(%dma_wait3A_192 : memref<2048xf32, #tpu.memory_space<hbm>>) dst(%dma_wait3A_190 : memref<2048xf32, #tpu.memory_space<vmem>>)
      } else {
      }
      %jit3A_99 = arith.constant 2 : i32
      %eq3A_100 = arith.constant 0 : i32
      %eq3A_101 = arith.cmpi eq, %jit3A_99, %eq3A_100 : i32
      %jit3A_102 = arith.constant 1 : i32
      %select_n3A_103 = arith.select %eq3A_101, %jit3A_102, %jit3A_99 : i32
      %rem3A_104 = arith.remsi %scan3A_33, %select_n3A_103 : i32
      %ne3A_105 = arith.constant 0 : i32
      %ne3A_106 = arith.cmpi ne, %rem3A_104, %ne3A_105 : i32
      %lt3A_107 = arith.constant 0 : i32
      %lt3A_108 = arith.cmpi slt, %rem3A_104, %lt3A_107 : i32
      %lt3A_109 = arith.constant 0 : i32
      %lt3A_110 = arith.cmpi slt, %select_n3A_103, %lt3A_109 : i32
      %ne3A_111 = arith.xori %lt3A_108, %lt3A_110 : i1
      %and3A_112 = arith.andi %ne3A_111, %ne3A_106 : i1
      %add3A_113 = arith.addi %rem3A_104, %select_n3A_103 : i32
      %select_n3A_114 = arith.select %and3A_112, %add3A_113, %rem3A_104 : i32
      %eq3A_115 = arith.constant 1 : i32
      %eq3A_116 = arith.cmpi eq, %select_n3A_114, %eq3A_115 : i32
      %convert_element_type3A_117 = arith.extui %eq3A_116 : i1 to i32
      %cond3A_118 = arith.constant 0 : i32
      %cond3A_119 = arith.cmpi ne, %convert_element_type3A_117, %cond3A_118 : i32
      scf.if %cond3A_119 {
        %mul3A_144 = arith.constant 32 : i32
        %mul3A_145 = arith.muli %arg0, %mul3A_144 : i32
        %jit3A_146 = arith.constant 2 : i32
        %div3A = arith.divsi %scan3A_33, %jit3A_146 : i32
        %sign3A = arith.constant 0 : i32
        %sign3A_147 = arith.cmpi sgt, %scan3A_33, %sign3A : i32
        %sign3A_148 = arith.extui %sign3A_147 : i1 to i32
        %sign3A_149 = arith.constant 0 : i32
        %sign3A_150 = arith.cmpi slt, %scan3A_33, %sign3A_149 : i32
        %sign3A_151 = arith.extui %sign3A_150 : i1 to i32
        %sign3A_152 = arith.subi %sign3A_148, %sign3A_151 : i32
        %sign3A_153 = arith.constant 0 : i32
        %sign3A_154 = arith.cmpi sgt, %jit3A_146, %sign3A_153 : i32
        %sign3A_155 = arith.extui %sign3A_154 : i1 to i32
        %sign3A_156 = arith.constant 0 : i32
        %sign3A_157 = arith.cmpi slt, %jit3A_146, %sign3A_156 : i32
        %sign3A_158 = arith.extui %sign3A_157 : i1 to i32
        %sign3A_159 = arith.subi %sign3A_155, %sign3A_158 : i32
        %ne3A_160 = arith.cmpi ne, %sign3A_152, %sign3A_159 : i32
        %rem3A_161 = arith.remsi %scan3A_33, %jit3A_146 : i32
        %ne3A_162 = arith.constant 0 : i32
        %ne3A_163 = arith.cmpi ne, %rem3A_161, %ne3A_162 : i32
        %and3A_164 = arith.andi %ne3A_160, %ne3A_163 : i1
        %sub3A = arith.constant 1 : i32
        %sub3A_165 = arith.subi %div3A, %sub3A : i32
        %select_n3A_166 = arith.select %and3A_164, %sub3A_165, %div3A : i32
        %add3A_167 = arith.addi %mul3A_145, %select_n3A_166 : i32
        %jit3A_168 = arith.constant 2 : i32
        %eq3A_169 = arith.constant 0 : i32
        %eq3A_170 = arith.cmpi eq, %jit3A_168, %eq3A_169 : i32
        %jit3A_171 = arith.constant 1 : i32
        %select_n3A_172 = arith.select %eq3A_170, %jit3A_171, %jit3A_168 : i32
        %rem3A_173 = arith.remsi %scan3A_33, %select_n3A_172 : i32
        %ne3A_174 = arith.constant 0 : i32
        %ne3A_175 = arith.cmpi ne, %rem3A_173, %ne3A_174 : i32
        %lt3A_176 = arith.constant 0 : i32
        %lt3A_177 = arith.cmpi slt, %rem3A_173, %lt3A_176 : i32
        %lt3A_178 = arith.constant 0 : i32
        %lt3A_179 = arith.cmpi slt, %select_n3A_172, %lt3A_178 : i32
        %ne3A_180 = arith.xori %lt3A_177, %lt3A_179 : i1
        %and3A_181 = arith.andi %ne3A_180, %ne3A_175 : i1
        %add3A_182 = arith.addi %rem3A_173, %select_n3A_172 : i32
        %select_n3A_183 = arith.select %and3A_181, %add3A_182, %rem3A_173 : i32
        %mul3A_184 = arith.constant 2048 : i32
        %mul3A_185 = arith.muli %select_n3A_183, %mul3A_184 : i32
        %dma_wait3A = arith.constant 2048 : i32
        %dma_wait3A_186 = tpu.memref_slice %arg10[%dma_wait3A] : memref<4096xf32, #tpu.memory_space<vmem>> -> memref<2048xf32, #tpu.memory_space<vmem>>
        %dma_wait3A_187 = tpu.memref_slice %arg4[%arg1, %add3A_167, %mul3A_185] : memref<16x64x4096xf32, #tpu.memory_space<hbm>> -> memref<1x1x2048xf32, #tpu.memory_space<hbm>>
        %dma_wait3A_188 = tpu.memref_squeeze %dma_wait3A_187 : memref<1x1x2048xf32, #tpu.memory_space<hbm>> -> memref<2048xf32, #tpu.memory_space<hbm>>
        %dma_wait3A_189 = arith.constant 2048 : i32
        %dma_wait3A_190 = tpu.memref_slice %arg10[%dma_wait3A_189] : memref<4096xf32, #tpu.memory_space<vmem>> -> memref<2048xf32, #tpu.memory_space<vmem>>
        %dma_wait3A_191 = tpu.memref_slice %arg4[%arg1, %add3A_167, %mul3A_185] : memref<16x64x4096xf32, #tpu.memory_space<hbm>> -> memref<1x1x2048xf32, #tpu.memory_space<hbm>>
        %dma_wait3A_192 = tpu.memref_squeeze %dma_wait3A_191 : memref<1x1x2048xf32, #tpu.memory_space<hbm>> -> memref<2048xf32, #tpu.memory_space<hbm>>
        tpu.wait_dma2 semaphore(%arg13 : memref<!tpu.dma_semaphore, #tpu.memory_space<semaphore_mem>>) src(%dma_wait3A_192 : memref<2048xf32, #tpu.memory_space<hbm>>) dst(%dma_wait3A_190 : memref<2048xf32, #tpu.memory_space<vmem>>)
      } else {
      }
      %jit3A_120 = arith.constant 2 : i32
      %eq3A_121 = arith.constant 0 : i32
      %eq3A_122 = arith.cmpi eq, %jit3A_120, %eq3A_121 : i32
      %jit3A_123 = arith.constant 1 : i32
      %select_n3A_124 = arith.select %eq3A_122, %jit3A_123, %jit3A_120 : i32
      %rem3A_125 = arith.remsi %scan3A_33, %select_n3A_124 : i32
      %ne3A_126 = arith.constant 0 : i32
      %ne3A_127 = arith.cmpi ne, %rem3A_125, %ne3A_126 : i32
      %lt3A_128 = arith.constant 0 : i32
      %lt3A_129 = arith.cmpi slt, %rem3A_125, %lt3A_128 : i32
      %lt3A_130 = arith.constant 0 : i32
      %lt3A_131 = arith.cmpi slt, %select_n3A_124, %lt3A_130 : i32
      %ne3A_132 = arith.xori %lt3A_129, %lt3A_131 : i1
      %and3A_133 = arith.andi %ne3A_132, %ne3A_127 : i1
      %add3A_134 = arith.addi %rem3A_125, %select_n3A_124 : i32
      %select_n3A_135 = arith.select %and3A_133, %add3A_134, %rem3A_125 : i32
      %mul3A_136 = arith.constant 2048 : i32
      %mul3A_137 = arith.muli %select_n3A_135, %mul3A_136 : i32
      %scan3A_138 = arith.constant 0 : i32
      %scan3A_139 = arith.constant 16 : i32
      %scan3A_140 = arith.addi %scan3A_138, %scan3A_139 : i32
      %scan3A_141 = arith.constant 1 : i32
      %scan3A_142 = scf.for %scan3A_144 = %scan3A_138 to %scan3A_140 step %scan3A_141 iter_args(%scan3A_145 = %scan3A_34) -> (vector<16xf32>)  : i32 {
        %mul3A_146 = arith.constant 8 : i32
        %mul3A_147 = arith.muli %scan3A_144, %mul3A_146 : i32
        %add3A_148 = arith.constant 0 : i32
        %add3A_149 = arith.addi %mul3A_147, %add3A_148 : i32
        %mul3A_150 = arith.constant 16 : i32
        %mul3A_151 = arith.muli %add3A_149, %mul3A_150 : i32
        %add3A_152 = arith.addi %mul3A_137, %mul3A_151 : i32
        %get3A = arith.index_cast %add3A_152 : i32 to index
        %get3A_153 = tpu.vector_load %arg10[%get3A] {strides = array<i32>} : memref<4096xf32, #tpu.memory_space<vmem>>, vector<16xf32>,
        %mul3A_154 = arith.constant 8 : i32
        %mul3A_155 = arith.muli %scan3A_144, %mul3A_154 : i32
        %add3A_156 = arith.constant 1 : i32
        %add3A_157 = arith.addi %mul3A_155, %add3A_156 : i32
        %mul3A_158 = arith.constant 16 : i32
        %mul3A_159 = arith.muli %add3A_157, %mul3A_158 : i32
        %add3A_160 = arith.addi %mul3A_137, %mul3A_159 : i32
        %get3A_161 = arith.index_cast %add3A_160 : i32 to index
        %get3A_162 = tpu.vector_load %arg10[%get3A_161] {strides = array<i32>} : memref<4096xf32, #tpu.memory_space<vmem>>, vector<16xf32>,
        %mul3A_163 = arith.constant 8 : i32
        %mul3A_164 = arith.muli %scan3A_144, %mul3A_163 : i32
        %add3A_165 = arith.constant 2 : i32
        %add3A_166 = arith.addi %mul3A_164, %add3A_165 : i32
        %mul3A_167 = arith.constant 16 : i32
        %mul3A_168 = arith.muli %add3A_166, %mul3A_167 : i32
        %add3A_169 = arith.addi %mul3A_137, %mul3A_168 : i32
        %get3A_170 = arith.index_cast %add3A_169 : i32 to index
        %get3A_171 = tpu.vector_load %arg10[%get3A_170] {strides = array<i32>} : memref<4096xf32, #tpu.memory_space<vmem>>, vector<16xf32>,
        %mul3A_172 = arith.constant 8 : i32
        %mul3A_173 = arith.muli %scan3A_144, %mul3A_172 : i32
        %add3A_174 = arith.constant 3 : i32
        %add3A_175 = arith.addi %mul3A_173, %add3A_174 : i32
        %mul3A_176 = arith.constant 16 : i32
        %mul3A_177 = arith.muli %add3A_175, %mul3A_176 : i32
        %add3A_178 = arith.addi %mul3A_137, %mul3A_177 : i32
        %get3A_179 = arith.index_cast %add3A_178 : i32 to index
        %get3A_180 = tpu.vector_load %arg10[%get3A_179] {strides = array<i32>} : memref<4096xf32, #tpu.memory_space<vmem>>, vector<16xf32>,
        %mul3A_181 = arith.constant 8 : i32
        %mul3A_182 = arith.muli %scan3A_144, %mul3A_181 : i32
        %add3A_183 = arith.constant 4 : i32
        %add3A_184 = arith.addi %mul3A_182, %add3A_183 : i32
        %mul3A_185 = arith.constant 16 : i32
        %mul3A_186 = arith.muli %add3A_184, %mul3A_185 : i32
        %add3A_187 = arith.addi %mul3A_137, %mul3A_186 : i32
        %get3A_188 = arith.index_cast %add3A_187 : i32 to index
        %get3A_189 = tpu.vector_load %arg10[%get3A_188] {strides = array<i32>} : memref<4096xf32, #tpu.memory_space<vmem>>, vector<16xf32>,
        %mul3A_190 = arith.constant 8 : i32
        %mul3A_191 = arith.muli %scan3A_144, %mul3A_190 : i32
        %add3A_192 = arith.constant 5 : i32
        %add3A_193 = arith.addi %mul3A_191, %add3A_192 : i32
        %mul3A_194 = arith.constant 16 : i32
        %mul3A_195 = arith.muli %add3A_193, %mul3A_194 : i32
        %add3A_196 = arith.addi %mul3A_137, %mul3A_195 : i32
        %get3A_197 = arith.index_cast %add3A_196 : i32 to index
        %get3A_198 = tpu.vector_load %arg10[%get3A_197] {strides = array<i32>} : memref<4096xf32, #tpu.memory_space<vmem>>, vector<16xf32>,
        %mul3A_199 = arith.constant 8 : i32
        %mul3A_200 = arith.muli %scan3A_144, %mul3A_199 : i32
        %add3A_201 = arith.constant 6 : i32
        %add3A_202 = arith.addi %mul3A_200, %add3A_201 : i32
        %mul3A_203 = arith.constant 16 : i32
        %mul3A_204 = arith.muli %add3A_202, %mul3A_203 : i32
        %add3A_205 = arith.addi %mul3A_137, %mul3A_204 : i32
        %get3A_206 = arith.index_cast %add3A_205 : i32 to index
        %get3A_207 = tpu.vector_load %arg10[%get3A_206] {strides = array<i32>} : memref<4096xf32, #tpu.memory_space<vmem>>, vector<16xf32>,
        %mul3A_208 = arith.constant 8 : i32
        %mul3A_209 = arith.muli %scan3A_144, %mul3A_208 : i32
        %add3A_210 = arith.constant 7 : i32
        %add3A_211 = arith.addi %mul3A_209, %add3A_210 : i32
        %mul3A_212 = arith.constant 16 : i32
        %mul3A_213 = arith.muli %add3A_211, %mul3A_212 : i32
        %add3A_214 = arith.addi %mul3A_137, %mul3A_213 : i32
        %get3A_215 = arith.index_cast %add3A_214 : i32 to index
        %get3A_216 = tpu.vector_load %arg10[%get3A_215] {strides = array<i32>} : memref<4096xf32, #tpu.memory_space<vmem>>, vector<16xf32>,
        %bitcast_convert_type3A = tpu.bitcast %get3A_153 : vector<16xf32> -> vector<16xi32>
        %bitcast_convert_type3A_217 = tpu.bitcast %get3A_162 : vector<16xf32> -> vector<16xi32>
        %bitcast_convert_type3A_218 = tpu.bitcast %get3A_171 : vector<16xf32> -> vector<16xi32>
        %bitcast_convert_type3A_219 = tpu.bitcast %get3A_180 : vector<16xf32> -> vector<16xi32>
        %bitcast_convert_type3A_220 = tpu.bitcast %get3A_189 : vector<16xf32> -> vector<16xi32>
        %bitcast_convert_type3A_221 = tpu.bitcast %get3A_198 : vector<16xf32> -> vector<16xi32>
        %bitcast_convert_type3A_222 = tpu.bitcast %get3A_207 : vector<16xf32> -> vector<16xi32>
        %bitcast_convert_type3A_223 = tpu.bitcast %get3A_216 : vector<16xf32> -> vector<16xi32>
        %bitcast_convert_type3A_224 = tpu.bitcast %get3A_153 : vector<16xf32> -> vector<16xi32>
        %shift_right_arithmetic3A = arith.constant 18 : i32
        %shift_right_arithmetic3A_225 = vector.broadcast %shift_right_arithmetic3A : i32 to vector<16xi32>
        %shift_right_arithmetic3A_226 = arith.shrsi %bitcast_convert_type3A_224, %shift_right_arithmetic3A_225 : vector<16xi32>
        %max3A = arith.constant 3424 : i32
        %max3A_227 = vector.broadcast %max3A : i32 to vector<16xi32>
        %max3A_228 = arith.maxsi %shift_right_arithmetic3A_226, %max3A_227 : vector<16xi32>
        %min3A = arith.constant 4447 : i32
        %min3A_229 = vector.broadcast %min3A : i32 to vector<16xi32>
        %min3A_230 = arith.minsi %max3A_228, %min3A_229 : vector<16xi32>
        %sub3A = arith.constant 3424 : i32
        %sub3A_231 = vector.broadcast %sub3A : i32 to vector<16xi32>
        %sub3A_232 = arith.subi %min3A_230, %sub3A_231 : vector<16xi32>
        %mul3A_233 = arith.constant 16 : i32
        %mul3A_234 = vector.broadcast %mul3A_233 : i32 to vector<16xi32>
        %mul3A_235 = arith.muli %sub3A_232, %mul3A_234 : vector<16xi32>
        %add3A_236 = arith.addi %mul3A_235, %iota3A : vector<16xi32>
        %bitcast_convert_type3A_237 = tpu.bitcast %get3A_162 : vector<16xf32> -> vector<16xi32>
        %shift_right_arithmetic3A_238 = arith.constant 18 : i32
        %shift_right_arithmetic3A_239 = vector.broadcast %shift_right_arithmetic3A_238 : i32 to vector<16xi32>
        %shift_right_arithmetic3A_240 = arith.shrsi %bitcast_convert_type3A_237, %shift_right_arithmetic3A_239 : vector<16xi32>
        %max3A_241 = arith.constant 3424 : i32
        %max3A_242 = vector.broadcast %max3A_241 : i32 to vector<16xi32>
        %max3A_243 = arith.maxsi %shift_right_arithmetic3A_240, %max3A_242 : vector<16xi32>
        %min3A_244 = arith.constant 4447 : i32
        %min3A_245 = vector.broadcast %min3A_244 : i32 to vector<16xi32>
        %min3A_246 = arith.minsi %max3A_243, %min3A_245 : vector<16xi32>
        %sub3A_247 = arith.constant 3424 : i32
        %sub3A_248 = vector.broadcast %sub3A_247 : i32 to vector<16xi32>
        %sub3A_249 = arith.subi %min3A_246, %sub3A_248 : vector<16xi32>
        %mul3A_250 = arith.constant 16 : i32
        %mul3A_251 = vector.broadcast %mul3A_250 : i32 to vector<16xi32>
        %mul3A_252 = arith.muli %sub3A_249, %mul3A_251 : vector<16xi32>
        %add3A_253 = arith.addi %mul3A_252, %iota3A : vector<16xi32>
        %bitcast_convert_type3A_254 = tpu.bitcast %get3A_171 : vector<16xf32> -> vector<16xi32>
        %shift_right_arithmetic3A_255 = arith.constant 18 : i32
        %shift_right_arithmetic3A_256 = vector.broadcast %shift_right_arithmetic3A_255 : i32 to vector<16xi32>
        %shift_right_arithmetic3A_257 = arith.shrsi %bitcast_convert_type3A_254, %shift_right_arithmetic3A_256 : vector<16xi32>
        %max3A_258 = arith.constant 3424 : i32
        %max3A_259 = vector.broadcast %max3A_258 : i32 to vector<16xi32>
        %max3A_260 = arith.maxsi %shift_right_arithmetic3A_257, %max3A_259 : vector<16xi32>
        %min3A_261 = arith.constant 4447 : i32
        %min3A_262 = vector.broadcast %min3A_261 : i32 to vector<16xi32>
        %min3A_263 = arith.minsi %max3A_260, %min3A_262 : vector<16xi32>
        %sub3A_264 = arith.constant 3424 : i32
        %sub3A_265 = vector.broadcast %sub3A_264 : i32 to vector<16xi32>
        %sub3A_266 = arith.subi %min3A_263, %sub3A_265 : vector<16xi32>
        %mul3A_267 = arith.constant 16 : i32
        %mul3A_268 = vector.broadcast %mul3A_267 : i32 to vector<16xi32>
        %mul3A_269 = arith.muli %sub3A_266, %mul3A_268 : vector<16xi32>
        %add3A_270 = arith.addi %mul3A_269, %iota3A : vector<16xi32>
        %bitcast_convert_type3A_271 = tpu.bitcast %get3A_180 : vector<16xf32> -> vector<16xi32>
        %shift_right_arithmetic3A_272 = arith.constant 18 : i32
        %shift_right_arithmetic3A_273 = vector.broadcast %shift_right_arithmetic3A_272 : i32 to vector<16xi32>
        %shift_right_arithmetic3A_274 = arith.shrsi %bitcast_convert_type3A_271, %shift_right_arithmetic3A_273 : vector<16xi32>
        %max3A_275 = arith.constant 3424 : i32
        %max3A_276 = vector.broadcast %max3A_275 : i32 to vector<16xi32>
        %max3A_277 = arith.maxsi %shift_right_arithmetic3A_274, %max3A_276 : vector<16xi32>
        %min3A_278 = arith.constant 4447 : i32
        %min3A_279 = vector.broadcast %min3A_278 : i32 to vector<16xi32>
        %min3A_280 = arith.minsi %max3A_277, %min3A_279 : vector<16xi32>
        %sub3A_281 = arith.constant 3424 : i32
        %sub3A_282 = vector.broadcast %sub3A_281 : i32 to vector<16xi32>
        %sub3A_283 = arith.subi %min3A_280, %sub3A_282 : vector<16xi32>
        %mul3A_284 = arith.constant 16 : i32
        %mul3A_285 = vector.broadcast %mul3A_284 : i32 to vector<16xi32>
        %mul3A_286 = arith.muli %sub3A_283, %mul3A_285 : vector<16xi32>
        %add3A_287 = arith.addi %mul3A_286, %iota3A : vector<16xi32>
        %bitcast_convert_type3A_288 = tpu.bitcast %get3A_189 : vector<16xf32> -> vector<16xi32>
        %shift_right_arithmetic3A_289 = arith.constant 18 : i32
        %shift_right_arithmetic3A_290 = vector.broadcast %shift_right_arithmetic3A_289 : i32 to vector<16xi32>
        %shift_right_arithmetic3A_291 = arith.shrsi %bitcast_convert_type3A_288, %shift_right_arithmetic3A_290 : vector<16xi32>
        %max3A_292 = arith.constant 3424 : i32
        %max3A_293 = vector.broadcast %max3A_292 : i32 to vector<16xi32>
        %max3A_294 = arith.maxsi %shift_right_arithmetic3A_291, %max3A_293 : vector<16xi32>
        %min3A_295 = arith.constant 4447 : i32
        %min3A_296 = vector.broadcast %min3A_295 : i32 to vector<16xi32>
        %min3A_297 = arith.minsi %max3A_294, %min3A_296 : vector<16xi32>
        %sub3A_298 = arith.constant 3424 : i32
        %sub3A_299 = vector.broadcast %sub3A_298 : i32 to vector<16xi32>
        %sub3A_300 = arith.subi %min3A_297, %sub3A_299 : vector<16xi32>
        %mul3A_301 = arith.constant 16 : i32
        %mul3A_302 = vector.broadcast %mul3A_301 : i32 to vector<16xi32>
        %mul3A_303 = arith.muli %sub3A_300, %mul3A_302 : vector<16xi32>
        %add3A_304 = arith.addi %mul3A_303, %iota3A : vector<16xi32>
        %bitcast_convert_type3A_305 = tpu.bitcast %get3A_198 : vector<16xf32> -> vector<16xi32>
        %shift_right_arithmetic3A_306 = arith.constant 18 : i32
        %shift_right_arithmetic3A_307 = vector.broadcast %shift_right_arithmetic3A_306 : i32 to vector<16xi32>
        %shift_right_arithmetic3A_308 = arith.shrsi %bitcast_convert_type3A_305, %shift_right_arithmetic3A_307 : vector<16xi32>
        %max3A_309 = arith.constant 3424 : i32
        %max3A_310 = vector.broadcast %max3A_309 : i32 to vector<16xi32>
        %max3A_311 = arith.maxsi %shift_right_arithmetic3A_308, %max3A_310 : vector<16xi32>
        %min3A_312 = arith.constant 4447 : i32
        %min3A_313 = vector.broadcast %min3A_312 : i32 to vector<16xi32>
        %min3A_314 = arith.minsi %max3A_311, %min3A_313 : vector<16xi32>
        %sub3A_315 = arith.constant 3424 : i32
        %sub3A_316 = vector.broadcast %sub3A_315 : i32 to vector<16xi32>
        %sub3A_317 = arith.subi %min3A_314, %sub3A_316 : vector<16xi32>
        %mul3A_318 = arith.constant 16 : i32
        %mul3A_319 = vector.broadcast %mul3A_318 : i32 to vector<16xi32>
        %mul3A_320 = arith.muli %sub3A_317, %mul3A_319 : vector<16xi32>
        %add3A_321 = arith.addi %mul3A_320, %iota3A : vector<16xi32>
        %bitcast_convert_type3A_322 = tpu.bitcast %get3A_207 : vector<16xf32> -> vector<16xi32>
        %shift_right_arithmetic3A_323 = arith.constant 18 : i32
        %shift_right_arithmetic3A_324 = vector.broadcast %shift_right_arithmetic3A_323 : i32 to vector<16xi32>
        %shift_right_arithmetic3A_325 = arith.shrsi %bitcast_convert_type3A_322, %shift_right_arithmetic3A_324 : vector<16xi32>
        %max3A_326 = arith.constant 3424 : i32
        %max3A_327 = vector.broadcast %max3A_326 : i32 to vector<16xi32>
        %max3A_328 = arith.maxsi %shift_right_arithmetic3A_325, %max3A_327 : vector<16xi32>
        %min3A_329 = arith.constant 4447 : i32
        %min3A_330 = vector.broadcast %min3A_329 : i32 to vector<16xi32>
        %min3A_331 = arith.minsi %max3A_328, %min3A_330 : vector<16xi32>
        %sub3A_332 = arith.constant 3424 : i32
        %sub3A_333 = vector.broadcast %sub3A_332 : i32 to vector<16xi32>
        %sub3A_334 = arith.subi %min3A_331, %sub3A_333 : vector<16xi32>
        %mul3A_335 = arith.constant 16 : i32
        %mul3A_336 = vector.broadcast %mul3A_335 : i32 to vector<16xi32>
        %mul3A_337 = arith.muli %sub3A_334, %mul3A_336 : vector<16xi32>
        %add3A_338 = arith.addi %mul3A_337, %iota3A : vector<16xi32>
        %bitcast_convert_type3A_339 = tpu.bitcast %get3A_216 : vector<16xf32> -> vector<16xi32>
        %shift_right_arithmetic3A_340 = arith.constant 18 : i32
        %shift_right_arithmetic3A_341 = vector.broadcast %shift_right_arithmetic3A_340 : i32 to vector<16xi32>
        %shift_right_arithmetic3A_342 = arith.shrsi %bitcast_convert_type3A_339, %shift_right_arithmetic3A_341 : vector<16xi32>
        %max3A_343 = arith.constant 3424 : i32
        %max3A_344 = vector.broadcast %max3A_343 : i32 to vector<16xi32>
        %max3A_345 = arith.maxsi %shift_right_arithmetic3A_342, %max3A_344 : vector<16xi32>
        %min3A_346 = arith.constant 4447 : i32
        %min3A_347 = vector.broadcast %min3A_346 : i32 to vector<16xi32>
        %min3A_348 = arith.minsi %max3A_345, %min3A_347 : vector<16xi32>
        %sub3A_349 = arith.constant 3424 : i32
        %sub3A_350 = vector.broadcast %sub3A_349 : i32 to vector<16xi32>
        %sub3A_351 = arith.subi %min3A_348, %sub3A_350 : vector<16xi32>
        %mul3A_352 = arith.constant 16 : i32
        %mul3A_353 = vector.broadcast %mul3A_352 : i32 to vector<16xi32>
        %mul3A_354 = arith.muli %sub3A_351, %mul3A_353 : vector<16xi32>
        %add3A_355 = arith.addi %mul3A_354, %iota3A : vector<16xi32>
        %gather3A = tpu.vector_load_idx %arg8[%add3A_236] : memref<16384xf32, #tpu.memory_space<vmem>>[vector<16xi32>], vector<16xf32>,
        %gather3A_356 = tpu.vector_load_idx %arg8[%add3A_253] : memref<16384xf32, #tpu.memory_space<vmem>>[vector<16xi32>], vector<16xf32>,
        %gather3A_357 = tpu.vector_load_idx %arg8[%add3A_270] : memref<16384xf32, #tpu.memory_space<vmem>>[vector<16xi32>], vector<16xf32>,
        %gather3A_358 = tpu.vector_load_idx %arg8[%add3A_287] : memref<16384xf32, #tpu.memory_space<vmem>>[vector<16xi32>], vector<16xf32>,
        %gather3A_359 = tpu.vector_load_idx %arg8[%add3A_304] : memref<16384xf32, #tpu.memory_space<vmem>>[vector<16xi32>], vector<16xf32>,
        %gather3A_360 = tpu.vector_load_idx %arg8[%add3A_321] : memref<16384xf32, #tpu.memory_space<vmem>>[vector<16xi32>], vector<16xf32>,
        %gather3A_361 = tpu.vector_load_idx %arg8[%add3A_338] : memref<16384xf32, #tpu.memory_space<vmem>>[vector<16xi32>], vector<16xf32>,
        %gather3A_362 = tpu.vector_load_idx %arg8[%add3A_355] : memref<16384xf32, #tpu.memory_space<vmem>>[vector<16xi32>], vector<16xf32>,
        %gather3A_363 = tpu.vector_load_idx %arg9[%add3A_236] : memref<16384xf32, #tpu.memory_space<vmem>>[vector<16xi32>], vector<16xf32>,
        %gather3A_364 = tpu.vector_load_idx %arg9[%add3A_253] : memref<16384xf32, #tpu.memory_space<vmem>>[vector<16xi32>], vector<16xf32>,
        %gather3A_365 = tpu.vector_load_idx %arg9[%add3A_270] : memref<16384xf32, #tpu.memory_space<vmem>>[vector<16xi32>], vector<16xf32>,
        %gather3A_366 = tpu.vector_load_idx %arg9[%add3A_287] : memref<16384xf32, #tpu.memory_space<vmem>>[vector<16xi32>], vector<16xf32>,
        %gather3A_367 = tpu.vector_load_idx %arg9[%add3A_304] : memref<16384xf32, #tpu.memory_space<vmem>>[vector<16xi32>], vector<16xf32>,
        %gather3A_368 = tpu.vector_load_idx %arg9[%add3A_321] : memref<16384xf32, #tpu.memory_space<vmem>>[vector<16xi32>], vector<16xf32>,
        %gather3A_369 = tpu.vector_load_idx %arg9[%add3A_338] : memref<16384xf32, #tpu.memory_space<vmem>>[vector<16xi32>], vector<16xf32>,
        %gather3A_370 = tpu.vector_load_idx %arg9[%add3A_355] : memref<16384xf32, #tpu.memory_space<vmem>>[vector<16xi32>], vector<16xf32>,
        %and3A_371 = arith.constant 1 : i32
        %and3A_372 = vector.broadcast %and3A_371 : i32 to vector<16xi32>
        %and3A_373 = arith.andi %bitcast_convert_type3A, %and3A_372 : vector<16xi32>
        %eq3A_374 = arith.constant 1 : i32
        %eq3A_375 = vector.broadcast %eq3A_374 : i32 to vector<16xi32>
        %eq3A_376 = arith.cmpi eq, %and3A_373, %eq3A_375 : vector<16xi32>
        %select_n3A_377 = arith.select %eq3A_376, %gather3A, %gather3A_363 : vector<16xi1>, vector<16xf32>
        %mul3A_378 = arith.mulf %get3A_153, %select_n3A_377 : vector<16xf32>
        %add3A_379 = arith.addf %scan3A_145, %mul3A_378 : vector<16xf32>
        %and3A_380 = arith.constant 1 : i32
        %and3A_381 = vector.broadcast %and3A_380 : i32 to vector<16xi32>
        %and3A_382 = arith.andi %bitcast_convert_type3A_217, %and3A_381 : vector<16xi32>
        %eq3A_383 = arith.constant 1 : i32
        %eq3A_384 = vector.broadcast %eq3A_383 : i32 to vector<16xi32>
        %eq3A_385 = arith.cmpi eq, %and3A_382, %eq3A_384 : vector<16xi32>
        %select_n3A_386 = arith.select %eq3A_385, %gather3A_356, %gather3A_364 : vector<16xi1>, vector<16xf32>
        %mul3A_387 = arith.mulf %get3A_162, %select_n3A_386 : vector<16xf32>
        %add3A_388 = arith.addf %add3A_379, %mul3A_387 : vector<16xf32>
        %and3A_389 = arith.constant 1 : i32
        %and3A_390 = vector.broadcast %and3A_389 : i32 to vector<16xi32>
        %and3A_391 = arith.andi %bitcast_convert_type3A_218, %and3A_390 : vector<16xi32>
        %eq3A_392 = arith.constant 1 : i32
        %eq3A_393 = vector.broadcast %eq3A_392 : i32 to vector<16xi32>
        %eq3A_394 = arith.cmpi eq, %and3A_391, %eq3A_393 : vector<16xi32>
        %select_n3A_395 = arith.select %eq3A_394, %gather3A_357, %gather3A_365 : vector<16xi1>, vector<16xf32>
        %mul3A_396 = arith.mulf %get3A_171, %select_n3A_395 : vector<16xf32>
        %add3A_397 = arith.addf %add3A_388, %mul3A_396 : vector<16xf32>
        %and3A_398 = arith.constant 1 : i32
        %and3A_399 = vector.broadcast %and3A_398 : i32 to vector<16xi32>
        %and3A_400 = arith.andi %bitcast_convert_type3A_219, %and3A_399 : vector<16xi32>
        %eq3A_401 = arith.constant 1 : i32
        %eq3A_402 = vector.broadcast %eq3A_401 : i32 to vector<16xi32>
        %eq3A_403 = arith.cmpi eq, %and3A_400, %eq3A_402 : vector<16xi32>
        %select_n3A_404 = arith.select %eq3A_403, %gather3A_358, %gather3A_366 : vector<16xi1>, vector<16xf32>
        %mul3A_405 = arith.mulf %get3A_180, %select_n3A_404 : vector<16xf32>
        %add3A_406 = arith.addf %add3A_397, %mul3A_405 : vector<16xf32>
        %and3A_407 = arith.constant 1 : i32
        %and3A_408 = vector.broadcast %and3A_407 : i32 to vector<16xi32>
        %and3A_409 = arith.andi %bitcast_convert_type3A_220, %and3A_408 : vector<16xi32>
        %eq3A_410 = arith.constant 1 : i32
        %eq3A_411 = vector.broadcast %eq3A_410 : i32 to vector<16xi32>
        %eq3A_412 = arith.cmpi eq, %and3A_409, %eq3A_411 : vector<16xi32>
        %select_n3A_413 = arith.select %eq3A_412, %gather3A_359, %gather3A_367 : vector<16xi1>, vector<16xf32>
        %mul3A_414 = arith.mulf %get3A_189, %select_n3A_413 : vector<16xf32>
        %add3A_415 = arith.addf %add3A_406, %mul3A_414 : vector<16xf32>
        %and3A_416 = arith.constant 1 : i32
        %and3A_417 = vector.broadcast %and3A_416 : i32 to vector<16xi32>
        %and3A_418 = arith.andi %bitcast_convert_type3A_221, %and3A_417 : vector<16xi32>
        %eq3A_419 = arith.constant 1 : i32
        %eq3A_420 = vector.broadcast %eq3A_419 : i32 to vector<16xi32>
        %eq3A_421 = arith.cmpi eq, %and3A_418, %eq3A_420 : vector<16xi32>
        %select_n3A_422 = arith.select %eq3A_421, %gather3A_360, %gather3A_368 : vector<16xi1>, vector<16xf32>
        %mul3A_423 = arith.mulf %get3A_198, %select_n3A_422 : vector<16xf32>
        %add3A_424 = arith.addf %add3A_415, %mul3A_423 : vector<16xf32>
        %and3A_425 = arith.constant 1 : i32
        %and3A_426 = vector.broadcast %and3A_425 : i32 to vector<16xi32>
        %and3A_427 = arith.andi %bitcast_convert_type3A_222, %and3A_426 : vector<16xi32>
        %eq3A_428 = arith.constant 1 : i32
        %eq3A_429 = vector.broadcast %eq3A_428 : i32 to vector<16xi32>
        %eq3A_430 = arith.cmpi eq, %and3A_427, %eq3A_429 : vector<16xi32>
        %select_n3A_431 = arith.select %eq3A_430, %gather3A_361, %gather3A_369 : vector<16xi1>, vector<16xf32>
        %mul3A_432 = arith.mulf %get3A_207, %select_n3A_431 : vector<16xf32>
        %add3A_433 = arith.addf %add3A_424, %mul3A_432 : vector<16xf32>
        %and3A_434 = arith.constant 1 : i32
        %and3A_435 = vector.broadcast %and3A_434 : i32 to vector<16xi32>
        %and3A_436 = arith.andi %bitcast_convert_type3A_223, %and3A_435 : vector<16xi32>
        %eq3A_437 = arith.constant 1 : i32
        %eq3A_438 = vector.broadcast %eq3A_437 : i32 to vector<16xi32>
        %eq3A_439 = arith.cmpi eq, %and3A_436, %eq3A_438 : vector<16xi32>
        %select_n3A_440 = arith.select %eq3A_439, %gather3A_362, %gather3A_370 : vector<16xi1>, vector<16xf32>
        %mul3A_441 = arith.mulf %get3A_216, %select_n3A_440 : vector<16xf32>
        %add3A_442 = arith.addf %add3A_433, %mul3A_441 : vector<16xf32>
        scf.yield %add3A_442 : vector<16xf32>
      }
      %scan3A_143 = arith.constant 16 : i32
      scf.yield %scan3A_142 : vector<16xf32>
    }
    %scan3A_29 = arith.constant 64 : i32
    %swap3A = arith.constant 0 : index
    %swap3A_30 = tpu.vector_load %arg11[%swap3A] {strides = array<i32>} : memref<16xf32, #tpu.memory_space<vmem>>, vector<16xf32>,
    tpu.vector_store %arg11[%swap3A], %scan3A_28 {strides = array<i32>} : memref<16xf32, #tpu.memory_space<vmem>>, vector<16xf32>,
    %mul3A_31 = arith.constant 16 : i32
    %mul3A_32 = arith.muli %add3A, %mul3A_31 : i32
    "tpu.region"() ({
      %run_scoped3A = tpu.sem_alloc : memref<!tpu.dma_semaphore, #tpu.memory_space<semaphore_mem>>
      %dma_start3A_33 = tpu.memref_slice %arg5[%mul3A_32] : memref<512xf32, #tpu.memory_space<hbm>> -> memref<16xf32, #tpu.memory_space<hbm>>
      %dma_start3A_34 = tpu.memref_slice %arg5[%mul3A_32] : memref<512xf32, #tpu.memory_space<hbm>> -> memref<16xf32, #tpu.memory_space<hbm>>
      tpu.enqueue_dma source(%arg11 : memref<16xf32, #tpu.memory_space<vmem>>) target(%dma_start3A_34 : memref<16xf32, #tpu.memory_space<hbm>>) target_semaphore(%run_scoped3A : memref<!tpu.dma_semaphore, #tpu.memory_space<semaphore_mem>>)
      %dma_wait3A = tpu.memref_slice %arg5[%mul3A_32] : memref<512xf32, #tpu.memory_space<hbm>> -> memref<16xf32, #tpu.memory_space<hbm>>
      %dma_wait3A_35 = tpu.memref_slice %arg5[%mul3A_32] : memref<512xf32, #tpu.memory_space<hbm>> -> memref<16xf32, #tpu.memory_space<hbm>>
      tpu.wait_dma2 semaphore(%run_scoped3A : memref<!tpu.dma_semaphore, #tpu.memory_space<semaphore_mem>>) src(%arg11 : memref<16xf32, #tpu.memory_space<vmem>>) dst(%dma_wait3A_35 : memref<16xf32, #tpu.memory_space<hbm>>)
      tpu.yield
    }) : () -> ()
    return
  }
}

module attributes {stable_mosaic.version = 14 : i64} {
  func.func @_tca_body(%arg0: i32, %arg1: i32, %arg2: memref<1x8x4096xf32, #tpu.memory_space<vmem>>, %arg3: memref<1x8x4096xi32, #tpu.memory_space<vmem>>, %arg4: memref<1x8x4096xi32, #tpu.memory_space<vmem>>, %arg5: memref<1x8x4096xf32, #tpu.memory_space<vmem>>, %arg6: memref<1x8x4096xf32, #tpu.memory_space<vmem>>, %arg7: memref<1x1x128xf32, #tpu.memory_space<vmem>>, %arg8: memref<1x128xf32, #tpu.memory_space<vmem>>) attributes {dimension_semantics = [#tpu.dimension_semantics<arbitrary>, #tpu.dimension_semantics<arbitrary>], iteration_bounds = array<i64: 16, 8>, scalar_prefetch = 0 : i64, scratch_operands = 1 : i64, tpu.core_type = #tpu.core_type<tc>, window_params = [{transform_indices = @transform_0, window_bounds = array<i64: 1, 8, 4096>}, {transform_indices = @transform_1, window_bounds = array<i64: 1, 8, 4096>}, {transform_indices = @transform_2, window_bounds = array<i64: 1, 8, 4096>}, {transform_indices = @transform_3, window_bounds = array<i64: 1, 8, 4096>}, {transform_indices = @transform_4, window_bounds = array<i64: 1, 8, 4096>}, {transform_indices = @transform_5, window_bounds = array<i64: 1, 1, 128>}]} {
    %get3A = arith.constant 0 : index
    %get3A_0 = arith.constant 0 : index
    %get3A_1 = arith.constant 0 : index
    %get3A_2 = vector.load %arg2[%get3A, %get3A_0, %get3A_1] : memref<1x8x4096xf32, #tpu.memory_space<vmem>>, vector<1x8x4096xf32>
    %get3A_3 = vector.shape_cast %get3A_2 : vector<1x8x4096xf32> to vector<8x4096xf32>
    %get3A_4 = arith.constant 0 : index
    %get3A_5 = arith.constant 0 : index
    %get3A_6 = arith.constant 0 : index
    %get3A_7 = vector.load %arg3[%get3A_4, %get3A_5, %get3A_6] : memref<1x8x4096xi32, #tpu.memory_space<vmem>>, vector<1x8x4096xi32>
    %get3A_8 = vector.shape_cast %get3A_7 : vector<1x8x4096xi32> to vector<8x4096xi32>
    %get3A_9 = arith.constant 0 : index
    %get3A_10 = arith.constant 0 : index
    %get3A_11 = arith.constant 0 : index
    %get3A_12 = vector.load %arg4[%get3A_9, %get3A_10, %get3A_11] : memref<1x8x4096xi32, #tpu.memory_space<vmem>>, vector<1x8x4096xi32>
    %get3A_13 = vector.shape_cast %get3A_12 : vector<1x8x4096xi32> to vector<8x4096xi32>
    %convert_element_type3A = arith.sitofp %get3A_8 : vector<8x4096xi32> to vector<8x4096xf32>
    %convert_element_type3A_14 = arith.sitofp %get3A_13 : vector<8x4096xi32> to vector<8x4096xf32>
    %abs3A = math.absf %get3A_3 : vector<8x4096xf32>
    %neg3A = arith.constant 0.000000e+00 : f32
    %neg3A_15 = vector.broadcast %neg3A : f32 to vector<8x4096xf32>
    %neg3A_16 = arith.subf %neg3A_15, %abs3A : vector<8x4096xf32>
    %exp3A = math.exp %neg3A_16 : vector<8x4096xf32>
    %max3A = arith.constant 0.000000e+00 : f32
    %max3A_17 = vector.broadcast %max3A : f32 to vector<8x4096xf32>
    %max3A_18 = arith.maximumf %get3A_3, %max3A_17 : vector<8x4096xf32>
    %mul3A = arith.mulf %get3A_3, %convert_element_type3A : vector<8x4096xf32>
    %sub3A = arith.subf %max3A_18, %mul3A : vector<8x4096xf32>
    %add3A = arith.constant 1.000000e+00 : f32
    %add3A_19 = vector.broadcast %add3A : f32 to vector<8x4096xf32>
    %add3A_20 = arith.addf %add3A_19, %exp3A : vector<8x4096xf32>
    %log3A = math.log %add3A_20 : vector<8x4096xf32>
    %add3A_21 = arith.addf %sub3A, %log3A : vector<8x4096xf32>
    %eq3A = arith.constant 1 : i32
    %eq3A_22 = vector.broadcast %eq3A : i32 to vector<8x4096xi32>
    %eq3A_23 = arith.cmpi eq, %get3A_8, %eq3A_22 : vector<8x4096xi32>
    %eq3A_24 = arith.constant 1 : i32
    %eq3A_25 = vector.broadcast %eq3A_24 : i32 to vector<8x4096xi32>
    %eq3A_26 = arith.cmpi eq, %get3A_13, %eq3A_25 : vector<8x4096xi32>
    %and3A = arith.andi %eq3A_23, %eq3A_26 : vector<8x4096xi1>
    %eq3A_27 = arith.constant 0 : i32
    %eq3A_28 = vector.broadcast %eq3A_27 : i32 to vector<8x4096xi32>
    %eq3A_29 = arith.cmpi eq, %get3A_8, %eq3A_28 : vector<8x4096xi32>
    %eq3A_30 = arith.constant 1 : i32
    %eq3A_31 = vector.broadcast %eq3A_30 : i32 to vector<8x4096xi32>
    %eq3A_32 = arith.cmpi eq, %get3A_13, %eq3A_31 : vector<8x4096xi32>
    %and3A_33 = arith.andi %eq3A_29, %eq3A_32 : vector<8x4096xi1>
    %jit3A = arith.constant 0.000000e+00 : f32
    %broadcast_in_dim3A = vector.broadcast %jit3A : f32 to vector<8x4096xf32>
    %select_n3A = arith.select %and3A_33, %add3A_21, %broadcast_in_dim3A : vector<8x4096xi1>, vector<8x4096xf32>
    %swap3A = arith.constant 0 : index
    %swap3A_34 = arith.constant 0 : index
    %swap3A_35 = arith.constant 0 : index
    %swap3A_36 = vector.load %arg5[%swap3A, %swap3A_34, %swap3A_35] : memref<1x8x4096xf32, #tpu.memory_space<vmem>>, vector<1x8x4096xf32>
    %swap3A_37 = vector.shape_cast %swap3A_36 : vector<1x8x4096xf32> to vector<8x4096xf32>
    %swap3A_38 = vector.shape_cast %select_n3A : vector<8x4096xf32> to vector<1x8x4096xf32>
    tpu.vector_store %arg5[%swap3A, %swap3A_34, %swap3A_35], %swap3A_38 {strides = array<i32>} : memref<1x8x4096xf32, #tpu.memory_space<vmem>>, vector<1x8x4096xf32>,
    %ge3A = arith.constant 0.000000e+00 : f32
    %ge3A_39 = vector.broadcast %ge3A : f32 to vector<8x4096xf32>
    %ge3A_40 = arith.cmpf oge, %get3A_3, %ge3A_39 : vector<8x4096xf32>
    %jit3A_41 = arith.constant 1.000000e+00 : f32
    %broadcast_in_dim3A_42 = vector.broadcast %jit3A_41 : f32 to vector<8x4096xf32>
    %select_n3A_43 = arith.select %ge3A_40, %broadcast_in_dim3A_42, %exp3A : vector<8x4096xi1>, vector<8x4096xf32>
    %add3A_44 = arith.constant 1.000000e+00 : f32
    %add3A_45 = vector.broadcast %add3A_44 : f32 to vector<8x4096xf32>
    %add3A_46 = arith.addf %add3A_45, %exp3A : vector<8x4096xf32>
    %div3A = arith.divf %select_n3A_43, %add3A_46 : vector<8x4096xf32>
    %mul3A_47 = arith.constant 2.000000e+00 : f32
    %mul3A_48 = vector.broadcast %mul3A_47 : f32 to vector<8x4096xf32>
    %mul3A_49 = arith.mulf %mul3A_48, %convert_element_type3A : vector<8x4096xf32>
    %sub3A_50 = arith.constant 1.000000e+00 : f32
    %sub3A_51 = vector.broadcast %sub3A_50 : f32 to vector<8x4096xf32>
    %sub3A_52 = arith.subf %mul3A_49, %sub3A_51 : vector<8x4096xf32>
    %mul3A_53 = arith.mulf %get3A_3, %sub3A_52 : vector<8x4096xf32>
    %sub3A_54 = arith.constant 1.000000e+00 : f32
    %sub3A_55 = vector.broadcast %sub3A_54 : f32 to vector<8x4096xf32>
    %sub3A_56 = arith.subf %sub3A_55, %mul3A_53 : vector<8x4096xf32>
    %gt3A = arith.constant 0.000000e+00 : f32
    %gt3A_57 = vector.broadcast %gt3A : f32 to vector<8x4096xf32>
    %gt3A_58 = arith.cmpf ogt, %sub3A_56, %gt3A_57 : vector<8x4096xf32>
    %jit3A_59 = arith.constant 0.000000e+00 : f32
    %broadcast_in_dim3A_60 = vector.broadcast %jit3A_59 : f32 to vector<8x4096xf32>
    %select_n3A_61 = arith.select %gt3A_58, %sub3A_56, %broadcast_in_dim3A_60 : vector<8x4096xi1>, vector<8x4096xf32>
    %bitcast_convert_type3A = tpu.bitcast %select_n3A_61 : vector<8x4096xf32> -> vector<8x4096xi32>
    %gt3A_62 = arith.constant 0.000000e+00 : f32
    %gt3A_63 = vector.broadcast %gt3A_62 : f32 to vector<8x4096xf32>
    %gt3A_64 = arith.cmpf ogt, %select_n3A_61, %gt3A_63 : vector<8x4096xf32>
    %and3A_65 = arith.constant -2 : i32
    %and3A_66 = vector.broadcast %and3A_65 : i32 to vector<8x4096xi32>
    %and3A_67 = arith.andi %bitcast_convert_type3A, %and3A_66 : vector<8x4096xi32>
    %or3A = arith.ori %and3A_67, %get3A_8 : vector<8x4096xi32>
    %jit3A_68 = arith.constant 0 : i32
    %broadcast_in_dim3A_69 = vector.broadcast %jit3A_68 : i32 to vector<8x4096xi32>
    %select_n3A_70 = arith.select %gt3A_64, %or3A, %broadcast_in_dim3A_69 : vector<8x4096xi1>, vector<8x4096xi32>
    %bitcast_convert_type3A_71 = tpu.bitcast %select_n3A_70 : vector<8x4096xi32> -> vector<8x4096xf32>
    %swap3A_72 = arith.constant 0 : index
    %swap3A_73 = arith.constant 0 : index
    %swap3A_74 = arith.constant 0 : index
    %swap3A_75 = vector.load %arg6[%swap3A_72, %swap3A_73, %swap3A_74] : memref<1x8x4096xf32, #tpu.memory_space<vmem>>, vector<1x8x4096xf32>
    %swap3A_76 = vector.shape_cast %swap3A_75 : vector<1x8x4096xf32> to vector<8x4096xf32>
    %swap3A_77 = vector.shape_cast %bitcast_convert_type3A_71 : vector<8x4096xf32> to vector<1x8x4096xf32>
    tpu.vector_store %arg6[%swap3A_72, %swap3A_73, %swap3A_74], %swap3A_77 {strides = array<i32>} : memref<1x8x4096xf32, #tpu.memory_space<vmem>>, vector<1x8x4096xf32>,
    %iota3A = tpu.iota {dimensions = array<i32: 0>} : vector<8x4096xi32>
    %iota3A_78 = tpu.iota {dimensions = array<i32: 1>} : vector<8x4096xi32>
    %eq3A_79 = arith.constant 0 : i32
    %eq3A_80 = vector.broadcast %eq3A_79 : i32 to vector<8x4096xi32>
    %eq3A_81 = arith.cmpi eq, %iota3A, %eq3A_80 : vector<8x4096xi32>
    %eq3A_82 = arith.constant 0 : i32
    %eq3A_83 = vector.broadcast %eq3A_82 : i32 to vector<8x4096xi32>
    %eq3A_84 = arith.cmpi eq, %iota3A_78, %eq3A_83 : vector<8x4096xi32>
    %and3A_85 = arith.andi %eq3A_81, %eq3A_84 : vector<8x4096xi1>
    %jit3A_86 = arith.constant 0.000000e+00 : f32
    %broadcast_in_dim3A_87 = vector.broadcast %jit3A_86 : f32 to vector<8x4096xf32>
    %select_n3A_88 = arith.select %and3A, %add3A_21, %broadcast_in_dim3A_87 : vector<8x4096xi1>, vector<8x4096xf32>
    %reduce_sum3A = vector.shape_cast %select_n3A_88 : vector<8x4096xf32> to vector<1x8x4096xf32>
    %reduce_sum3A_89 = arith.constant dense<0.000000e+00> : vector<1xf32>
    %reduce_sum3A_90 = vector.multi_reduction <add>, %reduce_sum3A, %reduce_sum3A_89 [1, 2] : vector<1x8x4096xf32> to vector<1xf32>
    %reduce_sum3A_91 = vector.shape_cast %reduce_sum3A_90 : vector<1xf32> to vector<1x1x1xf32>
    %reduce_sum3A_92 = vector.extract %reduce_sum3A_91[0, 0, 0] : f32 from vector<1x1x1xf32>
    %jit3A_93 = arith.constant 1.000000e+00 : f32
    %jit3A_94 = arith.constant 0.000000e+00 : f32
    %broadcast_in_dim3A_95 = vector.broadcast %jit3A_93 : f32 to vector<8x4096xf32>
    %broadcast_in_dim3A_96 = vector.broadcast %jit3A_94 : f32 to vector<8x4096xf32>
    %select_n3A_97 = arith.select %and3A, %broadcast_in_dim3A_95, %broadcast_in_dim3A_96 : vector<8x4096xi1>, vector<8x4096xf32>
    %reduce_sum3A_98 = vector.shape_cast %select_n3A_97 : vector<8x4096xf32> to vector<1x8x4096xf32>
    %reduce_sum3A_99 = arith.constant dense<0.000000e+00> : vector<1xf32>
    %reduce_sum3A_100 = vector.multi_reduction <add>, %reduce_sum3A_98, %reduce_sum3A_99 [1, 2] : vector<1x8x4096xf32> to vector<1xf32>
    %reduce_sum3A_101 = vector.shape_cast %reduce_sum3A_100 : vector<1xf32> to vector<1x1x1xf32>
    %reduce_sum3A_102 = vector.extract %reduce_sum3A_101[0, 0, 0] : f32 from vector<1x1x1xf32>
    %jit3A_103 = arith.constant 1.000000e+00 : f32
    %jit3A_104 = arith.constant 0.000000e+00 : f32
    %broadcast_in_dim3A_105 = vector.broadcast %jit3A_103 : f32 to vector<8x4096xf32>
    %broadcast_in_dim3A_106 = vector.broadcast %jit3A_104 : f32 to vector<8x4096xf32>
    %select_n3A_107 = arith.select %and3A_33, %broadcast_in_dim3A_105, %broadcast_in_dim3A_106 : vector<8x4096xi1>, vector<8x4096xf32>
    %reduce_sum3A_108 = vector.shape_cast %select_n3A_107 : vector<8x4096xf32> to vector<1x8x4096xf32>
    %reduce_sum3A_109 = arith.constant dense<0.000000e+00> : vector<1xf32>
    %reduce_sum3A_110 = vector.multi_reduction <add>, %reduce_sum3A_108, %reduce_sum3A_109 [1, 2] : vector<1x8x4096xf32> to vector<1xf32>
    %reduce_sum3A_111 = vector.shape_cast %reduce_sum3A_110 : vector<1xf32> to vector<1x1x1xf32>
    %reduce_sum3A_112 = vector.extract %reduce_sum3A_111[0, 0, 0] : f32 from vector<1x1x1xf32>
    %reduce_sum3A_113 = vector.shape_cast %convert_element_type3A_14 : vector<8x4096xf32> to vector<1x8x4096xf32>
    %reduce_sum3A_114 = arith.constant dense<0.000000e+00> : vector<1xf32>
    %reduce_sum3A_115 = vector.multi_reduction <add>, %reduce_sum3A_113, %reduce_sum3A_114 [1, 2] : vector<1x8x4096xf32> to vector<1xf32>
    %reduce_sum3A_116 = vector.shape_cast %reduce_sum3A_115 : vector<1xf32> to vector<1x1x1xf32>
    %reduce_sum3A_117 = vector.extract %reduce_sum3A_116[0, 0, 0] : f32 from vector<1x1x1xf32>
    %eq3A_118 = arith.constant 1 : i32
    %eq3A_119 = vector.broadcast %eq3A_118 : i32 to vector<8x4096xi32>
    %eq3A_120 = arith.cmpi eq, %get3A_13, %eq3A_119 : vector<8x4096xi32>
    %jit3A_121 = arith.constant -3.000000e+38 : f32
    %broadcast_in_dim3A_122 = vector.broadcast %jit3A_121 : f32 to vector<8x4096xf32>
    %select_n3A_123 = arith.select %eq3A_120, %add3A_21, %broadcast_in_dim3A_122 : vector<8x4096xi1>, vector<8x4096xf32>
    %reduce_max3A = vector.shape_cast %select_n3A_123 : vector<8x4096xf32> to vector<1x8x4096xf32>
    %reduce_max3A_124 = arith.constant dense<0xFF800000> : vector<1xf32>
    %reduce_max3A_125 = vector.multi_reduction <maximumf>, %reduce_max3A, %reduce_max3A_124 [1, 2] : vector<1x8x4096xf32> to vector<1xf32>
    %reduce_max3A_126 = vector.shape_cast %reduce_max3A_125 : vector<1xf32> to vector<1x1x1xf32>
    %reduce_max3A_127 = vector.extract %reduce_max3A_126[0, 0, 0] : f32 from vector<1x1x1xf32>
    %eq3A_128 = arith.constant 0 : i32
    %eq3A_129 = arith.cmpi eq, %arg1, %eq3A_128 : i32
    %mul3A_130 = arith.mulf %add3A_21, %convert_element_type3A_14 : vector<8x4096xf32>
    %jit3A_131 = arith.constant 0.000000e+00 : f32
    %broadcast_in_dim3A_132 = vector.broadcast %jit3A_131 : f32 to vector<8x4096xf32>
    %select_n3A_133 = arith.select %and3A_85, %mul3A_130, %broadcast_in_dim3A_132 : vector<8x4096xi1>, vector<8x4096xf32>
    %reduce_sum3A_134 = vector.shape_cast %select_n3A_133 : vector<8x4096xf32> to vector<1x8x4096xf32>
    %reduce_sum3A_135 = arith.constant dense<0.000000e+00> : vector<1xf32>
    %reduce_sum3A_136 = vector.multi_reduction <add>, %reduce_sum3A_134, %reduce_sum3A_135 [1, 2] : vector<1x8x4096xf32> to vector<1xf32>
    %reduce_sum3A_137 = vector.shape_cast %reduce_sum3A_136 : vector<1xf32> to vector<1x1x1xf32>
    %reduce_sum3A_138 = vector.extract %reduce_sum3A_137[0, 0, 0] : f32 from vector<1x1x1xf32>
    %jit3A_139 = arith.constant -3.000000e+38 : f32
    %select_n3A_140 = arith.select %eq3A_129, %reduce_sum3A_138, %jit3A_139 : f32
    %mul3A_141 = arith.mulf %div3A, %convert_element_type3A : vector<8x4096xf32>
    %reduce_sum3A_142 = vector.shape_cast %mul3A_141 : vector<8x4096xf32> to vector<1x8x4096xf32>
    %reduce_sum3A_143 = arith.constant dense<0.000000e+00> : vector<1xf32>
    %reduce_sum3A_144 = vector.multi_reduction <add>, %reduce_sum3A_142, %reduce_sum3A_143 [1, 2] : vector<1x8x4096xf32> to vector<1xf32>
    %reduce_sum3A_145 = vector.shape_cast %reduce_sum3A_144 : vector<1xf32> to vector<1x1x1xf32>
    %reduce_sum3A_146 = vector.extract %reduce_sum3A_145[0, 0, 0] : f32 from vector<1x1x1xf32>
    %sub3A_147 = arith.constant 1.000000e+00 : f32
    %sub3A_148 = vector.broadcast %sub3A_147 : f32 to vector<8x4096xf32>
    %sub3A_149 = arith.subf %sub3A_148, %div3A : vector<8x4096xf32>
    %mul3A_150 = arith.mulf %sub3A_149, %convert_element_type3A : vector<8x4096xf32>
    %reduce_sum3A_151 = vector.shape_cast %mul3A_150 : vector<8x4096xf32> to vector<1x8x4096xf32>
    %reduce_sum3A_152 = arith.constant dense<0.000000e+00> : vector<1xf32>
    %reduce_sum3A_153 = vector.multi_reduction <add>, %reduce_sum3A_151, %reduce_sum3A_152 [1, 2] : vector<1x8x4096xf32> to vector<1xf32>
    %reduce_sum3A_154 = vector.shape_cast %reduce_sum3A_153 : vector<1xf32> to vector<1x1x1xf32>
    %reduce_sum3A_155 = vector.extract %reduce_sum3A_154[0, 0, 0] : f32 from vector<1x1x1xf32>
    %sub3A_156 = arith.constant 1.000000e+00 : f32
    %sub3A_157 = vector.broadcast %sub3A_156 : f32 to vector<8x4096xf32>
    %sub3A_158 = arith.subf %sub3A_157, %convert_element_type3A : vector<8x4096xf32>
    %mul3A_159 = arith.mulf %div3A, %sub3A_158 : vector<8x4096xf32>
    %reduce_sum3A_160 = vector.shape_cast %mul3A_159 : vector<8x4096xf32> to vector<1x8x4096xf32>
    %reduce_sum3A_161 = arith.constant dense<0.000000e+00> : vector<1xf32>
    %reduce_sum3A_162 = vector.multi_reduction <add>, %reduce_sum3A_160, %reduce_sum3A_161 [1, 2] : vector<1x8x4096xf32> to vector<1xf32>
    %reduce_sum3A_163 = vector.shape_cast %reduce_sum3A_162 : vector<1xf32> to vector<1x1x1xf32>
    %reduce_sum3A_164 = vector.extract %reduce_sum3A_163[0, 0, 0] : f32 from vector<1x1x1xf32>
    %reduce_sum3A_165 = vector.shape_cast %convert_element_type3A : vector<8x4096xf32> to vector<1x8x4096xf32>
    %reduce_sum3A_166 = arith.constant dense<0.000000e+00> : vector<1xf32>
    %reduce_sum3A_167 = vector.multi_reduction <add>, %reduce_sum3A_165, %reduce_sum3A_166 [1, 2] : vector<1x8x4096xf32> to vector<1xf32>
    %reduce_sum3A_168 = vector.shape_cast %reduce_sum3A_167 : vector<1xf32> to vector<1x1x1xf32>
    %reduce_sum3A_169 = vector.extract %reduce_sum3A_168[0, 0, 0] : f32 from vector<1x1x1xf32>
    %iota3A_170 = tpu.iota {dimensions = array<i32: 1>} : vector<1x128xi32>
    %broadcast_in_dim3A_171 = arith.constant 0.000000e+00 : f32
    %broadcast_in_dim3A_172 = vector.broadcast %broadcast_in_dim3A_171 : f32 to vector<1x128xf32>
    %eq3A_173 = arith.constant 0 : i32
    %eq3A_174 = vector.broadcast %eq3A_173 : i32 to vector<1x128xi32>
    %eq3A_175 = arith.cmpi eq, %iota3A_170, %eq3A_174 : vector<1x128xi32>
    %jit3A_176 = arith.constant 0.000000e+00 : f32
    %broadcast_in_dim3A_177 = vector.broadcast %reduce_sum3A_92 : f32 to vector<1x128xf32>
    %broadcast_in_dim3A_178 = vector.broadcast %jit3A_176 : f32 to vector<1x128xf32>
    %select_n3A_179 = arith.select %eq3A_175, %broadcast_in_dim3A_177, %broadcast_in_dim3A_178 : vector<1x128xi1>, vector<1x128xf32>
    %add3A_180 = arith.addf %broadcast_in_dim3A_172, %select_n3A_179 : vector<1x128xf32>
    %eq3A_181 = arith.constant 1 : i32
    %eq3A_182 = vector.broadcast %eq3A_181 : i32 to vector<1x128xi32>
    %eq3A_183 = arith.cmpi eq, %iota3A_170, %eq3A_182 : vector<1x128xi32>
    %jit3A_184 = arith.constant 0.000000e+00 : f32
    %broadcast_in_dim3A_185 = vector.broadcast %reduce_sum3A_102 : f32 to vector<1x128xf32>
    %broadcast_in_dim3A_186 = vector.broadcast %jit3A_184 : f32 to vector<1x128xf32>
    %select_n3A_187 = arith.select %eq3A_183, %broadcast_in_dim3A_185, %broadcast_in_dim3A_186 : vector<1x128xi1>, vector<1x128xf32>
    %add3A_188 = arith.addf %add3A_180, %select_n3A_187 : vector<1x128xf32>
    %eq3A_189 = arith.constant 2 : i32
    %eq3A_190 = vector.broadcast %eq3A_189 : i32 to vector<1x128xi32>
    %eq3A_191 = arith.cmpi eq, %iota3A_170, %eq3A_190 : vector<1x128xi32>
    %jit3A_192 = arith.constant 0.000000e+00 : f32
    %broadcast_in_dim3A_193 = vector.broadcast %reduce_sum3A_112 : f32 to vector<1x128xf32>
    %broadcast_in_dim3A_194 = vector.broadcast %jit3A_192 : f32 to vector<1x128xf32>
    %select_n3A_195 = arith.select %eq3A_191, %broadcast_in_dim3A_193, %broadcast_in_dim3A_194 : vector<1x128xi1>, vector<1x128xf32>
    %add3A_196 = arith.addf %add3A_188, %select_n3A_195 : vector<1x128xf32>
    %eq3A_197 = arith.constant 3 : i32
    %eq3A_198 = vector.broadcast %eq3A_197 : i32 to vector<1x128xi32>
    %eq3A_199 = arith.cmpi eq, %iota3A_170, %eq3A_198 : vector<1x128xi32>
    %jit3A_200 = arith.constant 0.000000e+00 : f32
    %broadcast_in_dim3A_201 = vector.broadcast %reduce_sum3A_117 : f32 to vector<1x128xf32>
    %broadcast_in_dim3A_202 = vector.broadcast %jit3A_200 : f32 to vector<1x128xf32>
    %select_n3A_203 = arith.select %eq3A_199, %broadcast_in_dim3A_201, %broadcast_in_dim3A_202 : vector<1x128xi1>, vector<1x128xf32>
    %add3A_204 = arith.addf %add3A_196, %select_n3A_203 : vector<1x128xf32>
    %eq3A_205 = arith.constant 6 : i32
    %eq3A_206 = vector.broadcast %eq3A_205 : i32 to vector<1x128xi32>
    %eq3A_207 = arith.cmpi eq, %iota3A_170, %eq3A_206 : vector<1x128xi32>
    %jit3A_208 = arith.constant 0.000000e+00 : f32
    %broadcast_in_dim3A_209 = vector.broadcast %reduce_sum3A_146 : f32 to vector<1x128xf32>
    %broadcast_in_dim3A_210 = vector.broadcast %jit3A_208 : f32 to vector<1x128xf32>
    %select_n3A_211 = arith.select %eq3A_207, %broadcast_in_dim3A_209, %broadcast_in_dim3A_210 : vector<1x128xi1>, vector<1x128xf32>
    %add3A_212 = arith.addf %add3A_204, %select_n3A_211 : vector<1x128xf32>
    %eq3A_213 = arith.constant 7 : i32
    %eq3A_214 = vector.broadcast %eq3A_213 : i32 to vector<1x128xi32>
    %eq3A_215 = arith.cmpi eq, %iota3A_170, %eq3A_214 : vector<1x128xi32>
    %jit3A_216 = arith.constant 0.000000e+00 : f32
    %broadcast_in_dim3A_217 = vector.broadcast %reduce_sum3A_155 : f32 to vector<1x128xf32>
    %broadcast_in_dim3A_218 = vector.broadcast %jit3A_216 : f32 to vector<1x128xf32>
    %select_n3A_219 = arith.select %eq3A_215, %broadcast_in_dim3A_217, %broadcast_in_dim3A_218 : vector<1x128xi1>, vector<1x128xf32>
    %add3A_220 = arith.addf %add3A_212, %select_n3A_219 : vector<1x128xf32>
    %eq3A_221 = arith.constant 8 : i32
    %eq3A_222 = vector.broadcast %eq3A_221 : i32 to vector<1x128xi32>
    %eq3A_223 = arith.cmpi eq, %iota3A_170, %eq3A_222 : vector<1x128xi32>
    %jit3A_224 = arith.constant 0.000000e+00 : f32
    %broadcast_in_dim3A_225 = vector.broadcast %reduce_sum3A_164 : f32 to vector<1x128xf32>
    %broadcast_in_dim3A_226 = vector.broadcast %jit3A_224 : f32 to vector<1x128xf32>
    %select_n3A_227 = arith.select %eq3A_223, %broadcast_in_dim3A_225, %broadcast_in_dim3A_226 : vector<1x128xi1>, vector<1x128xf32>
    %add3A_228 = arith.addf %add3A_220, %select_n3A_227 : vector<1x128xf32>
    %eq3A_229 = arith.constant 9 : i32
    %eq3A_230 = vector.broadcast %eq3A_229 : i32 to vector<1x128xi32>
    %eq3A_231 = arith.cmpi eq, %iota3A_170, %eq3A_230 : vector<1x128xi32>
    %jit3A_232 = arith.constant 0.000000e+00 : f32
    %broadcast_in_dim3A_233 = vector.broadcast %reduce_sum3A_169 : f32 to vector<1x128xf32>
    %broadcast_in_dim3A_234 = vector.broadcast %jit3A_232 : f32 to vector<1x128xf32>
    %select_n3A_235 = arith.select %eq3A_231, %broadcast_in_dim3A_233, %broadcast_in_dim3A_234 : vector<1x128xi1>, vector<1x128xf32>
    %add3A_236 = arith.addf %add3A_228, %select_n3A_235 : vector<1x128xf32>
    %eq3A_237 = arith.constant 4 : i32
    %eq3A_238 = vector.broadcast %eq3A_237 : i32 to vector<1x128xi32>
    %eq3A_239 = arith.cmpi eq, %iota3A_170, %eq3A_238 : vector<1x128xi32>
    %jit3A_240 = arith.constant -3.000000e+38 : f32
    %broadcast_in_dim3A_241 = vector.broadcast %reduce_max3A_127 : f32 to vector<1x128xf32>
    %broadcast_in_dim3A_242 = vector.broadcast %jit3A_240 : f32 to vector<1x128xf32>
    %select_n3A_243 = arith.select %eq3A_239, %broadcast_in_dim3A_241, %broadcast_in_dim3A_242 : vector<1x128xi1>, vector<1x128xf32>
    %eq3A_244 = arith.constant 5 : i32
    %eq3A_245 = vector.broadcast %eq3A_244 : i32 to vector<1x128xi32>
    %eq3A_246 = arith.cmpi eq, %iota3A_170, %eq3A_245 : vector<1x128xi32>
    %sub3A_247 = arith.constant -3.000000e+38 : f32
    %sub3A_248 = arith.subf %select_n3A_140, %sub3A_247 : f32
    %jit3A_249 = arith.constant 0.000000e+00 : f32
    %broadcast_in_dim3A_250 = vector.broadcast %sub3A_248 : f32 to vector<1x128xf32>
    %broadcast_in_dim3A_251 = vector.broadcast %jit3A_249 : f32 to vector<1x128xf32>
    %select_n3A_252 = arith.select %eq3A_246, %broadcast_in_dim3A_250, %broadcast_in_dim3A_251 : vector<1x128xi1>, vector<1x128xf32>
    %add3A_253 = arith.addf %select_n3A_243, %select_n3A_252 : vector<1x128xf32>
    %eq3A_254 = arith.constant 4 : i32
    %eq3A_255 = vector.broadcast %eq3A_254 : i32 to vector<1x128xi32>
    %eq3A_256 = arith.cmpi eq, %iota3A_170, %eq3A_255 : vector<1x128xi32>
    %eq3A_257 = arith.constant 5 : i32
    %eq3A_258 = vector.broadcast %eq3A_257 : i32 to vector<1x128xi32>
    %eq3A_259 = arith.cmpi eq, %iota3A_170, %eq3A_258 : vector<1x128xi32>
    %or3A_260 = arith.ori %eq3A_256, %eq3A_259 : vector<1x128xi1>
    %eq3A_261 = arith.constant 0 : i32
    %eq3A_262 = arith.cmpi eq, %arg1, %eq3A_261 : i32
    %convert_element_type3A_263 = arith.extui %eq3A_262 : i1 to i32
    %cond3A = arith.constant 0 : i32
    %cond3A_264 = arith.cmpi ne, %convert_element_type3A_263, %cond3A : i32
    scf.if %cond3A_264 {
      %select_n3A_275 = arith.select %or3A_260, %add3A_253, %add3A_236 : vector<1x128xi1>, vector<1x128xf32>
      %swap3A_276 = arith.constant 0 : index
      %swap3A_277 = arith.constant 0 : index
      %swap3A_278 = vector.load %arg8[%swap3A_276, %swap3A_277] : memref<1x128xf32, #tpu.memory_space<vmem>>, vector<1x128xf32>
      tpu.vector_store %arg8[%swap3A_276, %swap3A_277], %select_n3A_275 {strides = array<i32>} : memref<1x128xf32, #tpu.memory_space<vmem>>, vector<1x128xf32>,
    } else {
    }
    %gt3A_265 = arith.constant 0 : i32
    %gt3A_266 = arith.cmpi sgt, %arg1, %gt3A_265 : i32
    %convert_element_type3A_267 = arith.extui %gt3A_266 : i1 to i32
    %cond3A_268 = arith.constant 0 : i32
    %cond3A_269 = arith.cmpi ne, %convert_element_type3A_267, %cond3A_268 : i32
    scf.if %cond3A_269 {
      %get3A_275 = arith.constant 0 : index
      %get3A_276 = arith.constant 0 : index
      %get3A_277 = vector.load %arg8[%get3A_275, %get3A_276] : memref<1x128xf32, #tpu.memory_space<vmem>>, vector<1x128xf32>
      %max3A_278 = arith.maximumf %get3A_277, %add3A_253 : vector<1x128xf32>
      %add3A_279 = arith.addf %get3A_277, %add3A_236 : vector<1x128xf32>
      %select_n3A_280 = arith.select %or3A_260, %max3A_278, %add3A_279 : vector<1x128xi1>, vector<1x128xf32>
      %swap3A_281 = arith.constant 0 : index
      %swap3A_282 = arith.constant 0 : index
      %swap3A_283 = vector.load %arg8[%swap3A_281, %swap3A_282] : memref<1x128xf32, #tpu.memory_space<vmem>>, vector<1x128xf32>
      tpu.vector_store %arg8[%swap3A_281, %swap3A_282], %select_n3A_280 {strides = array<i32>} : memref<1x128xf32, #tpu.memory_space<vmem>>, vector<1x128xf32>,
    } else {
    }
    %eq3A_270 = arith.constant 7 : i32
    %eq3A_271 = arith.cmpi eq, %arg1, %eq3A_270 : i32
    %convert_element_type3A_272 = arith.extui %eq3A_271 : i1 to i32
    %cond3A_273 = arith.constant 0 : i32
    %cond3A_274 = arith.cmpi ne, %convert_element_type3A_272, %cond3A_273 : i32
    scf.if %cond3A_274 {
      %get3A_275 = arith.constant 0 : index
      %get3A_276 = arith.constant 0 : index
      %get3A_277 = vector.load %arg8[%get3A_275, %get3A_276] : memref<1x128xf32, #tpu.memory_space<vmem>>, vector<1x128xf32>
      %swap3A_278 = arith.constant 0 : index
      %swap3A_279 = arith.constant 0 : index
      %swap3A_280 = arith.constant 0 : index
      %swap3A_281 = vector.load %arg7[%swap3A_278, %swap3A_279, %swap3A_280] : memref<1x1x128xf32, #tpu.memory_space<vmem>>, vector<1x1x128xf32>
      %swap3A_282 = vector.shape_cast %swap3A_281 : vector<1x1x128xf32> to vector<1x128xf32>
      %swap3A_283 = vector.shape_cast %get3A_277 : vector<1x128xf32> to vector<1x1x128xf32>
      tpu.vector_store %arg7[%swap3A_278, %swap3A_279, %swap3A_280], %swap3A_283 {strides = array<i32>} : memref<1x1x128xf32, #tpu.memory_space<vmem>>, vector<1x1x128xf32>,
    } else {
    }
    return
  }
  func.func @transform_0(%arg0: i32, %arg1: i32) -> (i32, i32, i32) {
    %c0_i32 = arith.constant 0 : i32
    %c0_i32_0 = arith.constant 0 : i32
    return %arg0, %arg1, %c0_i32 : i32, i32, i32
  }
  func.func @transform_1(%arg0: i32, %arg1: i32) -> (i32, i32, i32) {
    %c0_i32 = arith.constant 0 : i32
    %c0_i32_0 = arith.constant 0 : i32
    return %arg0, %arg1, %c0_i32 : i32, i32, i32
  }
  func.func @transform_2(%arg0: i32, %arg1: i32) -> (i32, i32, i32) {
    %c0_i32 = arith.constant 0 : i32
    %c0_i32_0 = arith.constant 0 : i32
    return %arg0, %arg1, %c0_i32 : i32, i32, i32
  }
  func.func @transform_3(%arg0: i32, %arg1: i32) -> (i32, i32, i32) {
    %c0_i32 = arith.constant 0 : i32
    %c0_i32_0 = arith.constant 0 : i32
    return %arg0, %arg1, %c0_i32 : i32, i32, i32
  }
  func.func @transform_4(%arg0: i32, %arg1: i32) -> (i32, i32, i32) {
    %c0_i32 = arith.constant 0 : i32
    %c0_i32_0 = arith.constant 0 : i32
    return %arg0, %arg1, %c0_i32 : i32, i32, i32
  }
  func.func @transform_5(%arg0: i32, %arg1: i32) -> (i32, i32, i32) {
    %c0_i32 = arith.constant 0 : i32
    %c0_i32_0 = arith.constant 0 : i32
    %c0_i32_1 = arith.constant 0 : i32
    return %arg0, %c0_i32, %c0_i32_0 : i32, i32, i32
  }
}

module attributes {stable_mosaic.version = 14 : i64} {
  func.func @_tcc_body(%arg0: i32, %arg1: memref<2x1x8x128xf32, #tpu.memory_space<vmem>>, %arg2: memref<2x1x8x128xf32, #tpu.memory_space<vmem>>, %arg3: memref<2x1x8x128xf32, #tpu.memory_space<vmem>>, %arg4: memref<2x1x8x128xf32, #tpu.memory_space<vmem>>, %arg5: memref<1x1x128xf32, #tpu.memory_space<vmem>>, %arg6: memref<1x8x128xf32, #tpu.memory_space<vmem>>, %arg7: memref<1x8x128xf32, #tpu.memory_space<vmem>>, %arg8: memref<1x1x128xf32, #tpu.memory_space<vmem>>) attributes {dimension_semantics = [#tpu.dimension_semantics<arbitrary>], iteration_bounds = array<i64: 16>, scalar_prefetch = 0 : i64, scratch_operands = 0 : i64, tpu.core_type = #tpu.core_type<tc>, window_params = [{transform_indices = @transform_0, window_bounds = array<i64: 2, 1, 8, 128>}, {transform_indices = @transform_1, window_bounds = array<i64: 2, 1, 8, 128>}, {transform_indices = @transform_2, window_bounds = array<i64: 2, 1, 8, 128>}, {transform_indices = @transform_3, window_bounds = array<i64: 2, 1, 8, 128>}, {transform_indices = @transform_4, window_bounds = array<i64: 1, 1, 128>}, {transform_indices = @transform_5, window_bounds = array<i64: 1, 8, 128>}, {transform_indices = @transform_6, window_bounds = array<i64: 1, 8, 128>}, {transform_indices = @transform_7, window_bounds = array<i64: 1, 1, 128>}]} {
    %get3A = arith.constant 0 : index
    %get3A_0 = arith.constant 0 : index
    %get3A_1 = arith.constant 0 : index
    %get3A_2 = arith.constant 0 : index
    %get3A_3 = vector.load %arg1[%get3A, %get3A_0, %get3A_1, %get3A_2] : memref<2x1x8x128xf32, #tpu.memory_space<vmem>>, vector<2x1x8x128xf32>
    %reduce_sum3A = arith.constant dense<0.000000e+00> : vector<8x128xf32>
    %reduce_sum3A_4 = vector.multi_reduction <add>, %get3A_3, %reduce_sum3A [0, 1] : vector<2x1x8x128xf32> to vector<8x128xf32>
    %get3A_5 = arith.constant 0 : index
    %get3A_6 = arith.constant 0 : index
    %get3A_7 = arith.constant 0 : index
    %get3A_8 = arith.constant 0 : index
    %get3A_9 = vector.load %arg2[%get3A_5, %get3A_6, %get3A_7, %get3A_8] : memref<2x1x8x128xf32, #tpu.memory_space<vmem>>, vector<2x1x8x128xf32>
    %reduce_sum3A_10 = arith.constant dense<0.000000e+00> : vector<8x128xf32>
    %reduce_sum3A_11 = vector.multi_reduction <add>, %get3A_9, %reduce_sum3A_10 [0, 1] : vector<2x1x8x128xf32> to vector<8x128xf32>
    %get3A_12 = arith.constant 0 : index
    %get3A_13 = arith.constant 0 : index
    %get3A_14 = arith.constant 0 : index
    %get3A_15 = arith.constant 0 : index
    %get3A_16 = vector.load %arg3[%get3A_12, %get3A_13, %get3A_14, %get3A_15] : memref<2x1x8x128xf32, #tpu.memory_space<vmem>>, vector<2x1x8x128xf32>
    %reduce_sum3A_17 = arith.constant dense<0.000000e+00> : vector<8x128xf32>
    %reduce_sum3A_18 = vector.multi_reduction <add>, %get3A_16, %reduce_sum3A_17 [0, 1] : vector<2x1x8x128xf32> to vector<8x128xf32>
    %get3A_19 = arith.constant 0 : index
    %get3A_20 = arith.constant 0 : index
    %get3A_21 = arith.constant 0 : index
    %get3A_22 = arith.constant 0 : index
    %get3A_23 = vector.load %arg4[%get3A_19, %get3A_20, %get3A_21, %get3A_22] : memref<2x1x8x128xf32, #tpu.memory_space<vmem>>, vector<2x1x8x128xf32>
    %reduce_sum3A_24 = arith.constant dense<0.000000e+00> : vector<8x128xf32>
    %reduce_sum3A_25 = vector.multi_reduction <add>, %get3A_23, %reduce_sum3A_24 [0, 1] : vector<2x1x8x128xf32> to vector<8x128xf32>
    %get3A_26 = arith.constant 0 : index
    %get3A_27 = arith.constant 0 : index
    %get3A_28 = arith.constant 0 : index
    %get3A_29 = vector.load %arg5[%get3A_26, %get3A_27, %get3A_28] : memref<1x1x128xf32, #tpu.memory_space<vmem>>, vector<1x1x128xf32>
    %get3A_30 = vector.shape_cast %get3A_29 : vector<1x1x128xf32> to vector<1x128xf32>
    %iota3A = tpu.iota {dimensions = array<i32: 1>} : vector<1x128xi32>
    %eq3A = arith.constant 0 : i32
    %eq3A_31 = vector.broadcast %eq3A : i32 to vector<1x128xi32>
    %eq3A_32 = arith.cmpi eq, %iota3A, %eq3A_31 : vector<1x128xi32>
    %jit3A = arith.constant 0.000000e+00 : f32
    %broadcast_in_dim3A = vector.broadcast %jit3A : f32 to vector<1x128xf32>
    %select_n3A = arith.select %eq3A_32, %get3A_30, %broadcast_in_dim3A : vector<1x128xi1>, vector<1x128xf32>
    %reduce_sum3A_33 = vector.shape_cast %select_n3A : vector<1x128xf32> to vector<1x1x128xf32>
    %reduce_sum3A_34 = arith.constant dense<0.000000e+00> : vector<1xf32>
    %reduce_sum3A_35 = vector.multi_reduction <add>, %reduce_sum3A_33, %reduce_sum3A_34 [1, 2] : vector<1x1x128xf32> to vector<1xf32>
    %reduce_sum3A_36 = vector.shape_cast %reduce_sum3A_35 : vector<1xf32> to vector<1x1x1xf32>
    %reduce_sum3A_37 = vector.extract %reduce_sum3A_36[0, 0, 0] : f32 from vector<1x1x1xf32>
    %eq3A_38 = arith.constant 1 : i32
    %eq3A_39 = vector.broadcast %eq3A_38 : i32 to vector<1x128xi32>
    %eq3A_40 = arith.cmpi eq, %iota3A, %eq3A_39 : vector<1x128xi32>
    %jit3A_41 = arith.constant 0.000000e+00 : f32
    %broadcast_in_dim3A_42 = vector.broadcast %jit3A_41 : f32 to vector<1x128xf32>
    %select_n3A_43 = arith.select %eq3A_40, %get3A_30, %broadcast_in_dim3A_42 : vector<1x128xi1>, vector<1x128xf32>
    %reduce_sum3A_44 = vector.shape_cast %select_n3A_43 : vector<1x128xf32> to vector<1x1x128xf32>
    %reduce_sum3A_45 = arith.constant dense<0.000000e+00> : vector<1xf32>
    %reduce_sum3A_46 = vector.multi_reduction <add>, %reduce_sum3A_44, %reduce_sum3A_45 [1, 2] : vector<1x1x128xf32> to vector<1xf32>
    %reduce_sum3A_47 = vector.shape_cast %reduce_sum3A_46 : vector<1xf32> to vector<1x1x1xf32>
    %reduce_sum3A_48 = vector.extract %reduce_sum3A_47[0, 0, 0] : f32 from vector<1x1x1xf32>
    %eq3A_49 = arith.constant 2 : i32
    %eq3A_50 = vector.broadcast %eq3A_49 : i32 to vector<1x128xi32>
    %eq3A_51 = arith.cmpi eq, %iota3A, %eq3A_50 : vector<1x128xi32>
    %jit3A_52 = arith.constant 0.000000e+00 : f32
    %broadcast_in_dim3A_53 = vector.broadcast %jit3A_52 : f32 to vector<1x128xf32>
    %select_n3A_54 = arith.select %eq3A_51, %get3A_30, %broadcast_in_dim3A_53 : vector<1x128xi1>, vector<1x128xf32>
    %reduce_sum3A_55 = vector.shape_cast %select_n3A_54 : vector<1x128xf32> to vector<1x1x128xf32>
    %reduce_sum3A_56 = arith.constant dense<0.000000e+00> : vector<1xf32>
    %reduce_sum3A_57 = vector.multi_reduction <add>, %reduce_sum3A_55, %reduce_sum3A_56 [1, 2] : vector<1x1x128xf32> to vector<1xf32>
    %reduce_sum3A_58 = vector.shape_cast %reduce_sum3A_57 : vector<1xf32> to vector<1x1x1xf32>
    %reduce_sum3A_59 = vector.extract %reduce_sum3A_58[0, 0, 0] : f32 from vector<1x1x1xf32>
    %eq3A_60 = arith.constant 3 : i32
    %eq3A_61 = vector.broadcast %eq3A_60 : i32 to vector<1x128xi32>
    %eq3A_62 = arith.cmpi eq, %iota3A, %eq3A_61 : vector<1x128xi32>
    %jit3A_63 = arith.constant 0.000000e+00 : f32
    %broadcast_in_dim3A_64 = vector.broadcast %jit3A_63 : f32 to vector<1x128xf32>
    %select_n3A_65 = arith.select %eq3A_62, %get3A_30, %broadcast_in_dim3A_64 : vector<1x128xi1>, vector<1x128xf32>
    %reduce_sum3A_66 = vector.shape_cast %select_n3A_65 : vector<1x128xf32> to vector<1x1x128xf32>
    %reduce_sum3A_67 = arith.constant dense<0.000000e+00> : vector<1xf32>
    %reduce_sum3A_68 = vector.multi_reduction <add>, %reduce_sum3A_66, %reduce_sum3A_67 [1, 2] : vector<1x1x128xf32> to vector<1xf32>
    %reduce_sum3A_69 = vector.shape_cast %reduce_sum3A_68 : vector<1xf32> to vector<1x1x1xf32>
    %reduce_sum3A_70 = vector.extract %reduce_sum3A_69[0, 0, 0] : f32 from vector<1x1x1xf32>
    %eq3A_71 = arith.constant 4 : i32
    %eq3A_72 = vector.broadcast %eq3A_71 : i32 to vector<1x128xi32>
    %eq3A_73 = arith.cmpi eq, %iota3A, %eq3A_72 : vector<1x128xi32>
    %jit3A_74 = arith.constant 0.000000e+00 : f32
    %broadcast_in_dim3A_75 = vector.broadcast %jit3A_74 : f32 to vector<1x128xf32>
    %select_n3A_76 = arith.select %eq3A_73, %get3A_30, %broadcast_in_dim3A_75 : vector<1x128xi1>, vector<1x128xf32>
    %reduce_sum3A_77 = vector.shape_cast %select_n3A_76 : vector<1x128xf32> to vector<1x1x128xf32>
    %reduce_sum3A_78 = arith.constant dense<0.000000e+00> : vector<1xf32>
    %reduce_sum3A_79 = vector.multi_reduction <add>, %reduce_sum3A_77, %reduce_sum3A_78 [1, 2] : vector<1x1x128xf32> to vector<1xf32>
    %reduce_sum3A_80 = vector.shape_cast %reduce_sum3A_79 : vector<1xf32> to vector<1x1x1xf32>
    %reduce_sum3A_81 = vector.extract %reduce_sum3A_80[0, 0, 0] : f32 from vector<1x1x1xf32>
    %eq3A_82 = arith.constant 5 : i32
    %eq3A_83 = vector.broadcast %eq3A_82 : i32 to vector<1x128xi32>
    %eq3A_84 = arith.cmpi eq, %iota3A, %eq3A_83 : vector<1x128xi32>
    %jit3A_85 = arith.constant 0.000000e+00 : f32
    %broadcast_in_dim3A_86 = vector.broadcast %jit3A_85 : f32 to vector<1x128xf32>
    %select_n3A_87 = arith.select %eq3A_84, %get3A_30, %broadcast_in_dim3A_86 : vector<1x128xi1>, vector<1x128xf32>
    %reduce_sum3A_88 = vector.shape_cast %select_n3A_87 : vector<1x128xf32> to vector<1x1x128xf32>
    %reduce_sum3A_89 = arith.constant dense<0.000000e+00> : vector<1xf32>
    %reduce_sum3A_90 = vector.multi_reduction <add>, %reduce_sum3A_88, %reduce_sum3A_89 [1, 2] : vector<1x1x128xf32> to vector<1xf32>
    %reduce_sum3A_91 = vector.shape_cast %reduce_sum3A_90 : vector<1xf32> to vector<1x1x1xf32>
    %reduce_sum3A_92 = vector.extract %reduce_sum3A_91[0, 0, 0] : f32 from vector<1x1x1xf32>
    %eq3A_93 = arith.constant 6 : i32
    %eq3A_94 = vector.broadcast %eq3A_93 : i32 to vector<1x128xi32>
    %eq3A_95 = arith.cmpi eq, %iota3A, %eq3A_94 : vector<1x128xi32>
    %jit3A_96 = arith.constant 0.000000e+00 : f32
    %broadcast_in_dim3A_97 = vector.broadcast %jit3A_96 : f32 to vector<1x128xf32>
    %select_n3A_98 = arith.select %eq3A_95, %get3A_30, %broadcast_in_dim3A_97 : vector<1x128xi1>, vector<1x128xf32>
    %reduce_sum3A_99 = vector.shape_cast %select_n3A_98 : vector<1x128xf32> to vector<1x1x128xf32>
    %reduce_sum3A_100 = arith.constant dense<0.000000e+00> : vector<1xf32>
    %reduce_sum3A_101 = vector.multi_reduction <add>, %reduce_sum3A_99, %reduce_sum3A_100 [1, 2] : vector<1x1x128xf32> to vector<1xf32>
    %reduce_sum3A_102 = vector.shape_cast %reduce_sum3A_101 : vector<1xf32> to vector<1x1x1xf32>
    %reduce_sum3A_103 = vector.extract %reduce_sum3A_102[0, 0, 0] : f32 from vector<1x1x1xf32>
    %eq3A_104 = arith.constant 7 : i32
    %eq3A_105 = vector.broadcast %eq3A_104 : i32 to vector<1x128xi32>
    %eq3A_106 = arith.cmpi eq, %iota3A, %eq3A_105 : vector<1x128xi32>
    %jit3A_107 = arith.constant 0.000000e+00 : f32
    %broadcast_in_dim3A_108 = vector.broadcast %jit3A_107 : f32 to vector<1x128xf32>
    %select_n3A_109 = arith.select %eq3A_106, %get3A_30, %broadcast_in_dim3A_108 : vector<1x128xi1>, vector<1x128xf32>
    %reduce_sum3A_110 = vector.shape_cast %select_n3A_109 : vector<1x128xf32> to vector<1x1x128xf32>
    %reduce_sum3A_111 = arith.constant dense<0.000000e+00> : vector<1xf32>
    %reduce_sum3A_112 = vector.multi_reduction <add>, %reduce_sum3A_110, %reduce_sum3A_111 [1, 2] : vector<1x1x128xf32> to vector<1xf32>
    %reduce_sum3A_113 = vector.shape_cast %reduce_sum3A_112 : vector<1xf32> to vector<1x1x1xf32>
    %reduce_sum3A_114 = vector.extract %reduce_sum3A_113[0, 0, 0] : f32 from vector<1x1x1xf32>
    %eq3A_115 = arith.constant 8 : i32
    %eq3A_116 = vector.broadcast %eq3A_115 : i32 to vector<1x128xi32>
    %eq3A_117 = arith.cmpi eq, %iota3A, %eq3A_116 : vector<1x128xi32>
    %jit3A_118 = arith.constant 0.000000e+00 : f32
    %broadcast_in_dim3A_119 = vector.broadcast %jit3A_118 : f32 to vector<1x128xf32>
    %select_n3A_120 = arith.select %eq3A_117, %get3A_30, %broadcast_in_dim3A_119 : vector<1x128xi1>, vector<1x128xf32>
    %reduce_sum3A_121 = vector.shape_cast %select_n3A_120 : vector<1x128xf32> to vector<1x1x128xf32>
    %reduce_sum3A_122 = arith.constant dense<0.000000e+00> : vector<1xf32>
    %reduce_sum3A_123 = vector.multi_reduction <add>, %reduce_sum3A_121, %reduce_sum3A_122 [1, 2] : vector<1x1x128xf32> to vector<1xf32>
    %reduce_sum3A_124 = vector.shape_cast %reduce_sum3A_123 : vector<1xf32> to vector<1x1x1xf32>
    %reduce_sum3A_125 = vector.extract %reduce_sum3A_124[0, 0, 0] : f32 from vector<1x1x1xf32>
    %eq3A_126 = arith.constant 9 : i32
    %eq3A_127 = vector.broadcast %eq3A_126 : i32 to vector<1x128xi32>
    %eq3A_128 = arith.cmpi eq, %iota3A, %eq3A_127 : vector<1x128xi32>
    %jit3A_129 = arith.constant 0.000000e+00 : f32
    %broadcast_in_dim3A_130 = vector.broadcast %jit3A_129 : f32 to vector<1x128xf32>
    %select_n3A_131 = arith.select %eq3A_128, %get3A_30, %broadcast_in_dim3A_130 : vector<1x128xi1>, vector<1x128xf32>
    %reduce_sum3A_132 = vector.shape_cast %select_n3A_131 : vector<1x128xf32> to vector<1x1x128xf32>
    %reduce_sum3A_133 = arith.constant dense<0.000000e+00> : vector<1xf32>
    %reduce_sum3A_134 = vector.multi_reduction <add>, %reduce_sum3A_132, %reduce_sum3A_133 [1, 2] : vector<1x1x128xf32> to vector<1xf32>
    %reduce_sum3A_135 = vector.shape_cast %reduce_sum3A_134 : vector<1xf32> to vector<1x1x1xf32>
    %reduce_sum3A_136 = vector.extract %reduce_sum3A_135[0, 0, 0] : f32 from vector<1x1x1xf32>
    %iota3A_137 = tpu.iota {dimensions = array<i32: 0>} : vector<8x128xi32>
    %mul3A = arith.constant 128 : i32
    %mul3A_138 = vector.broadcast %mul3A : i32 to vector<8x128xi32>
    %mul3A_139 = arith.muli %iota3A_137, %mul3A_138 : vector<8x128xi32>
    %iota3A_140 = tpu.iota {dimensions = array<i32: 1>} : vector<8x128xi32>
    %add3A = arith.addi %mul3A_139, %iota3A_140 : vector<8x128xi32>
    %eq3A_141 = arith.constant 0 : i32
    %eq3A_142 = vector.broadcast %eq3A_141 : i32 to vector<8x128xi32>
    %eq3A_143 = arith.cmpi eq, %add3A, %eq3A_142 : vector<8x128xi32>
    %convert_element_type3A = arith.extui %eq3A_143 : vector<8x128xi1> to vector<8x128xi32>
    %convert_element_type3A_144 = arith.sitofp %convert_element_type3A : vector<8x128xi32> to vector<8x128xf32>
    %sub3A = arith.constant 2.621440e+05 : f32
    %sub3A_145 = arith.subf %sub3A, %reduce_sum3A_59 : f32
    %mul3A_146 = vector.broadcast %sub3A_145 : f32 to vector<8x128xf32>
    %mul3A_147 = arith.mulf %convert_element_type3A_144, %mul3A_146 : vector<8x128xf32>
    %sub3A_148 = arith.subf %reduce_sum3A_4, %mul3A_147 : vector<8x128xf32>
    %iota3A_149 = tpu.iota {dimensions = array<i32: 0>} : vector<128x128xi32>
    %iota3A_150 = tpu.iota {dimensions = array<i32: 1>} : vector<128x128xi32>
    %gt3A = arith.cmpi sgt, %iota3A_149, %iota3A_150 : vector<128x128xi32>
    %convert_element_type3A_151 = arith.extui %gt3A : vector<128x128xi1> to vector<128x128xi32>
    %convert_element_type3A_152 = arith.sitofp %convert_element_type3A_151 : vector<128x128xi32> to vector<128x128xf32>
    %dot_general3A = arith.constant dense<0.000000e+00> : vector<8x128xf32>
    %dot_general3A_153 = tpu.matmul %sub3A_148, %convert_element_type3A_152, %dot_general3A {dimension_numbers = #tpu.dot_dimension_numbers<[1], [0], [0], [1], [0, 0, 1, 1], [], []>, transpose_lhs_hint = false} : vector<8x128xf32>, vector<128x128xf32>, vector<8x128xf32> -> vector<8x128xf32>
    %reduce_sum3A_154 = arith.constant dense<0.000000e+00> : vector<8xf32>
    %reduce_sum3A_155 = vector.multi_reduction <add>, %sub3A_148, %reduce_sum3A_154 [1] : vector<8x128xf32> to vector<8xf32>
    %broadcast_in_dim3A_156 = vector.shape_cast %reduce_sum3A_155 : vector<8xf32> to vector<8x1xf32>
    %iota3A_157 = tpu.iota {dimensions = array<i32: 1>} : vector<8x8xi32>
    %iota3A_158 = tpu.iota {dimensions = array<i32: 0>} : vector<8x8xi32>
    %gt3A_159 = arith.cmpi sgt, %iota3A_157, %iota3A_158 : vector<8x8xi32>
    %convert_element_type3A_160 = arith.extui %gt3A_159 : vector<8x8xi1> to vector<8x8xi32>
    %convert_element_type3A_161 = arith.sitofp %convert_element_type3A_160 : vector<8x8xi32> to vector<8x8xf32>
    %dot_general3A_162 = arith.constant dense<0.000000e+00> : vector<8x1xf32>
    %dot_general3A_163 = tpu.matmul %convert_element_type3A_161, %broadcast_in_dim3A_156, %dot_general3A_162 {dimension_numbers = #tpu.dot_dimension_numbers<[1], [0], [0], [1], [0, 0, 1, 1], [], []>, transpose_lhs_hint = false} : vector<8x8xf32>, vector<8x1xf32>, vector<8x1xf32> -> vector<8x1xf32>
    %add3A_164 = vector.broadcast %dot_general3A_163 : vector<8x1xf32> to vector<8x128xf32>
    %add3A_165 = arith.addf %dot_general3A_153, %add3A_164 : vector<8x128xf32>
    %iota3A_166 = tpu.iota {dimensions = array<i32: 0>} : vector<128x128xi32>
    %iota3A_167 = tpu.iota {dimensions = array<i32: 1>} : vector<128x128xi32>
    %gt3A_168 = arith.cmpi sgt, %iota3A_166, %iota3A_167 : vector<128x128xi32>
    %convert_element_type3A_169 = arith.extui %gt3A_168 : vector<128x128xi1> to vector<128x128xi32>
    %convert_element_type3A_170 = arith.sitofp %convert_element_type3A_169 : vector<128x128xi32> to vector<128x128xf32>
    %dot_general3A_171 = arith.constant dense<0.000000e+00> : vector<8x128xf32>
    %dot_general3A_172 = tpu.matmul %reduce_sum3A_11, %convert_element_type3A_170, %dot_general3A_171 {dimension_numbers = #tpu.dot_dimension_numbers<[1], [0], [0], [1], [0, 0, 1, 1], [], []>, transpose_lhs_hint = false} : vector<8x128xf32>, vector<128x128xf32>, vector<8x128xf32> -> vector<8x128xf32>
    %reduce_sum3A_173 = arith.constant dense<0.000000e+00> : vector<8xf32>
    %reduce_sum3A_174 = vector.multi_reduction <add>, %reduce_sum3A_11, %reduce_sum3A_173 [1] : vector<8x128xf32> to vector<8xf32>
    %broadcast_in_dim3A_175 = vector.shape_cast %reduce_sum3A_174 : vector<8xf32> to vector<8x1xf32>
    %iota3A_176 = tpu.iota {dimensions = array<i32: 1>} : vector<8x8xi32>
    %iota3A_177 = tpu.iota {dimensions = array<i32: 0>} : vector<8x8xi32>
    %gt3A_178 = arith.cmpi sgt, %iota3A_176, %iota3A_177 : vector<8x8xi32>
    %convert_element_type3A_179 = arith.extui %gt3A_178 : vector<8x8xi1> to vector<8x8xi32>
    %convert_element_type3A_180 = arith.sitofp %convert_element_type3A_179 : vector<8x8xi32> to vector<8x8xf32>
    %dot_general3A_181 = arith.constant dense<0.000000e+00> : vector<8x1xf32>
    %dot_general3A_182 = tpu.matmul %convert_element_type3A_180, %broadcast_in_dim3A_175, %dot_general3A_181 {dimension_numbers = #tpu.dot_dimension_numbers<[1], [0], [0], [1], [0, 0, 1, 1], [], []>, transpose_lhs_hint = false} : vector<8x8xf32>, vector<8x1xf32>, vector<8x1xf32> -> vector<8x1xf32>
    %add3A_183 = vector.broadcast %dot_general3A_182 : vector<8x1xf32> to vector<8x128xf32>
    %add3A_184 = arith.addf %dot_general3A_172, %add3A_183 : vector<8x128xf32>
    %sub3A_185 = arith.constant 7.864300e+04 : f32
    %sub3A_186 = arith.subf %sub3A_185, %reduce_sum3A_48 : f32
    %max3A = arith.constant 0.000000e+00 : f32
    %max3A_187 = arith.maximumf %max3A, %sub3A_186 : f32
    %min3A = arith.minimumf %max3A_187, %reduce_sum3A_59 : f32
    %add3A_188 = arith.addf %add3A_165, %sub3A_148 : vector<8x128xf32>
    %lt3A = vector.broadcast %min3A : f32 to vector<8x128xf32>
    %lt3A_189 = arith.cmpf olt, %add3A_165, %lt3A : vector<8x128xf32>
    %le3A = vector.broadcast %min3A : f32 to vector<8x128xf32>
    %le3A_190 = arith.cmpf ole, %le3A, %add3A_188 : vector<8x128xf32>
    %and3A = arith.andi %lt3A_189, %le3A_190 : vector<8x128xi1>
    %jit3A_191 = arith.constant 0.000000e+00 : f32
    %broadcast_in_dim3A_192 = vector.broadcast %jit3A_191 : f32 to vector<8x128xf32>
    %select_n3A_193 = arith.select %and3A, %add3A_165, %broadcast_in_dim3A_192 : vector<8x128xi1>, vector<8x128xf32>
    %reduce_sum3A_194 = vector.shape_cast %select_n3A_193 : vector<8x128xf32> to vector<1x8x128xf32>
    %reduce_sum3A_195 = arith.constant dense<0.000000e+00> : vector<1xf32>
    %reduce_sum3A_196 = vector.multi_reduction <add>, %reduce_sum3A_194, %reduce_sum3A_195 [1, 2] : vector<1x8x128xf32> to vector<1xf32>
    %reduce_sum3A_197 = vector.shape_cast %reduce_sum3A_196 : vector<1xf32> to vector<1x1x1xf32>
    %reduce_sum3A_198 = vector.extract %reduce_sum3A_197[0, 0, 0] : f32 from vector<1x1x1xf32>
    %jit3A_199 = arith.constant 0.000000e+00 : f32
    %broadcast_in_dim3A_200 = vector.broadcast %jit3A_199 : f32 to vector<8x128xf32>
    %select_n3A_201 = arith.select %and3A, %sub3A_148, %broadcast_in_dim3A_200 : vector<8x128xi1>, vector<8x128xf32>
    %reduce_sum3A_202 = vector.shape_cast %select_n3A_201 : vector<8x128xf32> to vector<1x8x128xf32>
    %reduce_sum3A_203 = arith.constant dense<0.000000e+00> : vector<1xf32>
    %reduce_sum3A_204 = vector.multi_reduction <add>, %reduce_sum3A_202, %reduce_sum3A_203 [1, 2] : vector<1x8x128xf32> to vector<1xf32>
    %reduce_sum3A_205 = vector.shape_cast %reduce_sum3A_204 : vector<1xf32> to vector<1x1x1xf32>
    %reduce_sum3A_206 = vector.extract %reduce_sum3A_205[0, 0, 0] : f32 from vector<1x1x1xf32>
    %jit3A_207 = arith.constant 0.000000e+00 : f32
    %broadcast_in_dim3A_208 = vector.broadcast %jit3A_207 : f32 to vector<8x128xf32>
    %select_n3A_209 = arith.select %and3A, %reduce_sum3A_11, %broadcast_in_dim3A_208 : vector<8x128xi1>, vector<8x128xf32>
    %reduce_sum3A_210 = vector.shape_cast %select_n3A_209 : vector<8x128xf32> to vector<1x8x128xf32>
    %reduce_sum3A_211 = arith.constant dense<0.000000e+00> : vector<1xf32>
    %reduce_sum3A_212 = vector.multi_reduction <add>, %reduce_sum3A_210, %reduce_sum3A_211 [1, 2] : vector<1x8x128xf32> to vector<1xf32>
    %reduce_sum3A_213 = vector.shape_cast %reduce_sum3A_212 : vector<1xf32> to vector<1x1x1xf32>
    %reduce_sum3A_214 = vector.extract %reduce_sum3A_213[0, 0, 0] : f32 from vector<1x1x1xf32>
    %jit3A_215 = arith.constant 0.000000e+00 : f32
    %broadcast_in_dim3A_216 = vector.broadcast %jit3A_215 : f32 to vector<8x128xf32>
    %select_n3A_217 = arith.select %and3A, %add3A_184, %broadcast_in_dim3A_216 : vector<8x128xi1>, vector<8x128xf32>
    %reduce_sum3A_218 = vector.shape_cast %select_n3A_217 : vector<8x128xf32> to vector<1x8x128xf32>
    %reduce_sum3A_219 = arith.constant dense<0.000000e+00> : vector<1xf32>
    %reduce_sum3A_220 = vector.multi_reduction <add>, %reduce_sum3A_218, %reduce_sum3A_219 [1, 2] : vector<1x8x128xf32> to vector<1xf32>
    %reduce_sum3A_221 = vector.shape_cast %reduce_sum3A_220 : vector<1xf32> to vector<1x1x1xf32>
    %reduce_sum3A_222 = vector.extract %reduce_sum3A_221[0, 0, 0] : f32 from vector<1x1x1xf32>
    %add3A_223 = arith.constant 3424 : i32
    %add3A_224 = vector.broadcast %add3A_223 : i32 to vector<8x128xi32>
    %add3A_225 = arith.addi %add3A, %add3A_224 : vector<8x128xi32>
    %shift_left3A = arith.constant 18 : i32
    %shift_left3A_226 = vector.broadcast %shift_left3A : i32 to vector<8x128xi32>
    %shift_left3A_227 = arith.shli %add3A_225, %shift_left3A_226 : vector<8x128xi32>
    %bitcast_convert_type3A = tpu.bitcast %shift_left3A_227 : vector<8x128xi32> -> vector<8x128xf32>
    %add3A_228 = arith.constant 1 : i32
    %add3A_229 = vector.broadcast %add3A_228 : i32 to vector<8x128xi32>
    %add3A_230 = arith.addi %add3A, %add3A_229 : vector<8x128xi32>
    %add3A_231 = arith.constant 3424 : i32
    %add3A_232 = vector.broadcast %add3A_231 : i32 to vector<8x128xi32>
    %add3A_233 = arith.addi %add3A_230, %add3A_232 : vector<8x128xi32>
    %shift_left3A_234 = arith.constant 18 : i32
    %shift_left3A_235 = vector.broadcast %shift_left3A_234 : i32 to vector<8x128xi32>
    %shift_left3A_236 = arith.shli %add3A_233, %shift_left3A_235 : vector<8x128xi32>
    %bitcast_convert_type3A_237 = tpu.bitcast %shift_left3A_236 : vector<8x128xi32> -> vector<8x128xf32>
    %jit3A_238 = arith.constant 0.000000e+00 : f32
    %broadcast_in_dim3A_239 = vector.broadcast %jit3A_238 : f32 to vector<8x128xf32>
    %select_n3A_240 = arith.select %and3A, %bitcast_convert_type3A, %broadcast_in_dim3A_239 : vector<8x128xi1>, vector<8x128xf32>
    %reduce_sum3A_241 = vector.shape_cast %select_n3A_240 : vector<8x128xf32> to vector<1x8x128xf32>
    %reduce_sum3A_242 = arith.constant dense<0.000000e+00> : vector<1xf32>
    %reduce_sum3A_243 = vector.multi_reduction <add>, %reduce_sum3A_241, %reduce_sum3A_242 [1, 2] : vector<1x8x128xf32> to vector<1xf32>
    %reduce_sum3A_244 = vector.shape_cast %reduce_sum3A_243 : vector<1xf32> to vector<1x1x1xf32>
    %reduce_sum3A_245 = vector.extract %reduce_sum3A_244[0, 0, 0] : f32 from vector<1x1x1xf32>
    %jit3A_246 = arith.constant 0.000000e+00 : f32
    %broadcast_in_dim3A_247 = vector.broadcast %jit3A_246 : f32 to vector<8x128xf32>
    %select_n3A_248 = arith.select %and3A, %bitcast_convert_type3A_237, %broadcast_in_dim3A_247 : vector<8x128xi1>, vector<8x128xf32>
    %reduce_sum3A_249 = vector.shape_cast %select_n3A_248 : vector<8x128xf32> to vector<1x8x128xf32>
    %reduce_sum3A_250 = arith.constant dense<0.000000e+00> : vector<1xf32>
    %reduce_sum3A_251 = vector.multi_reduction <add>, %reduce_sum3A_249, %reduce_sum3A_250 [1, 2] : vector<1x8x128xf32> to vector<1xf32>
    %reduce_sum3A_252 = vector.shape_cast %reduce_sum3A_251 : vector<1xf32> to vector<1x1x1xf32>
    %reduce_sum3A_253 = vector.extract %reduce_sum3A_252[0, 0, 0] : f32 from vector<1x1x1xf32>
    %max3A_254 = arith.constant 1.000000e-30 : f32
    %max3A_255 = arith.maximumf %reduce_sum3A_206, %max3A_254 : f32
    %div3A = arith.divf %reduce_sum3A_214, %max3A_255 : f32
    %sub3A_256 = arith.subf %reduce_sum3A_253, %div3A : f32
    %sub3A_257 = arith.subf %div3A, %reduce_sum3A_245 : f32
    %min3A_258 = arith.minimumf %sub3A_256, %sub3A_257 : f32
    %max3A_259 = arith.constant 0.000000e+00 : f32
    %max3A_260 = arith.maximumf %max3A_259, %min3A_258 : f32
    %sub3A_261 = arith.subf %min3A, %reduce_sum3A_198 : f32
    %max3A_262 = arith.constant 1.000000e-30 : f32
    %max3A_263 = arith.maximumf %reduce_sum3A_206, %max3A_262 : f32
    %div3A_264 = arith.divf %sub3A_261, %max3A_263 : f32
    %sub3A_265 = arith.constant 1.000000e+00 : f32
    %sub3A_266 = arith.subf %sub3A_265, %div3A_264 : f32
    %mul3A_267 = arith.mulf %max3A_260, %sub3A_266 : f32
    %add3A_268 = arith.addf %div3A, %mul3A_267 : f32
    %mul3A_269 = arith.mulf %sub3A_261, %add3A_268 : f32
    %add3A_270 = arith.addf %reduce_sum3A_222, %mul3A_269 : f32
    %add3A_271 = arith.addf %reduce_sum3A_48, %min3A : f32
    %add3A_272 = arith.addf %reduce_sum3A_37, %add3A_270 : f32
    %div3A_273 = arith.divf %add3A_272, %add3A_271 : f32
    %gt3A_274 = arith.constant 0.000000e+00 : f32
    %gt3A_275 = arith.cmpf ogt, %reduce_sum3A_70, %gt3A_274 : f32
    %select_n3A_276 = arith.select %gt3A_275, %reduce_sum3A_81, %reduce_sum3A_92 : f32
    %eq3A_277 = arith.constant 0.000000e+00 : f32
    %eq3A_278 = arith.cmpf oeq, %add3A_271, %eq3A_277 : f32
    %select_n3A_279 = arith.select %eq3A_278, %select_n3A_276, %div3A_273 : f32
    %add3A_280 = arith.constant 9.99999997E-7 : f32
    %add3A_281 = arith.addf %reduce_sum3A_103, %add3A_280 : f32
    %mul3A_282 = arith.constant 3.000000e-01 : f32
    %mul3A_283 = arith.mulf %mul3A_282, %reduce_sum3A_114 : f32
    %add3A_284 = arith.addf %reduce_sum3A_103, %mul3A_283 : f32
    %mul3A_285 = arith.constant 0.699999988 : f32
    %mul3A_286 = arith.mulf %mul3A_285, %reduce_sum3A_125 : f32
    %add3A_287 = arith.addf %add3A_284, %mul3A_286 : f32
    %add3A_288 = arith.constant 9.99999997E-7 : f32
    %add3A_289 = arith.addf %add3A_287, %add3A_288 : f32
    %div3A_290 = arith.divf %add3A_281, %add3A_289 : f32
    %sub3A_291 = arith.constant 1.000000e+00 : f32
    %sub3A_292 = arith.subf %sub3A_291, %div3A_290 : f32
    %gt3A_293 = arith.constant 0.000000e+00 : f32
    %gt3A_294 = arith.cmpf ogt, %sub3A_292, %gt3A_293 : f32
    %max3A_295 = arith.constant 9.99999935E-39 : f32
    %max3A_296 = arith.maximumf %sub3A_292, %max3A_295 : f32
    %log3A = math.log %max3A_296 : f32
    %mul3A_297 = arith.constant 1.330000e+00 : f32
    %mul3A_298 = arith.mulf %mul3A_297, %log3A : f32
    %exp3A = math.exp %mul3A_298 : f32
    %jit3A_299 = arith.constant 0.000000e+00 : f32
    %select_n3A_300 = arith.select %gt3A_294, %exp3A, %jit3A_299 : f32
    %iota3A_301 = tpu.iota {dimensions = array<i32: 0>} : vector<128x128xi32>
    %iota3A_302 = tpu.iota {dimensions = array<i32: 1>} : vector<128x128xi32>
    %gt3A_303 = arith.cmpi sgt, %iota3A_301, %iota3A_302 : vector<128x128xi32>
    %convert_element_type3A_304 = arith.extui %gt3A_303 : vector<128x128xi1> to vector<128x128xi32>
    %convert_element_type3A_305 = arith.sitofp %convert_element_type3A_304 : vector<128x128xi32> to vector<128x128xf32>
    %dot_general3A_306 = arith.constant dense<0.000000e+00> : vector<8x128xf32>
    %dot_general3A_307 = tpu.matmul %reduce_sum3A_18, %convert_element_type3A_305, %dot_general3A_306 {dimension_numbers = #tpu.dot_dimension_numbers<[1], [0], [0], [1], [0, 0, 1, 1], [], []>, transpose_lhs_hint = false} : vector<8x128xf32>, vector<128x128xf32>, vector<8x128xf32> -> vector<8x128xf32>
    %reduce_sum3A_308 = arith.constant dense<0.000000e+00> : vector<8xf32>
    %reduce_sum3A_309 = vector.multi_reduction <add>, %reduce_sum3A_18, %reduce_sum3A_308 [1] : vector<8x128xf32> to vector<8xf32>
    %broadcast_in_dim3A_310 = vector.shape_cast %reduce_sum3A_309 : vector<8xf32> to vector<8x1xf32>
    %iota3A_311 = tpu.iota {dimensions = array<i32: 1>} : vector<8x8xi32>
    %iota3A_312 = tpu.iota {dimensions = array<i32: 0>} : vector<8x8xi32>
    %gt3A_313 = arith.cmpi sgt, %iota3A_311, %iota3A_312 : vector<8x8xi32>
    %convert_element_type3A_314 = arith.extui %gt3A_313 : vector<8x8xi1> to vector<8x8xi32>
    %convert_element_type3A_315 = arith.sitofp %convert_element_type3A_314 : vector<8x8xi32> to vector<8x8xf32>
    %dot_general3A_316 = arith.constant dense<0.000000e+00> : vector<8x1xf32>
    %dot_general3A_317 = tpu.matmul %convert_element_type3A_315, %broadcast_in_dim3A_310, %dot_general3A_316 {dimension_numbers = #tpu.dot_dimension_numbers<[1], [0], [0], [1], [0, 0, 1, 1], [], []>, transpose_lhs_hint = false} : vector<8x8xf32>, vector<8x1xf32>, vector<8x1xf32> -> vector<8x1xf32>
    %add3A_318 = vector.broadcast %dot_general3A_317 : vector<8x1xf32> to vector<8x128xf32>
    %add3A_319 = arith.addf %dot_general3A_307, %add3A_318 : vector<8x128xf32>
    %iota3A_320 = tpu.iota {dimensions = array<i32: 0>} : vector<128x128xi32>
    %iota3A_321 = tpu.iota {dimensions = array<i32: 1>} : vector<128x128xi32>
    %gt3A_322 = arith.cmpi sgt, %iota3A_320, %iota3A_321 : vector<128x128xi32>
    %convert_element_type3A_323 = arith.extui %gt3A_322 : vector<128x128xi1> to vector<128x128xi32>
    %convert_element_type3A_324 = arith.sitofp %convert_element_type3A_323 : vector<128x128xi32> to vector<128x128xf32>
    %dot_general3A_325 = arith.constant dense<0.000000e+00> : vector<8x128xf32>
    %dot_general3A_326 = tpu.matmul %reduce_sum3A_25, %convert_element_type3A_324, %dot_general3A_325 {dimension_numbers = #tpu.dot_dimension_numbers<[1], [0], [0], [1], [0, 0, 1, 1], [], []>, transpose_lhs_hint = false} : vector<8x128xf32>, vector<128x128xf32>, vector<8x128xf32> -> vector<8x128xf32>
    %reduce_sum3A_327 = arith.constant dense<0.000000e+00> : vector<8xf32>
    %reduce_sum3A_328 = vector.multi_reduction <add>, %reduce_sum3A_25, %reduce_sum3A_327 [1] : vector<8x128xf32> to vector<8xf32>
    %broadcast_in_dim3A_329 = vector.shape_cast %reduce_sum3A_328 : vector<8xf32> to vector<8x1xf32>
    %iota3A_330 = tpu.iota {dimensions = array<i32: 1>} : vector<8x8xi32>
    %iota3A_331 = tpu.iota {dimensions = array<i32: 0>} : vector<8x8xi32>
    %gt3A_332 = arith.cmpi sgt, %iota3A_330, %iota3A_331 : vector<8x8xi32>
    %convert_element_type3A_333 = arith.extui %gt3A_332 : vector<8x8xi1> to vector<8x8xi32>
    %convert_element_type3A_334 = arith.sitofp %convert_element_type3A_333 : vector<8x8xi32> to vector<8x8xf32>
    %dot_general3A_335 = arith.constant dense<0.000000e+00> : vector<8x1xf32>
    %dot_general3A_336 = tpu.matmul %convert_element_type3A_334, %broadcast_in_dim3A_329, %dot_general3A_335 {dimension_numbers = #tpu.dot_dimension_numbers<[1], [0], [0], [1], [0, 0, 1, 1], [], []>, transpose_lhs_hint = false} : vector<8x8xf32>, vector<8x1xf32>, vector<8x1xf32> -> vector<8x1xf32>
    %add3A_337 = vector.broadcast %dot_general3A_336 : vector<8x1xf32> to vector<8x128xf32>
    %add3A_338 = arith.addf %dot_general3A_326, %add3A_337 : vector<8x128xf32>
    %sub3A_339 = arith.constant 2.621440e+05 : f32
    %sub3A_340 = arith.subf %sub3A_339, %reduce_sum3A_136 : f32
    %add3A_341 = vector.broadcast %reduce_sum3A_136 : f32 to vector<8x128xf32>
    %add3A_342 = arith.addf %add3A_341, %add3A_338 : vector<8x128xf32>
    %mul3A_343 = arith.constant 5.000000e-01 : f32
    %mul3A_344 = vector.broadcast %mul3A_343 : f32 to vector<8x128xf32>
    %mul3A_345 = arith.mulf %mul3A_344, %reduce_sum3A_25 : vector<8x128xf32>
    %add3A_346 = arith.addf %add3A_342, %mul3A_345 : vector<8x128xf32>
    %add3A_347 = vector.broadcast %reduce_sum3A_136 : f32 to vector<8x128xf32>
    %add3A_348 = arith.addf %add3A_347, %add3A_338 : vector<8x128xf32>
    %sub3A_349 = arith.constant 1.000000e+00 : f32
    %sub3A_350 = vector.broadcast %sub3A_349 : f32 to vector<8x128xf32>
    %sub3A_351 = arith.subf %reduce_sum3A_25, %sub3A_350 : vector<8x128xf32>
    %mul3A_352 = arith.constant 5.000000e-01 : f32
    %mul3A_353 = vector.broadcast %mul3A_352 : f32 to vector<8x128xf32>
    %mul3A_354 = arith.mulf %mul3A_353, %sub3A_351 : vector<8x128xf32>
    %add3A_355 = arith.addf %add3A_348, %mul3A_354 : vector<8x128xf32>
    %div3A_356 = arith.constant 1.000000e+00 : f32
    %div3A_357 = vector.broadcast %div3A_356 : f32 to vector<8x128xf32>
    %div3A_358 = arith.divf %div3A_357, %add3A_346 : vector<8x128xf32>
    %sub3A_359 = vector.broadcast %reduce_sum3A_136 : f32 to vector<8x128xf32>
    %sub3A_360 = arith.subf %sub3A_359, %add3A_319 : vector<8x128xf32>
    %mul3A_361 = arith.constant 5.000000e-01 : f32
    %mul3A_362 = vector.broadcast %mul3A_361 : f32 to vector<8x128xf32>
    %mul3A_363 = arith.mulf %mul3A_362, %reduce_sum3A_18 : vector<8x128xf32>
    %sub3A_364 = arith.subf %sub3A_360, %mul3A_363 : vector<8x128xf32>
    %add3A_365 = arith.constant 1.000000e+00 : f32
    %add3A_366 = vector.broadcast %add3A_365 : f32 to vector<8x128xf32>
    %add3A_367 = arith.addf %add3A_355, %add3A_366 : vector<8x128xf32>
    %mul3A_368 = arith.mulf %add3A_355, %add3A_367 : vector<8x128xf32>
    %div3A_369 = arith.divf %sub3A_364, %mul3A_368 : vector<8x128xf32>
    %add3A_370 = arith.constant 1.000000e+00 : f32
    %add3A_371 = vector.broadcast %add3A_370 : f32 to vector<8x128xf32>
    %add3A_372 = arith.addf %reduce_sum3A_18, %add3A_371 : vector<8x128xf32>
    %mul3A_373 = arith.constant 5.000000e-01 : f32
    %mul3A_374 = vector.broadcast %mul3A_373 : f32 to vector<8x128xf32>
    %mul3A_375 = arith.mulf %mul3A_374, %add3A_372 : vector<8x128xf32>
    %add3A_376 = arith.addf %add3A_319, %mul3A_375 : vector<8x128xf32>
    %max3A_377 = arith.constant 1.000000e-30 : f32
    %max3A_378 = arith.maximumf %reduce_sum3A_136, %max3A_377 : f32
    %div3A_379 = vector.broadcast %max3A_378 : f32 to vector<8x128xf32>
    %div3A_380 = arith.divf %add3A_376, %div3A_379 : vector<8x128xf32>
    %eq3A_381 = arith.constant 0.000000e+00 : f32
    %eq3A_382 = arith.cmpf oeq, %sub3A_340, %eq3A_381 : f32
    %select_n3A_383 = arith.select %eq3A_382, %div3A_380, %div3A_358 : vector<8x128xf32>
    %swap3A = arith.constant 0 : index
    %swap3A_384 = arith.constant 0 : index
    %swap3A_385 = arith.constant 0 : index
    %swap3A_386 = vector.load %arg6[%swap3A, %swap3A_384, %swap3A_385] : memref<1x8x128xf32, #tpu.memory_space<vmem>>, vector<1x8x128xf32>
    %swap3A_387 = vector.shape_cast %swap3A_386 : vector<1x8x128xf32> to vector<8x128xf32>
    %swap3A_388 = vector.shape_cast %select_n3A_383 : vector<8x128xf32> to vector<1x8x128xf32>
    tpu.vector_store %arg6[%swap3A, %swap3A_384, %swap3A_385], %swap3A_388 {strides = array<i32>} : memref<1x8x128xf32, #tpu.memory_space<vmem>>, vector<1x8x128xf32>,
    %jit3A_389 = arith.constant 0.000000e+00 : f32
    %broadcast_in_dim3A_390 = vector.broadcast %jit3A_389 : f32 to vector<8x128xf32>
    %select_n3A_391 = arith.select %eq3A_382, %broadcast_in_dim3A_390, %div3A_369 : vector<8x128xf32>
    %swap3A_392 = arith.constant 0 : index
    %swap3A_393 = arith.constant 0 : index
    %swap3A_394 = arith.constant 0 : index
    %swap3A_395 = vector.load %arg7[%swap3A_392, %swap3A_393, %swap3A_394] : memref<1x8x128xf32, #tpu.memory_space<vmem>>, vector<1x8x128xf32>
    %swap3A_396 = vector.shape_cast %swap3A_395 : vector<1x8x128xf32> to vector<8x128xf32>
    %swap3A_397 = vector.shape_cast %select_n3A_391 : vector<8x128xf32> to vector<1x8x128xf32>
    tpu.vector_store %arg7[%swap3A_392, %swap3A_393, %swap3A_394], %swap3A_397 {strides = array<i32>} : memref<1x8x128xf32, #tpu.memory_space<vmem>>, vector<1x8x128xf32>,
    %gt3A_398 = arith.constant 0.000000e+00 : f32
    %gt3A_399 = arith.cmpf ogt, %reduce_sum3A_136, %gt3A_398 : f32
    %jit3A_400 = arith.constant 1.000000e+00 : f32
    %jit3A_401 = arith.constant 0.000000e+00 : f32
    %select_n3A_402 = arith.select %gt3A_399, %jit3A_400, %jit3A_401 : f32
    %eq3A_403 = arith.constant 0 : i32
    %eq3A_404 = vector.broadcast %eq3A_403 : i32 to vector<1x128xi32>
    %eq3A_405 = arith.cmpi eq, %iota3A, %eq3A_404 : vector<1x128xi32>
    %jit3A_406 = arith.constant 0.000000e+00 : f32
    %broadcast_in_dim3A_407 = vector.broadcast %select_n3A_279 : f32 to vector<1x128xf32>
    %broadcast_in_dim3A_408 = vector.broadcast %jit3A_406 : f32 to vector<1x128xf32>
    %select_n3A_409 = arith.select %eq3A_405, %broadcast_in_dim3A_407, %broadcast_in_dim3A_408 : vector<1x128xi1>, vector<1x128xf32>
    %eq3A_410 = arith.constant 1 : i32
    %eq3A_411 = vector.broadcast %eq3A_410 : i32 to vector<1x128xi32>
    %eq3A_412 = arith.cmpi eq, %iota3A, %eq3A_411 : vector<1x128xi32>
    %jit3A_413 = arith.constant 0.000000e+00 : f32
    %broadcast_in_dim3A_414 = vector.broadcast %select_n3A_300 : f32 to vector<1x128xf32>
    %broadcast_in_dim3A_415 = vector.broadcast %jit3A_413 : f32 to vector<1x128xf32>
    %select_n3A_416 = arith.select %eq3A_412, %broadcast_in_dim3A_414, %broadcast_in_dim3A_415 : vector<1x128xi1>, vector<1x128xf32>
    %add3A_417 = arith.addf %select_n3A_409, %select_n3A_416 : vector<1x128xf32>
    %eq3A_418 = arith.constant 2 : i32
    %eq3A_419 = vector.broadcast %eq3A_418 : i32 to vector<1x128xi32>
    %eq3A_420 = arith.cmpi eq, %iota3A, %eq3A_419 : vector<1x128xi32>
    %jit3A_421 = arith.constant 0.000000e+00 : f32
    %broadcast_in_dim3A_422 = vector.broadcast %select_n3A_402 : f32 to vector<1x128xf32>
    %broadcast_in_dim3A_423 = vector.broadcast %jit3A_421 : f32 to vector<1x128xf32>
    %select_n3A_424 = arith.select %eq3A_420, %broadcast_in_dim3A_422, %broadcast_in_dim3A_423 : vector<1x128xi1>, vector<1x128xf32>
    %add3A_425 = arith.addf %add3A_417, %select_n3A_424 : vector<1x128xf32>
    %swap3A_426 = arith.constant 0 : index
    %swap3A_427 = arith.constant 0 : index
    %swap3A_428 = arith.constant 0 : index
    %swap3A_429 = vector.load %arg8[%swap3A_426, %swap3A_427, %swap3A_428] : memref<1x1x128xf32, #tpu.memory_space<vmem>>, vector<1x1x128xf32>
    %swap3A_430 = vector.shape_cast %swap3A_429 : vector<1x1x128xf32> to vector<1x128xf32>
    %swap3A_431 = vector.shape_cast %add3A_425 : vector<1x128xf32> to vector<1x1x128xf32>
    tpu.vector_store %arg8[%swap3A_426, %swap3A_427, %swap3A_428], %swap3A_431 {strides = array<i32>} : memref<1x1x128xf32, #tpu.memory_space<vmem>>, vector<1x1x128xf32>,
    return
  }
  func.func @transform_0(%arg0: i32) -> (i32, i32, i32, i32) {
    %c0_i32 = arith.constant 0 : i32
    %c0_i32_0 = arith.constant 0 : i32
    %c0_i32_1 = arith.constant 0 : i32
    %c0_i32_2 = arith.constant 0 : i32
    return %c0_i32, %arg0, %c0_i32_0, %c0_i32_1 : i32, i32, i32, i32
  }
  func.func @transform_1(%arg0: i32) -> (i32, i32, i32, i32) {
    %c0_i32 = arith.constant 0 : i32
    %c0_i32_0 = arith.constant 0 : i32
    %c0_i32_1 = arith.constant 0 : i32
    %c0_i32_2 = arith.constant 0 : i32
    return %c0_i32, %arg0, %c0_i32_0, %c0_i32_1 : i32, i32, i32, i32
  }
  func.func @transform_2(%arg0: i32) -> (i32, i32, i32, i32) {
    %c0_i32 = arith.constant 0 : i32
    %c0_i32_0 = arith.constant 0 : i32
    %c0_i32_1 = arith.constant 0 : i32
    %c0_i32_2 = arith.constant 0 : i32
    return %c0_i32, %arg0, %c0_i32_0, %c0_i32_1 : i32, i32, i32, i32
  }
  func.func @transform_3(%arg0: i32) -> (i32, i32, i32, i32) {
    %c0_i32 = arith.constant 0 : i32
    %c0_i32_0 = arith.constant 0 : i32
    %c0_i32_1 = arith.constant 0 : i32
    %c0_i32_2 = arith.constant 0 : i32
    return %c0_i32, %arg0, %c0_i32_0, %c0_i32_1 : i32, i32, i32, i32
  }
  func.func @transform_4(%arg0: i32) -> (i32, i32, i32) {
    %c0_i32 = arith.constant 0 : i32
    %c0_i32_0 = arith.constant 0 : i32
    %c0_i32_1 = arith.constant 0 : i32
    return %arg0, %c0_i32, %c0_i32_0 : i32, i32, i32
  }
  func.func @transform_5(%arg0: i32) -> (i32, i32, i32) {
    %c0_i32 = arith.constant 0 : i32
    %c0_i32_0 = arith.constant 0 : i32
    %c0_i32_1 = arith.constant 0 : i32
    return %arg0, %c0_i32, %c0_i32_0 : i32, i32, i32
  }
  func.func @transform_6(%arg0: i32) -> (i32, i32, i32) {
    %c0_i32 = arith.constant 0 : i32
    %c0_i32_0 = arith.constant 0 : i32
    %c0_i32_1 = arith.constant 0 : i32
    return %arg0, %c0_i32, %c0_i32_0 : i32, i32, i32
  }
  func.func @transform_7(%arg0: i32) -> (i32, i32, i32) {
    %c0_i32 = arith.constant 0 : i32
    %c0_i32_0 = arith.constant 0 : i32
    %c0_i32_1 = arith.constant 0 : i32
    return %arg0, %c0_i32, %c0_i32_0 : i32, i32, i32
  }
}

module attributes {stable_mosaic.version = 14 : i64} {
  func.func @_tce_body(%arg0: memref<16x1x128xf32, #tpu.memory_space<vmem>>, %arg1: memref<16x32xf32, #tpu.memory_space<vmem>>, %arg2: memref<1x1xf32, #tpu.memory_space<vmem>>) attributes {dimension_semantics = [], scalar_prefetch = 0 : i64, scratch_operands = 0 : i64, tpu.core_type = #tpu.core_type<tc>} {
    %get3A = arith.constant 0 : index
    %get3A_0 = arith.constant 0 : index
    %get3A_1 = arith.constant 0 : index
    %get3A_2 = vector.load %arg0[%get3A, %get3A_0, %get3A_1] : memref<16x1x128xf32, #tpu.memory_space<vmem>>, vector<16x1x128xf32>
    %iota3A = tpu.iota {dimensions = array<i32: 2>} : vector<16x1x128xi32>
    %eq3A = arith.constant 0 : i32
    %eq3A_3 = vector.broadcast %eq3A : i32 to vector<16x1x128xi32>
    %eq3A_4 = arith.cmpi eq, %iota3A, %eq3A_3 : vector<16x1x128xi32>
    %jit3A = arith.constant 0.000000e+00 : f32
    %broadcast_in_dim3A = vector.broadcast %jit3A : f32 to vector<16x1x128xf32>
    %select_n3A = arith.select %eq3A_4, %get3A_2, %broadcast_in_dim3A : vector<16x1x128xi1>, vector<16x1x128xf32>
    %reduce_sum3A = arith.constant dense<0.000000e+00> : vector<16xf32>
    %reduce_sum3A_5 = vector.multi_reduction <add>, %select_n3A, %reduce_sum3A [1, 2] : vector<16x1x128xf32> to vector<16xf32>
    %eq3A_6 = arith.constant 1 : i32
    %eq3A_7 = vector.broadcast %eq3A_6 : i32 to vector<16x1x128xi32>
    %eq3A_8 = arith.cmpi eq, %iota3A, %eq3A_7 : vector<16x1x128xi32>
    %jit3A_9 = arith.constant 0.000000e+00 : f32
    %broadcast_in_dim3A_10 = vector.broadcast %jit3A_9 : f32 to vector<16x1x128xf32>
    %select_n3A_11 = arith.select %eq3A_8, %get3A_2, %broadcast_in_dim3A_10 : vector<16x1x128xi1>, vector<16x1x128xf32>
    %reduce_sum3A_12 = arith.constant dense<0.000000e+00> : vector<16xf32>
    %reduce_sum3A_13 = vector.multi_reduction <add>, %select_n3A_11, %reduce_sum3A_12 [1, 2] : vector<16x1x128xf32> to vector<16xf32>
    %eq3A_14 = arith.constant 2 : i32
    %eq3A_15 = vector.broadcast %eq3A_14 : i32 to vector<16x1x128xi32>
    %eq3A_16 = arith.cmpi eq, %iota3A, %eq3A_15 : vector<16x1x128xi32>
    %jit3A_17 = arith.constant 0.000000e+00 : f32
    %broadcast_in_dim3A_18 = vector.broadcast %jit3A_17 : f32 to vector<16x1x128xf32>
    %select_n3A_19 = arith.select %eq3A_16, %get3A_2, %broadcast_in_dim3A_18 : vector<16x1x128xi1>, vector<16x1x128xf32>
    %reduce_sum3A_20 = arith.constant dense<0.000000e+00> : vector<16xf32>
    %reduce_sum3A_21 = vector.multi_reduction <add>, %select_n3A_19, %reduce_sum3A_20 [1, 2] : vector<16x1x128xf32> to vector<16xf32>
    %get3A_22 = arith.constant 0 : index
    %get3A_23 = arith.constant 0 : index
    %get3A_24 = vector.load %arg1[%get3A_22, %get3A_23] : memref<16x32xf32, #tpu.memory_space<vmem>>, vector<16x32xf32>
    %reduce_sum3A_25 = arith.constant dense<0.000000e+00> : vector<16xf32>
    %reduce_sum3A_26 = vector.multi_reduction <add>, %get3A_24, %reduce_sum3A_25 [1] : vector<16x32xf32> to vector<16xf32>
    %reduce_sum3A_27 = vector.shape_cast %reduce_sum3A_21 : vector<16xf32> to vector<1x16xf32>
    %reduce_sum3A_28 = arith.constant dense<0.000000e+00> : vector<1xf32>
    %reduce_sum3A_29 = vector.multi_reduction <add>, %reduce_sum3A_27, %reduce_sum3A_28 [1] : vector<1x16xf32> to vector<1xf32>
    %reduce_sum3A_30 = vector.shape_cast %reduce_sum3A_29 : vector<1xf32> to vector<1x1xf32>
    %reduce_sum3A_31 = vector.extract %reduce_sum3A_30[0, 0] : f32 from vector<1x1xf32>
    %reduce_sum3A_32 = vector.shape_cast %reduce_sum3A_5 : vector<16xf32> to vector<1x16xf32>
    %reduce_sum3A_33 = arith.constant dense<0.000000e+00> : vector<1xf32>
    %reduce_sum3A_34 = vector.multi_reduction <add>, %reduce_sum3A_32, %reduce_sum3A_33 [1] : vector<1x16xf32> to vector<1xf32>
    %reduce_sum3A_35 = vector.shape_cast %reduce_sum3A_34 : vector<1xf32> to vector<1x1xf32>
    %reduce_sum3A_36 = vector.extract %reduce_sum3A_35[0, 0] : f32 from vector<1x1xf32>
    %div3A = arith.constant 1.600000e+01 : f32
    %div3A_37 = arith.divf %reduce_sum3A_36, %div3A : f32
    %gt3A = arith.constant 0.000000e+00 : f32
    %gt3A_38 = vector.broadcast %gt3A : f32 to vector<16xf32>
    %gt3A_39 = arith.cmpf ogt, %reduce_sum3A_21, %gt3A_38 : vector<16xf32>
    %jit3A_40 = arith.constant 0.000000e+00 : f32
    %broadcast_in_dim3A_41 = vector.broadcast %jit3A_40 : f32 to vector<16xf32>
    %select_n3A_42 = arith.select %gt3A_39, %reduce_sum3A_13, %broadcast_in_dim3A_41 : vector<16xi1>, vector<16xf32>
    %reduce_sum3A_43 = vector.shape_cast %select_n3A_42 : vector<16xf32> to vector<1x16xf32>
    %reduce_sum3A_44 = arith.constant dense<0.000000e+00> : vector<1xf32>
    %reduce_sum3A_45 = vector.multi_reduction <add>, %reduce_sum3A_43, %reduce_sum3A_44 [1] : vector<1x16xf32> to vector<1xf32>
    %reduce_sum3A_46 = vector.shape_cast %reduce_sum3A_45 : vector<1xf32> to vector<1x1xf32>
    %reduce_sum3A_47 = vector.extract %reduce_sum3A_46[0, 0] : f32 from vector<1x1xf32>
    %div3A_48 = arith.divf %reduce_sum3A_47, %reduce_sum3A_31 : f32
    %gt3A_49 = arith.constant 0.000000e+00 : f32
    %gt3A_50 = vector.broadcast %gt3A_49 : f32 to vector<16xf32>
    %gt3A_51 = arith.cmpf ogt, %reduce_sum3A_21, %gt3A_50 : vector<16xf32>
    %jit3A_52 = arith.constant 0.000000e+00 : f32
    %broadcast_in_dim3A_53 = vector.broadcast %jit3A_52 : f32 to vector<16xf32>
    %select_n3A_54 = arith.select %gt3A_51, %reduce_sum3A_26, %broadcast_in_dim3A_53 : vector<16xi1>, vector<16xf32>
    %reduce_sum3A_55 = vector.shape_cast %select_n3A_54 : vector<16xf32> to vector<1x16xf32>
    %reduce_sum3A_56 = arith.constant dense<0.000000e+00> : vector<1xf32>
    %reduce_sum3A_57 = vector.multi_reduction <add>, %reduce_sum3A_55, %reduce_sum3A_56 [1] : vector<1x16xf32> to vector<1xf32>
    %reduce_sum3A_58 = vector.shape_cast %reduce_sum3A_57 : vector<1xf32> to vector<1x1xf32>
    %reduce_sum3A_59 = vector.extract %reduce_sum3A_58[0, 0] : f32 from vector<1x1xf32>
    %div3A_60 = arith.divf %reduce_sum3A_59, %reduce_sum3A_31 : f32
    %add3A = arith.addf %div3A_37, %div3A_48 : f32
    %mul3A = arith.constant 2.000000e-01 : f32
    %mul3A_61 = arith.mulf %mul3A, %div3A_60 : f32
    %add3A_62 = arith.addf %add3A, %mul3A_61 : f32
    %gt3A_63 = arith.constant 0.000000e+00 : f32
    %gt3A_64 = arith.cmpf ogt, %reduce_sum3A_31, %gt3A_63 : f32
    %select_n3A_65 = arith.select %gt3A_64, %add3A_62, %div3A_37 : f32
    %broadcast_in_dim3A_66 = vector.broadcast %select_n3A_65 : f32 to vector<1x1xf32>
    %swap3A = arith.constant 0 : index
    %swap3A_67 = arith.constant 0 : index
    %swap3A_68 = vector.load %arg2[%swap3A, %swap3A_67] : memref<1x1xf32, #tpu.memory_space<vmem>>, vector<1x1xf32>
    tpu.vector_store %arg2[%swap3A, %swap3A_67], %broadcast_in_dim3A_66 {strides = array<i32>} : memref<1x1xf32, #tpu.memory_space<vmem>>, vector<1x1xf32>,
    return
  }
}

</mosaic_0001>

<sc_bundles>
// kernel: kernel.10.cloned.1.call-start
scs
__scs_entry_jumppad:
0x0: {  	(pc) =	sbr.rel $0x88, $3  }
0x1: {  	(tag) =	ssettag $0x0;
	lr =	simm.s32 $0x1  }
0x2: {  	[smem:$0x3F9E] =	sst lr;
	_ =	strace $0xD0000000  }
0x3: {  	_ = 	snop  }
0x4: {  	_ = 	snop  }
0x5: {  	_ = 	snop  }
0x6: {  	_ = 	snop  }
0x7: {  	_ = 	snop  }
__scs_overlays_trampoline_lowered:
0x8: {  	[smem:$0x3FAD] =	sst s0  }
0x9: {  	[smem:$0x3FAE] =	sst s1  }
0xa: {  	[smem:$0x3FAF] =	sst s2  }
0xb: {  	[smem:$0x3FB0] =	sst s3  }
0xc: {  	[smem:$0x3FB1] =	sst s4  }
0xd: {  	[smem:$0x3FB2] =	sst s5  }
0xe: {  	[smem:$0x3FB3] =	sst s6  }
0xf: {  	[smem:$0x3FB4] =	sst s7  }
0x10: {  	[smem:$0x3FB5] =	sst s8  }
0x11: {  	[smem:$0x3FB6] =	sst s9;
	s0 =	simm.s32 @!p0 $0x0  }
0x12: {  	s1 =	sld [smem:$0x3F9C];
	s0 =	simm.s32 @p0 $0x1  }
0x13: {  	[smem:$0x3FB7] =	sst s0;
	s0 =	simm.s32 @!p1 $0x0  }
0x14: {  	s2 =	sld [smem:$0x3F9B];
	s0 =	simm.s32 @p1 $0x1  }
0x15: {  	[smem:$0x3FB8] =	sst s0;
	s0 =	simm.s32 @!p2 $0x0  }
0x16: {  	s3 =	sld [smem:$0x3FDB];
	s0 =	simm.s32 @p2 $0x1  }
0x17: {  	s4 =	simm.s32 $0x1BF5;
	[smem:$0x3FBA] =	sst s0  }
0x18: {  	s0 =	sld [smem:$0x3F9D];
	_ =	swait.ge [sflag:s4], $0x0  }
0x19: {  	s7 =	sld [smem:$0x3F9E]  }
0x1a: {  	s8 =	sadd.s32 $0xFFFFE003, lr  }
0x1b: {  	s9 =	sadd.s32 $0xFFFFFEF7, lr;
	s5 =	simm.s32 $0xFFFFFFFF;
	p2 =	slt.u32 s8, $0xFFFFF086  }
0x1c: {  	p1 =	slt.u32 s9, $0xF7A;
	s5 =	simm.s32 @!p2 $0x0  }
0x1d: {  	s5 =	simm.s32 @p1 $0x1;
	p0 =	seq.s32 s7, s2  }
0x1e: {  	s7 =	smul.u32 @!p0 $0xF7A, s2;
	p2 =	seq.s32 @!p0 s5, $0x0  }
0x1f: {  	s9 =	smul.u32 $0xF7A, s1;
	s8 =	simm.s32 @!p0 $0x1BF5;
	p2 =	por !p2, p0  }
0x20: {  	[sflag:s8] =	ssyncset.s32 @!p0 $0xFFFFF086;
	s6 =	sadd.s32 @!p0 s3, s7;
	s7 =	simm.s32 @!p0 $0x108  }
0x21: {  	s3 =	sadd.s32 s3, s9;
	s6 =	sadd.s32 @!p0 $0x88, s6;
	s7 =	simm.s32 @p2 $0x1082  }
0x22: {  	[simem:s7], [sflag:s8] =	dma.local @!p0 [hbm:s6], $0xF7A  }
0x23: {  	s9 =	sor.u32 $0xD0000000, s2;
	s6 =	simm.s32 $0x108;
	_ =	swait.ge @!p0 [sflag:s8], $0x0  }
0x24: {  	s3 =	sadd.s32 $0x88, s3;
	s6 =	simm.s32 @!p1 $0x1082;
	[sflag:s4] =	ssyncset.s32 $0xFFFFF086  }
0x25: {  	[simem:s6], [sflag:s4] =	dma.local [hbm:s3], $0xF7A  }
0x26: {  	[smem:$0x3F9E] =	sst s1;
	(tag) =	ssettag s2;
	_ =	strace s9  }
0x27: {  	s1 =	sld [smem:$0x3FAE]  }
0x28: {  	s2 =	sld [smem:$0x3FAF]  }
0x29: {  	s4 =	sld [smem:$0x3FB1]  }
0x2a: {  	p0 =	seq.s32 s5, $0x0;
	s5 =	sld [smem:$0x3FB2]  }
0x2b: {  	s6 =	sld [smem:$0x3FB3]  }
0x2c: {  	s7 =	sld [smem:$0x3FB4]  }
0x2d: {  	s3 =	simm.s32 $0x108;
	s8 =	sld [smem:$0x3FB5]  }
0x2e: {  	s3 =	simm.s32 @!p0 $0x1082;
	s9 =	sld [smem:$0x3FB6]  }
0x2f: {  	lr =	sadd.s32 s0, s3;
	s0 =	sld [smem:$0x3FAD]  }
0x30: {  	s3 =	sld [smem:$0x3FB0]  }
0x31: {  	[smem:$0x3FB9] =	sst s10  }
0x32: {  	s10 =	sld [smem:$0x3FB7];
	_ =	sdelay $0x3  }
0x33: {  	p0 =	seq.s32 s10, $0x1;
	s10 =	sld [smem:$0x3FB9];
	_ =	sdelay $0x3  }
0x34: {  	[smem:$0x3FB9] =	sst s10  }
0x35: {  	s10 =	sld [smem:$0x3FB8];
	_ =	sdelay $0x3  }
0x36: {  	p1 =	seq.s32 s10, $0x1;
	s10 =	sld [smem:$0x3FB9];
	_ =	sdelay $0x3  }
0x37: {  	[smem:$0x3FB9] =	sst s10  }
0x38: {  	s10 =	sld [smem:$0x3FBA]  }
0x39: {  	_ = 	snop;
	(pc) =	sbr.ind lr, $3  }
0x3a: {  	_ = 	snop  }
0x3b: {  	_ = 	snop  }
0x3c: {  	p2 =	seq.s32 s10, $0x1;
	s10 =	sld [smem:$0x3FB9]  }
0x3d: {  	_ =	shalt  }
0x3e: {  	_ =	shalt  }
0x3f: {  	_ =	shalt  }
0x40: {  	_ =	shalt  }
0x41: {  	_ =	shalt  }
0x42: {  	_ =	shalt  }
0x43: {  	_ =	shalt  }
0x44: {  	_ =	shalt  }
0x45: {  	_ =	shalt  }
0x46: {  	_ =	shalt  }
0x47: {  	_ =	shalt  }
0x48: {  	_ =	shalt  }
0x49: {  	_ =	shalt  }
0x4a: {  	_ =	shalt  }
0x4b: {  	_ =	shalt  }
0x4c: {  	_ =	shalt  }
0x4d: {  	_ =	shalt  }
0x4e: {  	_ =	shalt  }
0x4f: {  	_ =	shalt  }
0x50: {  	_ =	shalt  }
0x51: {  	_ =	shalt  }
0x52: {  	_ =	shalt  }
0x53: {  	_ =	shalt  }
0x54: {  	_ =	shalt  }
0x55: {  	_ =	shalt  }
0x56: {  	_ =	shalt  }
0x57: {  	_ =	shalt  }
0x58: {  	_ =	shalt  }
0x59: {  	_ =	shalt  }
0x5a: {  	_ =	shalt  }
0x5b: {  	_ =	shalt  }
0x5c: {  	_ =	shalt  }
0x5d: {  	_ =	shalt  }
0x5e: {  	_ =	shalt  }
0x5f: {  	_ =	shalt  }
0x60: {  	_ =	shalt  }
0x61: {  	_ =	shalt  }
0x62: {  	_ =	shalt  }
0x63: {  	_ =	shalt  }
0x64: {  	_ =	shalt  }
0x65: {  	_ =	shalt  }
0x66: {  	_ =	shalt  }
0x67: {  	_ =	shalt  }
0x68: {  	_ =	shalt  }
0x69: {  	_ =	shalt  }
0x6a: {  	_ =	shalt  }
0x6b: {  	_ =	shalt  }
0x6c: {  	_ =	shalt  }
0x6d: {  	_ =	shalt  }
0x6e: {  	_ =	shalt  }
0x6f: {  	_ =	shalt  }
0x70: {  	_ =	shalt  }
0x71: {  	_ =	shalt  }
0x72: {  	_ =	shalt  }
0x73: {  	_ =	shalt  }
0x74: {  	_ =	shalt  }
0x75: {  	_ =	shalt  }
0x76: {  	_ =	shalt  }
0x77: {  	_ =	shalt  }
0x78: {  	_ =	shalt  }
0x79: {  	_ =	shalt  }
0x7a: {  	_ =	shalt  }
0x7b: {  	_ =	shalt  }
0x7c: {  	_ =	shalt  }
0x7d: {  	_ =	shalt  }
0x7e: {  	_ =	shalt  }
0x7f: {  	_ =	shalt  }
0x80: {  	_ =	shalt  }
0x81: {  	_ =	shalt  }
0x82: {  	_ =	shalt  }
0x83: {  	_ =	shalt  }
0x84: {  	_ =	shalt  }
0x85: {  	_ =	shalt  }
0x86: {  	_ =	shalt  }
0x87: {  	_ =	shalt  }
.Lfunc_end0:
.L_simem_size_0:
called_computation.1_lowered:
.L_overlay_start_0:
0x88: {  	s2 =	sld [smem:$0x3FD9]  }
0x89: {  	s3 =	sld [smem:$0x3FFE];
	_ =	sdelay $0x1  }
0x8a: {  	s1 =	srdreg.scid  }
0x8b: {  	s0 =	sand.u32 $0x1, s1  }
0x8c: {  	s16 =	sshll.u32 s0, $0xA;
	s2 =	sadd.s32 s3, s2  }
0x8d: {  	s2 =	sadd.s32 s2, s16  }
0x8e: {  	[smem:$0x3FC5] =	sst s2  }
0x8f: {  	_ = 	snop  }
0x90: {  	(tm) =	ssettm $0x1  }
0x91: {  	s17 =	sld [smem:$0x3FFB];
	_ =	sdelay $0x3  }
0x92: {  	_ =	strace s17  }
0x93: {  	s2 =	sld [smem:$0x3FFC];
	_ =	sdelay $0x3  }
0x94: {  	_ =	strace s2  }
0x95: {  	s2 =	sld [smem:$0x3FFD];
	_ =	sdelay $0x3  }
0x96: {  	_ =	strace s2  }
0x97: {  	_ =	strace $0x8FFFFFFF  }
0x98: {  	s18 =	sld [smem:$0x3FDB];
	_ =	sdelay $0x1  }
0x99: {  	s19 =	simm.s32 $_scs_section_size  }
0x9a: {  	s4 =	simm.s32 $_size__tile_overlayer_lowered;
	s5 =	simm.s32 $_tile_overlayer_lowered  }
0x9b: {  	s22 =	simm.s32 $0x1BFF;
	s21 =	sshll.u32 s5, $0x1;
	s2 =	sadd.s32 s19, s18  }
0x9c: {  	s6 =	simm.s32 $0x0;
	s20 =	sshll.u32 s4, $0x1;
	s4 =	sadd.s32 s21, s2  }
0x9d: {  	[timem:s6], [sflag:s22] =	dma.local [hbm:s4], s20  }
0x9e: {  	_ =	swait.ge [sflag:s22], s20  }
0x9f: {  	s3 =	ssub.s32 $0x0, s20;
	[sflag:s22] =	ssyncset.done $0x0  }
0xa0: {  	[sflag:s22] =	ssyncadd.s32 s3;
	_ =	sdelay $0x1  }
0xa1: {  	s23 =	simm.s32 $0x1B8B  }
0xa2: {  	_ =	swait.ge [sflag:s23], $0x1  }
0xa3: {  	[sflag:s23] =	ssyncset.done $0x0  }
0xa4: {  	s25 =	simm.s32 $0x1B8E;
	s24 =	sld [smem:$0x3FFE];
	[sflag:s23] =	ssyncadd.s32 $0xFFFFFFFF  }
0xa5: {  	s26 =	simm.s32 $execute0_lowered;
	[smem:$0x3FD2] =	sst s25  }
0xa6: {  	s4 =	sshll.u32 s26, $0x1;
	_ =	strace $0x80000049;
	[dreg:$0x1] =	wrdreg $0xFFFFFFFF  }
0xa7: {  	s28 =	simm.s32 $_size_execute0_lowered;
	s2 =	sadd.s32 s2, s4;
	[dreg:$0x0] =	wrdreg $0x0  }
0xa8: {  	s4 =	sshll.u32 s28, $0x1;
	[dreg:$0x2] =	wrdreg s2  }
0xa9: {  	[dreg:$0x3] =	wrdreg s4  }
0xaa: {  	[dreg:$0x4] =	wrdreg $0xC0  }
0xab: {  	_ =	task [dreg:s6], $0x5FFFF  }
0xac: {  	[dreg:$0x1] =	wrdreg $0xFFFFFFFF  }
0xad: {  	[dreg:$0x0] =	wrdreg $0x60  }
0xae: {  	[dreg:$0x2] =	wrdreg s24  }
0xaf: {  	[dreg:$0x3] =	wrdreg $0x9  }
0xb0: {  	_ =	task.clear_ibuf [dreg:s6], $0x4FFFF;
	_ =	strace $0x90000049  }
0xb1: {  	s29 =	simm.s32 $0x9;
	_ =	strace $0x8000004B  }
0xb2: {  	_ =	swait.ge [sflag:s29], $0x1  }
0xb3: {  	[sflag:s29] =	ssyncadd.s32 $0xFFFFFFFF  }
0xb4: {  	_ =	strace $0x9000004B  }
0xb5: {  	_ =	sfence  }
0xb6: {  	s30 =	sld [smem:$0x0];
	_ =	sdelay $0x2  }
0xb7: {  	s31 =	sshll.u32 s1, $0xD;
	s1 =	sshrl.u32 s1, $0x2  }
0xb8: {  	s3 =	sand.u32 $0x4000, s31;
	s1 =	sadd.s32 s1, s30  }
0xb9: {  	s0 =	sor.u32 s3, s0;
	s1 =	sshll.u32 s1, $0x11  }
0xba: {  	s0 =	sor.u32 s1, s0  }
0xbb: {  	s0 =	sadd.s32 $0x8F2B, s0  }
0xbc: {  	[sflag:s0] =	ssyncadd.remote.s32 $0x1  }
0xbd: {  	_ =	sfence.sel $0xFFFF  }
0xbe: {  	[dreg:$0x0] =	wrdreg $0xFFFFFFFF;
	(pc) =	sbr.abs _section_cstart, $3  }
0xbf: {  	[dreg:$0x1] =	wrdreg $0xFFFFFFFF  }
0xc0: {  	_ =	task.clear_ibuf [dreg:s6], $0x2FFFF;
	_ =	strace $0x9FFFFFFF  }
0xc1: {  	(tm) =	ssettm $0x7FFFFFFF  }
tec
execute0_lowered:
.L_overlay_start_1:
0x0: {  	(tag) =	ssettag $0x1  }
0x1: {  	s9 =	rddreg [dreg:$0x0]  }
0x2: {  	s0 =	rddreg [dreg:$0x1];
	s2 =	simm.s32 $0x0;
	s3 =	srdreg.scid  }
0x3: {  	s1 =	stileid.u32;
	s13 =	simm.s32 $0x800;
	s14 =	simm.s32 $0x4800  }
0x4: {  	s15 =	simm.s32 $0x80;
	s16 =	simm.s32 $0x400;
	s17 =	simm.s32 $0x8800  }
0x5: {  	s18 =	simm.s32 $0x9800;
	s19 =	simm.s32 $0x0;
	[smem:$0x7FF] =	sst s2  }
0x6: {  	s7 =	sand.u32 $0x1, s3;
	s30 =	sshll.u32 s1, $0x7;
	s3 =	sadd.s32 $0x182000, s9  }
0x7: {  	s12 =	sshll.u32 s1, $0x2;
	_ =	strace $0x8000004A;
	s4 =	ssub.s32 $0x2, s7  }
0x8: {  	s6 =	sadd.s32 s30, s9;
	s5 =	sshll.u32 s7, $0x1;
	s31 =	sshll.u32 s7, $0x11  }
0x9: {  	s7 =	sshll.u32 s7, $0x5;
	s8 =	sshrl.u32 s4, $0x1;
	s10 =	sadd.s32 s5, s9  }
0xa: {  	s5 =	sshll.u32 s1, $0x12;
	s9 =	sadd.s32 $0x182800, s9;
	s11 =	ssub.s32 s4, s8  }
0xb: {  	s4 =	sadd.s32 $0x2000, s6;
	s6 =	sadd.s32 $0x2800, s6;
	s8 =	sor.u32 s31, s5  }
0xc: {  	v1 =	vlaneseq.u32;
	s10 =	sadd.s32 s12, s10;
	s12 =	simm.s32 $0x3;
	s8 =	sshrl.u32 s8, $0x3  }
0xd: {  	v0 =	vmul.u32 $0x10, v1;
	v1 =	vor.u32 $0xFFFF2A00, v1;
	s10 =	sadd.s32 $0x3000, s10;
	s11 =	smax.u32 s11, $0x1;
	s8 =	sadd.s32 s3, s8  }
.LBB2_1:
0xe: {  	[tilespmem:s2], [sflag:$0x3] =	stream.linear.gather [hbm4b:s4+s2], $0x400, $0x38;
	[tilespmem:$0x9880] =	vst v63  }
0xf: {  	_ =	swait.ge [sflag:s12], $0x400  }
0x10: {  	[sflag:s12] =	ssyncset.done $0x0  }
0x11: {  	[sflag:s12] =	ssyncadd.s32 $0xFFFFFC00  }
0x12: {  	[tilespmem:s16], [sflag:$0x3] =	stream.linear.gather [hbm4b:s6+s2], $0x400, $0x38;
	[tilespmem:$0x9880] =	vst v63  }
0x13: {  	_ =	swait.ge [sflag:s12], $0x400  }
0x14: {  	v2 =	vmov s2;
	[sflag:s12] =	ssyncset.done $0x0  }
0x15: {  	v2 =	vshll.u32 v2, $0x4;
	[sflag:s12] =	ssyncadd.s32 $0xFFFFFC00  }
0x16: {  	v3 =	vor.u32 v0, v2;
	v5 =	vld [tilespmem:s2+$0x0]  }
0x17: {  	v2 =	vld [tilespmem:s16+$0x0]  }
0x18: {  	v4 =	vor.u32 $0x1, v3;
	_ =	sdelay $0x1  }
0x19: {  	v6 =	vor.u32 $0x2, v3  }
0x1a: {  	[tilespmem:v3+s13+$0x0] =	vst.idx.msk $0xffff, v5  }
0x1b: {  	v7 =	vor.u32 $0x3, v3;
	[tilespmem:v3+s14+$0x0] =	vst.idx.msk $0xffff, v2  }
0x1c: {  	[tilespmem:v4+s13+$0x0] =	vst.idx.msk $0xffff, v5  }
0x1d: {  	[tilespmem:v4+s14+$0x0] =	vst.idx.msk $0xffff, v2;
	v4 =	vor.u32 $0x4, v3  }
0x1e: {  	[tilespmem:v6+s13+$0x0] =	vst.idx.msk $0xffff, v5  }
0x1f: {  	[tilespmem:v6+s14+$0x0] =	vst.idx.msk $0xffff, v2;
	v6 =	vor.u32 $0x5, v3  }
0x20: {  	[tilespmem:v7+s13+$0x0] =	vst.idx.msk $0xffff, v5  }
0x21: {  	[tilespmem:v7+s14+$0x0] =	vst.idx.msk $0xffff, v2;
	v7 =	vor.u32 $0x6, v3  }
0x22: {  	[tilespmem:v4+s13+$0x0] =	vst.idx.msk $0xffff, v5  }
0x23: {  	[tilespmem:v4+s14+$0x0] =	vst.idx.msk $0xffff, v2;
	v4 =	vor.u32 $0x7, v3  }
0x24: {  	[tilespmem:v6+s13+$0x0] =	vst.idx.msk $0xffff, v5  }
0x25: {  	[tilespmem:v6+s14+$0x0] =	vst.idx.msk $0xffff, v2;
	v6 =	vor.u32 $0x8, v3  }
0x26: {  	[tilespmem:v7+s13+$0x0] =	vst.idx.msk $0xffff, v5  }
0x27: {  	[tilespmem:v7+s14+$0x0] =	vst.idx.msk $0xffff, v2;
	v7 =	vor.u32 $0x9, v3  }
0x28: {  	[tilespmem:v4+s13+$0x0] =	vst.idx.msk $0xffff, v5  }
0x29: {  	[tilespmem:v4+s14+$0x0] =	vst.idx.msk $0xffff, v2;
	v4 =	vor.u32 $0xA, v3  }
0x2a: {  	[tilespmem:v6+s13+$0x0] =	vst.idx.msk $0xffff, v5  }
0x2b: {  	[tilespmem:v6+s14+$0x0] =	vst.idx.msk $0xffff, v2;
	v6 =	vor.u32 $0xB, v3  }
0x2c: {  	[tilespmem:v7+s13+$0x0] =	vst.idx.msk $0xffff, v5  }
0x2d: {  	[tilespmem:v7+s14+$0x0] =	vst.idx.msk $0xffff, v2;
	v7 =	vor.u32 $0xC, v3  }
0x2e: {  	[tilespmem:v4+s13+$0x0] =	vst.idx.msk $0xffff, v5  }
0x2f: {  	[tilespmem:v4+s14+$0x0] =	vst.idx.msk $0xffff, v2;
	v4 =	vor.u32 $0xD, v3  }
0x30: {  	[tilespmem:v6+s13+$0x0] =	vst.idx.msk $0xffff, v5  }
0x31: {  	[tilespmem:v6+s14+$0x0] =	vst.idx.msk $0xffff, v2;
	v6 =	vor.u32 $0xE, v3  }
0x32: {  	[tilespmem:v7+s13+$0x0] =	vst.idx.msk $0xffff, v5  }
0x33: {  	v3 =	vor.u32 $0xF, v3;
	[tilespmem:v7+s14+$0x0] =	vst.idx.msk $0xffff, v2  }
0x34: {  	[tilespmem:v4+s13+$0x0] =	vst.idx.msk $0xffff, v5  }
0x35: {  	[tilespmem:v4+s14+$0x0] =	vst.idx.msk $0xffff, v2  }
0x36: {  	[tilespmem:v6+s13+$0x0] =	vst.idx.msk $0xffff, v5  }
0x37: {  	s20 =	simm.s32 $0x10;
	[tilespmem:v6+s14+$0x0] =	vst.idx.msk $0xffff, v2  }
0x38: {  	s24 =	simm.s32 $0x20;
	s21 =	simm.s32 $0x400;
	v4 =	vmov s20;
	s20 =	simm.s32 $0x0;
	[tilespmem:v3+s13+$0x0] =	vst.idx.msk $0xffff, v5  }
.LBB2_2:
0x39: {  	s20 =	sadd.s32 $0x10, s20  }
0x3a: {  	v4 =	vshll.u32 v4, $0x4;
	[tilespmem:v3+s14+$0x0] =	vst.idx.msk $0xffff, v2;
	s21 =	sadd.s32 $0x10, s21;
	s23 =	smov.u32 s24;
	s22 =	sadd.s32 $0x10, s24  }
0x3b: {  	p0 =	sne.s32 s24, $0x3F0;
	v5 =	vld [tilespmem:s20+$0x0];
	v3 =	vor.u32 v0, v4  }
0x3c: {  	v2 =	vld [tilespmem:s21+$0x0]  }
0x3d: {  	v4 =	vor.u32 $0x1, v3;
	_ =	sdelay $0x1  }
0x3e: {  	v6 =	vor.u32 $0x2, v3  }
0x3f: {  	[tilespmem:v3+s13+$0x0] =	vst.idx.msk $0xffff, v5  }
0x40: {  	v7 =	vor.u32 $0x3, v3;
	[tilespmem:v3+s14+$0x0] =	vst.idx.msk $0xffff, v2  }
0x41: {  	[tilespmem:v4+s13+$0x0] =	vst.idx.msk $0xffff, v5  }
0x42: {  	[tilespmem:v4+s14+$0x0] =	vst.idx.msk $0xffff, v2;
	v4 =	vor.u32 $0x4, v3  }
0x43: {  	[tilespmem:v6+s13+$0x0] =	vst.idx.msk $0xffff, v5  }
0x44: {  	[tilespmem:v6+s14+$0x0] =	vst.idx.msk $0xffff, v2;
	v6 =	vor.u32 $0x5, v3  }
0x45: {  	[tilespmem:v7+s13+$0x0] =	vst.idx.msk $0xffff, v5  }
0x46: {  	[tilespmem:v7+s14+$0x0] =	vst.idx.msk $0xffff, v2;
	v7 =	vor.u32 $0x6, v3  }
0x47: {  	[tilespmem:v4+s13+$0x0] =	vst.idx.msk $0xffff, v5  }
0x48: {  	[tilespmem:v4+s14+$0x0] =	vst.idx.msk $0xffff, v2;
	v4 =	vor.u32 $0x7, v3  }
0x49: {  	[tilespmem:v6+s13+$0x0] =	vst.idx.msk $0xffff, v5  }
0x4a: {  	[tilespmem:v6+s14+$0x0] =	vst.idx.msk $0xffff, v2;
	v6 =	vor.u32 $0x8, v3  }
0x4b: {  	[tilespmem:v7+s13+$0x0] =	vst.idx.msk $0xffff, v5  }
0x4c: {  	[tilespmem:v7+s14+$0x0] =	vst.idx.msk $0xffff, v2;
	v7 =	vor.u32 $0x9, v3  }
0x4d: {  	[tilespmem:v4+s13+$0x0] =	vst.idx.msk $0xffff, v5  }
0x4e: {  	[tilespmem:v4+s14+$0x0] =	vst.idx.msk $0xffff, v2;
	v4 =	vor.u32 $0xA, v3  }
0x4f: {  	[tilespmem:v6+s13+$0x0] =	vst.idx.msk $0xffff, v5  }
0x50: {  	[tilespmem:v6+s14+$0x0] =	vst.idx.msk $0xffff, v2;
	v6 =	vor.u32 $0xB, v3  }
0x51: {  	[tilespmem:v7+s13+$0x0] =	vst.idx.msk $0xffff, v5  }
0x52: {  	[tilespmem:v7+s14+$0x0] =	vst.idx.msk $0xffff, v2;
	v7 =	vor.u32 $0xC, v3  }
0x53: {  	[tilespmem:v4+s13+$0x0] =	vst.idx.msk $0xffff, v5  }
0x54: {  	[tilespmem:v4+s14+$0x0] =	vst.idx.msk $0xffff, v2;
	v4 =	vor.u32 $0xD, v3  }
0x55: {  	[tilespmem:v6+s13+$0x0] =	vst.idx.msk $0xffff, v5  }
0x56: {  	[tilespmem:v6+s14+$0x0] =	vst.idx.msk $0xffff, v2;
	v6 =	vor.u32 $0xE, v3  }
0x57: {  	[tilespmem:v7+s13+$0x0] =	vst.idx.msk $0xffff, v5  }
0x58: {  	v3 =	vor.u32 $0xF, v3;
	[tilespmem:v7+s14+$0x0] =	vst.idx.msk $0xffff, v2  }
.Ltmp0:
0x59: {  	[tilespmem:v4+s13+$0x0] =	vst.idx.msk $0xffff, v5;
	(pc) =	sbr.rel @p0 .LBB2_2-.Ltmp0, $4  }
0x5a: {  	[tilespmem:v4+s14+$0x0] =	vst.idx.msk $0xffff, v2  }
0x5b: {  	[tilespmem:v6+s13+$0x0] =	vst.idx.msk $0xffff, v5  }
0x5c: {  	[tilespmem:v6+s14+$0x0] =	vst.idx.msk $0xffff, v2  }
0x5d: {  	s24 =	smov.u32 s22;
	v4 =	vmov s23;
	[tilespmem:v3+s13+$0x0] =	vst.idx.msk $0xffff, v5  }
0x5e: {  	_ =	sdelay $0x3  }
0x5f: {  	v4 =	vshll.u32 v4, $0x4;
	[tilespmem:v3+s14+$0x0] =	vst.idx.msk $0xffff, v2;
	s20 =	sadd.s32 $0x10, s20  }
0x60: {  	s21 =	sadd.s32 $0x10, s21;
	v2 =	vld [tilespmem:s20+$0x0];
	v3 =	vor.u32 v0, v4  }
0x61: {  	v52 =	vld [tilespmem:s21+$0x0]  }
0x62: {  	v5 =	vor.u32 $0x1, v3;
	_ =	sdelay $0x1  }
0x63: {  	v6 =	vor.u32 $0x2, v3  }
0x64: {  	[tilespmem:v3+s13+$0x0] =	vst.idx.msk $0xffff, v2  }
0x65: {  	v7 =	vor.u32 $0x3, v3;
	[tilespmem:v3+s14+$0x0] =	vst.idx.msk $0xffff, v52  }
0x66: {  	[tilespmem:v5+s13+$0x0] =	vst.idx.msk $0xffff, v2  }
0x67: {  	v53 =	vor.u32 $0x4, v3;
	[tilespmem:v5+s14+$0x0] =	vst.idx.msk $0xffff, v52  }
0x68: {  	[tilespmem:v6+s13+$0x0] =	vst.idx.msk $0xffff, v2  }
0x69: {  	v54 =	vor.u32 $0x5, v3;
	[tilespmem:v6+s14+$0x0] =	vst.idx.msk $0xffff, v52  }
0x6a: {  	[tilespmem:v7+s13+$0x0] =	vst.idx.msk $0xffff, v2  }
0x6b: {  	v55 =	vor.u32 $0x6, v3;
	[tilespmem:v7+s14+$0x0] =	vst.idx.msk $0xffff, v52  }
0x6c: {  	[tilespmem:v53+s13+$0x0] =	vst.idx.msk $0xffff, v2  }
0x6d: {  	v56 =	vor.u32 $0x7, v3;
	[tilespmem:v53+s14+$0x0] =	vst.idx.msk $0xffff, v52  }
0x6e: {  	[tilespmem:v54+s13+$0x0] =	vst.idx.msk $0xffff, v2  }
0x6f: {  	v57 =	vor.u32 $0x8, v3;
	[tilespmem:v54+s14+$0x0] =	vst.idx.msk $0xffff, v52  }
0x70: {  	[tilespmem:v55+s13+$0x0] =	vst.idx.msk $0xffff, v2  }
0x71: {  	v58 =	vor.u32 $0x9, v3;
	[tilespmem:v55+s14+$0x0] =	vst.idx.msk $0xffff, v52  }
0x72: {  	[tilespmem:v56+s13+$0x0] =	vst.idx.msk $0xffff, v2  }
0x73: {  	v59 =	vor.u32 $0xA, v3;
	[tilespmem:v56+s14+$0x0] =	vst.idx.msk $0xffff, v52  }
0x74: {  	[tilespmem:v57+s13+$0x0] =	vst.idx.msk $0xffff, v2  }
0x75: {  	v60 =	vor.u32 $0xB, v3;
	[tilespmem:v57+s14+$0x0] =	vst.idx.msk $0xffff, v52  }
0x76: {  	[tilespmem:v58+s13+$0x0] =	vst.idx.msk $0xffff, v2  }
0x77: {  	v61 =	vor.u32 $0xC, v3;
	[tilespmem:v58+s14+$0x0] =	vst.idx.msk $0xffff, v52  }
0x78: {  	[tilespmem:v59+s13+$0x0] =	vst.idx.msk $0xffff, v2  }
0x79: {  	v62 =	vor.u32 $0xD, v3;
	[tilespmem:v59+s14+$0x0] =	vst.idx.msk $0xffff, v52  }
0x7a: {  	[tilespmem:v60+s13+$0x0] =	vst.idx.msk $0xffff, v2  }
0x7b: {  	v63 =	vor.u32 $0xE, v3;
	[tilespmem:v60+s14+$0x0] =	vst.idx.msk $0xffff, v52  }
0x7c: {  	[tilespmem:v61+s13+$0x0] =	vst.idx.msk $0xffff, v2  }
0x7d: {  	v3 =	vor.u32 $0xF, v3;
	[tilespmem:v61+s14+$0x0] =	vst.idx.msk $0xffff, v52  }
0x7e: {  	[tilespmem:v62+s13+$0x0] =	vst.idx.msk $0xffff, v2  }
0x7f: {  	[tilespmem:v62+s14+$0x0] =	vst.idx.msk $0xffff, v52  }
0x80: {  	[tilespmem:v63+s13+$0x0] =	vst.idx.msk $0xffff, v2  }
0x81: {  	[tilespmem:v63+s14+$0x0] =	vst.idx.msk $0xffff, v52  }
0x82: {  	[tilespmem:v3+s13+$0x0] =	vst.idx.msk $0xffff, v2  }
0x83: {  	p0 =	por $0x0, $0x0;
	s20 =	simm.s32 $0x0;
	[tilespmem:v3+s14+$0x0] =	vst.idx.msk $0xffff, v52  }
0x84: {  	v10 =	vimm.f32 $0.0e+00;
	[tilespmem:s17], [sflag:$0x1] =	stream.strided.gather [hbm4b:s8+s15], $0x800, s16, s15, $0x38;
	[tilespmem:$0x9880] =	vst v63  }
.LBB2_5:
0x85: {  	s22 =	sand.u32 $0x1, s20  }
0x86: {  	s21 =	smov.u32 s20;
	s20 =	sadd.s32 $0x1, s20;
	p1 =	seq.s32 s22, $0x1  }
0x87: {  	s23 =	sshrl.u32 @!p1 s20, $0x1  }
0x88: {  	s23 =	sadd.s32 @!p1 s7, s23  }
0x89: {  	s24 =	sshll.u32 @!p1 s20, $0x6;
	s23 =	sshll.u32 @!p1 s23, $0xC  }
0x8a: {  	p2 =	seq.s32 s21, $0x3F;
	s24 =	sand.u32 @!p1 $0x380, s24;
	s23 =	sand.u32 @!p1 $0x38000, s23  }
0x8b: {  	p2 =	por !p1, p2;
	s23 =	sor.u32 @!p1 s23, s24  }
0x8c: {  	s25 =	simm.s32 @!p1 $0x400;
	s21 =	sshrl.u32 @!p2 s20, $0x1;
	s23 =	sor.u32 @!p1 s5, s23  }
0x8d: {  	s26 =	simm.s32 @!p1 $0x9000;
	s21 =	sadd.s32 @!p2 s7, s21;
	s23 =	sshrl.u32 @!p1 s23, $0x3  }
0x8e: {  	s21 =	sshll.u32 @!p2 s21, $0xC;
	s24 =	simm.s32 @!p1 $0x80;
	s23 =	sadd.s32 @!p1 s23, s9  }
0x8f: {  	[tilespmem:s26], [sflag:$0x2] =	stream.strided.gather @!p1 [hbm4b:s23+s24], $0x800, s25, s24, $0x38;
	[tilespmem:$0x9880] =	vst v63  }
0x90: {  	s21 =	sand.u32 @!p2 $0x78000, s21;
	s23 =	sshll.u32 @!p2 s20, $0x6  }
0x91: {  	s21 =	sadd.s32 @!p2 s5, s21;
	s23 =	sand.u32 @!p2 $0x380, s23  }
0x92: {  	s21 =	sor.u32 @!p2 s23, s21  }
0x93: {  	s24 =	simm.s32 @!p2 $0x80;
	s25 =	simm.s32 @!p2 $0x400;
	s21 =	sshrl.u32 @!p2 s21, $0x3  }
0x94: {  	s26 =	simm.s32 @!p2 $0x8800;
	s23 =	simm.s32 $0x1;
	s21 =	sadd.s32 @!p2 s3, s21  }
0x95: {  	[tilespmem:s26], [sflag:$0x1] =	stream.strided.gather @!p2 [hbm4b:s21+s24], $0x800, s25, s24, $0x38;
	[tilespmem:$0x9880] =	vst v63  }
0x96: {  	s23 =	simm.s32 @!p0 $0x0;
	p2 =	sne.s32 s22, $0x0  }
0x97: {  	s30 =	sshll.u32 s23, $0xB;
	s22 =	simm.s32 @!p2 $0x1  }
0x98: {  	s21 =	sadd.s32 $0x8840, s30;
	_ =	swait.ge @!p2 [sflag:s22], $0x800  }
0x99: {  	v5 =	vmov s21;
	[sflag:s22] =	ssyncset.done @!p2 $0x0  }
0x9a: {  	s21 =	simm.s32 @p1 $0x2;
	[sflag:s22] =	ssyncadd.s32 @!p2 $0xFFFFF800  }
0x9b: {  	_ =	swait.ge @p1 [sflag:s21], $0x800  }
0x9c: {  	[sflag:s21] =	ssyncset.done @p1 $0x0  }
0x9d: {  	s31 =	simm.s32 $0x0;
	[sflag:s21] =	ssyncadd.s32 @p1 $0xFFFFF800  }
0x9e: {  	v11 =	vld.idx.msk [tilespmem:v5+s31+$0xFFFFFFC0 ss:$0x1], $0xffff;
	_ =	sdelay $0x1  }
0x9f: {  	v13 =	vld.idx.msk [tilespmem:v5+s31+$0xFFFFFFD0 ss:$0x1], $0xffff  }
0xa0: {  	v6 =	vld.idx.msk [tilespmem:v5+s31+$0x30 ss:$0x1], $0xffff  }
0xa1: {  	v15 =	vld.idx.msk [tilespmem:v5+s31+$0xFFFFFFE0 ss:$0x1], $0xffff  }
0xa2: {  	v2 =	vshra.s32 v11, $0x12  }
0xa3: {  	v19 =	vld.idx.msk [tilespmem:v5+s31+$0xFFFFFFF0 ss:$0x1], $0xffff;
	vm0 =	vgt.s32 v2, $0xD60  }
0xa4: {  	v14 =	vand.u32 $0x1, v13;
	v3 =	vshra.s32 v13, $0x12;
	v2 =	vnsel vm0, $0xD60, v2  }
0xa5: {  	v9 =	vld.idx.msk [tilespmem:v5+s31+$0x0 ss:$0x1], $0xffff;
	v12 =	vshra.s32 v6, $0x12;
	vm0 =	vgt.s32 v3, $0xD60;
	v2 =	vmin.u32 v2, $0x115F  }
0xa6: {  	v4 =	vshra.s32 v15, $0x12;
	v3 =	vnsel vm0, $0xD60, v3;
	v2 =	vshll.u32 v2, $0x4  }
0xa7: {  	v8 =	vld.idx.msk [tilespmem:v5+s31+$0x10 ss:$0x1], $0xffff;
	vm0 =	vgt.s32 v4, $0xD60;
	v16 =	vadd.s32 v1, v2;
	v2 =	vmin.u32 v3, $0x115F  }
0xa8: {  	s21 =	simm.s32 $0x80;
	v7 =	vld.idx.msk [tilespmem:v5+s31+$0x20 ss:$0x1], $0xffff;
	v17 =	vshra.s32 v19, $0x12;
	v4 =	vnsel vm0, $0xD60, v4;
	v3 =	vshll.u32 v2, $0x4  }
0xa9: {  	vm0 =	vgt.s32 v17, $0xD60;
	v4 =	vmin.u32 v4, $0x115F;
	v2 =	vld.idx.msk [tilespmem:v5+s21+$0x30 ss:$0x1], $0xffff;
	v18 =	vadd.s32 v1, v3  }
0xaa: {  	v21 =	vshra.s32 v9, $0x12;
	v17 =	vnsel vm0, $0xD60, v17;
	v20 =	vshll.u32 v4, $0x4;
	v4 =	vld.idx.msk [tilespmem:v5+s21+$0xFFFFFFC0 ss:$0x1], $0xffff  }
0xab: {  	vm0 =	vgt.s32 v21, $0xD60;
	v17 =	vmin.u32 v17, $0x115F;
	v3 =	vld.idx.msk [tilespmem:v5+s21+$0xFFFFFFD0 ss:$0x1], $0xffff;
	v20 =	vadd.s32 v1, v20  }
0xac: {  	v22 =	vshra.s32 v8, $0x12;
	v21 =	vnsel vm0, $0xD60, v21;
	v17 =	vshll.u32 v17, $0x4;
	v23 =	vld.idx.msk [tilespmem:v16+s13+$0x0], $0xffff  }
0xad: {  	vm0 =	vgt.s32 v22, $0xD60;
	v21 =	vmin.u32 v21, $0x115F;
	v17 =	vadd.s32 v1, v17;
	v16 =	vld.idx.msk [tilespmem:v16+s14+$0x0], $0xffff  }
0xae: {  	v24 =	vshra.s32 v7, $0x12;
	v22 =	vnsel vm0, $0xD60, v22;
	v21 =	vshll.u32 v21, $0x4;
	v25 =	vld.idx.msk [tilespmem:v18+s13+$0x0], $0xffff  }
0xaf: {  	vm0 =	vgt.s32 v24, $0xD60;
	v22 =	vmin.u32 v22, $0x115F;
	v21 =	vadd.s32 v1, v21;
	v18 =	vld.idx.msk [tilespmem:v18+s14+$0x0], $0xffff  }
0xb0: {  	v27 =	vand.u32 $0x1, v11;
	v24 =	vnsel vm0, $0xD60, v24;
	v22 =	vshll.u32 v22, $0x4;
	v26 =	vld.idx.msk [tilespmem:v20+s13+$0x0], $0xffff  }
0xb1: {  	vm0 =	vgt.s32 v12, $0xD60;
	v24 =	vmin.u32 v24, $0x115F;
	v22 =	vadd.s32 v1, v22;
	v20 =	vld.idx.msk [tilespmem:v20+s14+$0x0], $0xffff  }
0xb2: {  	v12 =	vnsel vm0, $0xD60, v12;
	vm0 =	veq.s32 v27, $0x0;
	v24 =	vshll.u32 v24, $0x4;
	v28 =	vld.idx.msk [tilespmem:v17+s13+$0x0], $0xffff  }
0xb3: {  	v12 =	vmin.u32 v12, $0x115F;
	v24 =	vadd.s32 v1, v24;
	v59 =	vld.idx.msk [tilespmem:v17+s14+$0x0], $0xffff;
	v16 =	vsel vm0, v16, v23  }
0xb4: {  	v17 =	vshll.u32 v12, $0x4;
	v12 =	vld.idx.msk [tilespmem:v21+s13+$0x0], $0xffff;
	vm0 =	veq.s32 v14, $0x0;
	v16 =	vmul.f32 v16, v11  }
0xb5: {  	v60 =	vand.u32 $0x1, v15;
	v14 =	vadd.s32 v1, v17;
	v17 =	vld.idx.msk [tilespmem:v21+s14+$0x0], $0xffff;
	v18 =	vsel vm0, v18, v25  }
0xb6: {  	v11 =	vld.idx.msk [tilespmem:v22+s13+$0x0], $0xffff;
	vm0 =	veq.s32 v60, $0x0;
	v61 =	vadd.f32 v16, v10;
	v13 =	vmul.f32 v18, v13  }
0xb7: {  	v16 =	vld.idx.msk [tilespmem:v22+s14+$0x0], $0xffff;
	v18 =	vsel vm0, v20, v26;
	v20 =	vand.u32 $0x1, v19  }
0xb8: {  	v10 =	vld.idx.msk [tilespmem:v24+s13+$0x0], $0xffff;
	v18 =	vmul.f32 v18, v15;
	vm0 =	veq.s32 v20, $0x0;
	v62 =	vadd.f32 v13, v61  }
0xb9: {  	v63 =	vand.u32 $0x1, v9;
	v15 =	vld.idx.msk [tilespmem:v24+s14+$0x0], $0xffff;
	v20 =	vsel vm0, v59, v28  }
0xba: {  	s22 =	simm.s32 $0x400;
	v13 =	vld.idx.msk [tilespmem:v14+s13+$0x0], $0xffff;
	vm0 =	veq.s32 v63, $0x0;
	v19 =	vmul.f32 v20, v19;
	v18 =	vadd.f32 v18, v62  }
.LBB2_6:
0xbb: {  	p1 =	seq.s32 s22, $0x1E00;
	v14 =	vld.idx.msk [tilespmem:v14+s14+$0x0], $0xffff;
	v12 =	vsel vm0, v17, v12;
	v17 =	vand.u32 $0x1, v8;
	v20 =	vand.u32 $0x1, v6  }
0xbc: {  	v18 =	vadd.f32 v19, v18;
	v9 =	vmul.f32 v12, v9;
	vm0 =	veq.s32 v17, $0x0  }
0xbd: {  	v17 =	vand.u32 $0x1, v3;
	v12 =	vand.u32 $0x1, v7;
	v19 =	vld.idx.msk [tilespmem:v5+s21+$0xFFFFFFE0 ss:$0x1], $0xffff;
	v11 =	vsel vm0, v16, v11  }
0xbe: {  	vm0 =	veq.s32 v12, $0x0;
	v9 =	vadd.f32 v9, v18;
	v8 =	vmul.f32 v11, v8  }
0xbf: {  	v12 =	vshra.s32 v2, $0x12;
	v11 =	vshra.s32 v4, $0x12;
	v10 =	vsel vm0, v15, v10  }
0xc0: {  	vm0 =	veq.s32 v20, $0x0;
	v7 =	vmul.f32 v10, v7;
	v21 =	vld.idx.msk [tilespmem:v5+s21+$0xFFFFFFF0 ss:$0x1], $0xffff;
	v8 =	vadd.f32 v8, v9  }
0xc1: {  	vm1 =	vgt.s32 v11, $0xD60;
	v10 =	vshra.s32 v3, $0x12;
	v13 =	vsel vm0, v14, v13  }
0xc2: {  	v11 =	vnsel vm1, $0xD60, v11;
	v13 =	vmul.f32 v13, v6;
	v6 =	vmovc v2;
	v9 =	vld.idx.msk [tilespmem:v5+s21+$0x0 ss:$0x1], $0xffff;
	v7 =	vadd.f32 v7, v8  }
0xc3: {  	vm0 =	vgt.s32 v10, $0xD60;
	v2 =	vmin.u32 v11, $0x115F;
	v11 =	vshra.s32 v19, $0x12  }
0xc4: {  	v10 =	vnsel vm0, $0xD60, v10;
	v2 =	vshll.u32 v2, $0x4;
	v8 =	vld.idx.msk [tilespmem:v5+s21+$0x10 ss:$0x1], $0xffff;
	v13 =	vadd.f32 v13, v7  }
0xc5: {  	v14 =	vadd.s32 v1, v2;
	v2 =	vmin.u32 v10, $0x115F;
	vm0 =	vgt.s32 v11, $0xD60  }
0xc6: {  	v10 =	vshll.u32 v2, $0x4;
	v11 =	vnsel vm0, $0xD60, v11;
	v15 =	vshra.s32 v21, $0x12;
	v7 =	vld.idx.msk [tilespmem:v5+s21+$0x20 ss:$0x1], $0xffff;
	s21 =	sshra.s32 s22, $0x2  }
0xc7: {  	v10 =	vadd.s32 v1, v10;
	v11 =	vmin.u32 v11, $0x115F;
	vm0 =	vgt.s32 v15, $0xD60;
	v2 =	vld.idx.msk [tilespmem:v5+s21+$0x30 ss:$0x1], $0xffff  }
0xc8: {  	v11 =	vshll.u32 v11, $0x4;
	v15 =	vnsel vm0, $0xD60, v15;
	v18 =	vshra.s32 v9, $0x12;
	v16 =	vld.idx.msk [tilespmem:v5+s21+$0xFFFFFFD0 ss:$0x1], $0xffff  }
0xc9: {  	v11 =	vadd.s32 v1, v11;
	v15 =	vmin.u32 v15, $0x115F;
	vm0 =	vgt.s32 v18, $0xD60;
	v20 =	vld.idx.msk [tilespmem:v5+s21+$0xFFFFFFC0 ss:$0x1], $0xffff  }
0xca: {  	v15 =	vshll.u32 v15, $0x4;
	v18 =	vnsel vm0, $0xD60, v18;
	v22 =	vshra.s32 v8, $0x12;
	v23 =	vld.idx.msk [tilespmem:v14+s13+$0x0], $0xffff  }
0xcb: {  	v15 =	vadd.s32 v1, v15;
	v18 =	vmin.u32 v18, $0x115F;
	vm0 =	vgt.s32 v22, $0xD60;
	v14 =	vld.idx.msk [tilespmem:v14+s14+$0x0], $0xffff  }
0xcc: {  	v18 =	vshll.u32 v18, $0x4;
	v22 =	vnsel vm0, $0xD60, v22;
	v24 =	vshra.s32 v7, $0x12;
	v25 =	vld.idx.msk [tilespmem:v10+s13+$0x0], $0xffff  }
0xcd: {  	v18 =	vadd.s32 v1, v18;
	v22 =	vmin.u32 v22, $0x115F;
	vm0 =	vgt.s32 v24, $0xD60;
	v10 =	vld.idx.msk [tilespmem:v10+s14+$0x0], $0xffff  }
0xce: {  	v27 =	vand.u32 $0x1, v4;
	v22 =	vshll.u32 v22, $0x4;
	v24 =	vnsel vm0, $0xD60, v24;
	v26 =	vld.idx.msk [tilespmem:v11+s13+$0x0], $0xffff  }
0xcf: {  	vm0 =	vgt.s32 v12, $0xD60;
	v22 =	vadd.s32 v1, v22;
	v24 =	vmin.u32 v24, $0x115F;
	v28 =	vld.idx.msk [tilespmem:v11+s14+$0x0], $0xffff  }
0xd0: {  	v12 =	vnsel vm0, $0xD60, v12;
	vm0 =	veq.s32 v27, $0x0;
	v11 =	vshll.u32 v24, $0x4;
	v24 =	vld.idx.msk [tilespmem:v15+s13+$0x0], $0xffff  }
0xd1: {  	v27 =	vadd.s32 v1, v11;
	v11 =	vmin.u32 v12, $0x115F;
	v14 =	vsel vm0, v14, v23;
	v29 =	vld.idx.msk [tilespmem:v15+s14+$0x0], $0xffff  }
0xd2: {  	vm0 =	veq.s32 v17, $0x0;
	v11 =	vshll.u32 v11, $0x4;
	v15 =	vmul.f32 v14, v4;
	v4 =	vmovc v20;
	v12 =	vld.idx.msk [tilespmem:v18+s13+$0x0], $0xffff  }
0xd3: {  	v14 =	vadd.s32 v1, v11;
	v10 =	vsel vm0, v10, v25;
	v17 =	vld.idx.msk [tilespmem:v18+s14+$0x0], $0xffff;
	v18 =	vand.u32 $0x1, v19  }
.Ltmp1:
0xd4: {  	v13 =	vadd.f32 v15, v13;
	v15 =	vmul.f32 v10, v3;
	v3 =	vmovc v16;
	v11 =	vld.idx.msk [tilespmem:v22+s13+$0x0], $0xffff;
	vm0 =	veq.s32 v18, $0x0;
	(pc) =	sbr.rel @!p1 .LBB2_6-.Ltmp1, $4  }
0xd5: {  	v20 =	vand.u32 $0x1, v21;
	v16 =	vld.idx.msk [tilespmem:v22+s14+$0x0], $0xffff;
	v18 =	vsel vm0, v28, v26  }
0xd6: {  	v22 =	vadd.f32 v15, v13;
	vm0 =	veq.s32 v20, $0x0;
	v10 =	vld.idx.msk [tilespmem:v27+s13+$0x0], $0xffff;
	v18 =	vmul.f32 v18, v19  }
0xd7: {  	v20 =	vand.u32 $0x1, v9;
	v19 =	vsel vm0, v29, v24;
	v15 =	vld.idx.msk [tilespmem:v27+s14+$0x0], $0xffff  }
0xd8: {  	s22 =	sadd.s32 $0x200, s22;
	vm0 =	veq.s32 v20, $0x0;
	v19 =	vmul.f32 v19, v21;
	v13 =	vld.idx.msk [tilespmem:v14+s13+$0x0], $0xffff;
	v18 =	vadd.f32 v18, v22  }
0xd9: {  	_ = 	snop  }
0xda: {  	v12 =	vsel vm0, v17, v12;
	v31 =	vand.u32 $0x1, v8;
	v20 =	vand.u32 $0x1, v6  }
0xdb: {  	v32 =	vand.u32 $0x1, v3;
	v33 =	vand.u32 $0x1, v7;
	v35 =	vshra.s32 v2, $0x12  }
0xdc: {  	v22 =	vand.u32 $0x1, v4;
	v18 =	vadd.f32 v19, v18;
	v9 =	vmul.f32 v12, v9  }
0xdd: {  	v14 =	vld.idx.msk [tilespmem:v14+s14+$0x0], $0xffff;
	vm10 =	veq.s32 v31, $0x0;
	vm11 =	veq.s32 v33, $0x0;
	vm12 =	veq.s32 v20, $0x0  }
0xde: {  	v34 =	vld.idx.msk [tilespmem:v5+s21+$0xFFFFFFE0 ss:$0x1], $0xffff;
	vm7 =	vgt.s32 v35, $0xD60;
	vm8 =	veq.s32 v22, $0x0;
	v11 =	vsel vm10, v16, v11  }
0xdf: {  	v9 =	vadd.f32 v9, v18;
	v8 =	vmul.f32 v11, v8;
	v10 =	vsel vm11, v15, v10  }
0xe0: {  	vm9 =	veq.s32 v32, $0x0;
	v11 =	vshra.s32 v4, $0x12;
	v36 =	vmul.f32 v10, v7  }
0xe1: {  	vm1 =	vgt.s32 v11, $0xD60;
	v10 =	vshra.s32 v3, $0x12;
	v8 =	vadd.f32 v8, v9;
	v9 =	vld.idx.msk [tilespmem:v5+s21+$0xFFFFFFF0 ss:$0x1], $0xffff  }
0xe2: {  	v13 =	vsel vm12, v14, v13;
	v11 =	vnsel vm1, $0xD60, v11;
	vm13 =	vgt.s32 v10, $0xD60  }
0xe3: {  	v38 =	vshra.s32 v34, $0x12;
	v11 =	vmin.u32 v11, $0x115F;
	v7 =	vadd.f32 v36, v8;
	v8 =	vld.idx.msk [tilespmem:v5+s21+$0x0 ss:$0x1], $0xffff  }
0xe4: {  	v37 =	vmul.f32 v13, v6;
	v10 =	vnsel vm13, $0xD60, v10;
	v11 =	vshll.u32 v11, $0x4  }
0xe5: {  	v39 =	vld.idx.msk [tilespmem:v5+s21+$0x10 ss:$0x1], $0xffff;
	vm14 =	vgt.s32 v38, $0xD60;
	v10 =	vmin.u32 v10, $0x115F;
	v11 =	vadd.s32 v1, v11  }
0xe6: {  	v13 =	vnsel vm14, $0xD60, v38;
	v10 =	vshll.u32 v10, $0x4;
	v40 =	vshra.s32 v9, $0x12  }
0xe7: {  	v41 =	vld.idx.msk [tilespmem:v5+s21+$0x20 ss:$0x1], $0xffff;
	v13 =	vmin.u32 v13, $0x115F;
	v10 =	vadd.s32 v1, v10;
	vm15 =	vgt.s32 v40, $0xD60  }
0xe8: {  	v13 =	vshll.u32 v13, $0x4;
	v14 =	vnsel vm15, $0xD60, v40;
	v42 =	vshra.s32 v8, $0x12  }
0xe9: {  	v13 =	vadd.s32 v1, v13;
	v14 =	vmin.u32 v14, $0x115F;
	vm4 =	vgt.s32 v42, $0xD60  }
0xea: {  	v43 =	vshra.s32 v39, $0x12;
	v44 =	vld.idx.msk [tilespmem:v11+s13+$0x0], $0xffff;
	v14 =	vshll.u32 v14, $0x4;
	v15 =	vnsel vm4, $0xD60, v42  }
0xeb: {  	vm5 =	vgt.s32 v43, $0xD60;
	v11 =	vld.idx.msk [tilespmem:v11+s14+$0x0], $0xffff;
	v14 =	vadd.s32 v1, v14;
	v15 =	vmin.u32 v15, $0x115F  }
0xec: {  	v45 =	vshra.s32 v41, $0x12;
	v18 =	vnsel vm5, $0xD60, v43;
	v21 =	vld.idx.msk [tilespmem:v10+s13+$0x0], $0xffff;
	v15 =	vshll.u32 v15, $0x4  }
0xed: {  	vm6 =	vgt.s32 v45, $0xD60;
	v18 =	vmin.u32 v18, $0x115F;
	v10 =	vld.idx.msk [tilespmem:v10+s14+$0x0], $0xffff;
	v15 =	vadd.s32 v1, v15  }
0xee: {  	v16 =	vnsel vm7, $0xD60, v35;
	v20 =	vnsel vm6, $0xD60, v45;
	v18 =	vshll.u32 v18, $0x4;
	v23 =	vld.idx.msk [tilespmem:v13+s13+$0x0], $0xffff  }
0xef: {  	v16 =	vmin.u32 v16, $0x115F;
	v20 =	vmin.u32 v20, $0x115F;
	v18 =	vadd.s32 v1, v18;
	v13 =	vld.idx.msk [tilespmem:v13+s14+$0x0], $0xffff  }
0xf0: {  	v16 =	vshll.u32 v16, $0x4;
	v20 =	vshll.u32 v20, $0x4;
	v11 =	vsel vm8, v11, v44;
	v46 =	vld.idx.msk [tilespmem:v14+s13+$0x0], $0xffff  }
0xf1: {  	v6 =	vadd.f32 v37, v7;
	v20 =	vadd.s32 v1, v20;
	v47 =	vmul.f32 v11, v4;
	v14 =	vld.idx.msk [tilespmem:v14+s14+$0x0], $0xffff  }
0xf2: {  	v48 =	vadd.s32 v1, v16;
	v49 =	vand.u32 $0x1, v34;
	v10 =	vsel vm9, v10, v21;
	v11 =	vld.idx.msk [tilespmem:v15+s13+$0x0], $0xffff  }
0xf3: {  	vm10 =	veq.s32 v49, $0x0;
	v3 =	vmul.f32 v10, v3;
	v4 =	vadd.f32 v47, v6;
	v15 =	vld.idx.msk [tilespmem:v15+s14+$0x0], $0xffff  }
0xf4: {  	v51 =	vand.u32 $0x1, v9;
	v50 =	vld.idx.msk [tilespmem:v18+s13+$0x0], $0xffff;
	v10 =	vsel vm10, v13, v23  }
0xf5: {  	vm11 =	veq.s32 v51, $0x0;
	v52 =	vld.idx.msk [tilespmem:v18+s14+$0x0], $0xffff;
	v53 =	vmul.f32 v10, v34;
	v3 =	vadd.f32 v3, v4  }
0xf6: {  	v54 =	vand.u32 $0x1, v8;
	v55 =	vld.idx.msk [tilespmem:v20+s14+$0x0], $0xffff;
	v13 =	vsel vm11, v14, v46  }
0xf7: {  	vm12 =	veq.s32 v54, $0x0;
	v10 =	vld.idx.msk [tilespmem:v20+s13+$0x0], $0xffff;
	v3 =	vadd.f32 v53, v3;
	v56 =	vmul.f32 v13, v9  }
0xf8: {  	v57 =	vand.u32 $0x1, v39;
	v12 =	vld.idx.msk [tilespmem:v48+s14+$0x0], $0xffff;
	v11 =	vsel vm12, v15, v11  }
0xf9: {  	vm13 =	veq.s32 v57, $0x0;
	v9 =	vld.idx.msk [tilespmem:v48+s13+$0x0], $0xffff;
	v3 =	vadd.f32 v56, v3;
	v58 =	vmul.f32 v11, v8  }
0xfa: {  	v6 =	vsel vm13, v52, v50;
	v8 =	vand.u32 $0x1, v41  }
0xfb: {  	v59 =	vmul.f32 v6, v39;
	vm14 =	veq.s32 v8, $0x0;
	v3 =	vadd.f32 v58, v3  }
0xfc: {  	v60 =	vand.u32 $0x1, v2;
	v61 =	vsel vm14, v55, v10  }
0xfd: {  	vm15 =	veq.s32 v60, $0x0;
	v62 =	vmul.f32 v61, v41;
	v3 =	vadd.f32 v59, v3  }
0xfe: {  	v63 =	vsel vm15, v12, v9  }
0xff: {  	v2 =	vmul.f32 v63, v2;
	v3 =	vadd.f32 v62, v3;
	_ =	sdelay $0x1  }
0x100: {  	v10 =	vadd.f32 v2, v3  }
0x101: {  	p1 =	seq.s32 s20, $0x40  }
.Ltmp2:
0x102: {  	_ = 	snop;
	(pc) =	sbr.rel @!p1 .LBB2_5-.Ltmp2, $2  }
0x103: {  	_ =	sdelay $0x2  }
0x104: {  	p0 =	por !p0, !p0  }
0x105: {  	s19 =	sadd.s32 $0x1, s19  }
0x106: {  	p0 =	sne.s32 s19, s11  }
.Ltmp3:
0x107: {  	[tilespmem:$0x9800] =	vst v10;
	(pc) =	sbr.rel @p0 .LBB2_1-.Ltmp3, $4  }
0x108: {  	[hbm4b:s10+s2] =	stream.linear.scatter [tilespmem:s18], [sflag:$0x3], $0x10, $0x38;
	[tilespmem:$0x9880] =	vst v63  }
0x109: {  	_ =	swait.ge [sflag:s12], $0x10  }
0x10a: {  	[sflag:s12] =	ssyncset.done $0x0  }
0x10b: {  	[sflag:s12] =	ssyncadd.s32 $0xFFFFFFF0  }
0x10c: {  	_ =	sfence.sel $0x180000  }
0x10d: {  	[bflag:$0x0] =	sbarrier.arrive $0xFFFF  }
0x10e: {  	p0 =	sne.s32 s1, $0x0;
	_ =	strace $0x9000004A  }
0x10f: {  	s0 =	sadd.s32 @!p0 $0x100000, s0;
	[bflag:$0x2] =	sbarrier.arrive $0xFFFF  }
0x110: {  	[sflag:s0] =	ssyncadd.tile.s32 @!p0 $0x1;
	_ =	shalt  }
.Lfunc_end2:
_tile_overlayer_lowered:
.L_overlay_start_2:
0x111: {  	(tag) =	ssettag $0x2  }
0x112: {  	s0 =	rddreg [dreg:$0x0];
	s2 =	stileid.u32  }
0x113: {  	s1 =	rddreg [dreg:$0x1];
	p0 =	sne.s32 s2, $0x0  }
0x114: {  	s3 =	rddreg [dreg:$0x2];
	[bflag:$0x3] =	sbarrier.arrive $0xFFFF;
	s2 =	simm.s32 @!p0 $0x1C03  }
0x115: {  	[timem:s3], [sflag:s2] =	dma.local @!p0 [hbm:s0], s1  }
0x116: {  	s0 =	simm.s32 @!p0 $0x3  }
0x117: {  	_ =	swait.ge @!p0 [sflag:s0], s1  }
0x118: {  	s1 =	ssub.s32 @!p0 $0x0, s1;
	[sflag:s0] =	ssyncset.done @!p0 $0x0  }
0x119: {  	[sflag:s0] =	ssyncadd.s32 @!p0 s1  }
0x11a: {  	[bflag:$0x3] =	sbarrier.arrive $0xFFFF  }
0x11b: {  	_ =	shalt  }

// kernel: kernel.7.cloned.1.call-start
scs
__scs_entry_jumppad:
0x0: {  	(pc) =	sbr.rel $0x88, $3  }
0x1: {  	(tag) =	ssettag $0x0;
	lr =	simm.s32 $0x1  }
0x2: {  	[smem:$0x3F9E] =	sst lr;
	_ =	strace $0xD0000000  }
0x3: {  	_ = 	snop  }
0x4: {  	_ = 	snop  }
0x5: {  	_ = 	snop  }
0x6: {  	_ = 	snop  }
0x7: {  	_ = 	snop  }
__scs_overlays_trampoline_lowered:
0x8: {  	[smem:$0x3FAD] =	sst s0  }
0x9: {  	[smem:$0x3FAE] =	sst s1  }
0xa: {  	[smem:$0x3FAF] =	sst s2  }
0xb: {  	[smem:$0x3FB0] =	sst s3  }
0xc: {  	[smem:$0x3FB1] =	sst s4  }
0xd: {  	[smem:$0x3FB2] =	sst s5  }
0xe: {  	[smem:$0x3FB3] =	sst s6  }
0xf: {  	[smem:$0x3FB4] =	sst s7  }
0x10: {  	[smem:$0x3FB5] =	sst s8  }
0x11: {  	[smem:$0x3FB6] =	sst s9;
	s0 =	simm.s32 @!p0 $0x0  }
0x12: {  	s1 =	sld [smem:$0x3F9C];
	s0 =	simm.s32 @p0 $0x1  }
0x13: {  	[smem:$0x3FB7] =	sst s0;
	s0 =	simm.s32 @!p1 $0x0  }
0x14: {  	s2 =	sld [smem:$0x3F9B];
	s0 =	simm.s32 @p1 $0x1  }
0x15: {  	[smem:$0x3FB8] =	sst s0;
	s0 =	simm.s32 @!p2 $0x0  }
0x16: {  	s3 =	sld [smem:$0x3FDB];
	s0 =	simm.s32 @p2 $0x1  }
0x17: {  	s4 =	simm.s32 $0x1BF5;
	[smem:$0x3FBA] =	sst s0  }
0x18: {  	s0 =	sld [smem:$0x3F9D];
	_ =	swait.ge [sflag:s4], $0x0  }
0x19: {  	s7 =	sld [smem:$0x3F9E]  }
0x1a: {  	s8 =	sadd.s32 $0xFFFFE003, lr  }
0x1b: {  	s9 =	sadd.s32 $0xFFFFFEF7, lr;
	s5 =	simm.s32 $0xFFFFFFFF;
	p2 =	slt.u32 s8, $0xFFFFF086  }
0x1c: {  	p1 =	slt.u32 s9, $0xF7A;
	s5 =	simm.s32 @!p2 $0x0  }
0x1d: {  	s5 =	simm.s32 @p1 $0x1;
	p0 =	seq.s32 s7, s2  }
0x1e: {  	s7 =	smul.u32 @!p0 $0xF7A, s2;
	p2 =	seq.s32 @!p0 s5, $0x0  }
0x1f: {  	s9 =	smul.u32 $0xF7A, s1;
	s8 =	simm.s32 @!p0 $0x1BF5;
	p2 =	por !p2, p0  }
0x20: {  	[sflag:s8] =	ssyncset.s32 @!p0 $0xFFFFF086;
	s6 =	sadd.s32 @!p0 s3, s7;
	s7 =	simm.s32 @!p0 $0x108  }
0x21: {  	s3 =	sadd.s32 s3, s9;
	s6 =	sadd.s32 @!p0 $0x88, s6;
	s7 =	simm.s32 @p2 $0x1082  }
0x22: {  	[simem:s7], [sflag:s8] =	dma.local @!p0 [hbm:s6], $0xF7A  }
0x23: {  	s9 =	sor.u32 $0xD0000000, s2;
	s6 =	simm.s32 $0x108;
	_ =	swait.ge @!p0 [sflag:s8], $0x0  }
0x24: {  	s3 =	sadd.s32 $0x88, s3;
	s6 =	simm.s32 @!p1 $0x1082;
	[sflag:s4] =	ssyncset.s32 $0xFFFFF086  }
0x25: {  	[simem:s6], [sflag:s4] =	dma.local [hbm:s3], $0xF7A  }
0x26: {  	[smem:$0x3F9E] =	sst s1;
	(tag) =	ssettag s2;
	_ =	strace s9  }
0x27: {  	s1 =	sld [smem:$0x3FAE]  }
0x28: {  	s2 =	sld [smem:$0x3FAF]  }
0x29: {  	s4 =	sld [smem:$0x3FB1]  }
0x2a: {  	p0 =	seq.s32 s5, $0x0;
	s5 =	sld [smem:$0x3FB2]  }
0x2b: {  	s6 =	sld [smem:$0x3FB3]  }
0x2c: {  	s7 =	sld [smem:$0x3FB4]  }
0x2d: {  	s3 =	simm.s32 $0x108;
	s8 =	sld [smem:$0x3FB5]  }
0x2e: {  	s3 =	simm.s32 @!p0 $0x1082;
	s9 =	sld [smem:$0x3FB6]  }
0x2f: {  	lr =	sadd.s32 s0, s3;
	s0 =	sld [smem:$0x3FAD]  }
0x30: {  	s3 =	sld [smem:$0x3FB0]  }
0x31: {  	[smem:$0x3FB9] =	sst s10  }
0x32: {  	s10 =	sld [smem:$0x3FB7];
	_ =	sdelay $0x3  }
0x33: {  	p0 =	seq.s32 s10, $0x1;
	s10 =	sld [smem:$0x3FB9];
	_ =	sdelay $0x3  }
0x34: {  	[smem:$0x3FB9] =	sst s10  }
0x35: {  	s10 =	sld [smem:$0x3FB8];
	_ =	sdelay $0x3  }
0x36: {  	p1 =	seq.s32 s10, $0x1;
	s10 =	sld [smem:$0x3FB9];
	_ =	sdelay $0x3  }
0x37: {  	[smem:$0x3FB9] =	sst s10  }
0x38: {  	s10 =	sld [smem:$0x3FBA]  }
0x39: {  	_ = 	snop;
	(pc) =	sbr.ind lr, $3  }
0x3a: {  	_ = 	snop  }
0x3b: {  	_ = 	snop  }
0x3c: {  	p2 =	seq.s32 s10, $0x1;
	s10 =	sld [smem:$0x3FB9]  }
0x3d: {  	_ =	shalt  }
0x3e: {  	_ =	shalt  }
0x3f: {  	_ =	shalt  }
0x40: {  	_ =	shalt  }
0x41: {  	_ =	shalt  }
0x42: {  	_ =	shalt  }
0x43: {  	_ =	shalt  }
0x44: {  	_ =	shalt  }
0x45: {  	_ =	shalt  }
0x46: {  	_ =	shalt  }
0x47: {  	_ =	shalt  }
0x48: {  	_ =	shalt  }
0x49: {  	_ =	shalt  }
0x4a: {  	_ =	shalt  }
0x4b: {  	_ =	shalt  }
0x4c: {  	_ =	shalt  }
0x4d: {  	_ =	shalt  }
0x4e: {  	_ =	shalt  }
0x4f: {  	_ =	shalt  }
0x50: {  	_ =	shalt  }
0x51: {  	_ =	shalt  }
0x52: {  	_ =	shalt  }
0x53: {  	_ =	shalt  }
0x54: {  	_ =	shalt  }
0x55: {  	_ =	shalt  }
0x56: {  	_ =	shalt  }
0x57: {  	_ =	shalt  }
0x58: {  	_ =	shalt  }
0x59: {  	_ =	shalt  }
0x5a: {  	_ =	shalt  }
0x5b: {  	_ =	shalt  }
0x5c: {  	_ =	shalt  }
0x5d: {  	_ =	shalt  }
0x5e: {  	_ =	shalt  }
0x5f: {  	_ =	shalt  }
0x60: {  	_ =	shalt  }
0x61: {  	_ =	shalt  }
0x62: {  	_ =	shalt  }
0x63: {  	_ =	shalt  }
0x64: {  	_ =	shalt  }
0x65: {  	_ =	shalt  }
0x66: {  	_ =	shalt  }
0x67: {  	_ =	shalt  }
0x68: {  	_ =	shalt  }
0x69: {  	_ =	shalt  }
0x6a: {  	_ =	shalt  }
0x6b: {  	_ =	shalt  }
0x6c: {  	_ =	shalt  }
0x6d: {  	_ =	shalt  }
0x6e: {  	_ =	shalt  }
0x6f: {  	_ =	shalt  }
0x70: {  	_ =	shalt  }
0x71: {  	_ =	shalt  }
0x72: {  	_ =	shalt  }
0x73: {  	_ =	shalt  }
0x74: {  	_ =	shalt  }
0x75: {  	_ =	shalt  }
0x76: {  	_ =	shalt  }
0x77: {  	_ =	shalt  }
0x78: {  	_ =	shalt  }
0x79: {  	_ =	shalt  }
0x7a: {  	_ =	shalt  }
0x7b: {  	_ =	shalt  }
0x7c: {  	_ =	shalt  }
0x7d: {  	_ =	shalt  }
0x7e: {  	_ =	shalt  }
0x7f: {  	_ =	shalt  }
0x80: {  	_ =	shalt  }
0x81: {  	_ =	shalt  }
0x82: {  	_ =	shalt  }
0x83: {  	_ =	shalt  }
0x84: {  	_ =	shalt  }
0x85: {  	_ =	shalt  }
0x86: {  	_ =	shalt  }
0x87: {  	_ =	shalt  }
.Lfunc_end0:
.L_simem_size_0:
called_computation_lowered:
.L_overlay_start_0:
0x88: {  	s2 =	sld [smem:$0x3FD9]  }
0x89: {  	s3 =	sld [smem:$0x3FFE];
	_ =	sdelay $0x1  }
0x8a: {  	s1 =	srdreg.scid  }
0x8b: {  	s0 =	sand.u32 $0x1, s1  }
0x8c: {  	s16 =	sshll.u32 s0, $0xA;
	s2 =	sadd.s32 s3, s2  }
0x8d: {  	s2 =	sadd.s32 s2, s16  }
0x8e: {  	[smem:$0x3FC5] =	sst s2  }
0x8f: {  	_ = 	snop  }
0x90: {  	(tm) =	ssettm $0x1  }
0x91: {  	s17 =	sld [smem:$0x3FFB];
	_ =	sdelay $0x3  }
0x92: {  	_ =	strace s17  }
0x93: {  	s2 =	sld [smem:$0x3FFC];
	_ =	sdelay $0x3  }
0x94: {  	_ =	strace s2  }
0x95: {  	s2 =	sld [smem:$0x3FFD];
	_ =	sdelay $0x3  }
0x96: {  	_ =	strace s2  }
0x97: {  	_ =	strace $0x8FFFFFFF  }
0x98: {  	s18 =	sld [smem:$0x3FDB];
	_ =	sdelay $0x1  }
0x99: {  	s19 =	simm.s32 $_scs_section_size  }
0x9a: {  	s4 =	simm.s32 $_size__tile_overlayer_lowered;
	s5 =	simm.s32 $_tile_overlayer_lowered  }
0x9b: {  	s22 =	simm.s32 $0x1BFF;
	s21 =	sshll.u32 s5, $0x1;
	s2 =	sadd.s32 s19, s18  }
0x9c: {  	s6 =	simm.s32 $0x0;
	s20 =	sshll.u32 s4, $0x1;
	s4 =	sadd.s32 s21, s2  }
0x9d: {  	[timem:s6], [sflag:s22] =	dma.local [hbm:s4], s20  }
0x9e: {  	_ =	swait.ge [sflag:s22], s20  }
0x9f: {  	s3 =	ssub.s32 $0x0, s20;
	[sflag:s22] =	ssyncset.done $0x0  }
0xa0: {  	[sflag:s22] =	ssyncadd.s32 s3;
	_ =	sdelay $0x1  }
0xa1: {  	s23 =	simm.s32 $0x1B8B  }
0xa2: {  	_ =	swait.ge [sflag:s23], $0x1  }
0xa3: {  	[sflag:s23] =	ssyncset.done $0x0  }
0xa4: {  	s25 =	simm.s32 $0x1B8E;
	s24 =	sld [smem:$0x3FFE];
	[sflag:s23] =	ssyncadd.s32 $0xFFFFFFFF  }
0xa5: {  	s26 =	simm.s32 $execute0_lowered;
	[smem:$0x3FD2] =	sst s25  }
0xa6: {  	s4 =	sshll.u32 s26, $0x1;
	_ =	strace $0x80000046;
	[dreg:$0x1] =	wrdreg $0xFFFFFFFF  }
0xa7: {  	s28 =	simm.s32 $_size_execute0_lowered;
	s2 =	sadd.s32 s2, s4;
	[dreg:$0x0] =	wrdreg $0x0  }
0xa8: {  	s4 =	sshll.u32 s28, $0x1;
	[dreg:$0x2] =	wrdreg s2  }
0xa9: {  	[dreg:$0x3] =	wrdreg s4  }
0xaa: {  	[dreg:$0x4] =	wrdreg $0xC0  }
0xab: {  	_ =	task [dreg:s6], $0x5FFFF  }
0xac: {  	[dreg:$0x1] =	wrdreg $0xFFFFFFFF  }
0xad: {  	[dreg:$0x0] =	wrdreg $0x60  }
0xae: {  	[dreg:$0x2] =	wrdreg s24  }
0xaf: {  	[dreg:$0x3] =	wrdreg $0xD4000  }
0xb0: {  	[dreg:$0x4] =	wrdreg $0xD8000  }
0xb1: {  	[dreg:$0x5] =	wrdreg $0xDC000  }
0xb2: {  	[dreg:$0x6] =	wrdreg $0xE0000  }
0xb3: {  	[dreg:$0x7] =	wrdreg $0x9  }
0xb4: {  	_ =	task.clear_ibuf [dreg:s6], $0x8FFFF;
	_ =	strace $0x90000046  }
0xb5: {  	s29 =	simm.s32 $0x9;
	_ =	strace $0x80000048  }
0xb6: {  	_ =	swait.ge [sflag:s29], $0x1  }
0xb7: {  	[sflag:s29] =	ssyncadd.s32 $0xFFFFFFFF  }
0xb8: {  	_ =	strace $0x90000048  }
0xb9: {  	_ =	sfence  }
0xba: {  	s30 =	sld [smem:$0x0];
	_ =	sdelay $0x2  }
0xbb: {  	s31 =	sshll.u32 s1, $0xD;
	s1 =	sshrl.u32 s1, $0x2  }
0xbc: {  	s3 =	sand.u32 $0x4000, s31;
	s1 =	sadd.s32 s1, s30  }
0xbd: {  	s0 =	sor.u32 s3, s0;
	s1 =	sshll.u32 s1, $0x11  }
0xbe: {  	s0 =	sor.u32 s1, s0  }
0xbf: {  	s0 =	sadd.s32 $0x8F2B, s0  }
0xc0: {  	[sflag:s0] =	ssyncadd.remote.s32 $0x1  }
0xc1: {  	_ =	sfence.sel $0xFFFF  }
0xc2: {  	[dreg:$0x0] =	wrdreg $0xFFFFFFFF;
	(pc) =	sbr.abs _section_cstart, $3  }
0xc3: {  	[dreg:$0x1] =	wrdreg $0xFFFFFFFF  }
0xc4: {  	_ =	task.clear_ibuf [dreg:s6], $0x2FFFF;
	_ =	strace $0x9FFFFFFF  }
0xc5: {  	(tm) =	ssettm $0x7FFFFFFF  }
tec
execute0_lowered:
.L_overlay_start_1:
0x0: {  	(tag) =	ssettag $0x1  }
0x1: {  	s0 =	rddreg [dreg:$0x0]  }
0x2: {  	s5 =	rddreg [dreg:$0x1]  }
0x3: {  	s12 =	rddreg [dreg:$0x2]  }
0x4: {  	s13 =	rddreg [dreg:$0x3]  }
0x5: {  	s14 =	rddreg [dreg:$0x4];
	s1 =	srdreg.scid;
	s6 =	simm.s32 $0x0  }
0x6: {  	s10 =	stileid.u32;
	s25 =	simm.s32 $0xD000;
	s26 =	simm.s32 $0x3  }
0x7: {  	s30 =	simm.s32 $0x1000;
	s31 =	simm.s32 $0x5000;
	s1 =	sand.u32 $0x1, s1  }
0x8: {  	[smem:$0x7FF] =	sst s6;
	s7 =	sshll.u32 s10, $0xA;
	s8 =	sadd.s32 $0x2000, s0  }
0x9: {  	s9 =	sadd.s32 $0x182000, s0;
	s10 =	sshll.u32 s10, $0x12;
	s19 =	sadd.s32 $0x182800, s0  }
0xa: {  	s17 =	sadd.s32 $0x2800, s0;
	s2 =	sshll.u32 s1, $0xE;
	_ =	strace $0x80000047  }
0xb: {  	s3 =	ssub.s32 $0x2, s1;
	s28 =	sshll.u32 s1, $0x11;
	s11 =	sadd.s32 s7, s5  }
0xc: {  	s12 =	sadd.s32 s7, s12;
	s13 =	sadd.s32 s7, s13;
	s14 =	sadd.s32 s7, s14  }
0xd: {  	s15 =	sshll.u32 s1, $0x5;
	s2 =	sor.u32 s7, s2;
	s4 =	sshrl.u32 s3, $0x1  }
0xe: {  	s2 =	sshrl.u32 s2, $0x3;
	s3 =	ssub.s32 s3, s4;
	s4 =	sor.u32 s28, s10  }
0xf: {  	s1 =	simm.s32 $0x9000;
	s2 =	sadd.s32 s2, s0;
	s4 =	sshrl.u32 s4, $0x3  }
0x10: {  	s24 =	smax.u32 s3, $0x1;
	s0 =	simm.s32 $0x4000;
	s29 =	sadd.s32 s8, s4  }
0x11: {  	v1 =	vlaneseq.u32;
	s18 =	sadd.s32 s9, s4;
	s20 =	sadd.s32 $0x82000, s2;
	s21 =	sadd.s32 $0x83000, s2  }
0x12: {  	v0 =	vimm.f32 $0.0e+00;
	v2 =	vimm.f32 $1.000000000e+00;
	v1 =	vor.u32 $0xFFFF2A00, v1;
	s22 =	sadd.s32 $0x84000, s2;
	s23 =	sadd.s32 $0x85000, s2;
	[dreg:$0x6] =	wrdreg s29  }
.LBB2_1:
0x13: {  	s2 =	smov.u32 s7;
	s3 =	simm.s32 $0x0  }
.LBB2_2:
0x14: {  	p0 =	sne.s32 s3, $0xFFC0  }
.Ltmp0:
0x15: {  	_ = 	snop;
	(pc) =	sbr.rel @p0 .LBB2_2-.Ltmp0, $3  }
0x16: {  	_ =	sdelay $0x1  }
0x17: {  	v3 =	vmov s2;
	s4 =	sshra.s32 s3, $0x2  }
0x18: {  	s2 =	sadd.s32 $0x1, s2;
	s3 =	sadd.s32 $0x40, s3;
	[tilespmem:s4+$0x9000] =	vst v3  }
0x19: {  	s2 =	simm.s32 $0x40;
	s3 =	simm.s32 $0x0  }
.LBB2_4:
0x1a: {  	p0 =	sne.s32 s2, $0xFC0;
	[tilespmem:s3+$0xD000] =	vst v0;
	s3 =	smov.u32 s2;
	s2 =	sadd.s32 $0x40, s2  }
.Ltmp1:
0x1b: {  	(pc) =	sbr.rel @p0 .LBB2_4-.Ltmp1, $2  }
0x1c: {  	_ =	sdelay $0x2  }
0x1d: {  	s3 =	sshra.s32 s3, $0x2  }
0x1e: {  	[tilespmem:s3+$0xD000] =	vst v0  }
0x1f: {  	[spmem:s11] =	stream.linear.scatter [tilespmem:s25], [sflag:$0x3], $0x400, $0x38;
	[tilespmem:$0xE400] =	vst v63  }
0x20: {  	_ =	swait.ge [sflag:s26], $0x400  }
0x21: {  	[sflag:s26] =	ssyncset.done $0x0  }
0x22: {  	[sflag:s26] =	ssyncadd.s32 $0xFFFFFC00  }
0x23: {  	[spmem:s12] =	stream.linear.scatter [tilespmem:s25], [sflag:$0x3], $0x400, $0x38;
	[tilespmem:$0xE400] =	vst v63  }
0x24: {  	_ =	swait.ge [sflag:s26], $0x400  }
0x25: {  	[sflag:s26] =	ssyncset.done $0x0  }
0x26: {  	[sflag:s26] =	ssyncadd.s32 $0xFFFFFC00  }
0x27: {  	[spmem:s13] =	stream.linear.scatter [tilespmem:s25], [sflag:$0x3], $0x400, $0x38;
	[tilespmem:$0xE400] =	vst v63  }
0x28: {  	_ =	swait.ge [sflag:s26], $0x400  }
0x29: {  	[sflag:s26] =	ssyncset.done $0x0  }
0x2a: {  	[sflag:s26] =	ssyncadd.s32 $0xFFFFFC00  }
0x2b: {  	[spmem:s14] =	stream.linear.scatter [tilespmem:s25], [sflag:$0x3], $0x400, $0x38;
	[tilespmem:$0xE400] =	vst v63  }
0x2c: {  	_ =	swait.ge [sflag:s26], $0x400  }
0x2d: {  	[sflag:s26] =	ssyncset.done $0x0  }
0x2e: {  	s2 =	simm.s32 $0x0;
	s3 =	simm.s32 $0x200;
	[sflag:s26] =	ssyncadd.s32 $0xFFFFFC00  }
.LBB2_6:
0x2f: {  	p0 =	sne.s32 s3, $0xFE00;
	[tilespmem:s2+$0x5070] =	vst v0  }
0x30: {  	[tilespmem:s2+$0x1000] =	vst v0  }
0x31: {  	[tilespmem:s2+$0x5000] =	vst v0  }
0x32: {  	[tilespmem:s2+$0x1010] =	vst v0  }
0x33: {  	[tilespmem:s2+$0x5010] =	vst v0  }
0x34: {  	[tilespmem:s2+$0x1020] =	vst v0  }
0x35: {  	[tilespmem:s2+$0x5020] =	vst v0  }
0x36: {  	[tilespmem:s2+$0x1030] =	vst v0  }
0x37: {  	[tilespmem:s2+$0x5030] =	vst v0  }
0x38: {  	[tilespmem:s2+$0x1040] =	vst v0  }
0x39: {  	[tilespmem:s2+$0x5040] =	vst v0  }
.Ltmp2:
0x3a: {  	[tilespmem:s2+$0x1050] =	vst v0;
	(pc) =	sbr.rel @p0 .LBB2_6-.Ltmp2, $4  }
0x3b: {  	[tilespmem:s2+$0x5050] =	vst v0  }
0x3c: {  	[tilespmem:s2+$0x1060] =	vst v0  }
0x3d: {  	[tilespmem:s2+$0x5060] =	vst v0  }
0x3e: {  	[tilespmem:s2+$0x1070] =	vst v0;
	s2 =	sshra.s32 s3, $0x2;
	s3 =	sadd.s32 $0x200, s3  }
0x3f: {  	[tilespmem:s2+$0x5070] =	vst v0  }
0x40: {  	[tilespmem:s2+$0x1000] =	vst v0  }
0x41: {  	[tilespmem:s2+$0x5000] =	vst v0  }
0x42: {  	[tilespmem:s2+$0x1010] =	vst v0  }
0x43: {  	[tilespmem:s2+$0x5010] =	vst v0  }
0x44: {  	[tilespmem:s2+$0x1020] =	vst v0  }
0x45: {  	[tilespmem:s2+$0x5020] =	vst v0  }
0x46: {  	[tilespmem:s2+$0x1030] =	vst v0  }
0x47: {  	[tilespmem:s2+$0x5030] =	vst v0  }
0x48: {  	[tilespmem:s2+$0x1040] =	vst v0  }
0x49: {  	[tilespmem:s2+$0x5040] =	vst v0  }
0x4a: {  	[tilespmem:s2+$0x1050] =	vst v0  }
0x4b: {  	[tilespmem:s2+$0x5050] =	vst v0  }
0x4c: {  	[tilespmem:s2+$0x1060] =	vst v0  }
0x4d: {  	[tilespmem:s2+$0x5060] =	vst v0  }
0x4e: {  	[tilespmem:s2+$0x1070] =	vst v0;
	s2 =	simm.s32 $0x0;
	s3 =	rddreg [dreg:$0x6]  }
0x4f: {  	s4 =	simm.s32 $0x80;
	s5 =	simm.s32 $0x400;
	p0 =	por $0x0, $0x0  }
0x50: {  	[tilespmem:s2], [sflag:$0x1] =	stream.strided.gather [hbm4b:s3+s4], $0x800, s5, s4, $0x38;
	[tilespmem:$0xE400] =	vst v63  }
.LBB2_9:
0x51: {  	s4 =	sand.u32 $0x1, s2  }
0x52: {  	s3 =	smov.u32 s2;
	s2 =	sadd.s32 $0x1, s2;
	p1 =	seq.s32 s4, $0x1  }
0x53: {  	s5 =	sshrl.u32 @!p1 s2, $0x1  }
0x54: {  	s5 =	sadd.s32 @!p1 s15, s5  }
0x55: {  	s28 =	sshll.u32 @!p1 s2, $0x6;
	s5 =	sshll.u32 @!p1 s5, $0xC  }
0x56: {  	p2 =	seq.s32 s3, $0x3F;
	s28 =	sand.u32 @!p1 $0x380, s28;
	s5 =	sand.u32 @!p1 $0x38000, s5  }
0x57: {  	p2 =	por !p1, p2;
	s5 =	sor.u32 @!p1 s5, s28  }
0x58: {  	s29 =	simm.s32 @!p1 $0x400;
	s3 =	sshrl.u32 @!p2 s2, $0x1;
	s5 =	sor.u32 @!p1 s10, s5  }
0x59: {  	s16 =	simm.s32 @!p1 $0x800;
	s3 =	sadd.s32 @!p2 s15, s3;
	s5 =	sshrl.u32 @!p1 s5, $0x3  }
0x5a: {  	s3 =	sshll.u32 @!p2 s3, $0xC;
	s28 =	simm.s32 @!p1 $0x80;
	s5 =	sadd.s32 @!p1 s5, s17  }
0x5b: {  	[tilespmem:s16], [sflag:$0x2] =	stream.strided.gather @!p1 [hbm4b:s5+s28], $0x800, s29, s28, $0x38;
	[tilespmem:$0xE400] =	vst v63  }
0x5c: {  	s3 =	sand.u32 @!p2 $0x78000, s3;
	s5 =	sshll.u32 @!p2 s2, $0x6  }
0x5d: {  	s3 =	sadd.s32 @!p2 s10, s3;
	s5 =	sand.u32 @!p2 $0x380, s5  }
0x5e: {  	s3 =	sor.u32 @!p2 s5, s3  }
0x5f: {  	s16 =	simm.s32 @!p2 $0x80;
	s28 =	simm.s32 @!p2 $0x400;
	s3 =	sshrl.u32 @!p2 s3, $0x3  }
0x60: {  	s29 =	simm.s32 @!p2 $0x0;
	s5 =	simm.s32 $0x1;
	s3 =	sadd.s32 @!p2 s8, s3  }
0x61: {  	[tilespmem:s29], [sflag:$0x1] =	stream.strided.gather @!p2 [hbm4b:s3+s16], $0x800, s28, s16, $0x38;
	[tilespmem:$0xE400] =	vst v63  }
0x62: {  	s5 =	simm.s32 @!p0 $0x0;
	p2 =	sne.s32 s4, $0x0  }
0x63: {  	s28 =	sshll.u32 s5, $0xB;
	s4 =	simm.s32 @!p2 $0x1  }
0x64: {  	s3 =	sor.u32 $0x40, s28;
	_ =	swait.ge @!p2 [sflag:s4], $0x800  }
0x65: {  	v9 =	vmov s3;
	[sflag:s4] =	ssyncset.done @!p2 $0x0  }
0x66: {  	s3 =	simm.s32 @p1 $0x2;
	[sflag:s4] =	ssyncadd.s32 @!p2 $0xFFFFF800  }
0x67: {  	_ =	swait.ge @p1 [sflag:s3], $0x800  }
0x68: {  	[sflag:s3] =	ssyncset.done @p1 $0x0  }
0x69: {  	s29 =	simm.s32 $0x0;
	[sflag:s3] =	ssyncadd.s32 @p1 $0xFFFFF800  }
0x6a: {  	v3 =	vld.idx.msk [tilespmem:v9+s29+$0xFFFFFFF0 ss:$0x1], $0xffff  }
0x6b: {  	v7 =	vld.idx.msk [tilespmem:v9+s29+$0xFFFFFFD0 ss:$0x1], $0xffff;
	_ =	sdelay $0x1  }
0x6c: {  	v5 =	vld.idx.msk [tilespmem:v9+s29+$0x0 ss:$0x1], $0xffff;
	_ =	sdelay $0x1  }
0x6d: {  	v4 =	vld.idx.msk [tilespmem:v9+s29+$0x20 ss:$0x1], $0xffff;
	v6 =	vshra.s32 v3, $0x12  }
0x6e: {  	v8 =	vld.idx.msk [tilespmem:v9+s29+$0xFFFFFFC0 ss:$0x1], $0xffff;
	v10 =	vshra.s32 v7, $0x12;
	vm0 =	vgt.s32 v6, $0xD60  }
0x6f: {  	vm1 =	vgt.s32 v10, $0xD60;
	v11 =	vnsel vm0, $0xD60, v6;
	v6 =	vld.idx.msk [tilespmem:v9+s29+$0x30 ss:$0x1], $0xffff  }
0x70: {  	v12 =	vshra.s32 v5, $0x12;
	v13 =	vnsel vm1, $0xD60, v10;
	v10 =	vld.idx.msk [tilespmem:v9+s29+$0xFFFFFFE0 ss:$0x1], $0xffff  }
0x71: {  	vm0 =	vgt.s32 v12, $0xD60;
	v15 =	vmin.u32 v11, $0x115F  }
0x72: {  	v14 =	vmin.u32 v13, $0x115F;
	v13 =	vnsel vm0, $0xD60, v12;
	v12 =	vshra.s32 v4, $0x12;
	v11 =	vld.idx.msk [tilespmem:v9+s29+$0x10 ss:$0x1], $0xffff  }
0x73: {  	s3 =	simm.s32 $0x200;
	v16 =	vshra.s32 v8, $0x12;
	v13 =	vmin.u32 v13, $0x115F;
	vm0 =	vgt.s32 v12, $0xD60  }
.LBB2_10:
0x74: {  	p1 =	seq.s32 s3, $0x1E00;
	vm1 =	vgt.s32 v16, $0xD60;
	v15 =	vshll.u32 v15, $0x4;
	v17 =	vshra.s32 v6, $0x12;
	s4 =	smov.u32 s3;
	s3 =	sadd.s32 $0x200, s3  }
0x75: {  	v18 =	vshra.s32 v10, $0x12;
	v16 =	vnsel vm1, $0xD60, v16;
	vm1 =	vgt.s32 v17, $0xD60  }
0x76: {  	v14 =	vshll.u32 v14, $0x4;
	vm2 =	vgt.s32 v18, $0xD60;
	v16 =	vmin.u32 v16, $0x115F  }
0x77: {  	v18 =	vnsel vm2, $0xD60, v18;
	v19 =	vshra.s32 v11, $0x12;
	v16 =	vshll.u32 v16, $0x4  }
0x78: {  	v18 =	vmin.u32 v18, $0x115F;
	vm2 =	vgt.s32 v19, $0xD60;
	v16 =	vadd.s32 v1, v16  }
0x79: {  	s4 =	sshra.s32 s4, $0x2;
	v14 =	vadd.s32 v1, v14;
	v18 =	vshll.u32 v18, $0x4;
	v19 =	vnsel vm2, $0xD60, v19  }
0x7a: {  	v15 =	vadd.s32 v1, v15;
	v18 =	vadd.s32 v1, v18;
	v19 =	vmin.u32 v19, $0x115F  }
0x7b: {  	v13 =	vshll.u32 v13, $0x4;
	v12 =	vnsel vm0, $0xD60, v12;
	v19 =	vshll.u32 v19, $0x4  }
0x7c: {  	v13 =	vadd.s32 v1, v13;
	v12 =	vmin.u32 v12, $0x115F;
	v17 =	vnsel vm1, $0xD60, v17  }
0x7d: {  	v12 =	vshll.u32 v12, $0x4;
	v17 =	vmin.u32 v17, $0x115F;
	v19 =	vadd.s32 v1, v19;
	[tilespmem:v16+s30+$0x0] =	vst.idx.add.f32.msk $0xffff, v2  }
0x7e: {  	v12 =	vadd.s32 v1, v12;
	v17 =	vshll.u32 v17, $0x4;
	[tilespmem:v14+s30+$0x0] =	vst.idx.add.f32.msk $0xffff, v2  }
0x7f: {  	v17 =	vadd.s32 v1, v17;
	[tilespmem:v18+s30+$0x0] =	vst.idx.add.f32.msk $0xffff, v2  }
0x80: {  	[tilespmem:v15+s30+$0x0] =	vst.idx.add.f32.msk $0xffff, v2  }
0x81: {  	[tilespmem:v13+s30+$0x0] =	vst.idx.add.f32.msk $0xffff, v2  }
0x82: {  	[tilespmem:v19+s30+$0x0] =	vst.idx.add.f32.msk $0xffff, v2  }
0x83: {  	[tilespmem:v12+s30+$0x0] =	vst.idx.add.f32.msk $0xffff, v2  }
0x84: {  	[tilespmem:v17+s30+$0x0] =	vst.idx.add.f32.msk $0xffff, v2  }
0x85: {  	[tilespmem:v16+s31+$0x0] =	vst.idx.add.f32.msk $0xffff, v8  }
0x86: {  	[tilespmem:v14+s31+$0x0] =	vst.idx.add.f32.msk $0xffff, v7  }
0x87: {  	[tilespmem:v18+s31+$0x0] =	vst.idx.add.f32.msk $0xffff, v10  }
0x88: {  	[tilespmem:v15+s31+$0x0] =	vst.idx.add.f32.msk $0xffff, v3  }
0x89: {  	[tilespmem:v13+s31+$0x0] =	vst.idx.add.f32.msk $0xffff, v5  }
0x8a: {  	[tilespmem:v19+s31+$0x0] =	vst.idx.add.f32.msk $0xffff, v11  }
0x8b: {  	[tilespmem:v12+s31+$0x0] =	vst.idx.add.f32.msk $0xffff, v4  }
0x8c: {  	[tilespmem:v17+s31+$0x0] =	vst.idx.add.f32.msk $0xffff, v6  }
0x8d: {  	v3 =	vld.idx.msk [tilespmem:v9+s4+$0xFFFFFFF0 ss:$0x1], $0xffff  }
0x8e: {  	v7 =	vld.idx.msk [tilespmem:v9+s4+$0xFFFFFFD0 ss:$0x1], $0xffff  }
0x8f: {  	v5 =	vld.idx.msk [tilespmem:v9+s4+$0x0 ss:$0x1], $0xffff  }
0x90: {  	v4 =	vld.idx.msk [tilespmem:v9+s4+$0x20 ss:$0x1], $0xffff  }
0x91: {  	v6 =	vld.idx.msk [tilespmem:v9+s4+$0x30 ss:$0x1], $0xffff  }
0x92: {  	v8 =	vld.idx.msk [tilespmem:v9+s4+$0xFFFFFFC0 ss:$0x1], $0xffff  }
0x93: {  	v11 =	vshra.s32 v3, $0x12;
	v10 =	vld.idx.msk [tilespmem:v9+s4+$0xFFFFFFE0 ss:$0x1], $0xffff  }
.Ltmp3:
0x94: {  	v12 =	vshra.s32 v7, $0x12;
	vm0 =	vgt.s32 v11, $0xD60;
	(pc) =	sbr.rel @!p1 .LBB2_10-.Ltmp3, $4  }
0x95: {  	vm1 =	vgt.s32 v12, $0xD60;
	v13 =	vnsel vm0, $0xD60, v11;
	v16 =	vshra.s32 v5, $0x12  }
0x96: {  	v12 =	vnsel vm1, $0xD60, v12;
	v15 =	vmin.u32 v13, $0x115F;
	vm0 =	vgt.s32 v16, $0xD60;
	v11 =	vld.idx.msk [tilespmem:v9+s4+$0x10 ss:$0x1], $0xffff  }
0x97: {  	v14 =	vmin.u32 v12, $0x115F;
	v13 =	vnsel vm0, $0xD60, v16;
	v12 =	vshra.s32 v4, $0x12  }
0x98: {  	v16 =	vshra.s32 v8, $0x12;
	v13 =	vmin.u32 v13, $0x115F;
	vm0 =	vgt.s32 v12, $0xD60  }
0x99: {  	vm1 =	vgt.s32 v16, $0xD60;
	v9 =	vshll.u32 v15, $0x4;
	v63 =	vshra.s32 v6, $0x12  }
0x9a: {  	v17 =	vshra.s32 v10, $0x12;
	v14 =	vshll.u32 v14, $0x4;
	v16 =	vnsel vm1, $0xD60, v16  }
0x9b: {  	v13 =	vshll.u32 v13, $0x4;
	vm2 =	vgt.s32 v17, $0xD60;
	v16 =	vmin.u32 v16, $0x115F  }
0x9c: {  	v12 =	vnsel vm0, $0xD60, v12;
	v17 =	vnsel vm2, $0xD60, v17;
	v16 =	vshll.u32 v16, $0x4  }
0x9d: {  	v18 =	vshra.s32 v11, $0x12;
	v17 =	vmin.u32 v17, $0x115F;
	v16 =	vadd.s32 v1, v16  }
0x9e: {  	v14 =	vadd.s32 v1, v14;
	vm15 =	vgt.s32 v18, $0xD60;
	v17 =	vshll.u32 v17, $0x4  }
0x9f: {  	vm14 =	vgt.s32 v63, $0xD60;
	v18 =	vnsel vm15, $0xD60, v18;
	v17 =	vadd.s32 v1, v17  }
0xa0: {  	v9 =	vadd.s32 v1, v9;
	v13 =	vadd.s32 v1, v13;
	v18 =	vmin.u32 v18, $0x115F  }
0xa1: {  	v12 =	vmin.u32 v12, $0x115F;
	v15 =	vnsel vm14, $0xD60, v63;
	v18 =	vshll.u32 v18, $0x4  }
0xa2: {  	v12 =	vshll.u32 v12, $0x4;
	v15 =	vmin.u32 v15, $0x115F;
	v18 =	vadd.s32 v1, v18;
	[tilespmem:v16+s30+$0x0] =	vst.idx.add.f32.msk $0xffff, v2  }
0xa3: {  	v12 =	vadd.s32 v1, v12;
	v15 =	vshll.u32 v15, $0x4;
	[tilespmem:v14+s30+$0x0] =	vst.idx.add.f32.msk $0xffff, v2  }
0xa4: {  	v15 =	vadd.s32 v1, v15;
	[tilespmem:v17+s30+$0x0] =	vst.idx.add.f32.msk $0xffff, v2  }
0xa5: {  	[tilespmem:v9+s30+$0x0] =	vst.idx.add.f32.msk $0xffff, v2  }
0xa6: {  	[tilespmem:v13+s30+$0x0] =	vst.idx.add.f32.msk $0xffff, v2  }
0xa7: {  	[tilespmem:v18+s30+$0x0] =	vst.idx.add.f32.msk $0xffff, v2  }
0xa8: {  	[tilespmem:v12+s30+$0x0] =	vst.idx.add.f32.msk $0xffff, v2  }
0xa9: {  	[tilespmem:v15+s30+$0x0] =	vst.idx.add.f32.msk $0xffff, v2  }
0xaa: {  	[tilespmem:v16+s31+$0x0] =	vst.idx.add.f32.msk $0xffff, v8  }
0xab: {  	[tilespmem:v14+s31+$0x0] =	vst.idx.add.f32.msk $0xffff, v7  }
0xac: {  	[tilespmem:v17+s31+$0x0] =	vst.idx.add.f32.msk $0xffff, v10  }
0xad: {  	[tilespmem:v9+s31+$0x0] =	vst.idx.add.f32.msk $0xffff, v3  }
0xae: {  	[tilespmem:v13+s31+$0x0] =	vst.idx.add.f32.msk $0xffff, v5  }
0xaf: {  	[tilespmem:v18+s31+$0x0] =	vst.idx.add.f32.msk $0xffff, v11  }
0xb0: {  	[tilespmem:v12+s31+$0x0] =	vst.idx.add.f32.msk $0xffff, v4  }
0xb1: {  	[tilespmem:v15+s31+$0x0] =	vst.idx.add.f32.msk $0xffff, v6  }
0xb2: {  	p1 =	seq.s32 s2, $0x40  }
.Ltmp4:
0xb3: {  	_ = 	snop;
	(pc) =	sbr.rel @!p1 .LBB2_9-.Ltmp4, $2  }
0xb4: {  	_ =	sdelay $0x2  }
0xb5: {  	p0 =	por !p0, !p0  }
0xb6: {  	s2 =	rddreg [dreg:$0x1]  }
0xb7: {  	[spmem:s2] =	stream.indirect.scatter.add.f32 [tilespmem:s30], [sflag:$0x3], $0x1, s1, s0, $0xb8;
	[tilespmem:$0xE400] =	vst v63  }
0xb8: {  	_ =	swait.ge [sflag:s26], $0x4000  }
0xb9: {  	[sflag:s26] =	ssyncset.done $0x0  }
0xba: {  	[sflag:s26] =	ssyncadd.s32 $0xFFFFC000  }
0xbb: {  	s29 =	rddreg [dreg:$0x2]  }
0xbc: {  	[spmem:s29] =	stream.indirect.scatter.add.f32 [tilespmem:s31], [sflag:$0x3], $0x1, s1, s0, $0xb8;
	[tilespmem:$0xE400] =	vst v63  }
0xbd: {  	_ =	swait.ge [sflag:s26], $0x4000  }
0xbe: {  	[sflag:s26] =	ssyncset.done $0x0  }
0xbf: {  	s3 =	simm.s32 $0x200;
	s2 =	simm.s32 $0x0;
	[sflag:s26] =	ssyncadd.s32 $0xFFFFC000  }
.LBB2_13:
0xc0: {  	p0 =	sne.s32 s3, $0xFE00;
	[tilespmem:s2+$0x5070] =	vst v0  }
0xc1: {  	[tilespmem:s2+$0x1000] =	vst v0  }
0xc2: {  	[tilespmem:s2+$0x5000] =	vst v0  }
0xc3: {  	[tilespmem:s2+$0x1010] =	vst v0  }
0xc4: {  	[tilespmem:s2+$0x5010] =	vst v0  }
0xc5: {  	[tilespmem:s2+$0x1020] =	vst v0  }
0xc6: {  	[tilespmem:s2+$0x5020] =	vst v0  }
0xc7: {  	[tilespmem:s2+$0x1030] =	vst v0  }
0xc8: {  	[tilespmem:s2+$0x5030] =	vst v0  }
0xc9: {  	[tilespmem:s2+$0x1040] =	vst v0  }
0xca: {  	[tilespmem:s2+$0x5040] =	vst v0  }
.Ltmp5:
0xcb: {  	[tilespmem:s2+$0x1050] =	vst v0;
	(pc) =	sbr.rel @p0 .LBB2_13-.Ltmp5, $4  }
0xcc: {  	[tilespmem:s2+$0x5050] =	vst v0  }
0xcd: {  	[tilespmem:s2+$0x1060] =	vst v0  }
0xce: {  	[tilespmem:s2+$0x5060] =	vst v0  }
0xcf: {  	[tilespmem:s2+$0x1070] =	vst v0;
	s2 =	sshra.s32 s3, $0x2;
	s3 =	sadd.s32 $0x200, s3  }
0xd0: {  	[tilespmem:s2+$0x5070] =	vst v0  }
0xd1: {  	[tilespmem:s2+$0x1000] =	vst v0  }
0xd2: {  	[tilespmem:s2+$0x5000] =	vst v0  }
0xd3: {  	[tilespmem:s2+$0x1010] =	vst v0  }
0xd4: {  	[tilespmem:s2+$0x5010] =	vst v0  }
0xd5: {  	[tilespmem:s2+$0x1020] =	vst v0  }
0xd6: {  	[tilespmem:s2+$0x5020] =	vst v0  }
0xd7: {  	[tilespmem:s2+$0x1030] =	vst v0  }
0xd8: {  	[tilespmem:s2+$0x5030] =	vst v0  }
0xd9: {  	[tilespmem:s2+$0x1040] =	vst v0  }
0xda: {  	[tilespmem:s2+$0x5040] =	vst v0  }
0xdb: {  	[tilespmem:s2+$0x1050] =	vst v0  }
0xdc: {  	[tilespmem:s2+$0x5050] =	vst v0  }
0xdd: {  	[tilespmem:s2+$0x1060] =	vst v0  }
0xde: {  	[tilespmem:s2+$0x5060] =	vst v0  }
0xdf: {  	[tilespmem:s2+$0x1070] =	vst v0;
	s2 =	simm.s32 $0x0  }
0xe0: {  	s3 =	simm.s32 $0x80;
	s4 =	simm.s32 $0x400;
	p0 =	por $0x0, $0x0  }
0xe1: {  	[tilespmem:s2], [sflag:$0x1] =	stream.strided.gather [hbm4b:s18+s3], $0x800, s4, s3, $0x38;
	[tilespmem:$0xE400] =	vst v63  }
.LBB2_16:
0xe2: {  	s4 =	sand.u32 $0x1, s2  }
0xe3: {  	s3 =	smov.u32 s2;
	s2 =	sadd.s32 $0x1, s2;
	p1 =	seq.s32 s4, $0x1  }
0xe4: {  	s5 =	sshrl.u32 @!p1 s2, $0x1  }
0xe5: {  	s5 =	sadd.s32 @!p1 s15, s5  }
0xe6: {  	s16 =	sshll.u32 @!p1 s2, $0x6;
	s5 =	sshll.u32 @!p1 s5, $0xC  }
0xe7: {  	p2 =	seq.s32 s3, $0x3F;
	s16 =	sand.u32 @!p1 $0x380, s16;
	s5 =	sand.u32 @!p1 $0x38000, s5  }
0xe8: {  	p2 =	por !p1, p2;
	s5 =	sor.u32 @!p1 s5, s16  }
0xe9: {  	s28 =	simm.s32 @!p1 $0x400;
	s3 =	sshrl.u32 @!p2 s2, $0x1;
	s5 =	sor.u32 @!p1 s10, s5  }
0xea: {  	s29 =	simm.s32 @!p1 $0x800;
	s3 =	sadd.s32 @!p2 s15, s3;
	s5 =	sshrl.u32 @!p1 s5, $0x3  }
0xeb: {  	s3 =	sshll.u32 @!p2 s3, $0xC;
	s16 =	simm.s32 @!p1 $0x80;
	s5 =	sadd.s32 @!p1 s5, s19  }
0xec: {  	[tilespmem:s29], [sflag:$0x2] =	stream.strided.gather @!p1 [hbm4b:s5+s16], $0x800, s28, s16, $0x38;
	[tilespmem:$0xE400] =	vst v63  }
0xed: {  	s3 =	sand.u32 @!p2 $0x78000, s3;
	s5 =	sshll.u32 @!p2 s2, $0x6  }
0xee: {  	s3 =	sadd.s32 @!p2 s10, s3;
	s5 =	sand.u32 @!p2 $0x380, s5  }
0xef: {  	s3 =	sor.u32 @!p2 s5, s3  }
0xf0: {  	s16 =	simm.s32 @!p2 $0x80;
	s28 =	simm.s32 @!p2 $0x400;
	s3 =	sshrl.u32 @!p2 s3, $0x3  }
0xf1: {  	s29 =	simm.s32 @!p2 $0x0;
	s5 =	simm.s32 $0x1;
	s3 =	sadd.s32 @!p2 s9, s3  }
0xf2: {  	[tilespmem:s29], [sflag:$0x1] =	stream.strided.gather @!p2 [hbm4b:s3+s16], $0x800, s28, s16, $0x38;
	[tilespmem:$0xE400] =	vst v63  }
0xf3: {  	s5 =	simm.s32 @!p0 $0x0;
	p2 =	sne.s32 s4, $0x0  }
0xf4: {  	s28 =	sshll.u32 s5, $0xB;
	s4 =	simm.s32 @!p2 $0x1  }
0xf5: {  	s3 =	sor.u32 $0x40, s28;
	_ =	swait.ge @!p2 [sflag:s4], $0x800  }
0xf6: {  	v3 =	vmov s3;
	[sflag:s4] =	ssyncset.done @!p2 $0x0  }
0xf7: {  	s3 =	simm.s32 @p1 $0x2;
	[sflag:s4] =	ssyncadd.s32 @!p2 $0xFFFFF800  }
0xf8: {  	_ =	swait.ge @p1 [sflag:s3], $0x800  }
0xf9: {  	[sflag:s3] =	ssyncset.done @p1 $0x0  }
0xfa: {  	s29 =	simm.s32 $0x0;
	[sflag:s3] =	ssyncadd.s32 @p1 $0xFFFFF800  }
0xfb: {  	v6 =	vld.idx.msk [tilespmem:v3+s29+$0x20 ss:$0x1], $0xffff  }
0xfc: {  	v5 =	vld.idx.msk [tilespmem:v3+s29+$0xFFFFFFE0 ss:$0x1], $0xffff  }
0xfd: {  	v8 =	vld.idx.msk [tilespmem:v3+s29+$0xFFFFFFC0 ss:$0x1], $0xffff  }
0xfe: {  	v7 =	vld.idx.msk [tilespmem:v3+s29+$0xFFFFFFF0 ss:$0x1], $0xffff  }
0xff: {  	v13 =	vld.idx.msk [tilespmem:v3+s29+$0xFFFFFFD0 ss:$0x1], $0xffff  }
0x100: {  	v17 =	vld.idx.msk [tilespmem:v3+s29+$0x30 ss:$0x1], $0xffff;
	_ =	sdelay $0x1  }
0x101: {  	v9 =	vshra.s32 v6, $0x12;
	v4 =	vand.u32 $0x1, v6;
	vm0 =	vgt.f32 v6, $0.0e+00  }
0x102: {  	v10 =	vshra.s32 v5, $0x12;
	v6 =	vand.u32 $0x1, v5;
	v11 =	vshra.s32 v8, $0x12  }
0x103: {  	v19 =	vshra.s32 v7, $0x12;
	v20 =	vshra.s32 v13, $0x12;
	v16 =	vand.u32 $0x1, v13  }
0x104: {  	vm4 =	vgt.f32 v13, $0.0e+00;
	v13 =	vshra.s32 v17, $0x12;
	vm1 =	vgt.s32 v9, $0xD60  }
0x105: {  	vm2 =	vgt.s32 v10, $0xD60;
	v12 =	vcvt.s32.f32 v6;
	vm3 =	vgt.s32 v19, $0xD60  }
0x106: {  	vm5 =	vgt.s32 v20, $0xD60;
	v9 =	vnsel vm1, $0xD60, v9;
	vm1 =	vgt.s32 v11, $0xD60  }
0x107: {  	v10 =	vnsel vm2, $0xD60, v10;
	v19 =	vnsel vm3, $0xD60, v19;
	vm3 =	vgt.s32 v13, $0xD60  }
0x108: {  	v9 =	vmin.u32 v9, $0x115F;
	v11 =	vnsel vm1, $0xD60, v11;
	v18 =	vmin.u32 v10, $0x115F  }
0x109: {  	v10 =	vand.u32 $0x1, v8;
	vm1 =	vgt.f32 v8, $0.0e+00;
	v22 =	vmin.u32 v19, $0x115F  }
0x10a: {  	v8 =	vld.idx.msk [tilespmem:v3+s29+$0x10 ss:$0x1], $0xffff;
	v19 =	vcvt.s32.f32 v16;
	v14 =	vshll.u32 v9, $0x4;
	v9 =	vmin.u32 v11, $0x115F  }
0x10b: {  	v11 =	vshll.u32 v9, $0x4;
	v9 =	vshll.u32 v18, $0x4;
	v18 =	vnsel vm5, $0xD60, v20  }
0x10c: {  	vm5 =	vgt.f32 v17, $0.0e+00;
	v21 =	vmin.u32 v18, $0x115F;
	v18 =	vand.u32 $0x1, v17;
	v17 =	vld.idx.msk [tilespmem:v3+s29+$0x0 ss:$0x1], $0xffff  }
0x10d: {  	v15 =	vcvt.s32.f32 v10;
	vm2 =	veq.s32 v10, $0x0;
	v10 =	vand.u32 $0x1, v7  }
0x10e: {  	v20 =	vnsel vm3, $0xD60, v13;
	v9 =	vadd.s32 v1, v9;
	v11 =	vadd.s32 v1, v11  }
0x10f: {  	vm3 =	veq.s32 v18, $0x0;
	v21 =	vshll.u32 v21, $0x4;
	v23 =	vshra.s32 v8, $0x12  }
0x110: {  	s5 =	simm.s32 $0x400;
	s3 =	simm.s32 $0x80;
	vm3 =	vmand vm5, vm3;
	v13 =	vand.u32 $0x1, v8;
	vm5 =	vgt.s32 v23, $0xD60  }
.LBB2_17:
0x111: {  	p1 =	seq.s32 s5, $0x1E00;
	v22 =	vshll.u32 v22, $0x4;
	v24 =	vshra.s32 v17, $0x12;
	v20 =	vmin.u32 v20, $0x115F;
	s4 =	smov.u32 s5;
	s5 =	sadd.s32 $0x200, s5  }
0x112: {  	v23 =	vnsel vm5, $0xD60, v23;
	v18 =	vcvt.s32.f32 v18;
	vm6 =	vgt.s32 v24, $0xD60  }
0x113: {  	v21 =	vadd.s32 v1, v21;
	v25 =	vcvt.s32.f32 v10;
	v24 =	vnsel vm6, $0xD60, v24  }
0x114: {  	v22 =	vadd.s32 v1, v22;
	v23 =	vmin.u32 v23, $0x115F;
	v24 =	vmin.u32 v24, $0x115F  }
0x115: {  	v14 =	vadd.s32 v1, v14;
	v20 =	vshll.u32 v20, $0x4;
	v24 =	vshll.u32 v24, $0x4  }
0x116: {  	v23 =	vshll.u32 v23, $0x4;
	v20 =	vadd.s32 v1, v20;
	v24 =	vadd.s32 v1, v24  }
0x117: {  	v26 =	vcvt.s32.f32 v13;
	vm5 =	veq.s32 v16, $0x0;
	v23 =	vadd.s32 v1, v23;
	[tilespmem:v11+s30+$0x0] =	vst.idx.add.f32.msk $0xffff, v15  }
0x118: {  	vm1 =	vmand vm1, vm2;
	vm2 =	vmand vm4, vm5;
	v15 =	vand.u32 $0x1, v17;
	[tilespmem:v21+s30+$0x0] =	vst.idx.add.f32.msk $0xffff, v19  }
0x119: {  	vm4 =	vgt.f32 v17, $0.0e+00;
	v16 =	vcvt.s32.f32 v15;
	vm5 =	veq.s32 v15, $0x0;
	[tilespmem:v9+s30+$0x0] =	vst.idx.add.f32.msk $0xffff, v12  }
0x11a: {  	vm7 =	veq.s32 v10, $0x0;
	vm6 =	vgt.f32 v7, $0.0e+00;
	vm4 =	vmand vm4, vm5;
	[tilespmem:v22+s30+$0x0] =	vst.idx.add.f32.msk $0xffff, v25  }
0x11b: {  	v10 =	vsel vm3, $0x3F800000, v0;
	v7 =	vcvt.s32.f32 v4;
	vm5 =	vmand vm6, vm7;
	[tilespmem:v24+s30+$0x0] =	vst.idx.add.f32.msk $0xffff, v16  }
0x11c: {  	vm3 =	vgt.f32 v5, $0.0e+00;
	vm6 =	veq.s32 v6, $0x0;
	vm7 =	veq.s32 v4, $0x0;
	[tilespmem:v23+s30+$0x0] =	vst.idx.add.f32.msk $0xffff, v26  }
0x11d: {  	s4 =	sshra.s32 s4, $0x2;
	vm3 =	vmand vm3, vm6;
	vm0 =	vmand vm0, vm7;
	[tilespmem:v14+s30+$0x0] =	vst.idx.add.f32.msk $0xffff, v7  }
0x11e: {  	v4 =	vsel vm1, $0x3F800000, v0;
	[tilespmem:v20+s30+$0x0] =	vst.idx.add.f32.msk $0xffff, v18  }
0x11f: {  	v5 =	vsel vm2, $0x3F800000, v0;
	[tilespmem:v11+s31+$0x0] =	vst.idx.add.f32.msk $0xffff, v4  }
0x120: {  	v4 =	vsel vm3, $0x3F800000, v0;
	[tilespmem:v21+s31+$0x0] =	vst.idx.add.f32.msk $0xffff, v5  }
0x121: {  	vm2 =	veq.s32 v13, $0x0;
	vm1 =	vgt.f32 v8, $0.0e+00;
	v5 =	vsel vm5, $0x3F800000, v0;
	[tilespmem:v9+s31+$0x0] =	vst.idx.add.f32.msk $0xffff, v4  }
0x122: {  	vm1 =	vmand vm1, vm2;
	v4 =	vsel vm4, $0x3F800000, v0;
	[tilespmem:v22+s31+$0x0] =	vst.idx.add.f32.msk $0xffff, v5  }
0x123: {  	v5 =	vsel vm1, $0x3F800000, v0;
	[tilespmem:v24+s31+$0x0] =	vst.idx.add.f32.msk $0xffff, v4  }
0x124: {  	v4 =	vsel vm0, $0x3F800000, v0;
	[tilespmem:v23+s31+$0x0] =	vst.idx.add.f32.msk $0xffff, v5  }
0x125: {  	[tilespmem:v14+s31+$0x0] =	vst.idx.add.f32.msk $0xffff, v4  }
0x126: {  	[tilespmem:v20+s31+$0x0] =	vst.idx.add.f32.msk $0xffff, v10  }
0x127: {  	v6 =	vld.idx.msk [tilespmem:v3+s3+$0x20 ss:$0x1], $0xffff  }
0x128: {  	v5 =	vld.idx.msk [tilespmem:v3+s3+$0xFFFFFFE0 ss:$0x1], $0xffff  }
0x129: {  	v8 =	vld.idx.msk [tilespmem:v3+s3+$0xFFFFFFC0 ss:$0x1], $0xffff;
	_ =	sdelay $0x3  }
0x12a: {  	v9 =	vshra.s32 v6, $0x12;
	v4 =	vand.u32 $0x1, v6;
	vm0 =	vgt.f32 v6, $0.0e+00  }
0x12b: {  	v10 =	vshra.s32 v5, $0x12;
	vm1 =	vgt.s32 v9, $0xD60;
	v6 =	vand.u32 $0x1, v5;
	v7 =	vld.idx.msk [tilespmem:v3+s3+$0xFFFFFFF0 ss:$0x1], $0xffff  }
0x12c: {  	v12 =	vshra.s32 v8, $0x12;
	vm2 =	vgt.s32 v10, $0xD60;
	v9 =	vnsel vm1, $0xD60, v9;
	v11 =	vld.idx.msk [tilespmem:v3+s3+$0xFFFFFFD0 ss:$0x1], $0xffff  }
0x12d: {  	vm1 =	vgt.s32 v12, $0xD60;
	v10 =	vnsel vm2, $0xD60, v10;
	v9 =	vmin.u32 v9, $0x115F;
	v13 =	vld.idx.msk [tilespmem:v3+s3+$0x30 ss:$0x1], $0xffff  }
0x12e: {  	v12 =	vnsel vm1, $0xD60, v12;
	v17 =	vmin.u32 v10, $0x115F;
	v14 =	vshll.u32 v9, $0x4  }
0x12f: {  	v10 =	vand.u32 $0x1, v8;
	vm1 =	vgt.f32 v8, $0.0e+00;
	v9 =	vmin.u32 v12, $0x115F  }
0x130: {  	v15 =	vcvt.s32.f32 v10;
	vm2 =	veq.s32 v10, $0x0;
	v18 =	vshll.u32 v9, $0x4  }
0x131: {  	v12 =	vcvt.s32.f32 v6;
	v19 =	vshra.s32 v7, $0x12;
	v10 =	vand.u32 $0x1, v7  }
0x132: {  	v20 =	vshra.s32 v11, $0x12;
	v16 =	vand.u32 $0x1, v11;
	vm4 =	vgt.f32 v11, $0.0e+00;
	v8 =	vld.idx.msk [tilespmem:v3+s3+$0x10 ss:$0x1], $0xffff  }
0x133: {  	v9 =	vshll.u32 v17, $0x4;
	vm3 =	vgt.s32 v19, $0xD60;
	v21 =	vshra.s32 v13, $0x12  }
0x134: {  	v9 =	vadd.s32 v1, v9;
	vm5 =	vgt.s32 v20, $0xD60;
	v19 =	vnsel vm3, $0xD60, v19;
	v17 =	vld.idx.msk [tilespmem:v3+s3+$0x0 ss:$0x1], $0xffff;
	s3 =	smov.u32 s4  }
.Ltmp6:
0x135: {  	v11 =	vadd.s32 v1, v18;
	v18 =	vnsel vm5, $0xD60, v20;
	vm3 =	vgt.s32 v21, $0xD60;
	(pc) =	sbr.rel @!p1 .LBB2_17-.Ltmp6, $4  }
0x136: {  	vm5 =	vgt.f32 v13, $0.0e+00;
	v23 =	vmin.u32 v18, $0x115F;
	v18 =	vand.u32 $0x1, v13  }
0x137: {  	v22 =	vmin.u32 v19, $0x115F;
	v20 =	vnsel vm3, $0xD60, v21;
	vm3 =	veq.s32 v18, $0x0  }
0x138: {  	v21 =	vshll.u32 v23, $0x4;
	vm3 =	vmand vm5, vm3;
	v23 =	vshra.s32 v8, $0x12  }
0x139: {  	v19 =	vcvt.s32.f32 v16;
	v13 =	vand.u32 $0x1, v8;
	vm5 =	vgt.s32 v23, $0xD60  }
0x13a: {  	v24 =	vshra.s32 v17, $0x12  }
0x13b: {  	vm6 =	vgt.s32 v24, $0xD60  }
0x13c: {  	v21 =	vadd.s32 v1, v21;
	v24 =	vnsel vm6, $0xD60, v24  }
0x13d: {  	v22 =	vshll.u32 v22, $0x4;
	v23 =	vnsel vm5, $0xD60, v23;
	v24 =	vmin.u32 v24, $0x115F  }
0x13e: {  	v22 =	vadd.s32 v1, v22;
	v23 =	vmin.u32 v23, $0x115F;
	v24 =	vshll.u32 v24, $0x4  }
0x13f: {  	v23 =	vshll.u32 v23, $0x4;
	v24 =	vadd.s32 v1, v24  }
0x140: {  	v20 =	vmin.u32 v20, $0x115F;
	v25 =	vcvt.s32.f32 v10;
	[tilespmem:v11+s30+$0x0] =	vst.idx.add.f32.msk $0xffff, v15;
	v23 =	vadd.s32 v1, v23  }
0x141: {  	v14 =	vadd.s32 v1, v14;
	v60 =	vand.u32 $0x1, v17;
	v59 =	vshll.u32 v20, $0x4;
	[tilespmem:v21+s30+$0x0] =	vst.idx.add.f32.msk $0xffff, v19  }
0x142: {  	v61 =	vcvt.s32.f32 v60;
	v15 =	vadd.s32 v1, v59;
	[tilespmem:v9+s30+$0x0] =	vst.idx.add.f32.msk $0xffff, v12  }
0x143: {  	v62 =	vcvt.s32.f32 v13;
	[tilespmem:v22+s30+$0x0] =	vst.idx.add.f32.msk $0xffff, v25  }
0x144: {  	vm11 =	veq.s32 v16, $0x0;
	v63 =	vcvt.s32.f32 v4;
	[tilespmem:v24+s30+$0x0] =	vst.idx.add.f32.msk $0xffff, v61  }
0x145: {  	v18 =	vcvt.s32.f32 v18;
	vm1 =	vmand vm1, vm2;
	vm13 =	vgt.f32 v17, $0.0e+00;
	[tilespmem:v23+s30+$0x0] =	vst.idx.add.f32.msk $0xffff, v62  }
0x146: {  	vm15 =	vgt.f32 v7, $0.0e+00;
	vm7 =	vgt.f32 v5, $0.0e+00;
	vm9 =	veq.s32 v6, $0x0;
	[tilespmem:v14+s30+$0x0] =	vst.idx.add.f32.msk $0xffff, v63  }
0x147: {  	vm10 =	veq.s32 v10, $0x0;
	vm12 =	vmand vm4, vm11;
	v17 =	vsel vm1, $0x3F800000, v0;
	[tilespmem:v15+s30+$0x0] =	vst.idx.add.f32.msk $0xffff, v18  }
0x148: {  	vm14 =	veq.s32 v60, $0x0;
	vm1 =	vmand vm7, vm9;
	v19 =	vsel vm12, $0x3F800000, v0;
	[tilespmem:v11+s31+$0x0] =	vst.idx.add.f32.msk $0xffff, v17  }
0x149: {  	vm11 =	vmand vm13, vm14;
	v20 =	vsel vm1, $0x3F800000, v0;
	vm12 =	vmand vm15, vm10;
	[tilespmem:v21+s31+$0x0] =	vst.idx.add.f32.msk $0xffff, v19  }
0x14a: {  	vm13 =	vgt.f32 v8, $0.0e+00;
	vm14 =	veq.s32 v13, $0x0;
	v21 =	vsel vm12, $0x3F800000, v0;
	[tilespmem:v9+s31+$0x0] =	vst.idx.add.f32.msk $0xffff, v20  }
0x14b: {  	vm1 =	vmand vm13, vm14;
	vm15 =	veq.s32 v4, $0x0;
	v25 =	vsel vm11, $0x3F800000, v0;
	[tilespmem:v22+s31+$0x0] =	vst.idx.add.f32.msk $0xffff, v21  }
0x14c: {  	v26 =	vsel vm1, $0x3F800000, v0;
	vm0 =	vmand vm0, vm15;
	[tilespmem:v24+s31+$0x0] =	vst.idx.add.f32.msk $0xffff, v25  }
0x14d: {  	v27 =	vsel vm0, $0x3F800000, v0;
	[tilespmem:v23+s31+$0x0] =	vst.idx.add.f32.msk $0xffff, v26  }
0x14e: {  	v28 =	vsel vm3, $0x3F800000, v0;
	[tilespmem:v14+s31+$0x0] =	vst.idx.add.f32.msk $0xffff, v27  }
0x14f: {  	[tilespmem:v15+s31+$0x0] =	vst.idx.add.f32.msk $0xffff, v28  }
0x150: {  	v4 =	vld.idx.msk [tilespmem:v3+s3+$0x20 ss:$0x1], $0xffff  }
0x151: {  	v5 =	vld.idx.msk [tilespmem:v3+s3+$0xFFFFFFE0 ss:$0x1], $0xffff  }
0x152: {  	v6 =	vld.idx.msk [tilespmem:v3+s3+$0xFFFFFFC0 ss:$0x1], $0xffff  }
0x153: {  	v33 =	vld.idx.msk [tilespmem:v3+s3+$0xFFFFFFF0 ss:$0x1], $0xffff  }
0x154: {  	v12 =	vld.idx.msk [tilespmem:v3+s3+$0xFFFFFFD0 ss:$0x1], $0xffff  }
0x155: {  	v35 =	vld.idx.msk [tilespmem:v3+s3+$0x30 ss:$0x1], $0xffff  }
0x156: {  	v42 =	vld.idx.msk [tilespmem:v3+s3+$0x0 ss:$0x1], $0xffff  }
0x157: {  	v3 =	vld.idx.msk [tilespmem:v3+s3+$0x10 ss:$0x1], $0xffff  }
0x158: {  	v29 =	vshra.s32 v4, $0x12;
	v30 =	vand.u32 $0x1, v4;
	vm0 =	vgt.f32 v4, $0.0e+00  }
0x159: {  	v31 =	vshra.s32 v5, $0x12;
	v32 =	vand.u32 $0x1, v5;
	v34 =	vshra.s32 v6, $0x12  }
0x15a: {  	v36 =	vand.u32 $0x1, v6;
	vm1 =	vgt.f32 v6, $0.0e+00;
	v39 =	vshra.s32 v33, $0x12  }
0x15b: {  	v41 =	vand.u32 $0x1, v33;
	v43 =	vshra.s32 v12, $0x12;
	v44 =	vand.u32 $0x1, v12  }
0x15c: {  	v45 =	vshra.s32 v35, $0x12;
	v46 =	vshra.s32 v42, $0x12;
	v47 =	vshra.s32 v3, $0x12  }
0x15d: {  	v51 =	vand.u32 $0x1, v42;
	v52 =	vand.u32 $0x1, v3;
	vm6 =	vgt.s32 v29, $0xD60  }
0x15e: {  	vm7 =	vgt.s32 v31, $0xD60;
	vm8 =	vgt.s32 v34, $0xD60;
	v38 =	vcvt.s32.f32 v36  }
0x15f: {  	v40 =	vcvt.s32.f32 v32;
	vm10 =	vgt.s32 v39, $0xD60;
	vm11 =	vgt.s32 v43, $0xD60  }
0x160: {  	vm12 =	vgt.s32 v45, $0xD60;
	vm13 =	vgt.s32 v46, $0xD60;
	vm14 =	vgt.s32 v47, $0xD60  }
0x161: {  	v48 =	vcvt.s32.f32 v44;
	v7 =	vnsel vm6, $0xD60, v29;
	v4 =	vnsel vm7, $0xD60, v31  }
0x162: {  	v11 =	vnsel vm8, $0xD60, v34;
	v14 =	vnsel vm10, $0xD60, v39;
	v18 =	vnsel vm11, $0xD60, v43  }
0x163: {  	v20 =	vnsel vm12, $0xD60, v45;
	v21 =	vnsel vm13, $0xD60, v46;
	v11 =	vmin.u32 v11, $0x115F  }
0x164: {  	v22 =	vnsel vm14, $0xD60, v47;
	v18 =	vmin.u32 v18, $0x115F;
	v37 =	vshll.u32 v11, $0x4  }
0x165: {  	v4 =	vmin.u32 v4, $0x115F;
	v18 =	vshll.u32 v18, $0x4;
	v6 =	vadd.s32 v1, v37  }
0x166: {  	v14 =	vmin.u32 v14, $0x115F;
	v4 =	vshll.u32 v4, $0x4;
	v18 =	vadd.s32 v1, v18  }
0x167: {  	v21 =	vmin.u32 v21, $0x115F;
	v14 =	vshll.u32 v14, $0x4;
	v4 =	vadd.s32 v1, v4  }
0x168: {  	v22 =	vmin.u32 v22, $0x115F;
	v21 =	vshll.u32 v21, $0x4;
	v14 =	vadd.s32 v1, v14  }
0x169: {  	v7 =	vmin.u32 v7, $0x115F;
	v22 =	vshll.u32 v22, $0x4;
	v21 =	vadd.s32 v1, v21  }
0x16a: {  	v20 =	vmin.u32 v20, $0x115F;
	v7 =	vshll.u32 v7, $0x4;
	v22 =	vadd.s32 v1, v22;
	[tilespmem:v6+s30+$0x0] =	vst.idx.add.f32.msk $0xffff, v38  }
0x16b: {  	v49 =	vcvt.s32.f32 v41;
	v50 =	vshll.u32 v20, $0x4;
	v7 =	vadd.s32 v1, v7;
	[tilespmem:v18+s30+$0x0] =	vst.idx.add.f32.msk $0xffff, v48  }
0x16c: {  	vm15 =	vgt.f32 v12, $0.0e+00;
	v53 =	vcvt.s32.f32 v51;
	v11 =	vadd.s32 v1, v50;
	[tilespmem:v4+s30+$0x0] =	vst.idx.add.f32.msk $0xffff, v40  }
0x16d: {  	v54 =	vand.u32 $0x1, v35;
	vm3 =	vgt.f32 v35, $0.0e+00;
	v55 =	vcvt.s32.f32 v52;
	[tilespmem:v14+s30+$0x0] =	vst.idx.add.f32.msk $0xffff, v49  }
0x16e: {  	vm9 =	veq.s32 v36, $0x0;
	v56 =	vcvt.s32.f32 v30;
	v57 =	vcvt.s32.f32 v54;
	[tilespmem:v21+s30+$0x0] =	vst.idx.add.f32.msk $0xffff, v53  }
0x16f: {  	vm8 =	veq.s32 v44, $0x0;
	vm1 =	vmand vm1, vm9;
	vm10 =	vgt.f32 v42, $0.0e+00;
	[tilespmem:v22+s30+$0x0] =	vst.idx.add.f32.msk $0xffff, v55  }
0x170: {  	vm11 =	veq.s32 v51, $0x0;
	vm12 =	vgt.f32 v33, $0.0e+00;
	vm13 =	vgt.f32 v5, $0.0e+00;
	[tilespmem:v7+s30+$0x0] =	vst.idx.add.f32.msk $0xffff, v56  }
0x171: {  	vm14 =	veq.s32 v32, $0x0;
	vm9 =	vmand vm15, vm8;
	v58 =	vsel vm1, $0x3F800000, v0;
	[tilespmem:v11+s30+$0x0] =	vst.idx.add.f32.msk $0xffff, v57  }
0x172: {  	vm1 =	vmand vm13, vm14;
	vm15 =	veq.s32 v41, $0x0;
	v59 =	vsel vm9, $0x3F800000, v0;
	[tilespmem:v6+s31+$0x0] =	vst.idx.add.f32.msk $0xffff, v58  }
0x173: {  	vm9 =	vmand vm10, vm11;
	vm10 =	vmand vm12, vm15;
	v60 =	vsel vm1, $0x3F800000, v0;
	[tilespmem:v18+s31+$0x0] =	vst.idx.add.f32.msk $0xffff, v59  }
0x174: {  	vm11 =	vgt.f32 v3, $0.0e+00;
	vm12 =	veq.s32 v52, $0x0;
	v61 =	vsel vm10, $0x3F800000, v0;
	[tilespmem:v4+s31+$0x0] =	vst.idx.add.f32.msk $0xffff, v60  }
0x175: {  	vm13 =	veq.s32 v30, $0x0;
	v3 =	vsel vm9, $0x3F800000, v0;
	vm1 =	vmand vm11, vm12;
	[tilespmem:v14+s31+$0x0] =	vst.idx.add.f32.msk $0xffff, v61  }
0x176: {  	vm14 =	veq.s32 v54, $0x0;
	vm0 =	vmand vm0, vm13;
	v62 =	vsel vm1, $0x3F800000, v0;
	[tilespmem:v21+s31+$0x0] =	vst.idx.add.f32.msk $0xffff, v3  }
0x177: {  	vm15 =	vmand vm3, vm14;
	v3 =	vsel vm0, $0x3F800000, v0;
	[tilespmem:v22+s31+$0x0] =	vst.idx.add.f32.msk $0xffff, v62  }
0x178: {  	v63 =	vsel vm15, $0x3F800000, v0;
	[tilespmem:v7+s31+$0x0] =	vst.idx.add.f32.msk $0xffff, v3  }
0x179: {  	[tilespmem:v11+s31+$0x0] =	vst.idx.add.f32.msk $0xffff, v63  }
0x17a: {  	p1 =	seq.s32 s2, $0x40  }
.Ltmp7:
0x17b: {  	_ = 	snop;
	(pc) =	sbr.rel @!p1 .LBB2_16-.Ltmp7, $2  }
0x17c: {  	_ =	sdelay $0x2  }
0x17d: {  	p0 =	por !p0, !p0  }
0x17e: {  	s2 =	rddreg [dreg:$0x3]  }
0x17f: {  	[spmem:s2] =	stream.indirect.scatter.add.f32 [tilespmem:s30], [sflag:$0x3], $0x1, s1, s0, $0xb8;
	[tilespmem:$0xE400] =	vst v63  }
0x180: {  	_ =	swait.ge [sflag:s26], $0x4000  }
0x181: {  	[sflag:s26] =	ssyncset.done $0x0  }
0x182: {  	[sflag:s26] =	ssyncadd.s32 $0xFFFFC000  }
0x183: {  	s4 =	rddreg [dreg:$0x4]  }
0x184: {  	[spmem:s4] =	stream.indirect.scatter.add.f32 [tilespmem:s31], [sflag:$0x3], $0x1, s1, s0, $0xb8;
	[tilespmem:$0xE400] =	vst v63  }
0x185: {  	s5 =	stileid.u32;
	_ =	swait.ge [sflag:s26], $0x4000  }
0x186: {  	s2 =	sshll.u32 s5, $0x6;
	[sflag:s26] =	ssyncset.done $0x0  }
0x187: {  	s3 =	sshrl.u32 s11, $0x3;
	s2 =	sor.u32 $0x1C03, s2;
	[sflag:s26] =	ssyncadd.s32 $0xFFFFC000  }
0x188: {  	[hbm:s20], [sflag:s2] =	dma.local [spmem:s3], $0x80  }
0x189: {  	_ =	swait.ge [sflag:s26], $0x80  }
0x18a: {  	[sflag:s26] =	ssyncset.done $0x0  }
0x18b: {  	s16 =	sshrl.u32 s12, $0x3;
	[sflag:s26] =	ssyncadd.s32 $0xFFFFFF80  }
0x18c: {  	[hbm:s21], [sflag:s2] =	dma.local [spmem:s16], $0x80  }
0x18d: {  	_ =	swait.ge [sflag:s26], $0x80  }
0x18e: {  	[sflag:s26] =	ssyncset.done $0x0  }
0x18f: {  	s28 =	sshrl.u32 s13, $0x3;
	[sflag:s26] =	ssyncadd.s32 $0xFFFFFF80  }
0x190: {  	[hbm:s22], [sflag:s2] =	dma.local [spmem:s28], $0x80  }
0x191: {  	s6 =	sadd.s32 $0x1, s6;
	_ =	swait.ge [sflag:s26], $0x80  }
0x192: {  	p0 =	sne.s32 s6, s24;
	[sflag:s26] =	ssyncset.done $0x0  }
.Ltmp8:
0x193: {  	s29 =	sshrl.u32 s14, $0x3;
	[sflag:s26] =	ssyncadd.s32 $0xFFFFFF80;
	(pc) =	sbr.rel @p0 .LBB2_1-.Ltmp8, $4  }
0x194: {  	[hbm:s23], [sflag:s2] =	dma.local [spmem:s29], $0x80  }
0x195: {  	_ =	swait.ge [sflag:s26], $0x80  }
0x196: {  	[sflag:s26] =	ssyncset.done $0x0  }
0x197: {  	[sflag:s26] =	ssyncadd.s32 $0xFFFFFF80  }
0x198: {  	_ =	sfence.sel $0x180000  }
0x199: {  	[bflag:$0x0] =	sbarrier.arrive $0xFFFF  }
0x19a: {  	_ =	strace $0x90000047  }
0x19b: {  	s0 =	stileid.u32;
	[bflag:$0x2] =	sbarrier.arrive $0xFFFF  }
0x19c: {  	p0 =	sne.s32 s0, $0x0;
	s0 =	rddreg [dreg:$0x5]  }
0x19d: {  	s0 =	sadd.s32 @!p0 $0x100000, s0  }
0x19e: {  	[sflag:s0] =	ssyncadd.tile.s32 @!p0 $0x1;
	_ =	shalt  }
.Lfunc_end2:
_tile_overlayer_lowered:
.L_overlay_start_2:
0x19f: {  	(tag) =	ssettag $0x2  }
0x1a0: {  	s0 =	rddreg [dreg:$0x0];
	s2 =	stileid.u32  }
0x1a1: {  	s1 =	rddreg [dreg:$0x1];
	p0 =	sne.s32 s2, $0x0  }
0x1a2: {  	s3 =	rddreg [dreg:$0x2];
	[bflag:$0x3] =	sbarrier.arrive $0xFFFF;
	s2 =	simm.s32 @!p0 $0x1C03  }
0x1a3: {  	[timem:s3], [sflag:s2] =	dma.local @!p0 [hbm:s0], s1  }
0x1a4: {  	s0 =	simm.s32 @!p0 $0x3  }
0x1a5: {  	_ =	swait.ge @!p0 [sflag:s0], s1  }
0x1a6: {  	s1 =	ssub.s32 @!p0 $0x0, s1;
	[sflag:s0] =	ssyncset.done @!p0 $0x0  }
0x1a7: {  	[sflag:s0] =	ssyncadd.s32 @!p0 s1  }
0x1a8: {  	[bflag:$0x3] =	sbarrier.arrive $0xFFFF  }
0x1a9: {  	_ =	shalt  }

</sc_bundles>
